<compile_context>
chip_gen: v7x
topology: tpu7x:2x2x1
jax: 0.10.2.dev20260603
libtpu: 0.0.44.dev20260713+nightly
codegen_flags: <defaults>
</compile_context>

<pallas_src>
import jax
import jax.numpy as jnp
import numpy as np
from jax import lax
from jax.experimental import pallas as pl
from jax.experimental.pallas import tpu as pltpu
from jax.experimental.pallas import tpu_sc as plsc

B = 4096
VOCAB = 100000
N = 200
D = 128
DP = D // 2
NC = 2
NS = 16
L = 16
NW = NC * NS
UPW = B // NW
NG = 13
C1 = 128
C2 = N - C1
NEG_INF = float("-inf")
HI_MASK = np.int32(np.uint32(0xFFFF0000))


def _bf16_split(w):
    even = plsc.bitcast(w << jnp.int32(16), jnp.float32)
    odd = plsc.bitcast(w & HI_MASK, jnp.float32)
    return even, odd


def _round_bf16(x):
    p = plsc.bitcast(x, jnp.int32)
    p = p + jnp.int32(0x7FFF) + ((p >> jnp.int32(16)) & jnp.int32(1))
    return plsc.bitcast(p & HI_MASK, jnp.float32)


def _sc_body(user_id_hbm, neg_hbm, user_tab_hbm, item_tab_hbm,
             scores_out_hbm, sel_out_hbm,
             uid_v, uprows, ids2d, rows0, rows1, scores2d, selid_v,
             sem_u, s0a, s0b, s1a, s1b):
    wid = lax.axis_index("s") * NC + lax.axis_index("c")
    base_u = wid * UPW

    pltpu.sync_copy(user_id_hbm.at[pl.ds(base_u, UPW)], uid_v)
    cu = pltpu.async_copy(user_tab_hbm.at[uid_v], uprows, sem_u)
    pltpu.sync_copy(neg_hbm.at[pl.ds(base_u, UPW)], ids2d)
    cu.wait()

    lanes0 = lax.iota(jnp.int32, L)
    v2 = jnp.int32(VOCAB // 2)

    def _to_packed_row(i):
        return (i << jnp.int32(1)) - jnp.where(i >= v2, v2 * 2 - 1, 0)

    def xform_user(ui, _):
        for g in range(NG - 1):
            ids2d[ui, pl.ds(g * L, L)] = _to_packed_row(ids2d[ui, pl.ds(g * L, L)])
        w = _to_packed_row(ids2d[ui, pl.ds(N - L, L)])
        plsc.store_scatter(ids2d, [jnp.full((L,), ui, jnp.int32), lanes0 + (N - L)],
                           w, mask=lanes0 >= 8)
        return _
    lax.fori_loop(0, UPW, xform_user, None)

    rows_bufs = (rows0, rows1)
    sems = ((s0a, s0b), (s1a, s1b))

    def issue_gather(u, phase):
        rb = rows_bufs[phase]
        sa, sb = sems[phase]
        pltpu.async_copy(item_tab_hbm.at[ids2d.at[u, pl.ds(0, C1)]],
                         rb.at[pl.ds(0, C1)], sa)
        pltpu.async_copy(item_tab_hbm.at[ids2d.at[u, pl.ds(C1, C2)]],
                         rb.at[pl.ds(C1, C2)], sb)

    def wait_gather(u, phase):
        rb = rows_bufs[phase]
        sa, sb = sems[phase]
        pltpu.make_async_copy(item_tab_hbm.at[ids2d.at[u, pl.ds(0, C1)]],
                              rb.at[pl.ds(0, C1)], sa).wait()
        pltpu.make_async_copy(item_tab_hbm.at[ids2d.at[u, pl.ds(C1, C2)]],
                              rb.at[pl.ds(C1, C2)], sb).wait()

    issue_gather(0, 0)

    lanes = lax.iota(jnp.int32, L)
    lane_lt8 = lanes < 8

    def do_user(u, phase):
        rows_v = rows_bufs[phase]
        wait_gather(u, phase)

        @pl.when(u + 1 < UPW)
        def _():
            issue_gather(u + 1, 1 - phase)

        u_splat = jnp.full((L,), u, jnp.int32)

        uch = [_round_bf16(uprows[u, pl.ds(k * L, L)]) for k in range(D // L)]
        ue = uch[:DP // L]
        uo = uch[DP // L:]

        lane15 = jnp.full((L,), L - 1, jnp.int32)

        def g_body(g, carry):
            cur_max, cur_n = carry
            s_g = jnp.zeros((L,), jnp.float32)
            for l in range(L):
                n = g * L + l
                acc = None
                for k in range(DP // L):
                    e, o = _bf16_split(rows_v[n, pl.ds(k * L, L)])
                    t = e * ue[k] + o * uo[k]
                    acc = t if acc is None else acc + t
                tot = plsc.cumsum(acc)[lane15]
                s_g = jnp.where(lanes == jnp.int32(l), tot, s_g)
            g_is_last = g == NG - 1
            s_g = jnp.where(lane_lt8 | jnp.logical_not(g_is_last), s_g, NEG_INF)
            n_vec_g = lanes + g * L
            upd = s_g > cur_max
            cur_max = jnp.where(upd, s_g, cur_max)
            cur_n = jnp.where(upd, n_vec_g, cur_n)
            scores2d[u, pl.ds(g * L, L)] = s_g
            return cur_max, cur_n

        cur_max, cur_n = lax.fori_loop(
            0, NG, g_body,
            (jnp.full((L,), NEG_INF),
             jnp.full((L,), 2147483647, jnp.int32)))

        m = jnp.max(cur_max)
        big = jnp.int32(2147483647)
        n_sel = jnp.min(jnp.where(cur_max == m, cur_n, big))
        id_sel_t = plsc.load_gather(
            ids2d, [u_splat, jnp.full((L,), n_sel, jnp.int32)])
        id_sel = (id_sel_t >> jnp.int32(1)) + jnp.where(
            (id_sel_t & jnp.int32(1)) == 1, v2, 0)
        plsc.store_scatter(selid_v, [u_splat, jnp.zeros((L,), jnp.int32)],
                           id_sel, mask=lanes == 0)

    def pair_body(i, _):
        do_user(2 * i, 0)
        do_user(2 * i + 1, 1)
        return _

    lax.fori_loop(0, UPW // 2, pair_body, None)

    pltpu.sync_copy(scores2d.at[:, pl.ds(0, N)],
                    scores_out_hbm.at[pl.ds(base_u, UPW)])
    pltpu.sync_copy(selid_v, sel_out_hbm.at[pl.ds(base_u, UPW)])


@jax.jit
def _run(user_id, neg_flat, user_packed, item_packed):
    mesh = plsc.VectorSubcoreMesh(core_axis_name="c", subcore_axis_name="s",
                                  num_cores=NC, num_subcores=NS)
    f = pl.kernel(
        _sc_body,
        out_type=(
            jax.ShapeDtypeStruct((B, N), jnp.float32),
            jax.ShapeDtypeStruct((B, 1), jnp.int32),
        ),
        mesh=mesh,
        compiler_params=pltpu.CompilerParams(needs_layout_passes=False,
                                             use_tc_tiling_on_sc=False),
        scratch_types=(
            pltpu.VMEM((UPW,), jnp.int32),
            pltpu.VMEM((UPW, D), jnp.float32),
            pltpu.VMEM((UPW, N), jnp.int32),
            pltpu.VMEM((NG * L, DP), jnp.int32),
            pltpu.VMEM((NG * L, DP), jnp.int32),
            pltpu.VMEM((UPW, NG * L), jnp.float32),
            pltpu.VMEM((UPW, 1), jnp.int32),
            pltpu.SemaphoreType.DMA,
            pltpu.SemaphoreType.DMA,
            pltpu.SemaphoreType.DMA,
            pltpu.SemaphoreType.DMA,
            pltpu.SemaphoreType.DMA,
        ),
    )
    return f(user_id, neg_flat, user_packed, item_packed)


def _pack_half(p):
    p = p + jnp.int32(0x7FFF) + ((p >> jnp.int32(16)) & jnp.int32(1))
    return ((p[:, :DP] >> jnp.int32(16)) & jnp.int32(0xFFFF)) | (p[:, DP:] & HI_MASK)


def _pack_body(tab1_ref, tab2_ref, out_ref):
    out_ref[:, :DP] = _pack_half(lax.bitcast_convert_type(tab1_ref[...], jnp.int32))
    out_ref[:, DP:] = _pack_half(lax.bitcast_convert_type(tab2_ref[...], jnp.int32))


def _pack_item_table(table):
    vocab = table.shape[0]
    half_blocks = (vocab // 2) // 2000
    rows = 2000
    packed = pl.pallas_call(
        _pack_body,
        grid=(half_blocks,),
        in_specs=[pl.BlockSpec((rows, D), lambda i: (i, 0)),
                  pl.BlockSpec((rows, D), lambda i, hb=half_blocks: (i + hb, 0))],
        out_specs=pl.BlockSpec((rows, D), lambda i: (i, 0)),
        out_shape=jax.ShapeDtypeStruct((vocab // 2, D), jnp.int32),
    )(table, table)
    return packed.reshape(vocab, DP)


def kernel(user_id, neg_item_ids, user_emb_table, item_emb_table):
    return _run(user_id.astype(jnp.int32), neg_item_ids,
                user_emb_table, _pack_item_table(item_emb_table))

# --- scband reference (transcript-rebuilt; emitter-appended) ---
"""Pipeline reference for scband-base-model-52381421142448 (READ-ONLY COPY).

The authoritative reference and input builder live on the scoring server;
editing this copy changes nothing except your own understanding.
"""

import jax, jax.numpy as jnp
import numpy as np


def setup_inputs(seed: int = 0) -> dict:
    key = jax.random.key(seed)
    k1, k2, k3, k4 = jax.random.split(key, 4)
    batch = 4096
    neg_num = 200
    vocab = 100000
    d = 128
    return {
        "user_id": jax.random.randint(k1, (batch,), 0, vocab, dtype=jnp.int64) if jax.config.jax_enable_x64 else jax.random.randint(k1, (batch,), 0, vocab).astype(jnp.int32),
        "neg_item_ids": jax.random.randint(k2, (batch, neg_num), 0, vocab).astype(jnp.int32),
        "user_emb_table": jax.random.normal(k3, (vocab, d), dtype=jnp.float32),
        "item_emb_table": jax.random.normal(k4, (vocab, d), dtype=jnp.float32),
    }


def reference(user_id, neg_item_ids, user_emb_table, item_emb_table):
    # user_tower / item_tower == embedding lookup (load_embedding path)
    user_vec = jnp.take(user_emb_table, user_id, axis=0)            # [B, d]
    neg_item_vec = jnp.take(item_emb_table, neg_item_ids, axis=0)   # [B, N, d]
    # torch.bmm(neg_item_vec, user_vec.unsqueeze(-1)).squeeze(-1)
    neg_y_pred = jnp.einsum('bnd,bd->bn', neg_item_vec, user_vec)   # [B, N]
    # torch.max(neg_y_pred, dim=1)[1] -> hard negative index
    neg_index = jnp.argmax(neg_y_pred, axis=1)                      # [B]
    # torch.gather(neg_item_id, 1, neg_index)
    select_neg_item_id = jnp.take_along_axis(neg_item_ids, neg_index[:, None], axis=1)  # [B, 1]
    return neg_y_pred, select_neg_item_id

if __name__ == "__main__":
    import jax
    _d = setup_inputs()
    print(jax.jit(kernel)(*tuple(_d.values())))

</pallas_src>

<mosaic_0001>
#map = affine_map<(d0, d1) -> (0)>
#map1 = affine_map<(d0, d1) -> (0, 0)>
module attributes {stable_mosaic.version = 14 : i64} {
  func.func @_sc_body(%arg0: i32, %arg1: i32, %arg2: memref<4096xi32, #tpu.memory_space<hbm>>, %arg3: memref<4096x200xi32, #tpu.memory_space<hbm>>, %arg4: memref<100000x128xf32, #tpu.memory_space<hbm>>, %arg5: memref<100000x64xi32, #tpu.memory_space<hbm>>, %arg6: memref<4096x200xf32, #tpu.memory_space<hbm>>, %arg7: memref<4096x1xi32, #tpu.memory_space<hbm>>, %arg8: memref<128xi32, #tpu.memory_space<vmem>>, %arg9: memref<128x128xf32, #tpu.memory_space<vmem>>, %arg10: memref<128x200xi32, #tpu.memory_space<vmem>>, %arg11: memref<208x64xi32, #tpu.memory_space<vmem>>, %arg12: memref<208x64xi32, #tpu.memory_space<vmem>>, %arg13: memref<128x208xf32, #tpu.memory_space<vmem>>, %arg14: memref<128x1xi32, #tpu.memory_space<vmem>>, %arg15: memref<!tpu.dma_semaphore, #tpu.memory_space<semaphore_mem>>, %arg16: memref<!tpu.dma_semaphore, #tpu.memory_space<semaphore_mem>>, %arg17: memref<!tpu.dma_semaphore, #tpu.memory_space<semaphore_mem>>, %arg18: memref<!tpu.dma_semaphore, #tpu.memory_space<semaphore_mem>>, %arg19: memref<!tpu.dma_semaphore, #tpu.memory_space<semaphore_mem>>) attributes {dimension_semantics = [#tpu.dimension_semantics<core_parallel>, #tpu.dimension_semantics<subcore_parallel>], iteration_bounds = array<i64: 2, 16>, scalar_prefetch = 0 : i64, scratch_operands = 12 : i64, tpu.core_type = #tpu.core_type<sc_vector_subcore>, window_params = [{transform_indices = #map}, {transform_indices = #map1}, {transform_indices = #map1}, {transform_indices = #map1}, {transform_indices = #map1}, {transform_indices = #map1}]} {
    %mul3A = arith.constant 2 : i32
    %mul3A_0 = arith.muli %arg1, %mul3A : i32
    %add3A = arith.addi %mul3A_0, %arg0 : i32
    %mul3A_1 = arith.constant 128 : i32
    %mul3A_2 = arith.muli %add3A, %mul3A_1 : i32
    "tpu.region"() ({
      %run_scoped3A = tpu.sem_alloc : memref<!tpu.dma_semaphore, #tpu.memory_space<semaphore_mem>>
      %dma_start3A_41 = tpu.memref_slice %arg2[%mul3A_2] : memref<4096xi32, #tpu.memory_space<hbm>> -> memref<128xi32, #tpu.memory_space<hbm>>
      %dma_start3A_42 = tpu.memref_slice %arg2[%mul3A_2] : memref<4096xi32, #tpu.memory_space<hbm>> -> memref<128xi32, #tpu.memory_space<hbm>>
      tpu.enqueue_dma source(%dma_start3A_42 : memref<128xi32, #tpu.memory_space<hbm>>) target(%arg8 : memref<128xi32, #tpu.memory_space<vmem>>) target_semaphore(%run_scoped3A : memref<!tpu.dma_semaphore, #tpu.memory_space<semaphore_mem>>)
      %dma_wait3A_43 = tpu.memref_slice %arg2[%mul3A_2] : memref<4096xi32, #tpu.memory_space<hbm>> -> memref<128xi32, #tpu.memory_space<hbm>>
      %dma_wait3A_44 = tpu.memref_slice %arg2[%mul3A_2] : memref<4096xi32, #tpu.memory_space<hbm>> -> memref<128xi32, #tpu.memory_space<hbm>>
      tpu.wait_dma2 semaphore(%run_scoped3A : memref<!tpu.dma_semaphore, #tpu.memory_space<semaphore_mem>>) src(%dma_wait3A_44 : memref<128xi32, #tpu.memory_space<hbm>>) dst(%arg8 : memref<128xi32, #tpu.memory_space<vmem>>)
      tpu.yield
    }) : () -> ()
    %dma_start3A = arith.constant 0 : i32
    %dma_start3A_3 = arith.constant 0 : i32
    %dma_start3A_4 = tpu.memref_slice %arg4[%dma_start3A, %dma_start3A_3] : memref<100000x128xf32, #tpu.memory_space<hbm>> -> memref<100000x128xf32, #tpu.memory_space<hbm>>
    tpu.enqueue_indirect_dma source(%dma_start3A_4 : memref<100000x128xf32, #tpu.memory_space<hbm>>) target(%arg9 : memref<128x128xf32, #tpu.memory_space<vmem>>) offsets(%arg8 : memref<128xi32, #tpu.memory_space<vmem>>) semaphore(%arg15 : memref<!tpu.dma_semaphore, #tpu.memory_space<semaphore_mem>>)
    "tpu.region"() ({
      %run_scoped3A = tpu.sem_alloc : memref<!tpu.dma_semaphore, #tpu.memory_space<semaphore_mem>>
      %dma_start3A_41 = arith.constant 0 : i32
      %dma_start3A_42 = tpu.memref_slice %arg3[%mul3A_2, %dma_start3A_41] : memref<4096x200xi32, #tpu.memory_space<hbm>> -> memref<128x200xi32, #tpu.memory_space<hbm>>
      %dma_start3A_43 = arith.constant 0 : i32
      %dma_start3A_44 = tpu.memref_slice %arg3[%mul3A_2, %dma_start3A_43] : memref<4096x200xi32, #tpu.memory_space<hbm>> -> memref<128x200xi32, #tpu.memory_space<hbm>>
      tpu.enqueue_dma source(%dma_start3A_44 : memref<128x200xi32, #tpu.memory_space<hbm>>) target(%arg10 : memref<128x200xi32, #tpu.memory_space<vmem>>) target_semaphore(%run_scoped3A : memref<!tpu.dma_semaphore, #tpu.memory_space<semaphore_mem>>)
      %dma_wait3A_45 = arith.constant 0 : i32
      %dma_wait3A_46 = tpu.memref_slice %arg3[%mul3A_2, %dma_wait3A_45] : memref<4096x200xi32, #tpu.memory_space<hbm>> -> memref<128x200xi32, #tpu.memory_space<hbm>>
      %dma_wait3A_47 = arith.constant 0 : i32
      %dma_wait3A_48 = tpu.memref_slice %arg3[%mul3A_2, %dma_wait3A_47] : memref<4096x200xi32, #tpu.memory_space<hbm>> -> memref<128x200xi32, #tpu.memory_space<hbm>>
      tpu.wait_dma2 semaphore(%run_scoped3A : memref<!tpu.dma_semaphore, #tpu.memory_space<semaphore_mem>>) src(%dma_wait3A_48 : memref<128x200xi32, #tpu.memory_space<hbm>>) dst(%arg10 : memref<128x200xi32, #tpu.memory_space<vmem>>)
      tpu.yield
    }) : () -> ()
    %dma_wait3A = arith.constant 0 : i32
    %dma_wait3A_5 = arith.constant 0 : i32
    %dma_wait3A_6 = tpu.memref_slice %arg4[%dma_wait3A, %dma_wait3A_5] : memref<100000x128xf32, #tpu.memory_space<hbm>> -> memref<100000x128xf32, #tpu.memory_space<hbm>>
    tpu.wait_indirect_dma semaphore(%arg15 : memref<!tpu.dma_semaphore, #tpu.memory_space<semaphore_mem>>) src(%dma_wait3A_6 : memref<100000x128xf32, #tpu.memory_space<hbm>>) dst(%arg9 : memref<128x128xf32, #tpu.memory_space<vmem>>)
    %iota3A = tpu.iota {dimensions = array<i32: 0>} : vector<16xi32>
    %scan3A = arith.constant 50000 : i32
    %scan3A_7 = arith.constant 0 : i32
    %scan3A_8 = arith.constant 128 : i32
    %scan3A_9 = arith.addi %scan3A_7, %scan3A_8 : i32
    %scan3A_10 = arith.constant 1 : i32
    scf.for %scan3A_41 = %scan3A_7 to %scan3A_9 step %scan3A_10  : i32 {
      %get3A = arith.index_cast %scan3A_41 : i32 to index
      %get3A_42 = arith.constant 0 : index
      %get3A_43 = tpu.vector_load %arg10[%get3A, %get3A_42] {strides = array<i32>} : memref<128x200xi32, #tpu.memory_space<vmem>>, vector<16xi32>,
      %shift_left3A = arith.constant 1 : i32
      %shift_left3A_44 = vector.broadcast %shift_left3A : i32 to vector<16xi32>
      %shift_left3A_45 = arith.shli %get3A_43, %shift_left3A_44 : vector<16xi32>
      %ge3A = vector.broadcast %scan3A : i32 to vector<16xi32>
      %ge3A_46 = arith.cmpi sge, %get3A_43, %ge3A : vector<16xi32>
      %mul3A_47 = arith.constant 2 : i32
      %mul3A_48 = arith.muli %scan3A, %mul3A_47 : i32
      %sub3A = arith.constant 1 : i32
      %sub3A_49 = arith.subi %mul3A_48, %sub3A : i32
      %jit3A = arith.constant 0 : i32
      %broadcast_in_dim3A = vector.broadcast %sub3A_49 : i32 to vector<16xi32>
      %broadcast_in_dim3A_50 = vector.broadcast %jit3A : i32 to vector<16xi32>
      %select_n3A = arith.select %ge3A_46, %broadcast_in_dim3A, %broadcast_in_dim3A_50 : vector<16xi1>, vector<16xi32>
      %sub3A_51 = arith.subi %shift_left3A_45, %select_n3A : vector<16xi32>
      %swap3A = arith.index_cast %scan3A_41 : i32 to index
      %swap3A_52 = arith.constant 0 : index
      %swap3A_53 = tpu.vector_load %arg10[%swap3A, %swap3A_52] {strides = array<i32>} : memref<128x200xi32, #tpu.memory_space<vmem>>, vector<16xi32>,
      tpu.vector_store %arg10[%swap3A, %swap3A_52], %sub3A_51 {strides = array<i32>} : memref<128x200xi32, #tpu.memory_space<vmem>>, vector<16xi32>,
      %get3A_54 = arith.index_cast %scan3A_41 : i32 to index
      %get3A_55 = arith.constant 16 : index
      %get3A_56 = tpu.vector_load %arg10[%get3A_54, %get3A_55] {strides = array<i32>} : memref<128x200xi32, #tpu.memory_space<vmem>>, vector<16xi32>,
      %shift_left3A_57 = arith.constant 1 : i32
      %shift_left3A_58 = vector.broadcast %shift_left3A_57 : i32 to vector<16xi32>
      %shift_left3A_59 = arith.shli %get3A_56, %shift_left3A_58 : vector<16xi32>
      %ge3A_60 = vector.broadcast %scan3A : i32 to vector<16xi32>
      %ge3A_61 = arith.cmpi sge, %get3A_56, %ge3A_60 : vector<16xi32>
      %mul3A_62 = arith.constant 2 : i32
      %mul3A_63 = arith.muli %scan3A, %mul3A_62 : i32
      %sub3A_64 = arith.constant 1 : i32
      %sub3A_65 = arith.subi %mul3A_63, %sub3A_64 : i32
      %jit3A_66 = arith.constant 0 : i32
      %broadcast_in_dim3A_67 = vector.broadcast %sub3A_65 : i32 to vector<16xi32>
      %broadcast_in_dim3A_68 = vector.broadcast %jit3A_66 : i32 to vector<16xi32>
      %select_n3A_69 = arith.select %ge3A_61, %broadcast_in_dim3A_67, %broadcast_in_dim3A_68 : vector<16xi1>, vector<16xi32>
      %sub3A_70 = arith.subi %shift_left3A_59, %select_n3A_69 : vector<16xi32>
      %swap3A_71 = arith.index_cast %scan3A_41 : i32 to index
      %swap3A_72 = arith.constant 16 : index
      %swap3A_73 = tpu.vector_load %arg10[%swap3A_71, %swap3A_72] {strides = array<i32>} : memref<128x200xi32, #tpu.memory_space<vmem>>, vector<16xi32>,
      tpu.vector_store %arg10[%swap3A_71, %swap3A_72], %sub3A_70 {strides = array<i32>} : memref<128x200xi32, #tpu.memory_space<vmem>>, vector<16xi32>,
      %get3A_74 = arith.index_cast %scan3A_41 : i32 to index
      %get3A_75 = arith.constant 32 : index
      %get3A_76 = tpu.vector_load %arg10[%get3A_74, %get3A_75] {strides = array<i32>} : memref<128x200xi32, #tpu.memory_space<vmem>>, vector<16xi32>,
      %shift_left3A_77 = arith.constant 1 : i32
      %shift_left3A_78 = vector.broadcast %shift_left3A_77 : i32 to vector<16xi32>
      %shift_left3A_79 = arith.shli %get3A_76, %shift_left3A_78 : vector<16xi32>
      %ge3A_80 = vector.broadcast %scan3A : i32 to vector<16xi32>
      %ge3A_81 = arith.cmpi sge, %get3A_76, %ge3A_80 : vector<16xi32>
      %mul3A_82 = arith.constant 2 : i32
      %mul3A_83 = arith.muli %scan3A, %mul3A_82 : i32
      %sub3A_84 = arith.constant 1 : i32
      %sub3A_85 = arith.subi %mul3A_83, %sub3A_84 : i32
      %jit3A_86 = arith.constant 0 : i32
      %broadcast_in_dim3A_87 = vector.broadcast %sub3A_85 : i32 to vector<16xi32>
      %broadcast_in_dim3A_88 = vector.broadcast %jit3A_86 : i32 to vector<16xi32>
      %select_n3A_89 = arith.select %ge3A_81, %broadcast_in_dim3A_87, %broadcast_in_dim3A_88 : vector<16xi1>, vector<16xi32>
      %sub3A_90 = arith.subi %shift_left3A_79, %select_n3A_89 : vector<16xi32>
      %swap3A_91 = arith.index_cast %scan3A_41 : i32 to index
      %swap3A_92 = arith.constant 32 : index
      %swap3A_93 = tpu.vector_load %arg10[%swap3A_91, %swap3A_92] {strides = array<i32>} : memref<128x200xi32, #tpu.memory_space<vmem>>, vector<16xi32>,
      tpu.vector_store %arg10[%swap3A_91, %swap3A_92], %sub3A_90 {strides = array<i32>} : memref<128x200xi32, #tpu.memory_space<vmem>>, vector<16xi32>,
      %get3A_94 = arith.index_cast %scan3A_41 : i32 to index
      %get3A_95 = arith.constant 48 : index
      %get3A_96 = tpu.vector_load %arg10[%get3A_94, %get3A_95] {strides = array<i32>} : memref<128x200xi32, #tpu.memory_space<vmem>>, vector<16xi32>,
      %shift_left3A_97 = arith.constant 1 : i32
      %shift_left3A_98 = vector.broadcast %shift_left3A_97 : i32 to vector<16xi32>
      %shift_left3A_99 = arith.shli %get3A_96, %shift_left3A_98 : vector<16xi32>
      %ge3A_100 = vector.broadcast %scan3A : i32 to vector<16xi32>
      %ge3A_101 = arith.cmpi sge, %get3A_96, %ge3A_100 : vector<16xi32>
      %mul3A_102 = arith.constant 2 : i32
      %mul3A_103 = arith.muli %scan3A, %mul3A_102 : i32
      %sub3A_104 = arith.constant 1 : i32
      %sub3A_105 = arith.subi %mul3A_103, %sub3A_104 : i32
      %jit3A_106 = arith.constant 0 : i32
      %broadcast_in_dim3A_107 = vector.broadcast %sub3A_105 : i32 to vector<16xi32>
      %broadcast_in_dim3A_108 = vector.broadcast %jit3A_106 : i32 to vector<16xi32>
      %select_n3A_109 = arith.select %ge3A_101, %broadcast_in_dim3A_107, %broadcast_in_dim3A_108 : vector<16xi1>, vector<16xi32>
      %sub3A_110 = arith.subi %shift_left3A_99, %select_n3A_109 : vector<16xi32>
      %swap3A_111 = arith.index_cast %scan3A_41 : i32 to index
      %swap3A_112 = arith.constant 48 : index
      %swap3A_113 = tpu.vector_load %arg10[%swap3A_111, %swap3A_112] {strides = array<i32>} : memref<128x200xi32, #tpu.memory_space<vmem>>, vector<16xi32>,
      tpu.vector_store %arg10[%swap3A_111, %swap3A_112], %sub3A_110 {strides = array<i32>} : memref<128x200xi32, #tpu.memory_space<vmem>>, vector<16xi32>,
      %get3A_114 = arith.index_cast %scan3A_41 : i32 to index
      %get3A_115 = arith.constant 64 : index
      %get3A_116 = tpu.vector_load %arg10[%get3A_114, %get3A_115] {strides = array<i32>} : memref<128x200xi32, #tpu.memory_space<vmem>>, vector<16xi32>,
      %shift_left3A_117 = arith.constant 1 : i32
      %shift_left3A_118 = vector.broadcast %shift_left3A_117 : i32 to vector<16xi32>
      %shift_left3A_119 = arith.shli %get3A_116, %shift_left3A_118 : vector<16xi32>
      %ge3A_120 = vector.broadcast %scan3A : i32 to vector<16xi32>
      %ge3A_121 = arith.cmpi sge, %get3A_116, %ge3A_120 : vector<16xi32>
      %mul3A_122 = arith.constant 2 : i32
      %mul3A_123 = arith.muli %scan3A, %mul3A_122 : i32
      %sub3A_124 = arith.constant 1 : i32
      %sub3A_125 = arith.subi %mul3A_123, %sub3A_124 : i32
      %jit3A_126 = arith.constant 0 : i32
      %broadcast_in_dim3A_127 = vector.broadcast %sub3A_125 : i32 to vector<16xi32>
      %broadcast_in_dim3A_128 = vector.broadcast %jit3A_126 : i32 to vector<16xi32>
      %select_n3A_129 = arith.select %ge3A_121, %broadcast_in_dim3A_127, %broadcast_in_dim3A_128 : vector<16xi1>, vector<16xi32>
      %sub3A_130 = arith.subi %shift_left3A_119, %select_n3A_129 : vector<16xi32>
      %swap3A_131 = arith.index_cast %scan3A_41 : i32 to index
      %swap3A_132 = arith.constant 64 : index
      %swap3A_133 = tpu.vector_load %arg10[%swap3A_131, %swap3A_132] {strides = array<i32>} : memref<128x200xi32, #tpu.memory_space<vmem>>, vector<16xi32>,
      tpu.vector_store %arg10[%swap3A_131, %swap3A_132], %sub3A_130 {strides = array<i32>} : memref<128x200xi32, #tpu.memory_space<vmem>>, vector<16xi32>,
      %get3A_134 = arith.index_cast %scan3A_41 : i32 to index
      %get3A_135 = arith.constant 80 : index
      %get3A_136 = tpu.vector_load %arg10[%get3A_134, %get3A_135] {strides = array<i32>} : memref<128x200xi32, #tpu.memory_space<vmem>>, vector<16xi32>,
      %shift_left3A_137 = arith.constant 1 : i32
      %shift_left3A_138 = vector.broadcast %shift_left3A_137 : i32 to vector<16xi32>
      %shift_left3A_139 = arith.shli %get3A_136, %shift_left3A_138 : vector<16xi32>
      %ge3A_140 = vector.broadcast %scan3A : i32 to vector<16xi32>
      %ge3A_141 = arith.cmpi sge, %get3A_136, %ge3A_140 : vector<16xi32>
      %mul3A_142 = arith.constant 2 : i32
      %mul3A_143 = arith.muli %scan3A, %mul3A_142 : i32
      %sub3A_144 = arith.constant 1 : i32
      %sub3A_145 = arith.subi %mul3A_143, %sub3A_144 : i32
      %jit3A_146 = arith.constant 0 : i32
      %broadcast_in_dim3A_147 = vector.broadcast %sub3A_145 : i32 to vector<16xi32>
      %broadcast_in_dim3A_148 = vector.broadcast %jit3A_146 : i32 to vector<16xi32>
      %select_n3A_149 = arith.select %ge3A_141, %broadcast_in_dim3A_147, %broadcast_in_dim3A_148 : vector<16xi1>, vector<16xi32>
      %sub3A_150 = arith.subi %shift_left3A_139, %select_n3A_149 : vector<16xi32>
      %swap3A_151 = arith.index_cast %scan3A_41 : i32 to index
      %swap3A_152 = arith.constant 80 : index
      %swap3A_153 = tpu.vector_load %arg10[%swap3A_151, %swap3A_152] {strides = array<i32>} : memref<128x200xi32, #tpu.memory_space<vmem>>, vector<16xi32>,
      tpu.vector_store %arg10[%swap3A_151, %swap3A_152], %sub3A_150 {strides = array<i32>} : memref<128x200xi32, #tpu.memory_space<vmem>>, vector<16xi32>,
      %get3A_154 = arith.index_cast %scan3A_41 : i32 to index
      %get3A_155 = arith.constant 96 : index
      %get3A_156 = tpu.vector_load %arg10[%get3A_154, %get3A_155] {strides = array<i32>} : memref<128x200xi32, #tpu.memory_space<vmem>>, vector<16xi32>,
      %shift_left3A_157 = arith.constant 1 : i32
      %shift_left3A_158 = vector.broadcast %shift_left3A_157 : i32 to vector<16xi32>
      %shift_left3A_159 = arith.shli %get3A_156, %shift_left3A_158 : vector<16xi32>
      %ge3A_160 = vector.broadcast %scan3A : i32 to vector<16xi32>
      %ge3A_161 = arith.cmpi sge, %get3A_156, %ge3A_160 : vector<16xi32>
      %mul3A_162 = arith.constant 2 : i32
      %mul3A_163 = arith.muli %scan3A, %mul3A_162 : i32
      %sub3A_164 = arith.constant 1 : i32
      %sub3A_165 = arith.subi %mul3A_163, %sub3A_164 : i32
      %jit3A_166 = arith.constant 0 : i32
      %broadcast_in_dim3A_167 = vector.broadcast %sub3A_165 : i32 to vector<16xi32>
      %broadcast_in_dim3A_168 = vector.broadcast %jit3A_166 : i32 to vector<16xi32>
      %select_n3A_169 = arith.select %ge3A_161, %broadcast_in_dim3A_167, %broadcast_in_dim3A_168 : vector<16xi1>, vector<16xi32>
      %sub3A_170 = arith.subi %shift_left3A_159, %select_n3A_169 : vector<16xi32>
      %swap3A_171 = arith.index_cast %scan3A_41 : i32 to index
      %swap3A_172 = arith.constant 96 : index
      %swap3A_173 = tpu.vector_load %arg10[%swap3A_171, %swap3A_172] {strides = array<i32>} : memref<128x200xi32, #tpu.memory_space<vmem>>, vector<16xi32>,
      tpu.vector_store %arg10[%swap3A_171, %swap3A_172], %sub3A_170 {strides = array<i32>} : memref<128x200xi32, #tpu.memory_space<vmem>>, vector<16xi32>,
      %get3A_174 = arith.index_cast %scan3A_41 : i32 to index
      %get3A_175 = arith.constant 112 : index
      %get3A_176 = tpu.vector_load %arg10[%get3A_174, %get3A_175] {strides = array<i32>} : memref<128x200xi32, #tpu.memory_space<vmem>>, vector<16xi32>,
      %shift_left3A_177 = arith.constant 1 : i32
      %shift_left3A_178 = vector.broadcast %shift_left3A_177 : i32 to vector<16xi32>
      %shift_left3A_179 = arith.shli %get3A_176, %shift_left3A_178 : vector<16xi32>
      %ge3A_180 = vector.broadcast %scan3A : i32 to vector<16xi32>
      %ge3A_181 = arith.cmpi sge, %get3A_176, %ge3A_180 : vector<16xi32>
      %mul3A_182 = arith.constant 2 : i32
      %mul3A_183 = arith.muli %scan3A, %mul3A_182 : i32
      %sub3A_184 = arith.constant 1 : i32
      %sub3A_185 = arith.subi %mul3A_183, %sub3A_184 : i32
      %jit3A_186 = arith.constant 0 : i32
      %broadcast_in_dim3A_187 = vector.broadcast %sub3A_185 : i32 to vector<16xi32>
      %broadcast_in_dim3A_188 = vector.broadcast %jit3A_186 : i32 to vector<16xi32>
      %select_n3A_189 = arith.select %ge3A_181, %broadcast_in_dim3A_187, %broadcast_in_dim3A_188 : vector<16xi1>, vector<16xi32>
      %sub3A_190 = arith.subi %shift_left3A_179, %select_n3A_189 : vector<16xi32>
      %swap3A_191 = arith.index_cast %scan3A_41 : i32 to index
      %swap3A_192 = arith.constant 112 : index
      %swap3A_193 = tpu.vector_load %arg10[%swap3A_191, %swap3A_192] {strides = array<i32>} : memref<128x200xi32, #tpu.memory_space<vmem>>, vector<16xi32>,
      tpu.vector_store %arg10[%swap3A_191, %swap3A_192], %sub3A_190 {strides = array<i32>} : memref<128x200xi32, #tpu.memory_space<vmem>>, vector<16xi32>,
      %get3A_194 = arith.index_cast %scan3A_41 : i32 to index
      %get3A_195 = arith.constant 128 : index
      %get3A_196 = tpu.vector_load %arg10[%get3A_194, %get3A_195] {strides = array<i32>} : memref<128x200xi32, #tpu.memory_space<vmem>>, vector<16xi32>,
      %shift_left3A_197 = arith.constant 1 : i32
      %shift_left3A_198 = vector.broadcast %shift_left3A_197 : i32 to vector<16xi32>
      %shift_left3A_199 = arith.shli %get3A_196, %shift_left3A_198 : vector<16xi32>
      %ge3A_200 = vector.broadcast %scan3A : i32 to vector<16xi32>
      %ge3A_201 = arith.cmpi sge, %get3A_196, %ge3A_200 : vector<16xi32>
      %mul3A_202 = arith.constant 2 : i32
      %mul3A_203 = arith.muli %scan3A, %mul3A_202 : i32
      %sub3A_204 = arith.constant 1 : i32
      %sub3A_205 = arith.subi %mul3A_203, %sub3A_204 : i32
      %jit3A_206 = arith.constant 0 : i32
      %broadcast_in_dim3A_207 = vector.broadcast %sub3A_205 : i32 to vector<16xi32>
      %broadcast_in_dim3A_208 = vector.broadcast %jit3A_206 : i32 to vector<16xi32>
      %select_n3A_209 = arith.select %ge3A_201, %broadcast_in_dim3A_207, %broadcast_in_dim3A_208 : vector<16xi1>, vector<16xi32>
      %sub3A_210 = arith.subi %shift_left3A_199, %select_n3A_209 : vector<16xi32>
      %swap3A_211 = arith.index_cast %scan3A_41 : i32 to index
      %swap3A_212 = arith.constant 128 : index
      %swap3A_213 = tpu.vector_load %arg10[%swap3A_211, %swap3A_212] {strides = array<i32>} : memref<128x200xi32, #tpu.memory_space<vmem>>, vector<16xi32>,
      tpu.vector_store %arg10[%swap3A_211, %swap3A_212], %sub3A_210 {strides = array<i32>} : memref<128x200xi32, #tpu.memory_space<vmem>>, vector<16xi32>,
      %get3A_214 = arith.index_cast %scan3A_41 : i32 to index
      %get3A_215 = arith.constant 144 : index
      %get3A_216 = tpu.vector_load %arg10[%get3A_214, %get3A_215] {strides = array<i32>} : memref<128x200xi32, #tpu.memory_space<vmem>>, vector<16xi32>,
      %shift_left3A_217 = arith.constant 1 : i32
      %shift_left3A_218 = vector.broadcast %shift_left3A_217 : i32 to vector<16xi32>
      %shift_left3A_219 = arith.shli %get3A_216, %shift_left3A_218 : vector<16xi32>
      %ge3A_220 = vector.broadcast %scan3A : i32 to vector<16xi32>
      %ge3A_221 = arith.cmpi sge, %get3A_216, %ge3A_220 : vector<16xi32>
      %mul3A_222 = arith.constant 2 : i32
      %mul3A_223 = arith.muli %scan3A, %mul3A_222 : i32
      %sub3A_224 = arith.constant 1 : i32
      %sub3A_225 = arith.subi %mul3A_223, %sub3A_224 : i32
      %jit3A_226 = arith.constant 0 : i32
      %broadcast_in_dim3A_227 = vector.broadcast %sub3A_225 : i32 to vector<16xi32>
      %broadcast_in_dim3A_228 = vector.broadcast %jit3A_226 : i32 to vector<16xi32>
      %select_n3A_229 = arith.select %ge3A_221, %broadcast_in_dim3A_227, %broadcast_in_dim3A_228 : vector<16xi1>, vector<16xi32>
      %sub3A_230 = arith.subi %shift_left3A_219, %select_n3A_229 : vector<16xi32>
      %swap3A_231 = arith.index_cast %scan3A_41 : i32 to index
      %swap3A_232 = arith.constant 144 : index
      %swap3A_233 = tpu.vector_load %arg10[%swap3A_231, %swap3A_232] {strides = array<i32>} : memref<128x200xi32, #tpu.memory_space<vmem>>, vector<16xi32>,
      tpu.vector_store %arg10[%swap3A_231, %swap3A_232], %sub3A_230 {strides = array<i32>} : memref<128x200xi32, #tpu.memory_space<vmem>>, vector<16xi32>,
      %get3A_234 = arith.index_cast %scan3A_41 : i32 to index
      %get3A_235 = arith.constant 160 : index
      %get3A_236 = tpu.vector_load %arg10[%get3A_234, %get3A_235] {strides = array<i32>} : memref<128x200xi32, #tpu.memory_space<vmem>>, vector<16xi32>,
      %shift_left3A_237 = arith.constant 1 : i32
      %shift_left3A_238 = vector.broadcast %shift_left3A_237 : i32 to vector<16xi32>
      %shift_left3A_239 = arith.shli %get3A_236, %shift_left3A_238 : vector<16xi32>
      %ge3A_240 = vector.broadcast %scan3A : i32 to vector<16xi32>
      %ge3A_241 = arith.cmpi sge, %get3A_236, %ge3A_240 : vector<16xi32>
      %mul3A_242 = arith.constant 2 : i32
      %mul3A_243 = arith.muli %scan3A, %mul3A_242 : i32
      %sub3A_244 = arith.constant 1 : i32
      %sub3A_245 = arith.subi %mul3A_243, %sub3A_244 : i32
      %jit3A_246 = arith.constant 0 : i32
      %broadcast_in_dim3A_247 = vector.broadcast %sub3A_245 : i32 to vector<16xi32>
      %broadcast_in_dim3A_248 = vector.broadcast %jit3A_246 : i32 to vector<16xi32>
      %select_n3A_249 = arith.select %ge3A_241, %broadcast_in_dim3A_247, %broadcast_in_dim3A_248 : vector<16xi1>, vector<16xi32>
      %sub3A_250 = arith.subi %shift_left3A_239, %select_n3A_249 : vector<16xi32>
      %swap3A_251 = arith.index_cast %scan3A_41 : i32 to index
      %swap3A_252 = arith.constant 160 : index
      %swap3A_253 = tpu.vector_load %arg10[%swap3A_251, %swap3A_252] {strides = array<i32>} : memref<128x200xi32, #tpu.memory_space<vmem>>, vector<16xi32>,
      tpu.vector_store %arg10[%swap3A_251, %swap3A_252], %sub3A_250 {strides = array<i32>} : memref<128x200xi32, #tpu.memory_space<vmem>>, vector<16xi32>,
      %get3A_254 = arith.index_cast %scan3A_41 : i32 to index
      %get3A_255 = arith.constant 176 : index
      %get3A_256 = tpu.vector_load %arg10[%get3A_254, %get3A_255] {strides = array<i32>} : memref<128x200xi32, #tpu.memory_space<vmem>>, vector<16xi32>,
      %shift_left3A_257 = arith.constant 1 : i32
      %shift_left3A_258 = vector.broadcast %shift_left3A_257 : i32 to vector<16xi32>
      %shift_left3A_259 = arith.shli %get3A_256, %shift_left3A_258 : vector<16xi32>
      %ge3A_260 = vector.broadcast %scan3A : i32 to vector<16xi32>
      %ge3A_261 = arith.cmpi sge, %get3A_256, %ge3A_260 : vector<16xi32>
      %mul3A_262 = arith.constant 2 : i32
      %mul3A_263 = arith.muli %scan3A, %mul3A_262 : i32
      %sub3A_264 = arith.constant 1 : i32
      %sub3A_265 = arith.subi %mul3A_263, %sub3A_264 : i32
      %jit3A_266 = arith.constant 0 : i32
      %broadcast_in_dim3A_267 = vector.broadcast %sub3A_265 : i32 to vector<16xi32>
      %broadcast_in_dim3A_268 = vector.broadcast %jit3A_266 : i32 to vector<16xi32>
      %select_n3A_269 = arith.select %ge3A_261, %broadcast_in_dim3A_267, %broadcast_in_dim3A_268 : vector<16xi1>, vector<16xi32>
      %sub3A_270 = arith.subi %shift_left3A_259, %select_n3A_269 : vector<16xi32>
      %swap3A_271 = arith.index_cast %scan3A_41 : i32 to index
      %swap3A_272 = arith.constant 176 : index
      %swap3A_273 = tpu.vector_load %arg10[%swap3A_271, %swap3A_272] {strides = array<i32>} : memref<128x200xi32, #tpu.memory_space<vmem>>, vector<16xi32>,
      tpu.vector_store %arg10[%swap3A_271, %swap3A_272], %sub3A_270 {strides = array<i32>} : memref<128x200xi32, #tpu.memory_space<vmem>>, vector<16xi32>,
      %get3A_274 = arith.index_cast %scan3A_41 : i32 to index
      %get3A_275 = arith.constant 184 : index
      %get3A_276 = tpu.vector_load %arg10[%get3A_274, %get3A_275] {strides = array<i32>} : memref<128x200xi32, #tpu.memory_space<vmem>>, vector<16xi32>,
      %shift_left3A_277 = arith.constant 1 : i32
      %shift_left3A_278 = vector.broadcast %shift_left3A_277 : i32 to vector<16xi32>
      %shift_left3A_279 = arith.shli %get3A_276, %shift_left3A_278 : vector<16xi32>
      %ge3A_280 = vector.broadcast %scan3A : i32 to vector<16xi32>
      %ge3A_281 = arith.cmpi sge, %get3A_276, %ge3A_280 : vector<16xi32>
      %mul3A_282 = arith.constant 2 : i32
      %mul3A_283 = arith.muli %scan3A, %mul3A_282 : i32
      %sub3A_284 = arith.constant 1 : i32
      %sub3A_285 = arith.subi %mul3A_283, %sub3A_284 : i32
      %jit3A_286 = arith.constant 0 : i32
      %broadcast_in_dim3A_287 = vector.broadcast %sub3A_285 : i32 to vector<16xi32>
      %broadcast_in_dim3A_288 = vector.broadcast %jit3A_286 : i32 to vector<16xi32>
      %select_n3A_289 = arith.select %ge3A_281, %broadcast_in_dim3A_287, %broadcast_in_dim3A_288 : vector<16xi1>, vector<16xi32>
      %sub3A_290 = arith.subi %shift_left3A_279, %select_n3A_289 : vector<16xi32>
      %broadcast_in_dim3A_291 = vector.broadcast %scan3A_41 : i32 to vector<16xi32>
      %add3A_292 = arith.constant 184 : i32
      %add3A_293 = vector.broadcast %add3A_292 : i32 to vector<16xi32>
      %add3A_294 = arith.addi %iota3A, %add3A_293 : vector<16xi32>
      %ge3A_295 = arith.constant 8 : i32
      %ge3A_296 = vector.broadcast %ge3A_295 : i32 to vector<16xi32>
      %ge3A_297 = arith.cmpi sge, %iota3A, %ge3A_296 : vector<16xi32>
      tpu.vector_store_idx %arg10[%broadcast_in_dim3A_291, %add3A_294], %sub3A_290 masked %ge3A_297 : memref<128x200xi32, #tpu.memory_space<vmem>>[vector<16xi32>, vector<16xi32>], vector<16xi32>, vector<16xi1>
    }
    %scan3A_11 = arith.constant 128 : i32
    %dma_start3A_12 = arith.constant 0 : i32
    %dma_start3A_13 = arith.constant 0 : i32
    %dma_start3A_14 = arith.constant 0 : i32
    %dma_start3A_15 = tpu.memref_slice %arg11[%dma_start3A_13, %dma_start3A_14] : memref<208x64xi32, #tpu.memory_space<vmem>> -> memref<128x64xi32, #tpu.memory_space<vmem>>
    %dma_start3A_16 = arith.constant 0 : i32
    %dma_start3A_17 = tpu.memref_slice %arg10[%dma_start3A_12, %dma_start3A_16] : memref<128x200xi32, #tpu.memory_space<vmem>> -> memref<1x128xi32, #tpu.memory_space<vmem>>
    %dma_start3A_18 = tpu.memref_squeeze %dma_start3A_17 : memref<1x128xi32, #tpu.memory_space<vmem>> -> memref<128xi32, #tpu.memory_space<vmem>>
    %dma_start3A_19 = arith.constant 0 : i32
    %dma_start3A_20 = arith.constant 0 : i32
    %dma_start3A_21 = tpu.memref_slice %arg5[%dma_start3A_19, %dma_start3A_20] : memref<100000x64xi32, #tpu.memory_space<hbm>> -> memref<100000x64xi32, #tpu.memory_space<hbm>>
    tpu.enqueue_indirect_dma source(%dma_start3A_21 : memref<100000x64xi32, #tpu.memory_space<hbm>>) target(%dma_start3A_15 : memref<128x64xi32, #tpu.memory_space<vmem>>) offsets(%dma_start3A_18 : memref<128xi32, #tpu.memory_space<vmem>>) semaphore(%arg16 : memref<!tpu.dma_semaphore, #tpu.memory_space<semaphore_mem>>)
    %dma_start3A_22 = arith.constant 0 : i32
    %dma_start3A_23 = arith.constant 128 : i32
    %dma_start3A_24 = arith.constant 0 : i32
    %dma_start3A_25 = tpu.memref_slice %arg11[%dma_start3A_23, %dma_start3A_24] : memref<208x64xi32, #tpu.memory_space<vmem>> -> memref<72x64xi32, #tpu.memory_space<vmem>>
    %dma_start3A_26 = arith.constant 128 : i32
    %dma_start3A_27 = tpu.memref_slice %arg10[%dma_start3A_22, %dma_start3A_26] : memref<128x200xi32, #tpu.memory_space<vmem>> -> memref<1x72xi32, #tpu.memory_space<vmem>>
    %dma_start3A_28 = tpu.memref_squeeze %dma_start3A_27 : memref<1x72xi32, #tpu.memory_space<vmem>> -> memref<72xi32, #tpu.memory_space<vmem>>
    %dma_start3A_29 = arith.constant 0 : i32
    %dma_start3A_30 = arith.constant 0 : i32
    %dma_start3A_31 = tpu.memref_slice %arg5[%dma_start3A_29, %dma_start3A_30] : memref<100000x64xi32, #tpu.memory_space<hbm>> -> memref<100000x64xi32, #tpu.memory_space<hbm>>
    tpu.enqueue_indirect_dma source(%dma_start3A_31 : memref<100000x64xi32, #tpu.memory_space<hbm>>) target(%dma_start3A_25 : memref<72x64xi32, #tpu.memory_space<vmem>>) offsets(%dma_start3A_28 : memref<72xi32, #tpu.memory_space<vmem>>) semaphore(%arg17 : memref<!tpu.dma_semaphore, #tpu.memory_space<semaphore_mem>>)
    %iota3A_32 = tpu.iota {dimensions = array<i32: 0>} : vector<16xi32>
    %lt3A = arith.constant 8 : i32
    %lt3A_33 = vector.broadcast %lt3A : i32 to vector<16xi32>
    %lt3A_34 = arith.cmpi slt, %iota3A_32, %lt3A_33 : vector<16xi32>
    %scan3A_35 = arith.constant 50000 : i32
    %scan3A_36 = arith.constant 0 : i32
    %scan3A_37 = arith.constant 64 : i32
    %scan3A_38 = arith.addi %scan3A_36, %scan3A_37 : i32
    %scan3A_39 = arith.constant 1 : i32
    scf.for %scan3A_41 = %scan3A_36 to %scan3A_38 step %scan3A_39  : i32 {
      %mul3A_42 = arith.constant 2 : i32
      %mul3A_43 = arith.muli %mul3A_42, %scan3A_41 : i32
      %dma_wait3A_44 = arith.constant 0 : i32
      %dma_wait3A_45 = arith.constant 0 : i32
      %dma_wait3A_46 = tpu.memref_slice %arg11[%dma_wait3A_44, %dma_wait3A_45] : memref<208x64xi32, #tpu.memory_space<vmem>> -> memref<128x64xi32, #tpu.memory_space<vmem>>
      %dma_wait3A_47 = arith.constant 0 : i32
      %dma_wait3A_48 = tpu.memref_slice %arg10[%mul3A_43, %dma_wait3A_47] : memref<128x200xi32, #tpu.memory_space<vmem>> -> memref<1x128xi32, #tpu.memory_space<vmem>>
      %dma_wait3A_49 = tpu.memref_squeeze %dma_wait3A_48 : memref<1x128xi32, #tpu.memory_space<vmem>> -> memref<128xi32, #tpu.memory_space<vmem>>
      %dma_wait3A_50 = arith.constant 0 : i32
      %dma_wait3A_51 = arith.constant 0 : i32
      %dma_wait3A_52 = tpu.memref_slice %arg5[%dma_wait3A_50, %dma_wait3A_51] : memref<100000x64xi32, #tpu.memory_space<hbm>> -> memref<100000x64xi32, #tpu.memory_space<hbm>>
      tpu.wait_indirect_dma semaphore(%arg16 : memref<!tpu.dma_semaphore, #tpu.memory_space<semaphore_mem>>) src(%dma_wait3A_52 : memref<100000x64xi32, #tpu.memory_space<hbm>>) dst(%dma_wait3A_46 : memref<128x64xi32, #tpu.memory_space<vmem>>)
      %dma_wait3A_53 = arith.constant 128 : i32
      %dma_wait3A_54 = arith.constant 0 : i32
      %dma_wait3A_55 = tpu.memref_slice %arg11[%dma_wait3A_53, %dma_wait3A_54] : memref<208x64xi32, #tpu.memory_space<vmem>> -> memref<72x64xi32, #tpu.memory_space<vmem>>
      %dma_wait3A_56 = arith.constant 128 : i32
      %dma_wait3A_57 = tpu.memref_slice %arg10[%mul3A_43, %dma_wait3A_56] : memref<128x200xi32, #tpu.memory_space<vmem>> -> memref<1x72xi32, #tpu.memory_space<vmem>>
      %dma_wait3A_58 = tpu.memref_squeeze %dma_wait3A_57 : memref<1x72xi32, #tpu.memory_space<vmem>> -> memref<72xi32, #tpu.memory_space<vmem>>
      %dma_wait3A_59 = arith.constant 0 : i32
      %dma_wait3A_60 = arith.constant 0 : i32
      %dma_wait3A_61 = tpu.memref_slice %arg5[%dma_wait3A_59, %dma_wait3A_60] : memref<100000x64xi32, #tpu.memory_space<hbm>> -> memref<100000x64xi32, #tpu.memory_space<hbm>>
      tpu.wait_indirect_dma semaphore(%arg17 : memref<!tpu.dma_semaphore, #tpu.memory_space<semaphore_mem>>) src(%dma_wait3A_61 : memref<100000x64xi32, #tpu.memory_space<hbm>>) dst(%dma_wait3A_55 : memref<72x64xi32, #tpu.memory_space<vmem>>)
      %add3A_62 = arith.constant 1 : i32
      %add3A_63 = arith.addi %mul3A_43, %add3A_62 : i32
      %lt3A_64 = arith.constant 128 : i32
      %lt3A_65 = arith.cmpi slt, %add3A_63, %lt3A_64 : i32
      %convert_element_type3A = arith.extui %lt3A_65 : i1 to i32
      %cond3A = arith.constant 0 : i32
      %cond3A_66 = arith.cmpi ne, %convert_element_type3A, %cond3A : i32
      scf.if %cond3A_66 {
        %add3A_475 = arith.constant 1 : i32
        %add3A_476 = arith.addi %mul3A_43, %add3A_475 : i32
        %dma_start3A_477 = arith.constant 0 : i32
        %dma_start3A_478 = arith.constant 0 : i32
        %dma_start3A_479 = tpu.memref_slice %arg12[%dma_start3A_477, %dma_start3A_478] : memref<208x64xi32, #tpu.memory_space<vmem>> -> memref<128x64xi32, #tpu.memory_space<vmem>>
        %dma_start3A_480 = arith.constant 0 : i32
        %dma_start3A_481 = tpu.memref_slice %arg10[%add3A_476, %dma_start3A_480] : memref<128x200xi32, #tpu.memory_space<vmem>> -> memref<1x128xi32, #tpu.memory_space<vmem>>
        %dma_start3A_482 = tpu.memref_squeeze %dma_start3A_481 : memref<1x128xi32, #tpu.memory_space<vmem>> -> memref<128xi32, #tpu.memory_space<vmem>>
        %dma_start3A_483 = arith.constant 0 : i32
        %dma_start3A_484 = arith.constant 0 : i32
        %dma_start3A_485 = tpu.memref_slice %arg5[%dma_start3A_483, %dma_start3A_484] : memref<100000x64xi32, #tpu.memory_space<hbm>> -> memref<100000x64xi32, #tpu.memory_space<hbm>>
        tpu.enqueue_indirect_dma source(%dma_start3A_485 : memref<100000x64xi32, #tpu.memory_space<hbm>>) target(%dma_start3A_479 : memref<128x64xi32, #tpu.memory_space<vmem>>) offsets(%dma_start3A_482 : memref<128xi32, #tpu.memory_space<vmem>>) semaphore(%arg18 : memref<!tpu.dma_semaphore, #tpu.memory_space<semaphore_mem>>)
        %dma_start3A_486 = arith.constant 128 : i32
        %dma_start3A_487 = arith.constant 0 : i32
        %dma_start3A_488 = tpu.memref_slice %arg12[%dma_start3A_486, %dma_start3A_487] : memref<208x64xi32, #tpu.memory_space<vmem>> -> memref<72x64xi32, #tpu.memory_space<vmem>>
        %dma_start3A_489 = arith.constant 128 : i32
        %dma_start3A_490 = tpu.memref_slice %arg10[%add3A_476, %dma_start3A_489] : memref<128x200xi32, #tpu.memory_space<vmem>> -> memref<1x72xi32, #tpu.memory_space<vmem>>
        %dma_start3A_491 = tpu.memref_squeeze %dma_start3A_490 : memref<1x72xi32, #tpu.memory_space<vmem>> -> memref<72xi32, #tpu.memory_space<vmem>>
        %dma_start3A_492 = arith.constant 0 : i32
        %dma_start3A_493 = arith.constant 0 : i32
        %dma_start3A_494 = tpu.memref_slice %arg5[%dma_start3A_492, %dma_start3A_493] : memref<100000x64xi32, #tpu.memory_space<hbm>> -> memref<100000x64xi32, #tpu.memory_space<hbm>>
        tpu.enqueue_indirect_dma source(%dma_start3A_494 : memref<100000x64xi32, #tpu.memory_space<hbm>>) target(%dma_start3A_488 : memref<72x64xi32, #tpu.memory_space<vmem>>) offsets(%dma_start3A_491 : memref<72xi32, #tpu.memory_space<vmem>>) semaphore(%arg19 : memref<!tpu.dma_semaphore, #tpu.memory_space<semaphore_mem>>)
      } else {
      }
      %broadcast_in_dim3A = vector.broadcast %mul3A_43 : i32 to vector<16xi32>
      %get3A = arith.index_cast %mul3A_43 : i32 to index
      %get3A_67 = arith.constant 0 : index
      %get3A_68 = tpu.vector_load %arg9[%get3A, %get3A_67] {strides = array<i32>} : memref<128x128xf32, #tpu.memory_space<vmem>>, vector<16xf32>,
      %bitcast3A = vector.bitcast %get3A_68 : vector<16xf32> to vector<16xi32>
      %add3A_69 = arith.constant 32767 : i32
      %add3A_70 = vector.broadcast %add3A_69 : i32 to vector<16xi32>
      %add3A_71 = arith.addi %bitcast3A, %add3A_70 : vector<16xi32>
      %shift_right_arithmetic3A = arith.constant 16 : i32
      %shift_right_arithmetic3A_72 = vector.broadcast %shift_right_arithmetic3A : i32 to vector<16xi32>
      %shift_right_arithmetic3A_73 = arith.shrsi %bitcast3A, %shift_right_arithmetic3A_72 : vector<16xi32>
      %and3A = arith.constant 1 : i32
      %and3A_74 = vector.broadcast %and3A : i32 to vector<16xi32>
      %and3A_75 = arith.andi %shift_right_arithmetic3A_73, %and3A_74 : vector<16xi32>
      %add3A_76 = arith.addi %add3A_71, %and3A_75 : vector<16xi32>
      %and3A_77 = arith.constant -65536 : i32
      %and3A_78 = vector.broadcast %and3A_77 : i32 to vector<16xi32>
      %and3A_79 = arith.andi %add3A_76, %and3A_78 : vector<16xi32>
      %bitcast3A_80 = vector.bitcast %and3A_79 : vector<16xi32> to vector<16xf32>
      %get3A_81 = arith.index_cast %mul3A_43 : i32 to index
      %get3A_82 = arith.constant 16 : index
      %get3A_83 = tpu.vector_load %arg9[%get3A_81, %get3A_82] {strides = array<i32>} : memref<128x128xf32, #tpu.memory_space<vmem>>, vector<16xf32>,
      %bitcast3A_84 = vector.bitcast %get3A_83 : vector<16xf32> to vector<16xi32>
      %add3A_85 = arith.constant 32767 : i32
      %add3A_86 = vector.broadcast %add3A_85 : i32 to vector<16xi32>
      %add3A_87 = arith.addi %bitcast3A_84, %add3A_86 : vector<16xi32>
      %shift_right_arithmetic3A_88 = arith.constant 16 : i32
      %shift_right_arithmetic3A_89 = vector.broadcast %shift_right_arithmetic3A_88 : i32 to vector<16xi32>
      %shift_right_arithmetic3A_90 = arith.shrsi %bitcast3A_84, %shift_right_arithmetic3A_89 : vector<16xi32>
      %and3A_91 = arith.constant 1 : i32
      %and3A_92 = vector.broadcast %and3A_91 : i32 to vector<16xi32>
      %and3A_93 = arith.andi %shift_right_arithmetic3A_90, %and3A_92 : vector<16xi32>
      %add3A_94 = arith.addi %add3A_87, %and3A_93 : vector<16xi32>
      %and3A_95 = arith.constant -65536 : i32
      %and3A_96 = vector.broadcast %and3A_95 : i32 to vector<16xi32>
      %and3A_97 = arith.andi %add3A_94, %and3A_96 : vector<16xi32>
      %bitcast3A_98 = vector.bitcast %and3A_97 : vector<16xi32> to vector<16xf32>
      %get3A_99 = arith.index_cast %mul3A_43 : i32 to index
      %get3A_100 = arith.constant 32 : index
      %get3A_101 = tpu.vector_load %arg9[%get3A_99, %get3A_100] {strides = array<i32>} : memref<128x128xf32, #tpu.memory_space<vmem>>, vector<16xf32>,
      %bitcast3A_102 = vector.bitcast %get3A_101 : vector<16xf32> to vector<16xi32>
      %add3A_103 = arith.constant 32767 : i32
      %add3A_104 = vector.broadcast %add3A_103 : i32 to vector<16xi32>
      %add3A_105 = arith.addi %bitcast3A_102, %add3A_104 : vector<16xi32>
      %shift_right_arithmetic3A_106 = arith.constant 16 : i32
      %shift_right_arithmetic3A_107 = vector.broadcast %shift_right_arithmetic3A_106 : i32 to vector<16xi32>
      %shift_right_arithmetic3A_108 = arith.shrsi %bitcast3A_102, %shift_right_arithmetic3A_107 : vector<16xi32>
      %and3A_109 = arith.constant 1 : i32
      %and3A_110 = vector.broadcast %and3A_109 : i32 to vector<16xi32>
      %and3A_111 = arith.andi %shift_right_arithmetic3A_108, %and3A_110 : vector<16xi32>
      %add3A_112 = arith.addi %add3A_105, %and3A_111 : vector<16xi32>
      %and3A_113 = arith.constant -65536 : i32
      %and3A_114 = vector.broadcast %and3A_113 : i32 to vector<16xi32>
      %and3A_115 = arith.andi %add3A_112, %and3A_114 : vector<16xi32>
      %bitcast3A_116 = vector.bitcast %and3A_115 : vector<16xi32> to vector<16xf32>
      %get3A_117 = arith.index_cast %mul3A_43 : i32 to index
      %get3A_118 = arith.constant 48 : index
      %get3A_119 = tpu.vector_load %arg9[%get3A_117, %get3A_118] {strides = array<i32>} : memref<128x128xf32, #tpu.memory_space<vmem>>, vector<16xf32>,
      %bitcast3A_120 = vector.bitcast %get3A_119 : vector<16xf32> to vector<16xi32>
      %add3A_121 = arith.constant 32767 : i32
      %add3A_122 = vector.broadcast %add3A_121 : i32 to vector<16xi32>
      %add3A_123 = arith.addi %bitcast3A_120, %add3A_122 : vector<16xi32>
      %shift_right_arithmetic3A_124 = arith.constant 16 : i32
      %shift_right_arithmetic3A_125 = vector.broadcast %shift_right_arithmetic3A_124 : i32 to vector<16xi32>
      %shift_right_arithmetic3A_126 = arith.shrsi %bitcast3A_120, %shift_right_arithmetic3A_125 : vector<16xi32>
      %and3A_127 = arith.constant 1 : i32
      %and3A_128 = vector.broadcast %and3A_127 : i32 to vector<16xi32>
      %and3A_129 = arith.andi %shift_right_arithmetic3A_126, %and3A_128 : vector<16xi32>
      %add3A_130 = arith.addi %add3A_123, %and3A_129 : vector<16xi32>
      %and3A_131 = arith.constant -65536 : i32
      %and3A_132 = vector.broadcast %and3A_131 : i32 to vector<16xi32>
      %and3A_133 = arith.andi %add3A_130, %and3A_132 : vector<16xi32>
      %bitcast3A_134 = vector.bitcast %and3A_133 : vector<16xi32> to vector<16xf32>
      %get3A_135 = arith.index_cast %mul3A_43 : i32 to index
      %get3A_136 = arith.constant 64 : index
      %get3A_137 = tpu.vector_load %arg9[%get3A_135, %get3A_136] {strides = array<i32>} : memref<128x128xf32, #tpu.memory_space<vmem>>, vector<16xf32>,
      %bitcast3A_138 = vector.bitcast %get3A_137 : vector<16xf32> to vector<16xi32>
      %add3A_139 = arith.constant 32767 : i32
      %add3A_140 = vector.broadcast %add3A_139 : i32 to vector<16xi32>
      %add3A_141 = arith.addi %bitcast3A_138, %add3A_140 : vector<16xi32>
      %shift_right_arithmetic3A_142 = arith.constant 16 : i32
      %shift_right_arithmetic3A_143 = vector.broadcast %shift_right_arithmetic3A_142 : i32 to vector<16xi32>
      %shift_right_arithmetic3A_144 = arith.shrsi %bitcast3A_138, %shift_right_arithmetic3A_143 : vector<16xi32>
      %and3A_145 = arith.constant 1 : i32
      %and3A_146 = vector.broadcast %and3A_145 : i32 to vector<16xi32>
      %and3A_147 = arith.andi %shift_right_arithmetic3A_144, %and3A_146 : vector<16xi32>
      %add3A_148 = arith.addi %add3A_141, %and3A_147 : vector<16xi32>
      %and3A_149 = arith.constant -65536 : i32
      %and3A_150 = vector.broadcast %and3A_149 : i32 to vector<16xi32>
      %and3A_151 = arith.andi %add3A_148, %and3A_150 : vector<16xi32>
      %bitcast3A_152 = vector.bitcast %and3A_151 : vector<16xi32> to vector<16xf32>
      %get3A_153 = arith.index_cast %mul3A_43 : i32 to index
      %get3A_154 = arith.constant 80 : index
      %get3A_155 = tpu.vector_load %arg9[%get3A_153, %get3A_154] {strides = array<i32>} : memref<128x128xf32, #tpu.memory_space<vmem>>, vector<16xf32>,
      %bitcast3A_156 = vector.bitcast %get3A_155 : vector<16xf32> to vector<16xi32>
      %add3A_157 = arith.constant 32767 : i32
      %add3A_158 = vector.broadcast %add3A_157 : i32 to vector<16xi32>
      %add3A_159 = arith.addi %bitcast3A_156, %add3A_158 : vector<16xi32>
      %shift_right_arithmetic3A_160 = arith.constant 16 : i32
      %shift_right_arithmetic3A_161 = vector.broadcast %shift_right_arithmetic3A_160 : i32 to vector<16xi32>
      %shift_right_arithmetic3A_162 = arith.shrsi %bitcast3A_156, %shift_right_arithmetic3A_161 : vector<16xi32>
      %and3A_163 = arith.constant 1 : i32
      %and3A_164 = vector.broadcast %and3A_163 : i32 to vector<16xi32>
      %and3A_165 = arith.andi %shift_right_arithmetic3A_162, %and3A_164 : vector<16xi32>
      %add3A_166 = arith.addi %add3A_159, %and3A_165 : vector<16xi32>
      %and3A_167 = arith.constant -65536 : i32
      %and3A_168 = vector.broadcast %and3A_167 : i32 to vector<16xi32>
      %and3A_169 = arith.andi %add3A_166, %and3A_168 : vector<16xi32>
      %bitcast3A_170 = vector.bitcast %and3A_169 : vector<16xi32> to vector<16xf32>
      %get3A_171 = arith.index_cast %mul3A_43 : i32 to index
      %get3A_172 = arith.constant 96 : index
      %get3A_173 = tpu.vector_load %arg9[%get3A_171, %get3A_172] {strides = array<i32>} : memref<128x128xf32, #tpu.memory_space<vmem>>, vector<16xf32>,
      %bitcast3A_174 = vector.bitcast %get3A_173 : vector<16xf32> to vector<16xi32>
      %add3A_175 = arith.constant 32767 : i32
      %add3A_176 = vector.broadcast %add3A_175 : i32 to vector<16xi32>
      %add3A_177 = arith.addi %bitcast3A_174, %add3A_176 : vector<16xi32>
      %shift_right_arithmetic3A_178 = arith.constant 16 : i32
      %shift_right_arithmetic3A_179 = vector.broadcast %shift_right_arithmetic3A_178 : i32 to vector<16xi32>
      %shift_right_arithmetic3A_180 = arith.shrsi %bitcast3A_174, %shift_right_arithmetic3A_179 : vector<16xi32>
      %and3A_181 = arith.constant 1 : i32
      %and3A_182 = vector.broadcast %and3A_181 : i32 to vector<16xi32>
      %and3A_183 = arith.andi %shift_right_arithmetic3A_180, %and3A_182 : vector<16xi32>
      %add3A_184 = arith.addi %add3A_177, %and3A_183 : vector<16xi32>
      %and3A_185 = arith.constant -65536 : i32
      %and3A_186 = vector.broadcast %and3A_185 : i32 to vector<16xi32>
      %and3A_187 = arith.andi %add3A_184, %and3A_186 : vector<16xi32>
      %bitcast3A_188 = vector.bitcast %and3A_187 : vector<16xi32> to vector<16xf32>
      %get3A_189 = arith.index_cast %mul3A_43 : i32 to index
      %get3A_190 = arith.constant 112 : index
      %get3A_191 = tpu.vector_load %arg9[%get3A_189, %get3A_190] {strides = array<i32>} : memref<128x128xf32, #tpu.memory_space<vmem>>, vector<16xf32>,
      %bitcast3A_192 = vector.bitcast %get3A_191 : vector<16xf32> to vector<16xi32>
      %add3A_193 = arith.constant 32767 : i32
      %add3A_194 = vector.broadcast %add3A_193 : i32 to vector<16xi32>
      %add3A_195 = arith.addi %bitcast3A_192, %add3A_194 : vector<16xi32>
      %shift_right_arithmetic3A_196 = arith.constant 16 : i32
      %shift_right_arithmetic3A_197 = vector.broadcast %shift_right_arithmetic3A_196 : i32 to vector<16xi32>
      %shift_right_arithmetic3A_198 = arith.shrsi %bitcast3A_192, %shift_right_arithmetic3A_197 : vector<16xi32>
      %and3A_199 = arith.constant 1 : i32
      %and3A_200 = vector.broadcast %and3A_199 : i32 to vector<16xi32>
      %and3A_201 = arith.andi %shift_right_arithmetic3A_198, %and3A_200 : vector<16xi32>
      %add3A_202 = arith.addi %add3A_195, %and3A_201 : vector<16xi32>
      %and3A_203 = arith.constant -65536 : i32
      %and3A_204 = vector.broadcast %and3A_203 : i32 to vector<16xi32>
      %and3A_205 = arith.andi %add3A_202, %and3A_204 : vector<16xi32>
      %bitcast3A_206 = vector.bitcast %and3A_205 : vector<16xi32> to vector<16xf32>
      %broadcast_in_dim3A_207 = arith.constant 15 : i32
      %broadcast_in_dim3A_208 = vector.broadcast %broadcast_in_dim3A_207 : i32 to vector<16xi32>
      %broadcast_in_dim3A_209 = arith.constant 0xFF800000 : f32
      %broadcast_in_dim3A_210 = vector.broadcast %broadcast_in_dim3A_209 : f32 to vector<16xf32>
      %broadcast_in_dim3A_211 = arith.constant 2147483647 : i32
      %broadcast_in_dim3A_212 = vector.broadcast %broadcast_in_dim3A_211 : i32 to vector<16xi32>
      %scan3A_213 = arith.constant 0 : i32
      %scan3A_214 = arith.constant 13 : i32
      %scan3A_215 = arith.addi %scan3A_213, %scan3A_214 : i32
      %scan3A_216 = arith.constant 1 : i32
      %scan3A_217:2 = scf.for %scan3A_475 = %scan3A_213 to %scan3A_215 step %scan3A_216 iter_args(%scan3A_476 = %broadcast_in_dim3A_210, %scan3A_477 = %broadcast_in_dim3A_212) -> (vector<16xf32>, vector<16xi32>)  : i32 {
        %broadcast_in_dim3A_478 = arith.constant 0.000000e+00 : f32
        %broadcast_in_dim3A_479 = vector.broadcast %broadcast_in_dim3A_478 : f32 to vector<16xf32>
        %mul3A_480 = arith.constant 16 : i32
        %mul3A_481 = arith.muli %scan3A_475, %mul3A_480 : i32
        %add3A_482 = arith.constant 0 : i32
        %add3A_483 = arith.addi %mul3A_481, %add3A_482 : i32
        %get3A_484 = arith.index_cast %add3A_483 : i32 to index
        %get3A_485 = arith.constant 0 : index
        %get3A_486 = tpu.vector_load %arg11[%get3A_484, %get3A_485] {strides = array<i32>} : memref<208x64xi32, #tpu.memory_space<vmem>>, vector<16xi32>,
        %shift_left3A = arith.constant 16 : i32
        %shift_left3A_487 = vector.broadcast %shift_left3A : i32 to vector<16xi32>
        %shift_left3A_488 = arith.shli %get3A_486, %shift_left3A_487 : vector<16xi32>
        %bitcast3A_489 = vector.bitcast %shift_left3A_488 : vector<16xi32> to vector<16xf32>
        %and3A_490 = arith.constant -65536 : i32
        %and3A_491 = vector.broadcast %and3A_490 : i32 to vector<16xi32>
        %and3A_492 = arith.andi %get3A_486, %and3A_491 : vector<16xi32>
        %bitcast3A_493 = vector.bitcast %and3A_492 : vector<16xi32> to vector<16xf32>
        %mul3A_494 = arith.mulf %bitcast3A_489, %bitcast3A_80 : vector<16xf32>
        %mul3A_495 = arith.mulf %bitcast3A_493, %bitcast3A_152 : vector<16xf32>
        %add3A_496 = arith.addf %mul3A_494, %mul3A_495 : vector<16xf32>
        %get3A_497 = arith.index_cast %add3A_483 : i32 to index
        %get3A_498 = arith.constant 16 : index
        %get3A_499 = tpu.vector_load %arg11[%get3A_497, %get3A_498] {strides = array<i32>} : memref<208x64xi32, #tpu.memory_space<vmem>>, vector<16xi32>,
        %shift_left3A_500 = arith.constant 16 : i32
        %shift_left3A_501 = vector.broadcast %shift_left3A_500 : i32 to vector<16xi32>
        %shift_left3A_502 = arith.shli %get3A_499, %shift_left3A_501 : vector<16xi32>
        %bitcast3A_503 = vector.bitcast %shift_left3A_502 : vector<16xi32> to vector<16xf32>
        %and3A_504 = arith.constant -65536 : i32
        %and3A_505 = vector.broadcast %and3A_504 : i32 to vector<16xi32>
        %and3A_506 = arith.andi %get3A_499, %and3A_505 : vector<16xi32>
        %bitcast3A_507 = vector.bitcast %and3A_506 : vector<16xi32> to vector<16xf32>
        %mul3A_508 = arith.mulf %bitcast3A_503, %bitcast3A_98 : vector<16xf32>
        %mul3A_509 = arith.mulf %bitcast3A_507, %bitcast3A_170 : vector<16xf32>
        %add3A_510 = arith.addf %mul3A_508, %mul3A_509 : vector<16xf32>
        %add3A_511 = arith.addf %add3A_496, %add3A_510 : vector<16xf32>
        %get3A_512 = arith.index_cast %add3A_483 : i32 to index
        %get3A_513 = arith.constant 32 : index
        %get3A_514 = tpu.vector_load %arg11[%get3A_512, %get3A_513] {strides = array<i32>} : memref<208x64xi32, #tpu.memory_space<vmem>>, vector<16xi32>,
        %shift_left3A_515 = arith.constant 16 : i32
        %shift_left3A_516 = vector.broadcast %shift_left3A_515 : i32 to vector<16xi32>
        %shift_left3A_517 = arith.shli %get3A_514, %shift_left3A_516 : vector<16xi32>
        %bitcast3A_518 = vector.bitcast %shift_left3A_517 : vector<16xi32> to vector<16xf32>
        %and3A_519 = arith.constant -65536 : i32
        %and3A_520 = vector.broadcast %and3A_519 : i32 to vector<16xi32>
        %and3A_521 = arith.andi %get3A_514, %and3A_520 : vector<16xi32>
        %bitcast3A_522 = vector.bitcast %and3A_521 : vector<16xi32> to vector<16xf32>
        %mul3A_523 = arith.mulf %bitcast3A_518, %bitcast3A_116 : vector<16xf32>
        %mul3A_524 = arith.mulf %bitcast3A_522, %bitcast3A_188 : vector<16xf32>
        %add3A_525 = arith.addf %mul3A_523, %mul3A_524 : vector<16xf32>
        %add3A_526 = arith.addf %add3A_511, %add3A_525 : vector<16xf32>
        %get3A_527 = arith.index_cast %add3A_483 : i32 to index
        %get3A_528 = arith.constant 48 : index
        %get3A_529 = tpu.vector_load %arg11[%get3A_527, %get3A_528] {strides = array<i32>} : memref<208x64xi32, #tpu.memory_space<vmem>>, vector<16xi32>,
        %shift_left3A_530 = arith.constant 16 : i32
        %shift_left3A_531 = vector.broadcast %shift_left3A_530 : i32 to vector<16xi32>
        %shift_left3A_532 = arith.shli %get3A_529, %shift_left3A_531 : vector<16xi32>
        %bitcast3A_533 = vector.bitcast %shift_left3A_532 : vector<16xi32> to vector<16xf32>
        %and3A_534 = arith.constant -65536 : i32
        %and3A_535 = vector.broadcast %and3A_534 : i32 to vector<16xi32>
        %and3A_536 = arith.andi %get3A_529, %and3A_535 : vector<16xi32>
        %bitcast3A_537 = vector.bitcast %and3A_536 : vector<16xi32> to vector<16xf32>
        %mul3A_538 = arith.mulf %bitcast3A_533, %bitcast3A_134 : vector<16xf32>
        %mul3A_539 = arith.mulf %bitcast3A_537, %bitcast3A_206 : vector<16xf32>
        %add3A_540 = arith.addf %mul3A_538, %mul3A_539 : vector<16xf32>
        %add3A_541 = arith.addf %add3A_526, %add3A_540 : vector<16xf32>
        %broadcast_in_dim3A_542 = arith.constant true
        %broadcast_in_dim3A_543 = vector.broadcast %broadcast_in_dim3A_542 : i1 to vector<16xi1>
        %masked_cumsum3A = tpu.scan <sum>, %add3A_541 masked %broadcast_in_dim3A_543 : vector<16xf32>, vector<16xi1> -> vector<16xf32>
        %lt3A_544 = arith.constant 0 : i32
        %lt3A_545 = vector.broadcast %lt3A_544 : i32 to vector<16xi32>
        %lt3A_546 = arith.cmpi slt, %broadcast_in_dim3A_208, %lt3A_545 : vector<16xi32>
        %add3A_547 = arith.constant 16 : i32
        %add3A_548 = vector.broadcast %add3A_547 : i32 to vector<16xi32>
        %add3A_549 = arith.addi %broadcast_in_dim3A_208, %add3A_548 : vector<16xi32>
        %select_n3A_550 = arith.select %lt3A_546, %add3A_549, %broadcast_in_dim3A_208 : vector<16xi1>, vector<16xi32>
        %broadcast_in_dim3A_551 = vector.shape_cast %select_n3A_550 : vector<16xi32> to vector<16x1xi32>
        %gather3A_552 = vector.shape_cast %broadcast_in_dim3A_551 : vector<16x1xi32> to vector<16xi32>
        %gather3A_553 = tpu.dynamic_gather %masked_cumsum3A[%gather3A_552] in [0] : vector<16xf32>, vector<16xi32> -> vector<16xf32>
        %eq3A_554 = arith.constant 0 : i32
        %eq3A_555 = vector.broadcast %eq3A_554 : i32 to vector<16xi32>
        %eq3A_556 = arith.cmpi eq, %iota3A_32, %eq3A_555 : vector<16xi32>
        %select_n3A_557 = arith.select %eq3A_556, %gather3A_553, %broadcast_in_dim3A_479 : vector<16xi1>, vector<16xf32>
        %mul3A_558 = arith.constant 16 : i32
        %mul3A_559 = arith.muli %scan3A_475, %mul3A_558 : i32
        %add3A_560 = arith.constant 1 : i32
        %add3A_561 = arith.addi %mul3A_559, %add3A_560 : i32
        %get3A_562 = arith.index_cast %add3A_561 : i32 to index
        %get3A_563 = arith.constant 0 : index
        %get3A_564 = tpu.vector_load %arg11[%get3A_562, %get3A_563] {strides = array<i32>} : memref<208x64xi32, #tpu.memory_space<vmem>>, vector<16xi32>,
        %shift_left3A_565 = arith.constant 16 : i32
        %shift_left3A_566 = vector.broadcast %shift_left3A_565 : i32 to vector<16xi32>
        %shift_left3A_567 = arith.shli %get3A_564, %shift_left3A_566 : vector<16xi32>
        %bitcast3A_568 = vector.bitcast %shift_left3A_567 : vector<16xi32> to vector<16xf32>
        %and3A_569 = arith.constant -65536 : i32
        %and3A_570 = vector.broadcast %and3A_569 : i32 to vector<16xi32>
        %and3A_571 = arith.andi %get3A_564, %and3A_570 : vector<16xi32>
        %bitcast3A_572 = vector.bitcast %and3A_571 : vector<16xi32> to vector<16xf32>
        %mul3A_573 = arith.mulf %bitcast3A_568, %bitcast3A_80 : vector<16xf32>
        %mul3A_574 = arith.mulf %bitcast3A_572, %bitcast3A_152 : vector<16xf32>
        %add3A_575 = arith.addf %mul3A_573, %mul3A_574 : vector<16xf32>
        %get3A_576 = arith.index_cast %add3A_561 : i32 to index
        %get3A_577 = arith.constant 16 : index
        %get3A_578 = tpu.vector_load %arg11[%get3A_576, %get3A_577] {strides = array<i32>} : memref<208x64xi32, #tpu.memory_space<vmem>>, vector<16xi32>,
        %shift_left3A_579 = arith.constant 16 : i32
        %shift_left3A_580 = vector.broadcast %shift_left3A_579 : i32 to vector<16xi32>
        %shift_left3A_581 = arith.shli %get3A_578, %shift_left3A_580 : vector<16xi32>
        %bitcast3A_582 = vector.bitcast %shift_left3A_581 : vector<16xi32> to vector<16xf32>
        %and3A_583 = arith.constant -65536 : i32
        %and3A_584 = vector.broadcast %and3A_583 : i32 to vector<16xi32>
        %and3A_585 = arith.andi %get3A_578, %and3A_584 : vector<16xi32>
        %bitcast3A_586 = vector.bitcast %and3A_585 : vector<16xi32> to vector<16xf32>
        %mul3A_587 = arith.mulf %bitcast3A_582, %bitcast3A_98 : vector<16xf32>
        %mul3A_588 = arith.mulf %bitcast3A_586, %bitcast3A_170 : vector<16xf32>
        %add3A_589 = arith.addf %mul3A_587, %mul3A_588 : vector<16xf32>
        %add3A_590 = arith.addf %add3A_575, %add3A_589 : vector<16xf32>
        %get3A_591 = arith.index_cast %add3A_561 : i32 to index
        %get3A_592 = arith.constant 32 : index
        %get3A_593 = tpu.vector_load %arg11[%get3A_591, %get3A_592] {strides = array<i32>} : memref<208x64xi32, #tpu.memory_space<vmem>>, vector<16xi32>,
        %shift_left3A_594 = arith.constant 16 : i32
        %shift_left3A_595 = vector.broadcast %shift_left3A_594 : i32 to vector<16xi32>
        %shift_left3A_596 = arith.shli %get3A_593, %shift_left3A_595 : vector<16xi32>
        %bitcast3A_597 = vector.bitcast %shift_left3A_596 : vector<16xi32> to vector<16xf32>
        %and3A_598 = arith.constant -65536 : i32
        %and3A_599 = vector.broadcast %and3A_598 : i32 to vector<16xi32>
        %and3A_600 = arith.andi %get3A_593, %and3A_599 : vector<16xi32>
        %bitcast3A_601 = vector.bitcast %and3A_600 : vector<16xi32> to vector<16xf32>
        %mul3A_602 = arith.mulf %bitcast3A_597, %bitcast3A_116 : vector<16xf32>
        %mul3A_603 = arith.mulf %bitcast3A_601, %bitcast3A_188 : vector<16xf32>
        %add3A_604 = arith.addf %mul3A_602, %mul3A_603 : vector<16xf32>
        %add3A_605 = arith.addf %add3A_590, %add3A_604 : vector<16xf32>
        %get3A_606 = arith.index_cast %add3A_561 : i32 to index
        %get3A_607 = arith.constant 48 : index
        %get3A_608 = tpu.vector_load %arg11[%get3A_606, %get3A_607] {strides = array<i32>} : memref<208x64xi32, #tpu.memory_space<vmem>>, vector<16xi32>,
        %shift_left3A_609 = arith.constant 16 : i32
        %shift_left3A_610 = vector.broadcast %shift_left3A_609 : i32 to vector<16xi32>
        %shift_left3A_611 = arith.shli %get3A_608, %shift_left3A_610 : vector<16xi32>
        %bitcast3A_612 = vector.bitcast %shift_left3A_611 : vector<16xi32> to vector<16xf32>
        %and3A_613 = arith.constant -65536 : i32
        %and3A_614 = vector.broadcast %and3A_613 : i32 to vector<16xi32>
        %and3A_615 = arith.andi %get3A_608, %and3A_614 : vector<16xi32>
        %bitcast3A_616 = vector.bitcast %and3A_615 : vector<16xi32> to vector<16xf32>
        %mul3A_617 = arith.mulf %bitcast3A_612, %bitcast3A_134 : vector<16xf32>
        %mul3A_618 = arith.mulf %bitcast3A_616, %bitcast3A_206 : vector<16xf32>
        %add3A_619 = arith.addf %mul3A_617, %mul3A_618 : vector<16xf32>
        %add3A_620 = arith.addf %add3A_605, %add3A_619 : vector<16xf32>
        %broadcast_in_dim3A_621 = arith.constant true
        %broadcast_in_dim3A_622 = vector.broadcast %broadcast_in_dim3A_621 : i1 to vector<16xi1>
        %masked_cumsum3A_623 = tpu.scan <sum>, %add3A_620 masked %broadcast_in_dim3A_622 : vector<16xf32>, vector<16xi1> -> vector<16xf32>
        %lt3A_624 = arith.constant 0 : i32
        %lt3A_625 = vector.broadcast %lt3A_624 : i32 to vector<16xi32>
        %lt3A_626 = arith.cmpi slt, %broadcast_in_dim3A_208, %lt3A_625 : vector<16xi32>
        %add3A_627 = arith.constant 16 : i32
        %add3A_628 = vector.broadcast %add3A_627 : i32 to vector<16xi32>
        %add3A_629 = arith.addi %broadcast_in_dim3A_208, %add3A_628 : vector<16xi32>
        %select_n3A_630 = arith.select %lt3A_626, %add3A_629, %broadcast_in_dim3A_208 : vector<16xi1>, vector<16xi32>
        %broadcast_in_dim3A_631 = vector.shape_cast %select_n3A_630 : vector<16xi32> to vector<16x1xi32>
        %gather3A_632 = vector.shape_cast %broadcast_in_dim3A_631 : vector<16x1xi32> to vector<16xi32>
        %gather3A_633 = tpu.dynamic_gather %masked_cumsum3A_623[%gather3A_632] in [0] : vector<16xf32>, vector<16xi32> -> vector<16xf32>
        %eq3A_634 = arith.constant 1 : i32
        %eq3A_635 = vector.broadcast %eq3A_634 : i32 to vector<16xi32>
        %eq3A_636 = arith.cmpi eq, %iota3A_32, %eq3A_635 : vector<16xi32>
        %select_n3A_637 = arith.select %eq3A_636, %gather3A_633, %select_n3A_557 : vector<16xi1>, vector<16xf32>
        %mul3A_638 = arith.constant 16 : i32
        %mul3A_639 = arith.muli %scan3A_475, %mul3A_638 : i32
        %add3A_640 = arith.constant 2 : i32
        %add3A_641 = arith.addi %mul3A_639, %add3A_640 : i32
        %get3A_642 = arith.index_cast %add3A_641 : i32 to index
        %get3A_643 = arith.constant 0 : index
        %get3A_644 = tpu.vector_load %arg11[%get3A_642, %get3A_643] {strides = array<i32>} : memref<208x64xi32, #tpu.memory_space<vmem>>, vector<16xi32>,
        %shift_left3A_645 = arith.constant 16 : i32
        %shift_left3A_646 = vector.broadcast %shift_left3A_645 : i32 to vector<16xi32>
        %shift_left3A_647 = arith.shli %get3A_644, %shift_left3A_646 : vector<16xi32>
        %bitcast3A_648 = vector.bitcast %shift_left3A_647 : vector<16xi32> to vector<16xf32>
        %and3A_649 = arith.constant -65536 : i32
        %and3A_650 = vector.broadcast %and3A_649 : i32 to vector<16xi32>
        %and3A_651 = arith.andi %get3A_644, %and3A_650 : vector<16xi32>
        %bitcast3A_652 = vector.bitcast %and3A_651 : vector<16xi32> to vector<16xf32>
        %mul3A_653 = arith.mulf %bitcast3A_648, %bitcast3A_80 : vector<16xf32>
        %mul3A_654 = arith.mulf %bitcast3A_652, %bitcast3A_152 : vector<16xf32>
        %add3A_655 = arith.addf %mul3A_653, %mul3A_654 : vector<16xf32>
        %get3A_656 = arith.index_cast %add3A_641 : i32 to index
        %get3A_657 = arith.constant 16 : index
        %get3A_658 = tpu.vector_load %arg11[%get3A_656, %get3A_657] {strides = array<i32>} : memref<208x64xi32, #tpu.memory_space<vmem>>, vector<16xi32>,
        %shift_left3A_659 = arith.constant 16 : i32
        %shift_left3A_660 = vector.broadcast %shift_left3A_659 : i32 to vector<16xi32>
        %shift_left3A_661 = arith.shli %get3A_658, %shift_left3A_660 : vector<16xi32>
        %bitcast3A_662 = vector.bitcast %shift_left3A_661 : vector<16xi32> to vector<16xf32>
        %and3A_663 = arith.constant -65536 : i32
        %and3A_664 = vector.broadcast %and3A_663 : i32 to vector<16xi32>
        %and3A_665 = arith.andi %get3A_658, %and3A_664 : vector<16xi32>
        %bitcast3A_666 = vector.bitcast %and3A_665 : vector<16xi32> to vector<16xf32>
        %mul3A_667 = arith.mulf %bitcast3A_662, %bitcast3A_98 : vector<16xf32>
        %mul3A_668 = arith.mulf %bitcast3A_666, %bitcast3A_170 : vector<16xf32>
        %add3A_669 = arith.addf %mul3A_667, %mul3A_668 : vector<16xf32>
        %add3A_670 = arith.addf %add3A_655, %add3A_669 : vector<16xf32>
        %get3A_671 = arith.index_cast %add3A_641 : i32 to index
        %get3A_672 = arith.constant 32 : index
        %get3A_673 = tpu.vector_load %arg11[%get3A_671, %get3A_672] {strides = array<i32>} : memref<208x64xi32, #tpu.memory_space<vmem>>, vector<16xi32>,
        %shift_left3A_674 = arith.constant 16 : i32
        %shift_left3A_675 = vector.broadcast %shift_left3A_674 : i32 to vector<16xi32>
        %shift_left3A_676 = arith.shli %get3A_673, %shift_left3A_675 : vector<16xi32>
        %bitcast3A_677 = vector.bitcast %shift_left3A_676 : vector<16xi32> to vector<16xf32>
        %and3A_678 = arith.constant -65536 : i32
        %and3A_679 = vector.broadcast %and3A_678 : i32 to vector<16xi32>
        %and3A_680 = arith.andi %get3A_673, %and3A_679 : vector<16xi32>
        %bitcast3A_681 = vector.bitcast %and3A_680 : vector<16xi32> to vector<16xf32>
        %mul3A_682 = arith.mulf %bitcast3A_677, %bitcast3A_116 : vector<16xf32>
        %mul3A_683 = arith.mulf %bitcast3A_681, %bitcast3A_188 : vector<16xf32>
        %add3A_684 = arith.addf %mul3A_682, %mul3A_683 : vector<16xf32>
        %add3A_685 = arith.addf %add3A_670, %add3A_684 : vector<16xf32>
        %get3A_686 = arith.index_cast %add3A_641 : i32 to index
        %get3A_687 = arith.constant 48 : index
        %get3A_688 = tpu.vector_load %arg11[%get3A_686, %get3A_687] {strides = array<i32>} : memref<208x64xi32, #tpu.memory_space<vmem>>, vector<16xi32>,
        %shift_left3A_689 = arith.constant 16 : i32
        %shift_left3A_690 = vector.broadcast %shift_left3A_689 : i32 to vector<16xi32>
        %shift_left3A_691 = arith.shli %get3A_688, %shift_left3A_690 : vector<16xi32>
        %bitcast3A_692 = vector.bitcast %shift_left3A_691 : vector<16xi32> to vector<16xf32>
        %and3A_693 = arith.constant -65536 : i32
        %and3A_694 = vector.broadcast %and3A_693 : i32 to vector<16xi32>
        %and3A_695 = arith.andi %get3A_688, %and3A_694 : vector<16xi32>
        %bitcast3A_696 = vector.bitcast %and3A_695 : vector<16xi32> to vector<16xf32>
        %mul3A_697 = arith.mulf %bitcast3A_692, %bitcast3A_134 : vector<16xf32>
        %mul3A_698 = arith.mulf %bitcast3A_696, %bitcast3A_206 : vector<16xf32>
        %add3A_699 = arith.addf %mul3A_697, %mul3A_698 : vector<16xf32>
        %add3A_700 = arith.addf %add3A_685, %add3A_699 : vector<16xf32>
        %broadcast_in_dim3A_701 = arith.constant true
        %broadcast_in_dim3A_702 = vector.broadcast %broadcast_in_dim3A_701 : i1 to vector<16xi1>
        %masked_cumsum3A_703 = tpu.scan <sum>, %add3A_700 masked %broadcast_in_dim3A_702 : vector<16xf32>, vector<16xi1> -> vector<16xf32>
        %lt3A_704 = arith.constant 0 : i32
        %lt3A_705 = vector.broadcast %lt3A_704 : i32 to vector<16xi32>
        %lt3A_706 = arith.cmpi slt, %broadcast_in_dim3A_208, %lt3A_705 : vector<16xi32>
        %add3A_707 = arith.constant 16 : i32
        %add3A_708 = vector.broadcast %add3A_707 : i32 to vector<16xi32>
        %add3A_709 = arith.addi %broadcast_in_dim3A_208, %add3A_708 : vector<16xi32>
        %select_n3A_710 = arith.select %lt3A_706, %add3A_709, %broadcast_in_dim3A_208 : vector<16xi1>, vector<16xi32>
        %broadcast_in_dim3A_711 = vector.shape_cast %select_n3A_710 : vector<16xi32> to vector<16x1xi32>
        %gather3A_712 = vector.shape_cast %broadcast_in_dim3A_711 : vector<16x1xi32> to vector<16xi32>
        %gather3A_713 = tpu.dynamic_gather %masked_cumsum3A_703[%gather3A_712] in [0] : vector<16xf32>, vector<16xi32> -> vector<16xf32>
        %eq3A_714 = arith.constant 2 : i32
        %eq3A_715 = vector.broadcast %eq3A_714 : i32 to vector<16xi32>
        %eq3A_716 = arith.cmpi eq, %iota3A_32, %eq3A_715 : vector<16xi32>
        %select_n3A_717 = arith.select %eq3A_716, %gather3A_713, %select_n3A_637 : vector<16xi1>, vector<16xf32>
        %mul3A_718 = arith.constant 16 : i32
        %mul3A_719 = arith.muli %scan3A_475, %mul3A_718 : i32
        %add3A_720 = arith.constant 3 : i32
        %add3A_721 = arith.addi %mul3A_719, %add3A_720 : i32
        %get3A_722 = arith.index_cast %add3A_721 : i32 to index
        %get3A_723 = arith.constant 0 : index
        %get3A_724 = tpu.vector_load %arg11[%get3A_722, %get3A_723] {strides = array<i32>} : memref<208x64xi32, #tpu.memory_space<vmem>>, vector<16xi32>,
        %shift_left3A_725 = arith.constant 16 : i32
        %shift_left3A_726 = vector.broadcast %shift_left3A_725 : i32 to vector<16xi32>
        %shift_left3A_727 = arith.shli %get3A_724, %shift_left3A_726 : vector<16xi32>
        %bitcast3A_728 = vector.bitcast %shift_left3A_727 : vector<16xi32> to vector<16xf32>
        %and3A_729 = arith.constant -65536 : i32
        %and3A_730 = vector.broadcast %and3A_729 : i32 to vector<16xi32>
        %and3A_731 = arith.andi %get3A_724, %and3A_730 : vector<16xi32>
        %bitcast3A_732 = vector.bitcast %and3A_731 : vector<16xi32> to vector<16xf32>
        %mul3A_733 = arith.mulf %bitcast3A_728, %bitcast3A_80 : vector<16xf32>
        %mul3A_734 = arith.mulf %bitcast3A_732, %bitcast3A_152 : vector<16xf32>
        %add3A_735 = arith.addf %mul3A_733, %mul3A_734 : vector<16xf32>
        %get3A_736 = arith.index_cast %add3A_721 : i32 to index
        %get3A_737 = arith.constant 16 : index
        %get3A_738 = tpu.vector_load %arg11[%get3A_736, %get3A_737] {strides = array<i32>} : memref<208x64xi32, #tpu.memory_space<vmem>>, vector<16xi32>,
        %shift_left3A_739 = arith.constant 16 : i32
        %shift_left3A_740 = vector.broadcast %shift_left3A_739 : i32 to vector<16xi32>
        %shift_left3A_741 = arith.shli %get3A_738, %shift_left3A_740 : vector<16xi32>
        %bitcast3A_742 = vector.bitcast %shift_left3A_741 : vector<16xi32> to vector<16xf32>
        %and3A_743 = arith.constant -65536 : i32
        %and3A_744 = vector.broadcast %and3A_743 : i32 to vector<16xi32>
        %and3A_745 = arith.andi %get3A_738, %and3A_744 : vector<16xi32>
        %bitcast3A_746 = vector.bitcast %and3A_745 : vector<16xi32> to vector<16xf32>
        %mul3A_747 = arith.mulf %bitcast3A_742, %bitcast3A_98 : vector<16xf32>
        %mul3A_748 = arith.mulf %bitcast3A_746, %bitcast3A_170 : vector<16xf32>
        %add3A_749 = arith.addf %mul3A_747, %mul3A_748 : vector<16xf32>
        %add3A_750 = arith.addf %add3A_735, %add3A_749 : vector<16xf32>
        %get3A_751 = arith.index_cast %add3A_721 : i32 to index
        %get3A_752 = arith.constant 32 : index
        %get3A_753 = tpu.vector_load %arg11[%get3A_751, %get3A_752] {strides = array<i32>} : memref<208x64xi32, #tpu.memory_space<vmem>>, vector<16xi32>,
        %shift_left3A_754 = arith.constant 16 : i32
        %shift_left3A_755 = vector.broadcast %shift_left3A_754 : i32 to vector<16xi32>
        %shift_left3A_756 = arith.shli %get3A_753, %shift_left3A_755 : vector<16xi32>
        %bitcast3A_757 = vector.bitcast %shift_left3A_756 : vector<16xi32> to vector<16xf32>
        %and3A_758 = arith.constant -65536 : i32
        %and3A_759 = vector.broadcast %and3A_758 : i32 to vector<16xi32>
        %and3A_760 = arith.andi %get3A_753, %and3A_759 : vector<16xi32>
        %bitcast3A_761 = vector.bitcast %and3A_760 : vector<16xi32> to vector<16xf32>
        %mul3A_762 = arith.mulf %bitcast3A_757, %bitcast3A_116 : vector<16xf32>
        %mul3A_763 = arith.mulf %bitcast3A_761, %bitcast3A_188 : vector<16xf32>
        %add3A_764 = arith.addf %mul3A_762, %mul3A_763 : vector<16xf32>
        %add3A_765 = arith.addf %add3A_750, %add3A_764 : vector<16xf32>
        %get3A_766 = arith.index_cast %add3A_721 : i32 to index
        %get3A_767 = arith.constant 48 : index
        %get3A_768 = tpu.vector_load %arg11[%get3A_766, %get3A_767] {strides = array<i32>} : memref<208x64xi32, #tpu.memory_space<vmem>>, vector<16xi32>,
        %shift_left3A_769 = arith.constant 16 : i32
        %shift_left3A_770 = vector.broadcast %shift_left3A_769 : i32 to vector<16xi32>
        %shift_left3A_771 = arith.shli %get3A_768, %shift_left3A_770 : vector<16xi32>
        %bitcast3A_772 = vector.bitcast %shift_left3A_771 : vector<16xi32> to vector<16xf32>
        %and3A_773 = arith.constant -65536 : i32
        %and3A_774 = vector.broadcast %and3A_773 : i32 to vector<16xi32>
        %and3A_775 = arith.andi %get3A_768, %and3A_774 : vector<16xi32>
        %bitcast3A_776 = vector.bitcast %and3A_775 : vector<16xi32> to vector<16xf32>
        %mul3A_777 = arith.mulf %bitcast3A_772, %bitcast3A_134 : vector<16xf32>
        %mul3A_778 = arith.mulf %bitcast3A_776, %bitcast3A_206 : vector<16xf32>
        %add3A_779 = arith.addf %mul3A_777, %mul3A_778 : vector<16xf32>
        %add3A_780 = arith.addf %add3A_765, %add3A_779 : vector<16xf32>
        %broadcast_in_dim3A_781 = arith.constant true
        %broadcast_in_dim3A_782 = vector.broadcast %broadcast_in_dim3A_781 : i1 to vector<16xi1>
        %masked_cumsum3A_783 = tpu.scan <sum>, %add3A_780 masked %broadcast_in_dim3A_782 : vector<16xf32>, vector<16xi1> -> vector<16xf32>
        %lt3A_784 = arith.constant 0 : i32
        %lt3A_785 = vector.broadcast %lt3A_784 : i32 to vector<16xi32>
        %lt3A_786 = arith.cmpi slt, %broadcast_in_dim3A_208, %lt3A_785 : vector<16xi32>
        %add3A_787 = arith.constant 16 : i32
        %add3A_788 = vector.broadcast %add3A_787 : i32 to vector<16xi32>
        %add3A_789 = arith.addi %broadcast_in_dim3A_208, %add3A_788 : vector<16xi32>
        %select_n3A_790 = arith.select %lt3A_786, %add3A_789, %broadcast_in_dim3A_208 : vector<16xi1>, vector<16xi32>
        %broadcast_in_dim3A_791 = vector.shape_cast %select_n3A_790 : vector<16xi32> to vector<16x1xi32>
        %gather3A_792 = vector.shape_cast %broadcast_in_dim3A_791 : vector<16x1xi32> to vector<16xi32>
        %gather3A_793 = tpu.dynamic_gather %masked_cumsum3A_783[%gather3A_792] in [0] : vector<16xf32>, vector<16xi32> -> vector<16xf32>
        %eq3A_794 = arith.constant 3 : i32
        %eq3A_795 = vector.broadcast %eq3A_794 : i32 to vector<16xi32>
        %eq3A_796 = arith.cmpi eq, %iota3A_32, %eq3A_795 : vector<16xi32>
        %select_n3A_797 = arith.select %eq3A_796, %gather3A_793, %select_n3A_717 : vector<16xi1>, vector<16xf32>
        %mul3A_798 = arith.constant 16 : i32
        %mul3A_799 = arith.muli %scan3A_475, %mul3A_798 : i32
        %add3A_800 = arith.constant 4 : i32
        %add3A_801 = arith.addi %mul3A_799, %add3A_800 : i32
        %get3A_802 = arith.index_cast %add3A_801 : i32 to index
        %get3A_803 = arith.constant 0 : index
        %get3A_804 = tpu.vector_load %arg11[%get3A_802, %get3A_803] {strides = array<i32>} : memref<208x64xi32, #tpu.memory_space<vmem>>, vector<16xi32>,
        %shift_left3A_805 = arith.constant 16 : i32
        %shift_left3A_806 = vector.broadcast %shift_left3A_805 : i32 to vector<16xi32>
        %shift_left3A_807 = arith.shli %get3A_804, %shift_left3A_806 : vector<16xi32>
        %bitcast3A_808 = vector.bitcast %shift_left3A_807 : vector<16xi32> to vector<16xf32>
        %and3A_809 = arith.constant -65536 : i32
        %and3A_810 = vector.broadcast %and3A_809 : i32 to vector<16xi32>
        %and3A_811 = arith.andi %get3A_804, %and3A_810 : vector<16xi32>
        %bitcast3A_812 = vector.bitcast %and3A_811 : vector<16xi32> to vector<16xf32>
        %mul3A_813 = arith.mulf %bitcast3A_808, %bitcast3A_80 : vector<16xf32>
        %mul3A_814 = arith.mulf %bitcast3A_812, %bitcast3A_152 : vector<16xf32>
        %add3A_815 = arith.addf %mul3A_813, %mul3A_814 : vector<16xf32>
        %get3A_816 = arith.index_cast %add3A_801 : i32 to index
        %get3A_817 = arith.constant 16 : index
        %get3A_818 = tpu.vector_load %arg11[%get3A_816, %get3A_817] {strides = array<i32>} : memref<208x64xi32, #tpu.memory_space<vmem>>, vector<16xi32>,
        %shift_left3A_819 = arith.constant 16 : i32
        %shift_left3A_820 = vector.broadcast %shift_left3A_819 : i32 to vector<16xi32>
        %shift_left3A_821 = arith.shli %get3A_818, %shift_left3A_820 : vector<16xi32>
        %bitcast3A_822 = vector.bitcast %shift_left3A_821 : vector<16xi32> to vector<16xf32>
        %and3A_823 = arith.constant -65536 : i32
        %and3A_824 = vector.broadcast %and3A_823 : i32 to vector<16xi32>
        %and3A_825 = arith.andi %get3A_818, %and3A_824 : vector<16xi32>
        %bitcast3A_826 = vector.bitcast %and3A_825 : vector<16xi32> to vector<16xf32>
        %mul3A_827 = arith.mulf %bitcast3A_822, %bitcast3A_98 : vector<16xf32>
        %mul3A_828 = arith.mulf %bitcast3A_826, %bitcast3A_170 : vector<16xf32>
        %add3A_829 = arith.addf %mul3A_827, %mul3A_828 : vector<16xf32>
        %add3A_830 = arith.addf %add3A_815, %add3A_829 : vector<16xf32>
        %get3A_831 = arith.index_cast %add3A_801 : i32 to index
        %get3A_832 = arith.constant 32 : index
        %get3A_833 = tpu.vector_load %arg11[%get3A_831, %get3A_832] {strides = array<i32>} : memref<208x64xi32, #tpu.memory_space<vmem>>, vector<16xi32>,
        %shift_left3A_834 = arith.constant 16 : i32
        %shift_left3A_835 = vector.broadcast %shift_left3A_834 : i32 to vector<16xi32>
        %shift_left3A_836 = arith.shli %get3A_833, %shift_left3A_835 : vector<16xi32>
        %bitcast3A_837 = vector.bitcast %shift_left3A_836 : vector<16xi32> to vector<16xf32>
        %and3A_838 = arith.constant -65536 : i32
        %and3A_839 = vector.broadcast %and3A_838 : i32 to vector<16xi32>
        %and3A_840 = arith.andi %get3A_833, %and3A_839 : vector<16xi32>
        %bitcast3A_841 = vector.bitcast %and3A_840 : vector<16xi32> to vector<16xf32>
        %mul3A_842 = arith.mulf %bitcast3A_837, %bitcast3A_116 : vector<16xf32>
        %mul3A_843 = arith.mulf %bitcast3A_841, %bitcast3A_188 : vector<16xf32>
        %add3A_844 = arith.addf %mul3A_842, %mul3A_843 : vector<16xf32>
        %add3A_845 = arith.addf %add3A_830, %add3A_844 : vector<16xf32>
        %get3A_846 = arith.index_cast %add3A_801 : i32 to index
        %get3A_847 = arith.constant 48 : index
        %get3A_848 = tpu.vector_load %arg11[%get3A_846, %get3A_847] {strides = array<i32>} : memref<208x64xi32, #tpu.memory_space<vmem>>, vector<16xi32>,
        %shift_left3A_849 = arith.constant 16 : i32
        %shift_left3A_850 = vector.broadcast %shift_left3A_849 : i32 to vector<16xi32>
        %shift_left3A_851 = arith.shli %get3A_848, %shift_left3A_850 : vector<16xi32>
        %bitcast3A_852 = vector.bitcast %shift_left3A_851 : vector<16xi32> to vector<16xf32>
        %and3A_853 = arith.constant -65536 : i32
        %and3A_854 = vector.broadcast %and3A_853 : i32 to vector<16xi32>
        %and3A_855 = arith.andi %get3A_848, %and3A_854 : vector<16xi32>
        %bitcast3A_856 = vector.bitcast %and3A_855 : vector<16xi32> to vector<16xf32>
        %mul3A_857 = arith.mulf %bitcast3A_852, %bitcast3A_134 : vector<16xf32>
        %mul3A_858 = arith.mulf %bitcast3A_856, %bitcast3A_206 : vector<16xf32>
        %add3A_859 = arith.addf %mul3A_857, %mul3A_858 : vector<16xf32>
        %add3A_860 = arith.addf %add3A_845, %add3A_859 : vector<16xf32>
        %broadcast_in_dim3A_861 = arith.constant true
        %broadcast_in_dim3A_862 = vector.broadcast %broadcast_in_dim3A_861 : i1 to vector<16xi1>
        %masked_cumsum3A_863 = tpu.scan <sum>, %add3A_860 masked %broadcast_in_dim3A_862 : vector<16xf32>, vector<16xi1> -> vector<16xf32>
        %lt3A_864 = arith.constant 0 : i32
        %lt3A_865 = vector.broadcast %lt3A_864 : i32 to vector<16xi32>
        %lt3A_866 = arith.cmpi slt, %broadcast_in_dim3A_208, %lt3A_865 : vector<16xi32>
        %add3A_867 = arith.constant 16 : i32
        %add3A_868 = vector.broadcast %add3A_867 : i32 to vector<16xi32>
        %add3A_869 = arith.addi %broadcast_in_dim3A_208, %add3A_868 : vector<16xi32>
        %select_n3A_870 = arith.select %lt3A_866, %add3A_869, %broadcast_in_dim3A_208 : vector<16xi1>, vector<16xi32>
        %broadcast_in_dim3A_871 = vector.shape_cast %select_n3A_870 : vector<16xi32> to vector<16x1xi32>
        %gather3A_872 = vector.shape_cast %broadcast_in_dim3A_871 : vector<16x1xi32> to vector<16xi32>
        %gather3A_873 = tpu.dynamic_gather %masked_cumsum3A_863[%gather3A_872] in [0] : vector<16xf32>, vector<16xi32> -> vector<16xf32>
        %eq3A_874 = arith.constant 4 : i32
        %eq3A_875 = vector.broadcast %eq3A_874 : i32 to vector<16xi32>
        %eq3A_876 = arith.cmpi eq, %iota3A_32, %eq3A_875 : vector<16xi32>
        %select_n3A_877 = arith.select %eq3A_876, %gather3A_873, %select_n3A_797 : vector<16xi1>, vector<16xf32>
        %mul3A_878 = arith.constant 16 : i32
        %mul3A_879 = arith.muli %scan3A_475, %mul3A_878 : i32
        %add3A_880 = arith.constant 5 : i32
        %add3A_881 = arith.addi %mul3A_879, %add3A_880 : i32
        %get3A_882 = arith.index_cast %add3A_881 : i32 to index
        %get3A_883 = arith.constant 0 : index
        %get3A_884 = tpu.vector_load %arg11[%get3A_882, %get3A_883] {strides = array<i32>} : memref<208x64xi32, #tpu.memory_space<vmem>>, vector<16xi32>,
        %shift_left3A_885 = arith.constant 16 : i32
        %shift_left3A_886 = vector.broadcast %shift_left3A_885 : i32 to vector<16xi32>
        %shift_left3A_887 = arith.shli %get3A_884, %shift_left3A_886 : vector<16xi32>
        %bitcast3A_888 = vector.bitcast %shift_left3A_887 : vector<16xi32> to vector<16xf32>
        %and3A_889 = arith.constant -65536 : i32
        %and3A_890 = vector.broadcast %and3A_889 : i32 to vector<16xi32>
        %and3A_891 = arith.andi %get3A_884, %and3A_890 : vector<16xi32>
        %bitcast3A_892 = vector.bitcast %and3A_891 : vector<16xi32> to vector<16xf32>
        %mul3A_893 = arith.mulf %bitcast3A_888, %bitcast3A_80 : vector<16xf32>
        %mul3A_894 = arith.mulf %bitcast3A_892, %bitcast3A_152 : vector<16xf32>
        %add3A_895 = arith.addf %mul3A_893, %mul3A_894 : vector<16xf32>
        %get3A_896 = arith.index_cast %add3A_881 : i32 to index
        %get3A_897 = arith.constant 16 : index
        %get3A_898 = tpu.vector_load %arg11[%get3A_896, %get3A_897] {strides = array<i32>} : memref<208x64xi32, #tpu.memory_space<vmem>>, vector<16xi32>,
        %shift_left3A_899 = arith.constant 16 : i32
        %shift_left3A_900 = vector.broadcast %shift_left3A_899 : i32 to vector<16xi32>
        %shift_left3A_901 = arith.shli %get3A_898, %shift_left3A_900 : vector<16xi32>
        %bitcast3A_902 = vector.bitcast %shift_left3A_901 : vector<16xi32> to vector<16xf32>
        %and3A_903 = arith.constant -65536 : i32
        %and3A_904 = vector.broadcast %and3A_903 : i32 to vector<16xi32>
        %and3A_905 = arith.andi %get3A_898, %and3A_904 : vector<16xi32>
        %bitcast3A_906 = vector.bitcast %and3A_905 : vector<16xi32> to vector<16xf32>
        %mul3A_907 = arith.mulf %bitcast3A_902, %bitcast3A_98 : vector<16xf32>
        %mul3A_908 = arith.mulf %bitcast3A_906, %bitcast3A_170 : vector<16xf32>
        %add3A_909 = arith.addf %mul3A_907, %mul3A_908 : vector<16xf32>
        %add3A_910 = arith.addf %add3A_895, %add3A_909 : vector<16xf32>
        %get3A_911 = arith.index_cast %add3A_881 : i32 to index
        %get3A_912 = arith.constant 32 : index
        %get3A_913 = tpu.vector_load %arg11[%get3A_911, %get3A_912] {strides = array<i32>} : memref<208x64xi32, #tpu.memory_space<vmem>>, vector<16xi32>,
        %shift_left3A_914 = arith.constant 16 : i32
        %shift_left3A_915 = vector.broadcast %shift_left3A_914 : i32 to vector<16xi32>
        %shift_left3A_916 = arith.shli %get3A_913, %shift_left3A_915 : vector<16xi32>
        %bitcast3A_917 = vector.bitcast %shift_left3A_916 : vector<16xi32> to vector<16xf32>
        %and3A_918 = arith.constant -65536 : i32
        %and3A_919 = vector.broadcast %and3A_918 : i32 to vector<16xi32>
        %and3A_920 = arith.andi %get3A_913, %and3A_919 : vector<16xi32>
        %bitcast3A_921 = vector.bitcast %and3A_920 : vector<16xi32> to vector<16xf32>
        %mul3A_922 = arith.mulf %bitcast3A_917, %bitcast3A_116 : vector<16xf32>
        %mul3A_923 = arith.mulf %bitcast3A_921, %bitcast3A_188 : vector<16xf32>
        %add3A_924 = arith.addf %mul3A_922, %mul3A_923 : vector<16xf32>
        %add3A_925 = arith.addf %add3A_910, %add3A_924 : vector<16xf32>
        %get3A_926 = arith.index_cast %add3A_881 : i32 to index
        %get3A_927 = arith.constant 48 : index
        %get3A_928 = tpu.vector_load %arg11[%get3A_926, %get3A_927] {strides = array<i32>} : memref<208x64xi32, #tpu.memory_space<vmem>>, vector<16xi32>,
        %shift_left3A_929 = arith.constant 16 : i32
        %shift_left3A_930 = vector.broadcast %shift_left3A_929 : i32 to vector<16xi32>
        %shift_left3A_931 = arith.shli %get3A_928, %shift_left3A_930 : vector<16xi32>
        %bitcast3A_932 = vector.bitcast %shift_left3A_931 : vector<16xi32> to vector<16xf32>
        %and3A_933 = arith.constant -65536 : i32
        %and3A_934 = vector.broadcast %and3A_933 : i32 to vector<16xi32>
        %and3A_935 = arith.andi %get3A_928, %and3A_934 : vector<16xi32>
        %bitcast3A_936 = vector.bitcast %and3A_935 : vector<16xi32> to vector<16xf32>
        %mul3A_937 = arith.mulf %bitcast3A_932, %bitcast3A_134 : vector<16xf32>
        %mul3A_938 = arith.mulf %bitcast3A_936, %bitcast3A_206 : vector<16xf32>
        %add3A_939 = arith.addf %mul3A_937, %mul3A_938 : vector<16xf32>
        %add3A_940 = arith.addf %add3A_925, %add3A_939 : vector<16xf32>
        %broadcast_in_dim3A_941 = arith.constant true
        %broadcast_in_dim3A_942 = vector.broadcast %broadcast_in_dim3A_941 : i1 to vector<16xi1>
        %masked_cumsum3A_943 = tpu.scan <sum>, %add3A_940 masked %broadcast_in_dim3A_942 : vector<16xf32>, vector<16xi1> -> vector<16xf32>
        %lt3A_944 = arith.constant 0 : i32
        %lt3A_945 = vector.broadcast %lt3A_944 : i32 to vector<16xi32>
        %lt3A_946 = arith.cmpi slt, %broadcast_in_dim3A_208, %lt3A_945 : vector<16xi32>
        %add3A_947 = arith.constant 16 : i32
        %add3A_948 = vector.broadcast %add3A_947 : i32 to vector<16xi32>
        %add3A_949 = arith.addi %broadcast_in_dim3A_208, %add3A_948 : vector<16xi32>
        %select_n3A_950 = arith.select %lt3A_946, %add3A_949, %broadcast_in_dim3A_208 : vector<16xi1>, vector<16xi32>
        %broadcast_in_dim3A_951 = vector.shape_cast %select_n3A_950 : vector<16xi32> to vector<16x1xi32>
        %gather3A_952 = vector.shape_cast %broadcast_in_dim3A_951 : vector<16x1xi32> to vector<16xi32>
        %gather3A_953 = tpu.dynamic_gather %masked_cumsum3A_943[%gather3A_952] in [0] : vector<16xf32>, vector<16xi32> -> vector<16xf32>
        %eq3A_954 = arith.constant 5 : i32
        %eq3A_955 = vector.broadcast %eq3A_954 : i32 to vector<16xi32>
        %eq3A_956 = arith.cmpi eq, %iota3A_32, %eq3A_955 : vector<16xi32>
        %select_n3A_957 = arith.select %eq3A_956, %gather3A_953, %select_n3A_877 : vector<16xi1>, vector<16xf32>
        %mul3A_958 = arith.constant 16 : i32
        %mul3A_959 = arith.muli %scan3A_475, %mul3A_958 : i32
        %add3A_960 = arith.constant 6 : i32
        %add3A_961 = arith.addi %mul3A_959, %add3A_960 : i32
        %get3A_962 = arith.index_cast %add3A_961 : i32 to index
        %get3A_963 = arith.constant 0 : index
        %get3A_964 = tpu.vector_load %arg11[%get3A_962, %get3A_963] {strides = array<i32>} : memref<208x64xi32, #tpu.memory_space<vmem>>, vector<16xi32>,
        %shift_left3A_965 = arith.constant 16 : i32
        %shift_left3A_966 = vector.broadcast %shift_left3A_965 : i32 to vector<16xi32>
        %shift_left3A_967 = arith.shli %get3A_964, %shift_left3A_966 : vector<16xi32>
        %bitcast3A_968 = vector.bitcast %shift_left3A_967 : vector<16xi32> to vector<16xf32>
        %and3A_969 = arith.constant -65536 : i32
        %and3A_970 = vector.broadcast %and3A_969 : i32 to vector<16xi32>
        %and3A_971 = arith.andi %get3A_964, %and3A_970 : vector<16xi32>
        %bitcast3A_972 = vector.bitcast %and3A_971 : vector<16xi32> to vector<16xf32>
        %mul3A_973 = arith.mulf %bitcast3A_968, %bitcast3A_80 : vector<16xf32>
        %mul3A_974 = arith.mulf %bitcast3A_972, %bitcast3A_152 : vector<16xf32>
        %add3A_975 = arith.addf %mul3A_973, %mul3A_974 : vector<16xf32>
        %get3A_976 = arith.index_cast %add3A_961 : i32 to index
        %get3A_977 = arith.constant 16 : index
        %get3A_978 = tpu.vector_load %arg11[%get3A_976, %get3A_977] {strides = array<i32>} : memref<208x64xi32, #tpu.memory_space<vmem>>, vector<16xi32>,
        %shift_left3A_979 = arith.constant 16 : i32
        %shift_left3A_980 = vector.broadcast %shift_left3A_979 : i32 to vector<16xi32>
        %shift_left3A_981 = arith.shli %get3A_978, %shift_left3A_980 : vector<16xi32>
        %bitcast3A_982 = vector.bitcast %shift_left3A_981 : vector<16xi32> to vector<16xf32>
        %and3A_983 = arith.constant -65536 : i32
        %and3A_984 = vector.broadcast %and3A_983 : i32 to vector<16xi32>
        %and3A_985 = arith.andi %get3A_978, %and3A_984 : vector<16xi32>
        %bitcast3A_986 = vector.bitcast %and3A_985 : vector<16xi32> to vector<16xf32>
        %mul3A_987 = arith.mulf %bitcast3A_982, %bitcast3A_98 : vector<16xf32>
        %mul3A_988 = arith.mulf %bitcast3A_986, %bitcast3A_170 : vector<16xf32>
        %add3A_989 = arith.addf %mul3A_987, %mul3A_988 : vector<16xf32>
        %add3A_990 = arith.addf %add3A_975, %add3A_989 : vector<16xf32>
        %get3A_991 = arith.index_cast %add3A_961 : i32 to index
        %get3A_992 = arith.constant 32 : index
        %get3A_993 = tpu.vector_load %arg11[%get3A_991, %get3A_992] {strides = array<i32>} : memref<208x64xi32, #tpu.memory_space<vmem>>, vector<16xi32>,
        %shift_left3A_994 = arith.constant 16 : i32
        %shift_left3A_995 = vector.broadcast %shift_left3A_994 : i32 to vector<16xi32>
        %shift_left3A_996 = arith.shli %get3A_993, %shift_left3A_995 : vector<16xi32>
        %bitcast3A_997 = vector.bitcast %shift_left3A_996 : vector<16xi32> to vector<16xf32>
        %and3A_998 = arith.constant -65536 : i32
        %and3A_999 = vector.broadcast %and3A_998 : i32 to vector<16xi32>
        %and3A_1000 = arith.andi %get3A_993, %and3A_999 : vector<16xi32>
        %bitcast3A_1001 = vector.bitcast %and3A_1000 : vector<16xi32> to vector<16xf32>
        %mul3A_1002 = arith.mulf %bitcast3A_997, %bitcast3A_116 : vector<16xf32>
        %mul3A_1003 = arith.mulf %bitcast3A_1001, %bitcast3A_188 : vector<16xf32>
        %add3A_1004 = arith.addf %mul3A_1002, %mul3A_1003 : vector<16xf32>
        %add3A_1005 = arith.addf %add3A_990, %add3A_1004 : vector<16xf32>
        %get3A_1006 = arith.index_cast %add3A_961 : i32 to index
        %get3A_1007 = arith.constant 48 : index
        %get3A_1008 = tpu.vector_load %arg11[%get3A_1006, %get3A_1007] {strides = array<i32>} : memref<208x64xi32, #tpu.memory_space<vmem>>, vector<16xi32>,
        %shift_left3A_1009 = arith.constant 16 : i32
        %shift_left3A_1010 = vector.broadcast %shift_left3A_1009 : i32 to vector<16xi32>
        %shift_left3A_1011 = arith.shli %get3A_1008, %shift_left3A_1010 : vector<16xi32>
        %bitcast3A_1012 = vector.bitcast %shift_left3A_1011 : vector<16xi32> to vector<16xf32>
        %and3A_1013 = arith.constant -65536 : i32
        %and3A_1014 = vector.broadcast %and3A_1013 : i32 to vector<16xi32>
        %and3A_1015 = arith.andi %get3A_1008, %and3A_1014 : vector<16xi32>
        %bitcast3A_1016 = vector.bitcast %and3A_1015 : vector<16xi32> to vector<16xf32>
        %mul3A_1017 = arith.mulf %bitcast3A_1012, %bitcast3A_134 : vector<16xf32>
        %mul3A_1018 = arith.mulf %bitcast3A_1016, %bitcast3A_206 : vector<16xf32>
        %add3A_1019 = arith.addf %mul3A_1017, %mul3A_1018 : vector<16xf32>
        %add3A_1020 = arith.addf %add3A_1005, %add3A_1019 : vector<16xf32>
        %broadcast_in_dim3A_1021 = arith.constant true
        %broadcast_in_dim3A_1022 = vector.broadcast %broadcast_in_dim3A_1021 : i1 to vector<16xi1>
        %masked_cumsum3A_1023 = tpu.scan <sum>, %add3A_1020 masked %broadcast_in_dim3A_1022 : vector<16xf32>, vector<16xi1> -> vector<16xf32>
        %lt3A_1024 = arith.constant 0 : i32
        %lt3A_1025 = vector.broadcast %lt3A_1024 : i32 to vector<16xi32>
        %lt3A_1026 = arith.cmpi slt, %broadcast_in_dim3A_208, %lt3A_1025 : vector<16xi32>
        %add3A_1027 = arith.constant 16 : i32
        %add3A_1028 = vector.broadcast %add3A_1027 : i32 to vector<16xi32>
        %add3A_1029 = arith.addi %broadcast_in_dim3A_208, %add3A_1028 : vector<16xi32>
        %select_n3A_1030 = arith.select %lt3A_1026, %add3A_1029, %broadcast_in_dim3A_208 : vector<16xi1>, vector<16xi32>
        %broadcast_in_dim3A_1031 = vector.shape_cast %select_n3A_1030 : vector<16xi32> to vector<16x1xi32>
        %gather3A_1032 = vector.shape_cast %broadcast_in_dim3A_1031 : vector<16x1xi32> to vector<16xi32>
        %gather3A_1033 = tpu.dynamic_gather %masked_cumsum3A_1023[%gather3A_1032] in [0] : vector<16xf32>, vector<16xi32> -> vector<16xf32>
        %eq3A_1034 = arith.constant 6 : i32
        %eq3A_1035 = vector.broadcast %eq3A_1034 : i32 to vector<16xi32>
        %eq3A_1036 = arith.cmpi eq, %iota3A_32, %eq3A_1035 : vector<16xi32>
        %select_n3A_1037 = arith.select %eq3A_1036, %gather3A_1033, %select_n3A_957 : vector<16xi1>, vector<16xf32>
        %mul3A_1038 = arith.constant 16 : i32
        %mul3A_1039 = arith.muli %scan3A_475, %mul3A_1038 : i32
        %add3A_1040 = arith.constant 7 : i32
        %add3A_1041 = arith.addi %mul3A_1039, %add3A_1040 : i32
        %get3A_1042 = arith.index_cast %add3A_1041 : i32 to index
        %get3A_1043 = arith.constant 0 : index
        %get3A_1044 = tpu.vector_load %arg11[%get3A_1042, %get3A_1043] {strides = array<i32>} : memref<208x64xi32, #tpu.memory_space<vmem>>, vector<16xi32>,
        %shift_left3A_1045 = arith.constant 16 : i32
        %shift_left3A_1046 = vector.broadcast %shift_left3A_1045 : i32 to vector<16xi32>
        %shift_left3A_1047 = arith.shli %get3A_1044, %shift_left3A_1046 : vector<16xi32>
        %bitcast3A_1048 = vector.bitcast %shift_left3A_1047 : vector<16xi32> to vector<16xf32>
        %and3A_1049 = arith.constant -65536 : i32
        %and3A_1050 = vector.broadcast %and3A_1049 : i32 to vector<16xi32>
        %and3A_1051 = arith.andi %get3A_1044, %and3A_1050 : vector<16xi32>
        %bitcast3A_1052 = vector.bitcast %and3A_1051 : vector<16xi32> to vector<16xf32>
        %mul3A_1053 = arith.mulf %bitcast3A_1048, %bitcast3A_80 : vector<16xf32>
        %mul3A_1054 = arith.mulf %bitcast3A_1052, %bitcast3A_152 : vector<16xf32>
        %add3A_1055 = arith.addf %mul3A_1053, %mul3A_1054 : vector<16xf32>
        %get3A_1056 = arith.index_cast %add3A_1041 : i32 to index
        %get3A_1057 = arith.constant 16 : index
        %get3A_1058 = tpu.vector_load %arg11[%get3A_1056, %get3A_1057] {strides = array<i32>} : memref<208x64xi32, #tpu.memory_space<vmem>>, vector<16xi32>,
        %shift_left3A_1059 = arith.constant 16 : i32
        %shift_left3A_1060 = vector.broadcast %shift_left3A_1059 : i32 to vector<16xi32>
        %shift_left3A_1061 = arith.shli %get3A_1058, %shift_left3A_1060 : vector<16xi32>
        %bitcast3A_1062 = vector.bitcast %shift_left3A_1061 : vector<16xi32> to vector<16xf32>
        %and3A_1063 = arith.constant -65536 : i32
        %and3A_1064 = vector.broadcast %and3A_1063 : i32 to vector<16xi32>
        %and3A_1065 = arith.andi %get3A_1058, %and3A_1064 : vector<16xi32>
        %bitcast3A_1066 = vector.bitcast %and3A_1065 : vector<16xi32> to vector<16xf32>
        %mul3A_1067 = arith.mulf %bitcast3A_1062, %bitcast3A_98 : vector<16xf32>
        %mul3A_1068 = arith.mulf %bitcast3A_1066, %bitcast3A_170 : vector<16xf32>
        %add3A_1069 = arith.addf %mul3A_1067, %mul3A_1068 : vector<16xf32>
        %add3A_1070 = arith.addf %add3A_1055, %add3A_1069 : vector<16xf32>
        %get3A_1071 = arith.index_cast %add3A_1041 : i32 to index
        %get3A_1072 = arith.constant 32 : index
        %get3A_1073 = tpu.vector_load %arg11[%get3A_1071, %get3A_1072] {strides = array<i32>} : memref<208x64xi32, #tpu.memory_space<vmem>>, vector<16xi32>,
        %shift_left3A_1074 = arith.constant 16 : i32
        %shift_left3A_1075 = vector.broadcast %shift_left3A_1074 : i32 to vector<16xi32>
        %shift_left3A_1076 = arith.shli %get3A_1073, %shift_left3A_1075 : vector<16xi32>
        %bitcast3A_1077 = vector.bitcast %shift_left3A_1076 : vector<16xi32> to vector<16xf32>
        %and3A_1078 = arith.constant -65536 : i32
        %and3A_1079 = vector.broadcast %and3A_1078 : i32 to vector<16xi32>
        %and3A_1080 = arith.andi %get3A_1073, %and3A_1079 : vector<16xi32>
        %bitcast3A_1081 = vector.bitcast %and3A_1080 : vector<16xi32> to vector<16xf32>
        %mul3A_1082 = arith.mulf %bitcast3A_1077, %bitcast3A_116 : vector<16xf32>
        %mul3A_1083 = arith.mulf %bitcast3A_1081, %bitcast3A_188 : vector<16xf32>
        %add3A_1084 = arith.addf %mul3A_1082, %mul3A_1083 : vector<16xf32>
        %add3A_1085 = arith.addf %add3A_1070, %add3A_1084 : vector<16xf32>
        %get3A_1086 = arith.index_cast %add3A_1041 : i32 to index
        %get3A_1087 = arith.constant 48 : index
        %get3A_1088 = tpu.vector_load %arg11[%get3A_1086, %get3A_1087] {strides = array<i32>} : memref<208x64xi32, #tpu.memory_space<vmem>>, vector<16xi32>,
        %shift_left3A_1089 = arith.constant 16 : i32
        %shift_left3A_1090 = vector.broadcast %shift_left3A_1089 : i32 to vector<16xi32>
        %shift_left3A_1091 = arith.shli %get3A_1088, %shift_left3A_1090 : vector<16xi32>
        %bitcast3A_1092 = vector.bitcast %shift_left3A_1091 : vector<16xi32> to vector<16xf32>
        %and3A_1093 = arith.constant -65536 : i32
        %and3A_1094 = vector.broadcast %and3A_1093 : i32 to vector<16xi32>
        %and3A_1095 = arith.andi %get3A_1088, %and3A_1094 : vector<16xi32>
        %bitcast3A_1096 = vector.bitcast %and3A_1095 : vector<16xi32> to vector<16xf32>
        %mul3A_1097 = arith.mulf %bitcast3A_1092, %bitcast3A_134 : vector<16xf32>
        %mul3A_1098 = arith.mulf %bitcast3A_1096, %bitcast3A_206 : vector<16xf32>
        %add3A_1099 = arith.addf %mul3A_1097, %mul3A_1098 : vector<16xf32>
        %add3A_1100 = arith.addf %add3A_1085, %add3A_1099 : vector<16xf32>
        %broadcast_in_dim3A_1101 = arith.constant true
        %broadcast_in_dim3A_1102 = vector.broadcast %broadcast_in_dim3A_1101 : i1 to vector<16xi1>
        %masked_cumsum3A_1103 = tpu.scan <sum>, %add3A_1100 masked %broadcast_in_dim3A_1102 : vector<16xf32>, vector<16xi1> -> vector<16xf32>
        %lt3A_1104 = arith.constant 0 : i32
        %lt3A_1105 = vector.broadcast %lt3A_1104 : i32 to vector<16xi32>
        %lt3A_1106 = arith.cmpi slt, %broadcast_in_dim3A_208, %lt3A_1105 : vector<16xi32>
        %add3A_1107 = arith.constant 16 : i32
        %add3A_1108 = vector.broadcast %add3A_1107 : i32 to vector<16xi32>
        %add3A_1109 = arith.addi %broadcast_in_dim3A_208, %add3A_1108 : vector<16xi32>
        %select_n3A_1110 = arith.select %lt3A_1106, %add3A_1109, %broadcast_in_dim3A_208 : vector<16xi1>, vector<16xi32>
        %broadcast_in_dim3A_1111 = vector.shape_cast %select_n3A_1110 : vector<16xi32> to vector<16x1xi32>
        %gather3A_1112 = vector.shape_cast %broadcast_in_dim3A_1111 : vector<16x1xi32> to vector<16xi32>
        %gather3A_1113 = tpu.dynamic_gather %masked_cumsum3A_1103[%gather3A_1112] in [0] : vector<16xf32>, vector<16xi32> -> vector<16xf32>
        %eq3A_1114 = arith.constant 7 : i32
        %eq3A_1115 = vector.broadcast %eq3A_1114 : i32 to vector<16xi32>
        %eq3A_1116 = arith.cmpi eq, %iota3A_32, %eq3A_1115 : vector<16xi32>
        %select_n3A_1117 = arith.select %eq3A_1116, %gather3A_1113, %select_n3A_1037 : vector<16xi1>, vector<16xf32>
        %mul3A_1118 = arith.constant 16 : i32
        %mul3A_1119 = arith.muli %scan3A_475, %mul3A_1118 : i32
        %add3A_1120 = arith.constant 8 : i32
        %add3A_1121 = arith.addi %mul3A_1119, %add3A_1120 : i32
        %get3A_1122 = arith.index_cast %add3A_1121 : i32 to index
        %get3A_1123 = arith.constant 0 : index
        %get3A_1124 = tpu.vector_load %arg11[%get3A_1122, %get3A_1123] {strides = array<i32>} : memref<208x64xi32, #tpu.memory_space<vmem>>, vector<16xi32>,
        %shift_left3A_1125 = arith.constant 16 : i32
        %shift_left3A_1126 = vector.broadcast %shift_left3A_1125 : i32 to vector<16xi32>
        %shift_left3A_1127 = arith.shli %get3A_1124, %shift_left3A_1126 : vector<16xi32>
        %bitcast3A_1128 = vector.bitcast %shift_left3A_1127 : vector<16xi32> to vector<16xf32>
        %and3A_1129 = arith.constant -65536 : i32
        %and3A_1130 = vector.broadcast %and3A_1129 : i32 to vector<16xi32>
        %and3A_1131 = arith.andi %get3A_1124, %and3A_1130 : vector<16xi32>
        %bitcast3A_1132 = vector.bitcast %and3A_1131 : vector<16xi32> to vector<16xf32>
        %mul3A_1133 = arith.mulf %bitcast3A_1128, %bitcast3A_80 : vector<16xf32>
        %mul3A_1134 = arith.mulf %bitcast3A_1132, %bitcast3A_152 : vector<16xf32>
        %add3A_1135 = arith.addf %mul3A_1133, %mul3A_1134 : vector<16xf32>
        %get3A_1136 = arith.index_cast %add3A_1121 : i32 to index
        %get3A_1137 = arith.constant 16 : index
        %get3A_1138 = tpu.vector_load %arg11[%get3A_1136, %get3A_1137] {strides = array<i32>} : memref<208x64xi32, #tpu.memory_space<vmem>>, vector<16xi32>,
        %shift_left3A_1139 = arith.constant 16 : i32
        %shift_left3A_1140 = vector.broadcast %shift_left3A_1139 : i32 to vector<16xi32>
        %shift_left3A_1141 = arith.shli %get3A_1138, %shift_left3A_1140 : vector<16xi32>
        %bitcast3A_1142 = vector.bitcast %shift_left3A_1141 : vector<16xi32> to vector<16xf32>
        %and3A_1143 = arith.constant -65536 : i32
        %and3A_1144 = vector.broadcast %and3A_1143 : i32 to vector<16xi32>
        %and3A_1145 = arith.andi %get3A_1138, %and3A_1144 : vector<16xi32>
        %bitcast3A_1146 = vector.bitcast %and3A_1145 : vector<16xi32> to vector<16xf32>
        %mul3A_1147 = arith.mulf %bitcast3A_1142, %bitcast3A_98 : vector<16xf32>
        %mul3A_1148 = arith.mulf %bitcast3A_1146, %bitcast3A_170 : vector<16xf32>
        %add3A_1149 = arith.addf %mul3A_1147, %mul3A_1148 : vector<16xf32>
        %add3A_1150 = arith.addf %add3A_1135, %add3A_1149 : vector<16xf32>
        %get3A_1151 = arith.index_cast %add3A_1121 : i32 to index
        %get3A_1152 = arith.constant 32 : index
        %get3A_1153 = tpu.vector_load %arg11[%get3A_1151, %get3A_1152] {strides = array<i32>} : memref<208x64xi32, #tpu.memory_space<vmem>>, vector<16xi32>,
        %shift_left3A_1154 = arith.constant 16 : i32
        %shift_left3A_1155 = vector.broadcast %shift_left3A_1154 : i32 to vector<16xi32>
        %shift_left3A_1156 = arith.shli %get3A_1153, %shift_left3A_1155 : vector<16xi32>
        %bitcast3A_1157 = vector.bitcast %shift_left3A_1156 : vector<16xi32> to vector<16xf32>
        %and3A_1158 = arith.constant -65536 : i32
        %and3A_1159 = vector.broadcast %and3A_1158 : i32 to vector<16xi32>
        %and3A_1160 = arith.andi %get3A_1153, %and3A_1159 : vector<16xi32>
        %bitcast3A_1161 = vector.bitcast %and3A_1160 : vector<16xi32> to vector<16xf32>
        %mul3A_1162 = arith.mulf %bitcast3A_1157, %bitcast3A_116 : vector<16xf32>
        %mul3A_1163 = arith.mulf %bitcast3A_1161, %bitcast3A_188 : vector<16xf32>
        %add3A_1164 = arith.addf %mul3A_1162, %mul3A_1163 : vector<16xf32>
        %add3A_1165 = arith.addf %add3A_1150, %add3A_1164 : vector<16xf32>
        %get3A_1166 = arith.index_cast %add3A_1121 : i32 to index
        %get3A_1167 = arith.constant 48 : index
        %get3A_1168 = tpu.vector_load %arg11[%get3A_1166, %get3A_1167] {strides = array<i32>} : memref<208x64xi32, #tpu.memory_space<vmem>>, vector<16xi32>,
        %shift_left3A_1169 = arith.constant 16 : i32
        %shift_left3A_1170 = vector.broadcast %shift_left3A_1169 : i32 to vector<16xi32>
        %shift_left3A_1171 = arith.shli %get3A_1168, %shift_left3A_1170 : vector<16xi32>
        %bitcast3A_1172 = vector.bitcast %shift_left3A_1171 : vector<16xi32> to vector<16xf32>
        %and3A_1173 = arith.constant -65536 : i32
        %and3A_1174 = vector.broadcast %and3A_1173 : i32 to vector<16xi32>
        %and3A_1175 = arith.andi %get3A_1168, %and3A_1174 : vector<16xi32>
        %bitcast3A_1176 = vector.bitcast %and3A_1175 : vector<16xi32> to vector<16xf32>
        %mul3A_1177 = arith.mulf %bitcast3A_1172, %bitcast3A_134 : vector<16xf32>
        %mul3A_1178 = arith.mulf %bitcast3A_1176, %bitcast3A_206 : vector<16xf32>
        %add3A_1179 = arith.addf %mul3A_1177, %mul3A_1178 : vector<16xf32>
        %add3A_1180 = arith.addf %add3A_1165, %add3A_1179 : vector<16xf32>
        %broadcast_in_dim3A_1181 = arith.constant true
        %broadcast_in_dim3A_1182 = vector.broadcast %broadcast_in_dim3A_1181 : i1 to vector<16xi1>
        %masked_cumsum3A_1183 = tpu.scan <sum>, %add3A_1180 masked %broadcast_in_dim3A_1182 : vector<16xf32>, vector<16xi1> -> vector<16xf32>
        %lt3A_1184 = arith.constant 0 : i32
        %lt3A_1185 = vector.broadcast %lt3A_1184 : i32 to vector<16xi32>
        %lt3A_1186 = arith.cmpi slt, %broadcast_in_dim3A_208, %lt3A_1185 : vector<16xi32>
        %add3A_1187 = arith.constant 16 : i32
        %add3A_1188 = vector.broadcast %add3A_1187 : i32 to vector<16xi32>
        %add3A_1189 = arith.addi %broadcast_in_dim3A_208, %add3A_1188 : vector<16xi32>
        %select_n3A_1190 = arith.select %lt3A_1186, %add3A_1189, %broadcast_in_dim3A_208 : vector<16xi1>, vector<16xi32>
        %broadcast_in_dim3A_1191 = vector.shape_cast %select_n3A_1190 : vector<16xi32> to vector<16x1xi32>
        %gather3A_1192 = vector.shape_cast %broadcast_in_dim3A_1191 : vector<16x1xi32> to vector<16xi32>
        %gather3A_1193 = tpu.dynamic_gather %masked_cumsum3A_1183[%gather3A_1192] in [0] : vector<16xf32>, vector<16xi32> -> vector<16xf32>
        %eq3A_1194 = arith.constant 8 : i32
        %eq3A_1195 = vector.broadcast %eq3A_1194 : i32 to vector<16xi32>
        %eq3A_1196 = arith.cmpi eq, %iota3A_32, %eq3A_1195 : vector<16xi32>
        %select_n3A_1197 = arith.select %eq3A_1196, %gather3A_1193, %select_n3A_1117 : vector<16xi1>, vector<16xf32>
        %mul3A_1198 = arith.constant 16 : i32
        %mul3A_1199 = arith.muli %scan3A_475, %mul3A_1198 : i32
        %add3A_1200 = arith.constant 9 : i32
        %add3A_1201 = arith.addi %mul3A_1199, %add3A_1200 : i32
        %get3A_1202 = arith.index_cast %add3A_1201 : i32 to index
        %get3A_1203 = arith.constant 0 : index
        %get3A_1204 = tpu.vector_load %arg11[%get3A_1202, %get3A_1203] {strides = array<i32>} : memref<208x64xi32, #tpu.memory_space<vmem>>, vector<16xi32>,
        %shift_left3A_1205 = arith.constant 16 : i32
        %shift_left3A_1206 = vector.broadcast %shift_left3A_1205 : i32 to vector<16xi32>
        %shift_left3A_1207 = arith.shli %get3A_1204, %shift_left3A_1206 : vector<16xi32>
        %bitcast3A_1208 = vector.bitcast %shift_left3A_1207 : vector<16xi32> to vector<16xf32>
        %and3A_1209 = arith.constant -65536 : i32
        %and3A_1210 = vector.broadcast %and3A_1209 : i32 to vector<16xi32>
        %and3A_1211 = arith.andi %get3A_1204, %and3A_1210 : vector<16xi32>
        %bitcast3A_1212 = vector.bitcast %and3A_1211 : vector<16xi32> to vector<16xf32>
        %mul3A_1213 = arith.mulf %bitcast3A_1208, %bitcast3A_80 : vector<16xf32>
        %mul3A_1214 = arith.mulf %bitcast3A_1212, %bitcast3A_152 : vector<16xf32>
        %add3A_1215 = arith.addf %mul3A_1213, %mul3A_1214 : vector<16xf32>
        %get3A_1216 = arith.index_cast %add3A_1201 : i32 to index
        %get3A_1217 = arith.constant 16 : index
        %get3A_1218 = tpu.vector_load %arg11[%get3A_1216, %get3A_1217] {strides = array<i32>} : memref<208x64xi32, #tpu.memory_space<vmem>>, vector<16xi32>,
        %shift_left3A_1219 = arith.constant 16 : i32
        %shift_left3A_1220 = vector.broadcast %shift_left3A_1219 : i32 to vector<16xi32>
        %shift_left3A_1221 = arith.shli %get3A_1218, %shift_left3A_1220 : vector<16xi32>
        %bitcast3A_1222 = vector.bitcast %shift_left3A_1221 : vector<16xi32> to vector<16xf32>
        %and3A_1223 = arith.constant -65536 : i32
        %and3A_1224 = vector.broadcast %and3A_1223 : i32 to vector<16xi32>
        %and3A_1225 = arith.andi %get3A_1218, %and3A_1224 : vector<16xi32>
        %bitcast3A_1226 = vector.bitcast %and3A_1225 : vector<16xi32> to vector<16xf32>
        %mul3A_1227 = arith.mulf %bitcast3A_1222, %bitcast3A_98 : vector<16xf32>
        %mul3A_1228 = arith.mulf %bitcast3A_1226, %bitcast3A_170 : vector<16xf32>
        %add3A_1229 = arith.addf %mul3A_1227, %mul3A_1228 : vector<16xf32>
        %add3A_1230 = arith.addf %add3A_1215, %add3A_1229 : vector<16xf32>
        %get3A_1231 = arith.index_cast %add3A_1201 : i32 to index
        %get3A_1232 = arith.constant 32 : index
        %get3A_1233 = tpu.vector_load %arg11[%get3A_1231, %get3A_1232] {strides = array<i32>} : memref<208x64xi32, #tpu.memory_space<vmem>>, vector<16xi32>,
        %shift_left3A_1234 = arith.constant 16 : i32
        %shift_left3A_1235 = vector.broadcast %shift_left3A_1234 : i32 to vector<16xi32>
        %shift_left3A_1236 = arith.shli %get3A_1233, %shift_left3A_1235 : vector<16xi32>
        %bitcast3A_1237 = vector.bitcast %shift_left3A_1236 : vector<16xi32> to vector<16xf32>
        %and3A_1238 = arith.constant -65536 : i32
        %and3A_1239 = vector.broadcast %and3A_1238 : i32 to vector<16xi32>
        %and3A_1240 = arith.andi %get3A_1233, %and3A_1239 : vector<16xi32>
        %bitcast3A_1241 = vector.bitcast %and3A_1240 : vector<16xi32> to vector<16xf32>
        %mul3A_1242 = arith.mulf %bitcast3A_1237, %bitcast3A_116 : vector<16xf32>
        %mul3A_1243 = arith.mulf %bitcast3A_1241, %bitcast3A_188 : vector<16xf32>
        %add3A_1244 = arith.addf %mul3A_1242, %mul3A_1243 : vector<16xf32>
        %add3A_1245 = arith.addf %add3A_1230, %add3A_1244 : vector<16xf32>
        %get3A_1246 = arith.index_cast %add3A_1201 : i32 to index
        %get3A_1247 = arith.constant 48 : index
        %get3A_1248 = tpu.vector_load %arg11[%get3A_1246, %get3A_1247] {strides = array<i32>} : memref<208x64xi32, #tpu.memory_space<vmem>>, vector<16xi32>,
        %shift_left3A_1249 = arith.constant 16 : i32
        %shift_left3A_1250 = vector.broadcast %shift_left3A_1249 : i32 to vector<16xi32>
        %shift_left3A_1251 = arith.shli %get3A_1248, %shift_left3A_1250 : vector<16xi32>
        %bitcast3A_1252 = vector.bitcast %shift_left3A_1251 : vector<16xi32> to vector<16xf32>
        %and3A_1253 = arith.constant -65536 : i32
        %and3A_1254 = vector.broadcast %and3A_1253 : i32 to vector<16xi32>
        %and3A_1255 = arith.andi %get3A_1248, %and3A_1254 : vector<16xi32>
        %bitcast3A_1256 = vector.bitcast %and3A_1255 : vector<16xi32> to vector<16xf32>
        %mul3A_1257 = arith.mulf %bitcast3A_1252, %bitcast3A_134 : vector<16xf32>
        %mul3A_1258 = arith.mulf %bitcast3A_1256, %bitcast3A_206 : vector<16xf32>
        %add3A_1259 = arith.addf %mul3A_1257, %mul3A_1258 : vector<16xf32>
        %add3A_1260 = arith.addf %add3A_1245, %add3A_1259 : vector<16xf32>
        %broadcast_in_dim3A_1261 = arith.constant true
        %broadcast_in_dim3A_1262 = vector.broadcast %broadcast_in_dim3A_1261 : i1 to vector<16xi1>
        %masked_cumsum3A_1263 = tpu.scan <sum>, %add3A_1260 masked %broadcast_in_dim3A_1262 : vector<16xf32>, vector<16xi1> -> vector<16xf32>
        %lt3A_1264 = arith.constant 0 : i32
        %lt3A_1265 = vector.broadcast %lt3A_1264 : i32 to vector<16xi32>
        %lt3A_1266 = arith.cmpi slt, %broadcast_in_dim3A_208, %lt3A_1265 : vector<16xi32>
        %add3A_1267 = arith.constant 16 : i32
        %add3A_1268 = vector.broadcast %add3A_1267 : i32 to vector<16xi32>
        %add3A_1269 = arith.addi %broadcast_in_dim3A_208, %add3A_1268 : vector<16xi32>
        %select_n3A_1270 = arith.select %lt3A_1266, %add3A_1269, %broadcast_in_dim3A_208 : vector<16xi1>, vector<16xi32>
        %broadcast_in_dim3A_1271 = vector.shape_cast %select_n3A_1270 : vector<16xi32> to vector<16x1xi32>
        %gather3A_1272 = vector.shape_cast %broadcast_in_dim3A_1271 : vector<16x1xi32> to vector<16xi32>
        %gather3A_1273 = tpu.dynamic_gather %masked_cumsum3A_1263[%gather3A_1272] in [0] : vector<16xf32>, vector<16xi32> -> vector<16xf32>
        %eq3A_1274 = arith.constant 9 : i32
        %eq3A_1275 = vector.broadcast %eq3A_1274 : i32 to vector<16xi32>
        %eq3A_1276 = arith.cmpi eq, %iota3A_32, %eq3A_1275 : vector<16xi32>
        %select_n3A_1277 = arith.select %eq3A_1276, %gather3A_1273, %select_n3A_1197 : vector<16xi1>, vector<16xf32>
        %mul3A_1278 = arith.constant 16 : i32
        %mul3A_1279 = arith.muli %scan3A_475, %mul3A_1278 : i32
        %add3A_1280 = arith.constant 10 : i32
        %add3A_1281 = arith.addi %mul3A_1279, %add3A_1280 : i32
        %get3A_1282 = arith.index_cast %add3A_1281 : i32 to index
        %get3A_1283 = arith.constant 0 : index
        %get3A_1284 = tpu.vector_load %arg11[%get3A_1282, %get3A_1283] {strides = array<i32>} : memref<208x64xi32, #tpu.memory_space<vmem>>, vector<16xi32>,
        %shift_left3A_1285 = arith.constant 16 : i32
        %shift_left3A_1286 = vector.broadcast %shift_left3A_1285 : i32 to vector<16xi32>
        %shift_left3A_1287 = arith.shli %get3A_1284, %shift_left3A_1286 : vector<16xi32>
        %bitcast3A_1288 = vector.bitcast %shift_left3A_1287 : vector<16xi32> to vector<16xf32>
        %and3A_1289 = arith.constant -65536 : i32
        %and3A_1290 = vector.broadcast %and3A_1289 : i32 to vector<16xi32>
        %and3A_1291 = arith.andi %get3A_1284, %and3A_1290 : vector<16xi32>
        %bitcast3A_1292 = vector.bitcast %and3A_1291 : vector<16xi32> to vector<16xf32>
        %mul3A_1293 = arith.mulf %bitcast3A_1288, %bitcast3A_80 : vector<16xf32>
        %mul3A_1294 = arith.mulf %bitcast3A_1292, %bitcast3A_152 : vector<16xf32>
        %add3A_1295 = arith.addf %mul3A_1293, %mul3A_1294 : vector<16xf32>
        %get3A_1296 = arith.index_cast %add3A_1281 : i32 to index
        %get3A_1297 = arith.constant 16 : index
        %get3A_1298 = tpu.vector_load %arg11[%get3A_1296, %get3A_1297] {strides = array<i32>} : memref<208x64xi32, #tpu.memory_space<vmem>>, vector<16xi32>,
        %shift_left3A_1299 = arith.constant 16 : i32
        %shift_left3A_1300 = vector.broadcast %shift_left3A_1299 : i32 to vector<16xi32>
        %shift_left3A_1301 = arith.shli %get3A_1298, %shift_left3A_1300 : vector<16xi32>
        %bitcast3A_1302 = vector.bitcast %shift_left3A_1301 : vector<16xi32> to vector<16xf32>
        %and3A_1303 = arith.constant -65536 : i32
        %and3A_1304 = vector.broadcast %and3A_1303 : i32 to vector<16xi32>
        %and3A_1305 = arith.andi %get3A_1298, %and3A_1304 : vector<16xi32>
        %bitcast3A_1306 = vector.bitcast %and3A_1305 : vector<16xi32> to vector<16xf32>
        %mul3A_1307 = arith.mulf %bitcast3A_1302, %bitcast3A_98 : vector<16xf32>
        %mul3A_1308 = arith.mulf %bitcast3A_1306, %bitcast3A_170 : vector<16xf32>
        %add3A_1309 = arith.addf %mul3A_1307, %mul3A_1308 : vector<16xf32>
        %add3A_1310 = arith.addf %add3A_1295, %add3A_1309 : vector<16xf32>
        %get3A_1311 = arith.index_cast %add3A_1281 : i32 to index
        %get3A_1312 = arith.constant 32 : index
        %get3A_1313 = tpu.vector_load %arg11[%get3A_1311, %get3A_1312] {strides = array<i32>} : memref<208x64xi32, #tpu.memory_space<vmem>>, vector<16xi32>,
        %shift_left3A_1314 = arith.constant 16 : i32
        %shift_left3A_1315 = vector.broadcast %shift_left3A_1314 : i32 to vector<16xi32>
        %shift_left3A_1316 = arith.shli %get3A_1313, %shift_left3A_1315 : vector<16xi32>
        %bitcast3A_1317 = vector.bitcast %shift_left3A_1316 : vector<16xi32> to vector<16xf32>
        %and3A_1318 = arith.constant -65536 : i32
        %and3A_1319 = vector.broadcast %and3A_1318 : i32 to vector<16xi32>
        %and3A_1320 = arith.andi %get3A_1313, %and3A_1319 : vector<16xi32>
        %bitcast3A_1321 = vector.bitcast %and3A_1320 : vector<16xi32> to vector<16xf32>
        %mul3A_1322 = arith.mulf %bitcast3A_1317, %bitcast3A_116 : vector<16xf32>
        %mul3A_1323 = arith.mulf %bitcast3A_1321, %bitcast3A_188 : vector<16xf32>
        %add3A_1324 = arith.addf %mul3A_1322, %mul3A_1323 : vector<16xf32>
        %add3A_1325 = arith.addf %add3A_1310, %add3A_1324 : vector<16xf32>
        %get3A_1326 = arith.index_cast %add3A_1281 : i32 to index
        %get3A_1327 = arith.constant 48 : index
        %get3A_1328 = tpu.vector_load %arg11[%get3A_1326, %get3A_1327] {strides = array<i32>} : memref<208x64xi32, #tpu.memory_space<vmem>>, vector<16xi32>,
        %shift_left3A_1329 = arith.constant 16 : i32
        %shift_left3A_1330 = vector.broadcast %shift_left3A_1329 : i32 to vector<16xi32>
        %shift_left3A_1331 = arith.shli %get3A_1328, %shift_left3A_1330 : vector<16xi32>
        %bitcast3A_1332 = vector.bitcast %shift_left3A_1331 : vector<16xi32> to vector<16xf32>
        %and3A_1333 = arith.constant -65536 : i32
        %and3A_1334 = vector.broadcast %and3A_1333 : i32 to vector<16xi32>
        %and3A_1335 = arith.andi %get3A_1328, %and3A_1334 : vector<16xi32>
        %bitcast3A_1336 = vector.bitcast %and3A_1335 : vector<16xi32> to vector<16xf32>
        %mul3A_1337 = arith.mulf %bitcast3A_1332, %bitcast3A_134 : vector<16xf32>
        %mul3A_1338 = arith.mulf %bitcast3A_1336, %bitcast3A_206 : vector<16xf32>
        %add3A_1339 = arith.addf %mul3A_1337, %mul3A_1338 : vector<16xf32>
        %add3A_1340 = arith.addf %add3A_1325, %add3A_1339 : vector<16xf32>
        %broadcast_in_dim3A_1341 = arith.constant true
        %broadcast_in_dim3A_1342 = vector.broadcast %broadcast_in_dim3A_1341 : i1 to vector<16xi1>
        %masked_cumsum3A_1343 = tpu.scan <sum>, %add3A_1340 masked %broadcast_in_dim3A_1342 : vector<16xf32>, vector<16xi1> -> vector<16xf32>
        %lt3A_1344 = arith.constant 0 : i32
        %lt3A_1345 = vector.broadcast %lt3A_1344 : i32 to vector<16xi32>
        %lt3A_1346 = arith.cmpi slt, %broadcast_in_dim3A_208, %lt3A_1345 : vector<16xi32>
        %add3A_1347 = arith.constant 16 : i32
        %add3A_1348 = vector.broadcast %add3A_1347 : i32 to vector<16xi32>
        %add3A_1349 = arith.addi %broadcast_in_dim3A_208, %add3A_1348 : vector<16xi32>
        %select_n3A_1350 = arith.select %lt3A_1346, %add3A_1349, %broadcast_in_dim3A_208 : vector<16xi1>, vector<16xi32>
        %broadcast_in_dim3A_1351 = vector.shape_cast %select_n3A_1350 : vector<16xi32> to vector<16x1xi32>
        %gather3A_1352 = vector.shape_cast %broadcast_in_dim3A_1351 : vector<16x1xi32> to vector<16xi32>
        %gather3A_1353 = tpu.dynamic_gather %masked_cumsum3A_1343[%gather3A_1352] in [0] : vector<16xf32>, vector<16xi32> -> vector<16xf32>
        %eq3A_1354 = arith.constant 10 : i32
        %eq3A_1355 = vector.broadcast %eq3A_1354 : i32 to vector<16xi32>
        %eq3A_1356 = arith.cmpi eq, %iota3A_32, %eq3A_1355 : vector<16xi32>
        %select_n3A_1357 = arith.select %eq3A_1356, %gather3A_1353, %select_n3A_1277 : vector<16xi1>, vector<16xf32>
        %mul3A_1358 = arith.constant 16 : i32
        %mul3A_1359 = arith.muli %scan3A_475, %mul3A_1358 : i32
        %add3A_1360 = arith.constant 11 : i32
        %add3A_1361 = arith.addi %mul3A_1359, %add3A_1360 : i32
        %get3A_1362 = arith.index_cast %add3A_1361 : i32 to index
        %get3A_1363 = arith.constant 0 : index
        %get3A_1364 = tpu.vector_load %arg11[%get3A_1362, %get3A_1363] {strides = array<i32>} : memref<208x64xi32, #tpu.memory_space<vmem>>, vector<16xi32>,
        %shift_left3A_1365 = arith.constant 16 : i32
        %shift_left3A_1366 = vector.broadcast %shift_left3A_1365 : i32 to vector<16xi32>
        %shift_left3A_1367 = arith.shli %get3A_1364, %shift_left3A_1366 : vector<16xi32>
        %bitcast3A_1368 = vector.bitcast %shift_left3A_1367 : vector<16xi32> to vector<16xf32>
        %and3A_1369 = arith.constant -65536 : i32
        %and3A_1370 = vector.broadcast %and3A_1369 : i32 to vector<16xi32>
        %and3A_1371 = arith.andi %get3A_1364, %and3A_1370 : vector<16xi32>
        %bitcast3A_1372 = vector.bitcast %and3A_1371 : vector<16xi32> to vector<16xf32>
        %mul3A_1373 = arith.mulf %bitcast3A_1368, %bitcast3A_80 : vector<16xf32>
        %mul3A_1374 = arith.mulf %bitcast3A_1372, %bitcast3A_152 : vector<16xf32>
        %add3A_1375 = arith.addf %mul3A_1373, %mul3A_1374 : vector<16xf32>
        %get3A_1376 = arith.index_cast %add3A_1361 : i32 to index
        %get3A_1377 = arith.constant 16 : index
        %get3A_1378 = tpu.vector_load %arg11[%get3A_1376, %get3A_1377] {strides = array<i32>} : memref<208x64xi32, #tpu.memory_space<vmem>>, vector<16xi32>,
        %shift_left3A_1379 = arith.constant 16 : i32
        %shift_left3A_1380 = vector.broadcast %shift_left3A_1379 : i32 to vector<16xi32>
        %shift_left3A_1381 = arith.shli %get3A_1378, %shift_left3A_1380 : vector<16xi32>
        %bitcast3A_1382 = vector.bitcast %shift_left3A_1381 : vector<16xi32> to vector<16xf32>
        %and3A_1383 = arith.constant -65536 : i32
        %and3A_1384 = vector.broadcast %and3A_1383 : i32 to vector<16xi32>
        %and3A_1385 = arith.andi %get3A_1378, %and3A_1384 : vector<16xi32>
        %bitcast3A_1386 = vector.bitcast %and3A_1385 : vector<16xi32> to vector<16xf32>
        %mul3A_1387 = arith.mulf %bitcast3A_1382, %bitcast3A_98 : vector<16xf32>
        %mul3A_1388 = arith.mulf %bitcast3A_1386, %bitcast3A_170 : vector<16xf32>
        %add3A_1389 = arith.addf %mul3A_1387, %mul3A_1388 : vector<16xf32>
        %add3A_1390 = arith.addf %add3A_1375, %add3A_1389 : vector<16xf32>
        %get3A_1391 = arith.index_cast %add3A_1361 : i32 to index
        %get3A_1392 = arith.constant 32 : index
        %get3A_1393 = tpu.vector_load %arg11[%get3A_1391, %get3A_1392] {strides = array<i32>} : memref<208x64xi32, #tpu.memory_space<vmem>>, vector<16xi32>,
        %shift_left3A_1394 = arith.constant 16 : i32
        %shift_left3A_1395 = vector.broadcast %shift_left3A_1394 : i32 to vector<16xi32>
        %shift_left3A_1396 = arith.shli %get3A_1393, %shift_left3A_1395 : vector<16xi32>
        %bitcast3A_1397 = vector.bitcast %shift_left3A_1396 : vector<16xi32> to vector<16xf32>
        %and3A_1398 = arith.constant -65536 : i32
        %and3A_1399 = vector.broadcast %and3A_1398 : i32 to vector<16xi32>
        %and3A_1400 = arith.andi %get3A_1393, %and3A_1399 : vector<16xi32>
        %bitcast3A_1401 = vector.bitcast %and3A_1400 : vector<16xi32> to vector<16xf32>
        %mul3A_1402 = arith.mulf %bitcast3A_1397, %bitcast3A_116 : vector<16xf32>
        %mul3A_1403 = arith.mulf %bitcast3A_1401, %bitcast3A_188 : vector<16xf32>
        %add3A_1404 = arith.addf %mul3A_1402, %mul3A_1403 : vector<16xf32>
        %add3A_1405 = arith.addf %add3A_1390, %add3A_1404 : vector<16xf32>
        %get3A_1406 = arith.index_cast %add3A_1361 : i32 to index
        %get3A_1407 = arith.constant 48 : index
        %get3A_1408 = tpu.vector_load %arg11[%get3A_1406, %get3A_1407] {strides = array<i32>} : memref<208x64xi32, #tpu.memory_space<vmem>>, vector<16xi32>,
        %shift_left3A_1409 = arith.constant 16 : i32
        %shift_left3A_1410 = vector.broadcast %shift_left3A_1409 : i32 to vector<16xi32>
        %shift_left3A_1411 = arith.shli %get3A_1408, %shift_left3A_1410 : vector<16xi32>
        %bitcast3A_1412 = vector.bitcast %shift_left3A_1411 : vector<16xi32> to vector<16xf32>
        %and3A_1413 = arith.constant -65536 : i32
        %and3A_1414 = vector.broadcast %and3A_1413 : i32 to vector<16xi32>
        %and3A_1415 = arith.andi %get3A_1408, %and3A_1414 : vector<16xi32>
        %bitcast3A_1416 = vector.bitcast %and3A_1415 : vector<16xi32> to vector<16xf32>
        %mul3A_1417 = arith.mulf %bitcast3A_1412, %bitcast3A_134 : vector<16xf32>
        %mul3A_1418 = arith.mulf %bitcast3A_1416, %bitcast3A_206 : vector<16xf32>
        %add3A_1419 = arith.addf %mul3A_1417, %mul3A_1418 : vector<16xf32>
        %add3A_1420 = arith.addf %add3A_1405, %add3A_1419 : vector<16xf32>
        %broadcast_in_dim3A_1421 = arith.constant true
        %broadcast_in_dim3A_1422 = vector.broadcast %broadcast_in_dim3A_1421 : i1 to vector<16xi1>
        %masked_cumsum3A_1423 = tpu.scan <sum>, %add3A_1420 masked %broadcast_in_dim3A_1422 : vector<16xf32>, vector<16xi1> -> vector<16xf32>
        %lt3A_1424 = arith.constant 0 : i32
        %lt3A_1425 = vector.broadcast %lt3A_1424 : i32 to vector<16xi32>
        %lt3A_1426 = arith.cmpi slt, %broadcast_in_dim3A_208, %lt3A_1425 : vector<16xi32>
        %add3A_1427 = arith.constant 16 : i32
        %add3A_1428 = vector.broadcast %add3A_1427 : i32 to vector<16xi32>
        %add3A_1429 = arith.addi %broadcast_in_dim3A_208, %add3A_1428 : vector<16xi32>
        %select_n3A_1430 = arith.select %lt3A_1426, %add3A_1429, %broadcast_in_dim3A_208 : vector<16xi1>, vector<16xi32>
        %broadcast_in_dim3A_1431 = vector.shape_cast %select_n3A_1430 : vector<16xi32> to vector<16x1xi32>
        %gather3A_1432 = vector.shape_cast %broadcast_in_dim3A_1431 : vector<16x1xi32> to vector<16xi32>
        %gather3A_1433 = tpu.dynamic_gather %masked_cumsum3A_1423[%gather3A_1432] in [0] : vector<16xf32>, vector<16xi32> -> vector<16xf32>
        %eq3A_1434 = arith.constant 11 : i32
        %eq3A_1435 = vector.broadcast %eq3A_1434 : i32 to vector<16xi32>
        %eq3A_1436 = arith.cmpi eq, %iota3A_32, %eq3A_1435 : vector<16xi32>
        %select_n3A_1437 = arith.select %eq3A_1436, %gather3A_1433, %select_n3A_1357 : vector<16xi1>, vector<16xf32>
        %mul3A_1438 = arith.constant 16 : i32
        %mul3A_1439 = arith.muli %scan3A_475, %mul3A_1438 : i32
        %add3A_1440 = arith.constant 12 : i32
        %add3A_1441 = arith.addi %mul3A_1439, %add3A_1440 : i32
        %get3A_1442 = arith.index_cast %add3A_1441 : i32 to index
        %get3A_1443 = arith.constant 0 : index
        %get3A_1444 = tpu.vector_load %arg11[%get3A_1442, %get3A_1443] {strides = array<i32>} : memref<208x64xi32, #tpu.memory_space<vmem>>, vector<16xi32>,
        %shift_left3A_1445 = arith.constant 16 : i32
        %shift_left3A_1446 = vector.broadcast %shift_left3A_1445 : i32 to vector<16xi32>
        %shift_left3A_1447 = arith.shli %get3A_1444, %shift_left3A_1446 : vector<16xi32>
        %bitcast3A_1448 = vector.bitcast %shift_left3A_1447 : vector<16xi32> to vector<16xf32>
        %and3A_1449 = arith.constant -65536 : i32
        %and3A_1450 = vector.broadcast %and3A_1449 : i32 to vector<16xi32>
        %and3A_1451 = arith.andi %get3A_1444, %and3A_1450 : vector<16xi32>
        %bitcast3A_1452 = vector.bitcast %and3A_1451 : vector<16xi32> to vector<16xf32>
        %mul3A_1453 = arith.mulf %bitcast3A_1448, %bitcast3A_80 : vector<16xf32>
        %mul3A_1454 = arith.mulf %bitcast3A_1452, %bitcast3A_152 : vector<16xf32>
        %add3A_1455 = arith.addf %mul3A_1453, %mul3A_1454 : vector<16xf32>
        %get3A_1456 = arith.index_cast %add3A_1441 : i32 to index
        %get3A_1457 = arith.constant 16 : index
        %get3A_1458 = tpu.vector_load %arg11[%get3A_1456, %get3A_1457] {strides = array<i32>} : memref<208x64xi32, #tpu.memory_space<vmem>>, vector<16xi32>,
        %shift_left3A_1459 = arith.constant 16 : i32
        %shift_left3A_1460 = vector.broadcast %shift_left3A_1459 : i32 to vector<16xi32>
        %shift_left3A_1461 = arith.shli %get3A_1458, %shift_left3A_1460 : vector<16xi32>
        %bitcast3A_1462 = vector.bitcast %shift_left3A_1461 : vector<16xi32> to vector<16xf32>
        %and3A_1463 = arith.constant -65536 : i32
        %and3A_1464 = vector.broadcast %and3A_1463 : i32 to vector<16xi32>
        %and3A_1465 = arith.andi %get3A_1458, %and3A_1464 : vector<16xi32>
        %bitcast3A_1466 = vector.bitcast %and3A_1465 : vector<16xi32> to vector<16xf32>
        %mul3A_1467 = arith.mulf %bitcast3A_1462, %bitcast3A_98 : vector<16xf32>
        %mul3A_1468 = arith.mulf %bitcast3A_1466, %bitcast3A_170 : vector<16xf32>
        %add3A_1469 = arith.addf %mul3A_1467, %mul3A_1468 : vector<16xf32>
        %add3A_1470 = arith.addf %add3A_1455, %add3A_1469 : vector<16xf32>
        %get3A_1471 = arith.index_cast %add3A_1441 : i32 to index
        %get3A_1472 = arith.constant 32 : index
        %get3A_1473 = tpu.vector_load %arg11[%get3A_1471, %get3A_1472] {strides = array<i32>} : memref<208x64xi32, #tpu.memory_space<vmem>>, vector<16xi32>,
        %shift_left3A_1474 = arith.constant 16 : i32
        %shift_left3A_1475 = vector.broadcast %shift_left3A_1474 : i32 to vector<16xi32>
        %shift_left3A_1476 = arith.shli %get3A_1473, %shift_left3A_1475 : vector<16xi32>
        %bitcast3A_1477 = vector.bitcast %shift_left3A_1476 : vector<16xi32> to vector<16xf32>
        %and3A_1478 = arith.constant -65536 : i32
        %and3A_1479 = vector.broadcast %and3A_1478 : i32 to vector<16xi32>
        %and3A_1480 = arith.andi %get3A_1473, %and3A_1479 : vector<16xi32>
        %bitcast3A_1481 = vector.bitcast %and3A_1480 : vector<16xi32> to vector<16xf32>
        %mul3A_1482 = arith.mulf %bitcast3A_1477, %bitcast3A_116 : vector<16xf32>
        %mul3A_1483 = arith.mulf %bitcast3A_1481, %bitcast3A_188 : vector<16xf32>
        %add3A_1484 = arith.addf %mul3A_1482, %mul3A_1483 : vector<16xf32>
        %add3A_1485 = arith.addf %add3A_1470, %add3A_1484 : vector<16xf32>
        %get3A_1486 = arith.index_cast %add3A_1441 : i32 to index
        %get3A_1487 = arith.constant 48 : index
        %get3A_1488 = tpu.vector_load %arg11[%get3A_1486, %get3A_1487] {strides = array<i32>} : memref<208x64xi32, #tpu.memory_space<vmem>>, vector<16xi32>,
        %shift_left3A_1489 = arith.constant 16 : i32
        %shift_left3A_1490 = vector.broadcast %shift_left3A_1489 : i32 to vector<16xi32>
        %shift_left3A_1491 = arith.shli %get3A_1488, %shift_left3A_1490 : vector<16xi32>
        %bitcast3A_1492 = vector.bitcast %shift_left3A_1491 : vector<16xi32> to vector<16xf32>
        %and3A_1493 = arith.constant -65536 : i32
        %and3A_1494 = vector.broadcast %and3A_1493 : i32 to vector<16xi32>
        %and3A_1495 = arith.andi %get3A_1488, %and3A_1494 : vector<16xi32>
        %bitcast3A_1496 = vector.bitcast %and3A_1495 : vector<16xi32> to vector<16xf32>
        %mul3A_1497 = arith.mulf %bitcast3A_1492, %bitcast3A_134 : vector<16xf32>
        %mul3A_1498 = arith.mulf %bitcast3A_1496, %bitcast3A_206 : vector<16xf32>
        %add3A_1499 = arith.addf %mul3A_1497, %mul3A_1498 : vector<16xf32>
        %add3A_1500 = arith.addf %add3A_1485, %add3A_1499 : vector<16xf32>
        %broadcast_in_dim3A_1501 = arith.constant true
        %broadcast_in_dim3A_1502 = vector.broadcast %broadcast_in_dim3A_1501 : i1 to vector<16xi1>
        %masked_cumsum3A_1503 = tpu.scan <sum>, %add3A_1500 masked %broadcast_in_dim3A_1502 : vector<16xf32>, vector<16xi1> -> vector<16xf32>
        %lt3A_1504 = arith.constant 0 : i32
        %lt3A_1505 = vector.broadcast %lt3A_1504 : i32 to vector<16xi32>
        %lt3A_1506 = arith.cmpi slt, %broadcast_in_dim3A_208, %lt3A_1505 : vector<16xi32>
        %add3A_1507 = arith.constant 16 : i32
        %add3A_1508 = vector.broadcast %add3A_1507 : i32 to vector<16xi32>
        %add3A_1509 = arith.addi %broadcast_in_dim3A_208, %add3A_1508 : vector<16xi32>
        %select_n3A_1510 = arith.select %lt3A_1506, %add3A_1509, %broadcast_in_dim3A_208 : vector<16xi1>, vector<16xi32>
        %broadcast_in_dim3A_1511 = vector.shape_cast %select_n3A_1510 : vector<16xi32> to vector<16x1xi32>
        %gather3A_1512 = vector.shape_cast %broadcast_in_dim3A_1511 : vector<16x1xi32> to vector<16xi32>
        %gather3A_1513 = tpu.dynamic_gather %masked_cumsum3A_1503[%gather3A_1512] in [0] : vector<16xf32>, vector<16xi32> -> vector<16xf32>
        %eq3A_1514 = arith.constant 12 : i32
        %eq3A_1515 = vector.broadcast %eq3A_1514 : i32 to vector<16xi32>
        %eq3A_1516 = arith.cmpi eq, %iota3A_32, %eq3A_1515 : vector<16xi32>
        %select_n3A_1517 = arith.select %eq3A_1516, %gather3A_1513, %select_n3A_1437 : vector<16xi1>, vector<16xf32>
        %mul3A_1518 = arith.constant 16 : i32
        %mul3A_1519 = arith.muli %scan3A_475, %mul3A_1518 : i32
        %add3A_1520 = arith.constant 13 : i32
        %add3A_1521 = arith.addi %mul3A_1519, %add3A_1520 : i32
        %get3A_1522 = arith.index_cast %add3A_1521 : i32 to index
        %get3A_1523 = arith.constant 0 : index
        %get3A_1524 = tpu.vector_load %arg11[%get3A_1522, %get3A_1523] {strides = array<i32>} : memref<208x64xi32, #tpu.memory_space<vmem>>, vector<16xi32>,
        %shift_left3A_1525 = arith.constant 16 : i32
        %shift_left3A_1526 = vector.broadcast %shift_left3A_1525 : i32 to vector<16xi32>
        %shift_left3A_1527 = arith.shli %get3A_1524, %shift_left3A_1526 : vector<16xi32>
        %bitcast3A_1528 = vector.bitcast %shift_left3A_1527 : vector<16xi32> to vector<16xf32>
        %and3A_1529 = arith.constant -65536 : i32
        %and3A_1530 = vector.broadcast %and3A_1529 : i32 to vector<16xi32>
        %and3A_1531 = arith.andi %get3A_1524, %and3A_1530 : vector<16xi32>
        %bitcast3A_1532 = vector.bitcast %and3A_1531 : vector<16xi32> to vector<16xf32>
        %mul3A_1533 = arith.mulf %bitcast3A_1528, %bitcast3A_80 : vector<16xf32>
        %mul3A_1534 = arith.mulf %bitcast3A_1532, %bitcast3A_152 : vector<16xf32>
        %add3A_1535 = arith.addf %mul3A_1533, %mul3A_1534 : vector<16xf32>
        %get3A_1536 = arith.index_cast %add3A_1521 : i32 to index
        %get3A_1537 = arith.constant 16 : index
        %get3A_1538 = tpu.vector_load %arg11[%get3A_1536, %get3A_1537] {strides = array<i32>} : memref<208x64xi32, #tpu.memory_space<vmem>>, vector<16xi32>,
        %shift_left3A_1539 = arith.constant 16 : i32
        %shift_left3A_1540 = vector.broadcast %shift_left3A_1539 : i32 to vector<16xi32>
        %shift_left3A_1541 = arith.shli %get3A_1538, %shift_left3A_1540 : vector<16xi32>
        %bitcast3A_1542 = vector.bitcast %shift_left3A_1541 : vector<16xi32> to vector<16xf32>
        %and3A_1543 = arith.constant -65536 : i32
        %and3A_1544 = vector.broadcast %and3A_1543 : i32 to vector<16xi32>
        %and3A_1545 = arith.andi %get3A_1538, %and3A_1544 : vector<16xi32>
        %bitcast3A_1546 = vector.bitcast %and3A_1545 : vector<16xi32> to vector<16xf32>
        %mul3A_1547 = arith.mulf %bitcast3A_1542, %bitcast3A_98 : vector<16xf32>
        %mul3A_1548 = arith.mulf %bitcast3A_1546, %bitcast3A_170 : vector<16xf32>
        %add3A_1549 = arith.addf %mul3A_1547, %mul3A_1548 : vector<16xf32>
        %add3A_1550 = arith.addf %add3A_1535, %add3A_1549 : vector<16xf32>
        %get3A_1551 = arith.index_cast %add3A_1521 : i32 to index
        %get3A_1552 = arith.constant 32 : index
        %get3A_1553 = tpu.vector_load %arg11[%get3A_1551, %get3A_1552] {strides = array<i32>} : memref<208x64xi32, #tpu.memory_space<vmem>>, vector<16xi32>,
        %shift_left3A_1554 = arith.constant 16 : i32
        %shift_left3A_1555 = vector.broadcast %shift_left3A_1554 : i32 to vector<16xi32>
        %shift_left3A_1556 = arith.shli %get3A_1553, %shift_left3A_1555 : vector<16xi32>
        %bitcast3A_1557 = vector.bitcast %shift_left3A_1556 : vector<16xi32> to vector<16xf32>
        %and3A_1558 = arith.constant -65536 : i32
        %and3A_1559 = vector.broadcast %and3A_1558 : i32 to vector<16xi32>
        %and3A_1560 = arith.andi %get3A_1553, %and3A_1559 : vector<16xi32>
        %bitcast3A_1561 = vector.bitcast %and3A_1560 : vector<16xi32> to vector<16xf32>
        %mul3A_1562 = arith.mulf %bitcast3A_1557, %bitcast3A_116 : vector<16xf32>
        %mul3A_1563 = arith.mulf %bitcast3A_1561, %bitcast3A_188 : vector<16xf32>
        %add3A_1564 = arith.addf %mul3A_1562, %mul3A_1563 : vector<16xf32>
        %add3A_1565 = arith.addf %add3A_1550, %add3A_1564 : vector<16xf32>
        %get3A_1566 = arith.index_cast %add3A_1521 : i32 to index
        %get3A_1567 = arith.constant 48 : index
        %get3A_1568 = tpu.vector_load %arg11[%get3A_1566, %get3A_1567] {strides = array<i32>} : memref<208x64xi32, #tpu.memory_space<vmem>>, vector<16xi32>,
        %shift_left3A_1569 = arith.constant 16 : i32
        %shift_left3A_1570 = vector.broadcast %shift_left3A_1569 : i32 to vector<16xi32>
        %shift_left3A_1571 = arith.shli %get3A_1568, %shift_left3A_1570 : vector<16xi32>
        %bitcast3A_1572 = vector.bitcast %shift_left3A_1571 : vector<16xi32> to vector<16xf32>
        %and3A_1573 = arith.constant -65536 : i32
        %and3A_1574 = vector.broadcast %and3A_1573 : i32 to vector<16xi32>
        %and3A_1575 = arith.andi %get3A_1568, %and3A_1574 : vector<16xi32>
        %bitcast3A_1576 = vector.bitcast %and3A_1575 : vector<16xi32> to vector<16xf32>
        %mul3A_1577 = arith.mulf %bitcast3A_1572, %bitcast3A_134 : vector<16xf32>
        %mul3A_1578 = arith.mulf %bitcast3A_1576, %bitcast3A_206 : vector<16xf32>
        %add3A_1579 = arith.addf %mul3A_1577, %mul3A_1578 : vector<16xf32>
        %add3A_1580 = arith.addf %add3A_1565, %add3A_1579 : vector<16xf32>
        %broadcast_in_dim3A_1581 = arith.constant true
        %broadcast_in_dim3A_1582 = vector.broadcast %broadcast_in_dim3A_1581 : i1 to vector<16xi1>
        %masked_cumsum3A_1583 = tpu.scan <sum>, %add3A_1580 masked %broadcast_in_dim3A_1582 : vector<16xf32>, vector<16xi1> -> vector<16xf32>
        %lt3A_1584 = arith.constant 0 : i32
        %lt3A_1585 = vector.broadcast %lt3A_1584 : i32 to vector<16xi32>
        %lt3A_1586 = arith.cmpi slt, %broadcast_in_dim3A_208, %lt3A_1585 : vector<16xi32>
        %add3A_1587 = arith.constant 16 : i32
        %add3A_1588 = vector.broadcast %add3A_1587 : i32 to vector<16xi32>
        %add3A_1589 = arith.addi %broadcast_in_dim3A_208, %add3A_1588 : vector<16xi32>
        %select_n3A_1590 = arith.select %lt3A_1586, %add3A_1589, %broadcast_in_dim3A_208 : vector<16xi1>, vector<16xi32>
        %broadcast_in_dim3A_1591 = vector.shape_cast %select_n3A_1590 : vector<16xi32> to vector<16x1xi32>
        %gather3A_1592 = vector.shape_cast %broadcast_in_dim3A_1591 : vector<16x1xi32> to vector<16xi32>
        %gather3A_1593 = tpu.dynamic_gather %masked_cumsum3A_1583[%gather3A_1592] in [0] : vector<16xf32>, vector<16xi32> -> vector<16xf32>
        %eq3A_1594 = arith.constant 13 : i32
        %eq3A_1595 = vector.broadcast %eq3A_1594 : i32 to vector<16xi32>
        %eq3A_1596 = arith.cmpi eq, %iota3A_32, %eq3A_1595 : vector<16xi32>
        %select_n3A_1597 = arith.select %eq3A_1596, %gather3A_1593, %select_n3A_1517 : vector<16xi1>, vector<16xf32>
        %mul3A_1598 = arith.constant 16 : i32
        %mul3A_1599 = arith.muli %scan3A_475, %mul3A_1598 : i32
        %add3A_1600 = arith.constant 14 : i32
        %add3A_1601 = arith.addi %mul3A_1599, %add3A_1600 : i32
        %get3A_1602 = arith.index_cast %add3A_1601 : i32 to index
        %get3A_1603 = arith.constant 0 : index
        %get3A_1604 = tpu.vector_load %arg11[%get3A_1602, %get3A_1603] {strides = array<i32>} : memref<208x64xi32, #tpu.memory_space<vmem>>, vector<16xi32>,
        %shift_left3A_1605 = arith.constant 16 : i32
        %shift_left3A_1606 = vector.broadcast %shift_left3A_1605 : i32 to vector<16xi32>
        %shift_left3A_1607 = arith.shli %get3A_1604, %shift_left3A_1606 : vector<16xi32>
        %bitcast3A_1608 = vector.bitcast %shift_left3A_1607 : vector<16xi32> to vector<16xf32>
        %and3A_1609 = arith.constant -65536 : i32
        %and3A_1610 = vector.broadcast %and3A_1609 : i32 to vector<16xi32>
        %and3A_1611 = arith.andi %get3A_1604, %and3A_1610 : vector<16xi32>
        %bitcast3A_1612 = vector.bitcast %and3A_1611 : vector<16xi32> to vector<16xf32>
        %mul3A_1613 = arith.mulf %bitcast3A_1608, %bitcast3A_80 : vector<16xf32>
        %mul3A_1614 = arith.mulf %bitcast3A_1612, %bitcast3A_152 : vector<16xf32>
        %add3A_1615 = arith.addf %mul3A_1613, %mul3A_1614 : vector<16xf32>
        %get3A_1616 = arith.index_cast %add3A_1601 : i32 to index
        %get3A_1617 = arith.constant 16 : index
        %get3A_1618 = tpu.vector_load %arg11[%get3A_1616, %get3A_1617] {strides = array<i32>} : memref<208x64xi32, #tpu.memory_space<vmem>>, vector<16xi32>,
        %shift_left3A_1619 = arith.constant 16 : i32
        %shift_left3A_1620 = vector.broadcast %shift_left3A_1619 : i32 to vector<16xi32>
        %shift_left3A_1621 = arith.shli %get3A_1618, %shift_left3A_1620 : vector<16xi32>
        %bitcast3A_1622 = vector.bitcast %shift_left3A_1621 : vector<16xi32> to vector<16xf32>
        %and3A_1623 = arith.constant -65536 : i32
        %and3A_1624 = vector.broadcast %and3A_1623 : i32 to vector<16xi32>
        %and3A_1625 = arith.andi %get3A_1618, %and3A_1624 : vector<16xi32>
        %bitcast3A_1626 = vector.bitcast %and3A_1625 : vector<16xi32> to vector<16xf32>
        %mul3A_1627 = arith.mulf %bitcast3A_1622, %bitcast3A_98 : vector<16xf32>
        %mul3A_1628 = arith.mulf %bitcast3A_1626, %bitcast3A_170 : vector<16xf32>
        %add3A_1629 = arith.addf %mul3A_1627, %mul3A_1628 : vector<16xf32>
        %add3A_1630 = arith.addf %add3A_1615, %add3A_1629 : vector<16xf32>
        %get3A_1631 = arith.index_cast %add3A_1601 : i32 to index
        %get3A_1632 = arith.constant 32 : index
        %get3A_1633 = tpu.vector_load %arg11[%get3A_1631, %get3A_1632] {strides = array<i32>} : memref<208x64xi32, #tpu.memory_space<vmem>>, vector<16xi32>,
        %shift_left3A_1634 = arith.constant 16 : i32
        %shift_left3A_1635 = vector.broadcast %shift_left3A_1634 : i32 to vector<16xi32>
        %shift_left3A_1636 = arith.shli %get3A_1633, %shift_left3A_1635 : vector<16xi32>
        %bitcast3A_1637 = vector.bitcast %shift_left3A_1636 : vector<16xi32> to vector<16xf32>
        %and3A_1638 = arith.constant -65536 : i32
        %and3A_1639 = vector.broadcast %and3A_1638 : i32 to vector<16xi32>
        %and3A_1640 = arith.andi %get3A_1633, %and3A_1639 : vector<16xi32>
        %bitcast3A_1641 = vector.bitcast %and3A_1640 : vector<16xi32> to vector<16xf32>
        %mul3A_1642 = arith.mulf %bitcast3A_1637, %bitcast3A_116 : vector<16xf32>
        %mul3A_1643 = arith.mulf %bitcast3A_1641, %bitcast3A_188 : vector<16xf32>
        %add3A_1644 = arith.addf %mul3A_1642, %mul3A_1643 : vector<16xf32>
        %add3A_1645 = arith.addf %add3A_1630, %add3A_1644 : vector<16xf32>
        %get3A_1646 = arith.index_cast %add3A_1601 : i32 to index
        %get3A_1647 = arith.constant 48 : index
        %get3A_1648 = tpu.vector_load %arg11[%get3A_1646, %get3A_1647] {strides = array<i32>} : memref<208x64xi32, #tpu.memory_space<vmem>>, vector<16xi32>,
        %shift_left3A_1649 = arith.constant 16 : i32
        %shift_left3A_1650 = vector.broadcast %shift_left3A_1649 : i32 to vector<16xi32>
        %shift_left3A_1651 = arith.shli %get3A_1648, %shift_left3A_1650 : vector<16xi32>
        %bitcast3A_1652 = vector.bitcast %shift_left3A_1651 : vector<16xi32> to vector<16xf32>
        %and3A_1653 = arith.constant -65536 : i32
        %and3A_1654 = vector.broadcast %and3A_1653 : i32 to vector<16xi32>
        %and3A_1655 = arith.andi %get3A_1648, %and3A_1654 : vector<16xi32>
        %bitcast3A_1656 = vector.bitcast %and3A_1655 : vector<16xi32> to vector<16xf32>
        %mul3A_1657 = arith.mulf %bitcast3A_1652, %bitcast3A_134 : vector<16xf32>
        %mul3A_1658 = arith.mulf %bitcast3A_1656, %bitcast3A_206 : vector<16xf32>
        %add3A_1659 = arith.addf %mul3A_1657, %mul3A_1658 : vector<16xf32>
        %add3A_1660 = arith.addf %add3A_1645, %add3A_1659 : vector<16xf32>
        %broadcast_in_dim3A_1661 = arith.constant true
        %broadcast_in_dim3A_1662 = vector.broadcast %broadcast_in_dim3A_1661 : i1 to vector<16xi1>
        %masked_cumsum3A_1663 = tpu.scan <sum>, %add3A_1660 masked %broadcast_in_dim3A_1662 : vector<16xf32>, vector<16xi1> -> vector<16xf32>
        %lt3A_1664 = arith.constant 0 : i32
        %lt3A_1665 = vector.broadcast %lt3A_1664 : i32 to vector<16xi32>
        %lt3A_1666 = arith.cmpi slt, %broadcast_in_dim3A_208, %lt3A_1665 : vector<16xi32>
        %add3A_1667 = arith.constant 16 : i32
        %add3A_1668 = vector.broadcast %add3A_1667 : i32 to vector<16xi32>
        %add3A_1669 = arith.addi %broadcast_in_dim3A_208, %add3A_1668 : vector<16xi32>
        %select_n3A_1670 = arith.select %lt3A_1666, %add3A_1669, %broadcast_in_dim3A_208 : vector<16xi1>, vector<16xi32>
        %broadcast_in_dim3A_1671 = vector.shape_cast %select_n3A_1670 : vector<16xi32> to vector<16x1xi32>
        %gather3A_1672 = vector.shape_cast %broadcast_in_dim3A_1671 : vector<16x1xi32> to vector<16xi32>
        %gather3A_1673 = tpu.dynamic_gather %masked_cumsum3A_1663[%gather3A_1672] in [0] : vector<16xf32>, vector<16xi32> -> vector<16xf32>
        %eq3A_1674 = arith.constant 14 : i32
        %eq3A_1675 = vector.broadcast %eq3A_1674 : i32 to vector<16xi32>
        %eq3A_1676 = arith.cmpi eq, %iota3A_32, %eq3A_1675 : vector<16xi32>
        %select_n3A_1677 = arith.select %eq3A_1676, %gather3A_1673, %select_n3A_1597 : vector<16xi1>, vector<16xf32>
        %mul3A_1678 = arith.constant 16 : i32
        %mul3A_1679 = arith.muli %scan3A_475, %mul3A_1678 : i32
        %add3A_1680 = arith.constant 15 : i32
        %add3A_1681 = arith.addi %mul3A_1679, %add3A_1680 : i32
        %get3A_1682 = arith.index_cast %add3A_1681 : i32 to index
        %get3A_1683 = arith.constant 0 : index
        %get3A_1684 = tpu.vector_load %arg11[%get3A_1682, %get3A_1683] {strides = array<i32>} : memref<208x64xi32, #tpu.memory_space<vmem>>, vector<16xi32>,
        %shift_left3A_1685 = arith.constant 16 : i32
        %shift_left3A_1686 = vector.broadcast %shift_left3A_1685 : i32 to vector<16xi32>
        %shift_left3A_1687 = arith.shli %get3A_1684, %shift_left3A_1686 : vector<16xi32>
        %bitcast3A_1688 = vector.bitcast %shift_left3A_1687 : vector<16xi32> to vector<16xf32>
        %and3A_1689 = arith.constant -65536 : i32
        %and3A_1690 = vector.broadcast %and3A_1689 : i32 to vector<16xi32>
        %and3A_1691 = arith.andi %get3A_1684, %and3A_1690 : vector<16xi32>
        %bitcast3A_1692 = vector.bitcast %and3A_1691 : vector<16xi32> to vector<16xf32>
        %mul3A_1693 = arith.mulf %bitcast3A_1688, %bitcast3A_80 : vector<16xf32>
        %mul3A_1694 = arith.mulf %bitcast3A_1692, %bitcast3A_152 : vector<16xf32>
        %add3A_1695 = arith.addf %mul3A_1693, %mul3A_1694 : vector<16xf32>
        %get3A_1696 = arith.index_cast %add3A_1681 : i32 to index
        %get3A_1697 = arith.constant 16 : index
        %get3A_1698 = tpu.vector_load %arg11[%get3A_1696, %get3A_1697] {strides = array<i32>} : memref<208x64xi32, #tpu.memory_space<vmem>>, vector<16xi32>,
        %shift_left3A_1699 = arith.constant 16 : i32
        %shift_left3A_1700 = vector.broadcast %shift_left3A_1699 : i32 to vector<16xi32>
        %shift_left3A_1701 = arith.shli %get3A_1698, %shift_left3A_1700 : vector<16xi32>
        %bitcast3A_1702 = vector.bitcast %shift_left3A_1701 : vector<16xi32> to vector<16xf32>
        %and3A_1703 = arith.constant -65536 : i32
        %and3A_1704 = vector.broadcast %and3A_1703 : i32 to vector<16xi32>
        %and3A_1705 = arith.andi %get3A_1698, %and3A_1704 : vector<16xi32>
        %bitcast3A_1706 = vector.bitcast %and3A_1705 : vector<16xi32> to vector<16xf32>
        %mul3A_1707 = arith.mulf %bitcast3A_1702, %bitcast3A_98 : vector<16xf32>
        %mul3A_1708 = arith.mulf %bitcast3A_1706, %bitcast3A_170 : vector<16xf32>
        %add3A_1709 = arith.addf %mul3A_1707, %mul3A_1708 : vector<16xf32>
        %add3A_1710 = arith.addf %add3A_1695, %add3A_1709 : vector<16xf32>
        %get3A_1711 = arith.index_cast %add3A_1681 : i32 to index
        %get3A_1712 = arith.constant 32 : index
        %get3A_1713 = tpu.vector_load %arg11[%get3A_1711, %get3A_1712] {strides = array<i32>} : memref<208x64xi32, #tpu.memory_space<vmem>>, vector<16xi32>,
        %shift_left3A_1714 = arith.constant 16 : i32
        %shift_left3A_1715 = vector.broadcast %shift_left3A_1714 : i32 to vector<16xi32>
        %shift_left3A_1716 = arith.shli %get3A_1713, %shift_left3A_1715 : vector<16xi32>
        %bitcast3A_1717 = vector.bitcast %shift_left3A_1716 : vector<16xi32> to vector<16xf32>
        %and3A_1718 = arith.constant -65536 : i32
        %and3A_1719 = vector.broadcast %and3A_1718 : i32 to vector<16xi32>
        %and3A_1720 = arith.andi %get3A_1713, %and3A_1719 : vector<16xi32>
        %bitcast3A_1721 = vector.bitcast %and3A_1720 : vector<16xi32> to vector<16xf32>
        %mul3A_1722 = arith.mulf %bitcast3A_1717, %bitcast3A_116 : vector<16xf32>
        %mul3A_1723 = arith.mulf %bitcast3A_1721, %bitcast3A_188 : vector<16xf32>
        %add3A_1724 = arith.addf %mul3A_1722, %mul3A_1723 : vector<16xf32>
        %add3A_1725 = arith.addf %add3A_1710, %add3A_1724 : vector<16xf32>
        %get3A_1726 = arith.index_cast %add3A_1681 : i32 to index
        %get3A_1727 = arith.constant 48 : index
        %get3A_1728 = tpu.vector_load %arg11[%get3A_1726, %get3A_1727] {strides = array<i32>} : memref<208x64xi32, #tpu.memory_space<vmem>>, vector<16xi32>,
        %shift_left3A_1729 = arith.constant 16 : i32
        %shift_left3A_1730 = vector.broadcast %shift_left3A_1729 : i32 to vector<16xi32>
        %shift_left3A_1731 = arith.shli %get3A_1728, %shift_left3A_1730 : vector<16xi32>
        %bitcast3A_1732 = vector.bitcast %shift_left3A_1731 : vector<16xi32> to vector<16xf32>
        %and3A_1733 = arith.constant -65536 : i32
        %and3A_1734 = vector.broadcast %and3A_1733 : i32 to vector<16xi32>
        %and3A_1735 = arith.andi %get3A_1728, %and3A_1734 : vector<16xi32>
        %bitcast3A_1736 = vector.bitcast %and3A_1735 : vector<16xi32> to vector<16xf32>
        %mul3A_1737 = arith.mulf %bitcast3A_1732, %bitcast3A_134 : vector<16xf32>
        %mul3A_1738 = arith.mulf %bitcast3A_1736, %bitcast3A_206 : vector<16xf32>
        %add3A_1739 = arith.addf %mul3A_1737, %mul3A_1738 : vector<16xf32>
        %add3A_1740 = arith.addf %add3A_1725, %add3A_1739 : vector<16xf32>
        %broadcast_in_dim3A_1741 = arith.constant true
        %broadcast_in_dim3A_1742 = vector.broadcast %broadcast_in_dim3A_1741 : i1 to vector<16xi1>
        %masked_cumsum3A_1743 = tpu.scan <sum>, %add3A_1740 masked %broadcast_in_dim3A_1742 : vector<16xf32>, vector<16xi1> -> vector<16xf32>
        %lt3A_1744 = arith.constant 0 : i32
        %lt3A_1745 = vector.broadcast %lt3A_1744 : i32 to vector<16xi32>
        %lt3A_1746 = arith.cmpi slt, %broadcast_in_dim3A_208, %lt3A_1745 : vector<16xi32>
        %add3A_1747 = arith.constant 16 : i32
        %add3A_1748 = vector.broadcast %add3A_1747 : i32 to vector<16xi32>
        %add3A_1749 = arith.addi %broadcast_in_dim3A_208, %add3A_1748 : vector<16xi32>
        %select_n3A_1750 = arith.select %lt3A_1746, %add3A_1749, %broadcast_in_dim3A_208 : vector<16xi1>, vector<16xi32>
        %broadcast_in_dim3A_1751 = vector.shape_cast %select_n3A_1750 : vector<16xi32> to vector<16x1xi32>
        %gather3A_1752 = vector.shape_cast %broadcast_in_dim3A_1751 : vector<16x1xi32> to vector<16xi32>
        %gather3A_1753 = tpu.dynamic_gather %masked_cumsum3A_1743[%gather3A_1752] in [0] : vector<16xf32>, vector<16xi32> -> vector<16xf32>
        %eq3A_1754 = arith.constant 15 : i32
        %eq3A_1755 = vector.broadcast %eq3A_1754 : i32 to vector<16xi32>
        %eq3A_1756 = arith.cmpi eq, %iota3A_32, %eq3A_1755 : vector<16xi32>
        %select_n3A_1757 = arith.select %eq3A_1756, %gather3A_1753, %select_n3A_1677 : vector<16xi1>, vector<16xf32>
        %eq3A_1758 = arith.constant 12 : i32
        %eq3A_1759 = arith.cmpi eq, %scan3A_475, %eq3A_1758 : i32
        %not3A = arith.constant true
        %not3A_1760 = arith.xori %eq3A_1759, %not3A : i1
        %or3A = vector.broadcast %not3A_1760 : i1 to vector<16xi1>
        %or3A_1761 = arith.ori %lt3A_34, %or3A : vector<16xi1>
        %jit3A_1762 = arith.constant 0xFF800000 : f32
        %broadcast_in_dim3A_1763 = vector.broadcast %jit3A_1762 : f32 to vector<16xf32>
        %select_n3A_1764 = arith.select %or3A_1761, %select_n3A_1757, %broadcast_in_dim3A_1763 : vector<16xi1>, vector<16xf32>
        %mul3A_1765 = arith.constant 16 : i32
        %mul3A_1766 = arith.muli %scan3A_475, %mul3A_1765 : i32
        %add3A_1767 = vector.broadcast %mul3A_1766 : i32 to vector<16xi32>
        %add3A_1768 = arith.addi %iota3A_32, %add3A_1767 : vector<16xi32>
        %gt3A = arith.cmpf ogt, %select_n3A_1764, %scan3A_476 : vector<16xf32>
        %select_n3A_1769 = arith.select %gt3A, %select_n3A_1764, %scan3A_476 : vector<16xi1>, vector<16xf32>
        %select_n3A_1770 = arith.select %gt3A, %add3A_1768, %scan3A_477 : vector<16xi1>, vector<16xi32>
        %mul3A_1771 = arith.constant 16 : i32
        %mul3A_1772 = arith.muli %scan3A_475, %mul3A_1771 : i32
        %swap3A = arith.index_cast %mul3A_43 : i32 to index
        %swap3A_1773 = arith.index_cast %mul3A_1772 : i32 to index
        %swap3A_1774 = tpu.vector_load %arg13[%swap3A, %swap3A_1773] {strides = array<i32>} : memref<128x208xf32, #tpu.memory_space<vmem>>, vector<16xf32>,
        tpu.vector_store %arg13[%swap3A, %swap3A_1773], %select_n3A_1764 {strides = array<i32>} : memref<128x208xf32, #tpu.memory_space<vmem>>, vector<16xf32>,
        scf.yield %select_n3A_1769, %select_n3A_1770 : vector<16xf32>, vector<16xi32>
      }
      %scan3A_218 = arith.constant 13 : i32
      %reduce_max3A = arith.constant true
      %reduce_max3A_219 = vector.broadcast %reduce_max3A : i1 to vector<16xi1>
      %reduce_max3A_220 = tpu.scan <max>, %scan3A_217#0 masked %reduce_max3A_219 : vector<16xf32>, vector<16xi1> -> vector<16xf32>
      %reduce_max3A_221 = vector.extract %reduce_max3A_220[15] : f32 from vector<16xf32>
      %eq3A = vector.broadcast %reduce_max3A_221 : f32 to vector<16xf32>
      %eq3A_222 = arith.cmpf oeq, %scan3A_217#0, %eq3A : vector<16xf32>
      %jit3A = arith.constant 2147483647 : i32
      %broadcast_in_dim3A_223 = vector.broadcast %jit3A : i32 to vector<16xi32>
      %select_n3A = arith.select %eq3A_222, %scan3A_217#1, %broadcast_in_dim3A_223 : vector<16xi1>, vector<16xi32>
      %reduce_min3A = arith.constant true
      %reduce_min3A_224 = vector.broadcast %reduce_min3A : i1 to vector<16xi1>
      %reduce_min3A_225 = arith.constant -2147483648 : i32
      %reduce_min3A_226 = vector.broadcast %reduce_min3A_225 : i32 to vector<16xi32>
      %reduce_min3A_227 = arith.xori %select_n3A, %reduce_min3A_226 : vector<16xi32>
      %reduce_min3A_228 = tpu.scan <min>, %reduce_min3A_227 masked %reduce_min3A_224 : vector<16xi32>, vector<16xi1> -> vector<16xi32>
      %reduce_min3A_229 = arith.xori %reduce_min3A_228, %reduce_min3A_226 : vector<16xi32>
      %reduce_min3A_230 = vector.extract %reduce_min3A_229[15] : i32 from vector<16xi32>
      %broadcast_in_dim3A_231 = vector.broadcast %reduce_min3A_230 : i32 to vector<16xi32>
      %gather3A = tpu.vector_load_idx %arg10[%broadcast_in_dim3A, %broadcast_in_dim3A_231] : memref<128x200xi32, #tpu.memory_space<vmem>>[vector<16xi32>, vector<16xi32>], vector<16xi32>,
      %shift_right_arithmetic3A_232 = arith.constant 1 : i32
      %shift_right_arithmetic3A_233 = vector.broadcast %shift_right_arithmetic3A_232 : i32 to vector<16xi32>
      %shift_right_arithmetic3A_234 = arith.shrsi %gather3A, %shift_right_arithmetic3A_233 : vector<16xi32>
      %and3A_235 = arith.constant 1 : i32
      %and3A_236 = vector.broadcast %and3A_235 : i32 to vector<16xi32>
      %and3A_237 = arith.andi %gather3A, %and3A_236 : vector<16xi32>
      %eq3A_238 = arith.constant 1 : i32
      %eq3A_239 = vector.broadcast %eq3A_238 : i32 to vector<16xi32>
      %eq3A_240 = arith.cmpi eq, %and3A_237, %eq3A_239 : vector<16xi32>
      %jit3A_241 = arith.constant 0 : i32
      %broadcast_in_dim3A_242 = vector.broadcast %scan3A_35 : i32 to vector<16xi32>
      %broadcast_in_dim3A_243 = vector.broadcast %jit3A_241 : i32 to vector<16xi32>
      %select_n3A_244 = arith.select %eq3A_240, %broadcast_in_dim3A_242, %broadcast_in_dim3A_243 : vector<16xi1>, vector<16xi32>
      %add3A_245 = arith.addi %shift_right_arithmetic3A_234, %select_n3A_244 : vector<16xi32>
      %broadcast_in_dim3A_246 = arith.constant 0 : i32
      %broadcast_in_dim3A_247 = vector.broadcast %broadcast_in_dim3A_246 : i32 to vector<16xi32>
      %eq3A_248 = arith.constant 0 : i32
      %eq3A_249 = vector.broadcast %eq3A_248 : i32 to vector<16xi32>
      %eq3A_250 = arith.cmpi eq, %iota3A_32, %eq3A_249 : vector<16xi32>
      tpu.vector_store_idx %arg14[%broadcast_in_dim3A, %broadcast_in_dim3A_247], %add3A_245 masked %eq3A_250 : memref<128x1xi32, #tpu.memory_space<vmem>>[vector<16xi32>, vector<16xi32>], vector<16xi32>, vector<16xi1>
      %mul3A_251 = arith.constant 2 : i32
      %mul3A_252 = arith.muli %mul3A_251, %scan3A_41 : i32
      %add3A_253 = arith.constant 1 : i32
      %add3A_254 = arith.addi %mul3A_252, %add3A_253 : i32
      %dma_wait3A_255 = arith.constant 0 : i32
      %dma_wait3A_256 = arith.constant 0 : i32
      %dma_wait3A_257 = tpu.memref_slice %arg12[%dma_wait3A_255, %dma_wait3A_256] : memref<208x64xi32, #tpu.memory_space<vmem>> -> memref<128x64xi32, #tpu.memory_space<vmem>>
      %dma_wait3A_258 = arith.constant 0 : i32
      %dma_wait3A_259 = tpu.memref_slice %arg10[%add3A_254, %dma_wait3A_258] : memref<128x200xi32, #tpu.memory_space<vmem>> -> memref<1x128xi32, #tpu.memory_space<vmem>>
      %dma_wait3A_260 = tpu.memref_squeeze %dma_wait3A_259 : memref<1x128xi32, #tpu.memory_space<vmem>> -> memref<128xi32, #tpu.memory_space<vmem>>
      %dma_wait3A_261 = arith.constant 0 : i32
      %dma_wait3A_262 = arith.constant 0 : i32
      %dma_wait3A_263 = tpu.memref_slice %arg5[%dma_wait3A_261, %dma_wait3A_262] : memref<100000x64xi32, #tpu.memory_space<hbm>> -> memref<100000x64xi32, #tpu.memory_space<hbm>>
      tpu.wait_indirect_dma semaphore(%arg18 : memref<!tpu.dma_semaphore, #tpu.memory_space<semaphore_mem>>) src(%dma_wait3A_263 : memref<100000x64xi32, #tpu.memory_space<hbm>>) dst(%dma_wait3A_257 : memref<128x64xi32, #tpu.memory_space<vmem>>)
      %dma_wait3A_264 = arith.constant 128 : i32
      %dma_wait3A_265 = arith.constant 0 : i32
      %dma_wait3A_266 = tpu.memref_slice %arg12[%dma_wait3A_264, %dma_wait3A_265] : memref<208x64xi32, #tpu.memory_space<vmem>> -> memref<72x64xi32, #tpu.memory_space<vmem>>
      %dma_wait3A_267 = arith.constant 128 : i32
      %dma_wait3A_268 = tpu.memref_slice %arg10[%add3A_254, %dma_wait3A_267] : memref<128x200xi32, #tpu.memory_space<vmem>> -> memref<1x72xi32, #tpu.memory_space<vmem>>
      %dma_wait3A_269 = tpu.memref_squeeze %dma_wait3A_268 : memref<1x72xi32, #tpu.memory_space<vmem>> -> memref<72xi32, #tpu.memory_space<vmem>>
      %dma_wait3A_270 = arith.constant 0 : i32
      %dma_wait3A_271 = arith.constant 0 : i32
      %dma_wait3A_272 = tpu.memref_slice %arg5[%dma_wait3A_270, %dma_wait3A_271] : memref<100000x64xi32, #tpu.memory_space<hbm>> -> memref<100000x64xi32, #tpu.memory_space<hbm>>
      tpu.wait_indirect_dma semaphore(%arg19 : memref<!tpu.dma_semaphore, #tpu.memory_space<semaphore_mem>>) src(%dma_wait3A_272 : memref<100000x64xi32, #tpu.memory_space<hbm>>) dst(%dma_wait3A_266 : memref<72x64xi32, #tpu.memory_space<vmem>>)
      %add3A_273 = arith.constant 1 : i32
      %add3A_274 = arith.addi %add3A_254, %add3A_273 : i32
      %lt3A_275 = arith.constant 128 : i32
      %lt3A_276 = arith.cmpi slt, %add3A_274, %lt3A_275 : i32
      %convert_element_type3A_277 = arith.extui %lt3A_276 : i1 to i32
      %cond3A_278 = arith.constant 0 : i32
      %cond3A_279 = arith.cmpi ne, %convert_element_type3A_277, %cond3A_278 : i32
      scf.if %cond3A_279 {
        %add3A_475 = arith.constant 1 : i32
        %add3A_476 = arith.addi %add3A_254, %add3A_475 : i32
        %dma_start3A_477 = arith.constant 0 : i32
        %dma_start3A_478 = arith.constant 0 : i32
        %dma_start3A_479 = tpu.memref_slice %arg11[%dma_start3A_477, %dma_start3A_478] : memref<208x64xi32, #tpu.memory_space<vmem>> -> memref<128x64xi32, #tpu.memory_space<vmem>>
        %dma_start3A_480 = arith.constant 0 : i32
        %dma_start3A_481 = tpu.memref_slice %arg10[%add3A_476, %dma_start3A_480] : memref<128x200xi32, #tpu.memory_space<vmem>> -> memref<1x128xi32, #tpu.memory_space<vmem>>
        %dma_start3A_482 = tpu.memref_squeeze %dma_start3A_481 : memref<1x128xi32, #tpu.memory_space<vmem>> -> memref<128xi32, #tpu.memory_space<vmem>>
        %dma_start3A_483 = arith.constant 0 : i32
        %dma_start3A_484 = arith.constant 0 : i32
        %dma_start3A_485 = tpu.memref_slice %arg5[%dma_start3A_483, %dma_start3A_484] : memref<100000x64xi32, #tpu.memory_space<hbm>> -> memref<100000x64xi32, #tpu.memory_space<hbm>>
        tpu.enqueue_indirect_dma source(%dma_start3A_485 : memref<100000x64xi32, #tpu.memory_space<hbm>>) target(%dma_start3A_479 : memref<128x64xi32, #tpu.memory_space<vmem>>) offsets(%dma_start3A_482 : memref<128xi32, #tpu.memory_space<vmem>>) semaphore(%arg16 : memref<!tpu.dma_semaphore, #tpu.memory_space<semaphore_mem>>)
        %dma_start3A_486 = arith.constant 128 : i32
        %dma_start3A_487 = arith.constant 0 : i32
        %dma_start3A_488 = tpu.memref_slice %arg11[%dma_start3A_486, %dma_start3A_487] : memref<208x64xi32, #tpu.memory_space<vmem>> -> memref<72x64xi32, #tpu.memory_space<vmem>>
        %dma_start3A_489 = arith.constant 128 : i32
        %dma_start3A_490 = tpu.memref_slice %arg10[%add3A_476, %dma_start3A_489] : memref<128x200xi32, #tpu.memory_space<vmem>> -> memref<1x72xi32, #tpu.memory_space<vmem>>
        %dma_start3A_491 = tpu.memref_squeeze %dma_start3A_490 : memref<1x72xi32, #tpu.memory_space<vmem>> -> memref<72xi32, #tpu.memory_space<vmem>>
        %dma_start3A_492 = arith.constant 0 : i32
        %dma_start3A_493 = arith.constant 0 : i32
        %dma_start3A_494 = tpu.memref_slice %arg5[%dma_start3A_492, %dma_start3A_493] : memref<100000x64xi32, #tpu.memory_space<hbm>> -> memref<100000x64xi32, #tpu.memory_space<hbm>>
        tpu.enqueue_indirect_dma source(%dma_start3A_494 : memref<100000x64xi32, #tpu.memory_space<hbm>>) target(%dma_start3A_488 : memref<72x64xi32, #tpu.memory_space<vmem>>) offsets(%dma_start3A_491 : memref<72xi32, #tpu.memory_space<vmem>>) semaphore(%arg17 : memref<!tpu.dma_semaphore, #tpu.memory_space<semaphore_mem>>)
      } else {
      }
      %broadcast_in_dim3A_280 = vector.broadcast %add3A_254 : i32 to vector<16xi32>
      %get3A_281 = arith.index_cast %add3A_254 : i32 to index
      %get3A_282 = arith.constant 0 : index
      %get3A_283 = tpu.vector_load %arg9[%get3A_281, %get3A_282] {strides = array<i32>} : memref<128x128xf32, #tpu.memory_space<vmem>>, vector<16xf32>,
      %bitcast3A_284 = vector.bitcast %get3A_283 : vector<16xf32> to vector<16xi32>
      %add3A_285 = arith.constant 32767 : i32
      %add3A_286 = vector.broadcast %add3A_285 : i32 to vector<16xi32>
      %add3A_287 = arith.addi %bitcast3A_284, %add3A_286 : vector<16xi32>
      %shift_right_arithmetic3A_288 = arith.constant 16 : i32
      %shift_right_arithmetic3A_289 = vector.broadcast %shift_right_arithmetic3A_288 : i32 to vector<16xi32>
      %shift_right_arithmetic3A_290 = arith.shrsi %bitcast3A_284, %shift_right_arithmetic3A_289 : vector<16xi32>
      %and3A_291 = arith.constant 1 : i32
      %and3A_292 = vector.broadcast %and3A_291 : i32 to vector<16xi32>
      %and3A_293 = arith.andi %shift_right_arithmetic3A_290, %and3A_292 : vector<16xi32>
      %add3A_294 = arith.addi %add3A_287, %and3A_293 : vector<16xi32>
      %and3A_295 = arith.constant -65536 : i32
      %and3A_296 = vector.broadcast %and3A_295 : i32 to vector<16xi32>
      %and3A_297 = arith.andi %add3A_294, %and3A_296 : vector<16xi32>
      %bitcast3A_298 = vector.bitcast %and3A_297 : vector<16xi32> to vector<16xf32>
      %get3A_299 = arith.index_cast %add3A_254 : i32 to index
      %get3A_300 = arith.constant 16 : index
      %get3A_301 = tpu.vector_load %arg9[%get3A_299, %get3A_300] {strides = array<i32>} : memref<128x128xf32, #tpu.memory_space<vmem>>, vector<16xf32>,
      %bitcast3A_302 = vector.bitcast %get3A_301 : vector<16xf32> to vector<16xi32>
      %add3A_303 = arith.constant 32767 : i32
      %add3A_304 = vector.broadcast %add3A_303 : i32 to vector<16xi32>
      %add3A_305 = arith.addi %bitcast3A_302, %add3A_304 : vector<16xi32>
      %shift_right_arithmetic3A_306 = arith.constant 16 : i32
      %shift_right_arithmetic3A_307 = vector.broadcast %shift_right_arithmetic3A_306 : i32 to vector<16xi32>
      %shift_right_arithmetic3A_308 = arith.shrsi %bitcast3A_302, %shift_right_arithmetic3A_307 : vector<16xi32>
      %and3A_309 = arith.constant 1 : i32
      %and3A_310 = vector.broadcast %and3A_309 : i32 to vector<16xi32>
      %and3A_311 = arith.andi %shift_right_arithmetic3A_308, %and3A_310 : vector<16xi32>
      %add3A_312 = arith.addi %add3A_305, %and3A_311 : vector<16xi32>
      %and3A_313 = arith.constant -65536 : i32
      %and3A_314 = vector.broadcast %and3A_313 : i32 to vector<16xi32>
      %and3A_315 = arith.andi %add3A_312, %and3A_314 : vector<16xi32>
      %bitcast3A_316 = vector.bitcast %and3A_315 : vector<16xi32> to vector<16xf32>
      %get3A_317 = arith.index_cast %add3A_254 : i32 to index
      %get3A_318 = arith.constant 32 : index
      %get3A_319 = tpu.vector_load %arg9[%get3A_317, %get3A_318] {strides = array<i32>} : memref<128x128xf32, #tpu.memory_space<vmem>>, vector<16xf32>,
      %bitcast3A_320 = vector.bitcast %get3A_319 : vector<16xf32> to vector<16xi32>
      %add3A_321 = arith.constant 32767 : i32
      %add3A_322 = vector.broadcast %add3A_321 : i32 to vector<16xi32>
      %add3A_323 = arith.addi %bitcast3A_320, %add3A_322 : vector<16xi32>
      %shift_right_arithmetic3A_324 = arith.constant 16 : i32
      %shift_right_arithmetic3A_325 = vector.broadcast %shift_right_arithmetic3A_324 : i32 to vector<16xi32>
      %shift_right_arithmetic3A_326 = arith.shrsi %bitcast3A_320, %shift_right_arithmetic3A_325 : vector<16xi32>
      %and3A_327 = arith.constant 1 : i32
      %and3A_328 = vector.broadcast %and3A_327 : i32 to vector<16xi32>
      %and3A_329 = arith.andi %shift_right_arithmetic3A_326, %and3A_328 : vector<16xi32>
      %add3A_330 = arith.addi %add3A_323, %and3A_329 : vector<16xi32>
      %and3A_331 = arith.constant -65536 : i32
      %and3A_332 = vector.broadcast %and3A_331 : i32 to vector<16xi32>
      %and3A_333 = arith.andi %add3A_330, %and3A_332 : vector<16xi32>
      %bitcast3A_334 = vector.bitcast %and3A_333 : vector<16xi32> to vector<16xf32>
      %get3A_335 = arith.index_cast %add3A_254 : i32 to index
      %get3A_336 = arith.constant 48 : index
      %get3A_337 = tpu.vector_load %arg9[%get3A_335, %get3A_336] {strides = array<i32>} : memref<128x128xf32, #tpu.memory_space<vmem>>, vector<16xf32>,
      %bitcast3A_338 = vector.bitcast %get3A_337 : vector<16xf32> to vector<16xi32>
      %add3A_339 = arith.constant 32767 : i32
      %add3A_340 = vector.broadcast %add3A_339 : i32 to vector<16xi32>
      %add3A_341 = arith.addi %bitcast3A_338, %add3A_340 : vector<16xi32>
      %shift_right_arithmetic3A_342 = arith.constant 16 : i32
      %shift_right_arithmetic3A_343 = vector.broadcast %shift_right_arithmetic3A_342 : i32 to vector<16xi32>
      %shift_right_arithmetic3A_344 = arith.shrsi %bitcast3A_338, %shift_right_arithmetic3A_343 : vector<16xi32>
      %and3A_345 = arith.constant 1 : i32
      %and3A_346 = vector.broadcast %and3A_345 : i32 to vector<16xi32>
      %and3A_347 = arith.andi %shift_right_arithmetic3A_344, %and3A_346 : vector<16xi32>
      %add3A_348 = arith.addi %add3A_341, %and3A_347 : vector<16xi32>
      %and3A_349 = arith.constant -65536 : i32
      %and3A_350 = vector.broadcast %and3A_349 : i32 to vector<16xi32>
      %and3A_351 = arith.andi %add3A_348, %and3A_350 : vector<16xi32>
      %bitcast3A_352 = vector.bitcast %and3A_351 : vector<16xi32> to vector<16xf32>
      %get3A_353 = arith.index_cast %add3A_254 : i32 to index
      %get3A_354 = arith.constant 64 : index
      %get3A_355 = tpu.vector_load %arg9[%get3A_353, %get3A_354] {strides = array<i32>} : memref<128x128xf32, #tpu.memory_space<vmem>>, vector<16xf32>,
      %bitcast3A_356 = vector.bitcast %get3A_355 : vector<16xf32> to vector<16xi32>
      %add3A_357 = arith.constant 32767 : i32
      %add3A_358 = vector.broadcast %add3A_357 : i32 to vector<16xi32>
      %add3A_359 = arith.addi %bitcast3A_356, %add3A_358 : vector<16xi32>
      %shift_right_arithmetic3A_360 = arith.constant 16 : i32
      %shift_right_arithmetic3A_361 = vector.broadcast %shift_right_arithmetic3A_360 : i32 to vector<16xi32>
      %shift_right_arithmetic3A_362 = arith.shrsi %bitcast3A_356, %shift_right_arithmetic3A_361 : vector<16xi32>
      %and3A_363 = arith.constant 1 : i32
      %and3A_364 = vector.broadcast %and3A_363 : i32 to vector<16xi32>
      %and3A_365 = arith.andi %shift_right_arithmetic3A_362, %and3A_364 : vector<16xi32>
      %add3A_366 = arith.addi %add3A_359, %and3A_365 : vector<16xi32>
      %and3A_367 = arith.constant -65536 : i32
      %and3A_368 = vector.broadcast %and3A_367 : i32 to vector<16xi32>
      %and3A_369 = arith.andi %add3A_366, %and3A_368 : vector<16xi32>
      %bitcast3A_370 = vector.bitcast %and3A_369 : vector<16xi32> to vector<16xf32>
      %get3A_371 = arith.index_cast %add3A_254 : i32 to index
      %get3A_372 = arith.constant 80 : index
      %get3A_373 = tpu.vector_load %arg9[%get3A_371, %get3A_372] {strides = array<i32>} : memref<128x128xf32, #tpu.memory_space<vmem>>, vector<16xf32>,
      %bitcast3A_374 = vector.bitcast %get3A_373 : vector<16xf32> to vector<16xi32>
      %add3A_375 = arith.constant 32767 : i32
      %add3A_376 = vector.broadcast %add3A_375 : i32 to vector<16xi32>
      %add3A_377 = arith.addi %bitcast3A_374, %add3A_376 : vector<16xi32>
      %shift_right_arithmetic3A_378 = arith.constant 16 : i32
      %shift_right_arithmetic3A_379 = vector.broadcast %shift_right_arithmetic3A_378 : i32 to vector<16xi32>
      %shift_right_arithmetic3A_380 = arith.shrsi %bitcast3A_374, %shift_right_arithmetic3A_379 : vector<16xi32>
      %and3A_381 = arith.constant 1 : i32
      %and3A_382 = vector.broadcast %and3A_381 : i32 to vector<16xi32>
      %and3A_383 = arith.andi %shift_right_arithmetic3A_380, %and3A_382 : vector<16xi32>
      %add3A_384 = arith.addi %add3A_377, %and3A_383 : vector<16xi32>
      %and3A_385 = arith.constant -65536 : i32
      %and3A_386 = vector.broadcast %and3A_385 : i32 to vector<16xi32>
      %and3A_387 = arith.andi %add3A_384, %and3A_386 : vector<16xi32>
      %bitcast3A_388 = vector.bitcast %and3A_387 : vector<16xi32> to vector<16xf32>
      %get3A_389 = arith.index_cast %add3A_254 : i32 to index
      %get3A_390 = arith.constant 96 : index
      %get3A_391 = tpu.vector_load %arg9[%get3A_389, %get3A_390] {strides = array<i32>} : memref<128x128xf32, #tpu.memory_space<vmem>>, vector<16xf32>,
      %bitcast3A_392 = vector.bitcast %get3A_391 : vector<16xf32> to vector<16xi32>
      %add3A_393 = arith.constant 32767 : i32
      %add3A_394 = vector.broadcast %add3A_393 : i32 to vector<16xi32>
      %add3A_395 = arith.addi %bitcast3A_392, %add3A_394 : vector<16xi32>
      %shift_right_arithmetic3A_396 = arith.constant 16 : i32
      %shift_right_arithmetic3A_397 = vector.broadcast %shift_right_arithmetic3A_396 : i32 to vector<16xi32>
      %shift_right_arithmetic3A_398 = arith.shrsi %bitcast3A_392, %shift_right_arithmetic3A_397 : vector<16xi32>
      %and3A_399 = arith.constant 1 : i32
      %and3A_400 = vector.broadcast %and3A_399 : i32 to vector<16xi32>
      %and3A_401 = arith.andi %shift_right_arithmetic3A_398, %and3A_400 : vector<16xi32>
      %add3A_402 = arith.addi %add3A_395, %and3A_401 : vector<16xi32>
      %and3A_403 = arith.constant -65536 : i32
      %and3A_404 = vector.broadcast %and3A_403 : i32 to vector<16xi32>
      %and3A_405 = arith.andi %add3A_402, %and3A_404 : vector<16xi32>
      %bitcast3A_406 = vector.bitcast %and3A_405 : vector<16xi32> to vector<16xf32>
      %get3A_407 = arith.index_cast %add3A_254 : i32 to index
      %get3A_408 = arith.constant 112 : index
      %get3A_409 = tpu.vector_load %arg9[%get3A_407, %get3A_408] {strides = array<i32>} : memref<128x128xf32, #tpu.memory_space<vmem>>, vector<16xf32>,
      %bitcast3A_410 = vector.bitcast %get3A_409 : vector<16xf32> to vector<16xi32>
      %add3A_411 = arith.constant 32767 : i32
      %add3A_412 = vector.broadcast %add3A_411 : i32 to vector<16xi32>
      %add3A_413 = arith.addi %bitcast3A_410, %add3A_412 : vector<16xi32>
      %shift_right_arithmetic3A_414 = arith.constant 16 : i32
      %shift_right_arithmetic3A_415 = vector.broadcast %shift_right_arithmetic3A_414 : i32 to vector<16xi32>
      %shift_right_arithmetic3A_416 = arith.shrsi %bitcast3A_410, %shift_right_arithmetic3A_415 : vector<16xi32>
      %and3A_417 = arith.constant 1 : i32
      %and3A_418 = vector.broadcast %and3A_417 : i32 to vector<16xi32>
      %and3A_419 = arith.andi %shift_right_arithmetic3A_416, %and3A_418 : vector<16xi32>
      %add3A_420 = arith.addi %add3A_413, %and3A_419 : vector<16xi32>
      %and3A_421 = arith.constant -65536 : i32
      %and3A_422 = vector.broadcast %and3A_421 : i32 to vector<16xi32>
      %and3A_423 = arith.andi %add3A_420, %and3A_422 : vector<16xi32>
      %bitcast3A_424 = vector.bitcast %and3A_423 : vector<16xi32> to vector<16xf32>
      %broadcast_in_dim3A_425 = arith.constant 15 : i32
      %broadcast_in_dim3A_426 = vector.broadcast %broadcast_in_dim3A_425 : i32 to vector<16xi32>
      %broadcast_in_dim3A_427 = arith.constant 0xFF800000 : f32
      %broadcast_in_dim3A_428 = vector.broadcast %broadcast_in_dim3A_427 : f32 to vector<16xf32>
      %broadcast_in_dim3A_429 = arith.constant 2147483647 : i32
      %broadcast_in_dim3A_430 = vector.broadcast %broadcast_in_dim3A_429 : i32 to vector<16xi32>
      %scan3A_431 = arith.constant 0 : i32
      %scan3A_432 = arith.constant 13 : i32
      %scan3A_433 = arith.addi %scan3A_431, %scan3A_432 : i32
      %scan3A_434 = arith.constant 1 : i32
      %scan3A_435:2 = scf.for %scan3A_475 = %scan3A_431 to %scan3A_433 step %scan3A_434 iter_args(%scan3A_476 = %broadcast_in_dim3A_428, %scan3A_477 = %broadcast_in_dim3A_430) -> (vector<16xf32>, vector<16xi32>)  : i32 {
        %broadcast_in_dim3A_478 = arith.constant 0.000000e+00 : f32
        %broadcast_in_dim3A_479 = vector.broadcast %broadcast_in_dim3A_478 : f32 to vector<16xf32>
        %mul3A_480 = arith.constant 16 : i32
        %mul3A_481 = arith.muli %scan3A_475, %mul3A_480 : i32
        %add3A_482 = arith.constant 0 : i32
        %add3A_483 = arith.addi %mul3A_481, %add3A_482 : i32
        %get3A_484 = arith.index_cast %add3A_483 : i32 to index
        %get3A_485 = arith.constant 0 : index
        %get3A_486 = tpu.vector_load %arg12[%get3A_484, %get3A_485] {strides = array<i32>} : memref<208x64xi32, #tpu.memory_space<vmem>>, vector<16xi32>,
        %shift_left3A = arith.constant 16 : i32
        %shift_left3A_487 = vector.broadcast %shift_left3A : i32 to vector<16xi32>
        %shift_left3A_488 = arith.shli %get3A_486, %shift_left3A_487 : vector<16xi32>
        %bitcast3A_489 = vector.bitcast %shift_left3A_488 : vector<16xi32> to vector<16xf32>
        %and3A_490 = arith.constant -65536 : i32
        %and3A_491 = vector.broadcast %and3A_490 : i32 to vector<16xi32>
        %and3A_492 = arith.andi %get3A_486, %and3A_491 : vector<16xi32>
        %bitcast3A_493 = vector.bitcast %and3A_492 : vector<16xi32> to vector<16xf32>
        %mul3A_494 = arith.mulf %bitcast3A_489, %bitcast3A_298 : vector<16xf32>
        %mul3A_495 = arith.mulf %bitcast3A_493, %bitcast3A_370 : vector<16xf32>
        %add3A_496 = arith.addf %mul3A_494, %mul3A_495 : vector<16xf32>
        %get3A_497 = arith.index_cast %add3A_483 : i32 to index
        %get3A_498 = arith.constant 16 : index
        %get3A_499 = tpu.vector_load %arg12[%get3A_497, %get3A_498] {strides = array<i32>} : memref<208x64xi32, #tpu.memory_space<vmem>>, vector<16xi32>,
        %shift_left3A_500 = arith.constant 16 : i32
        %shift_left3A_501 = vector.broadcast %shift_left3A_500 : i32 to vector<16xi32>
        %shift_left3A_502 = arith.shli %get3A_499, %shift_left3A_501 : vector<16xi32>
        %bitcast3A_503 = vector.bitcast %shift_left3A_502 : vector<16xi32> to vector<16xf32>
        %and3A_504 = arith.constant -65536 : i32
        %and3A_505 = vector.broadcast %and3A_504 : i32 to vector<16xi32>
        %and3A_506 = arith.andi %get3A_499, %and3A_505 : vector<16xi32>
        %bitcast3A_507 = vector.bitcast %and3A_506 : vector<16xi32> to vector<16xf32>
        %mul3A_508 = arith.mulf %bitcast3A_503, %bitcast3A_316 : vector<16xf32>
        %mul3A_509 = arith.mulf %bitcast3A_507, %bitcast3A_388 : vector<16xf32>
        %add3A_510 = arith.addf %mul3A_508, %mul3A_509 : vector<16xf32>
        %add3A_511 = arith.addf %add3A_496, %add3A_510 : vector<16xf32>
        %get3A_512 = arith.index_cast %add3A_483 : i32 to index
        %get3A_513 = arith.constant 32 : index
        %get3A_514 = tpu.vector_load %arg12[%get3A_512, %get3A_513] {strides = array<i32>} : memref<208x64xi32, #tpu.memory_space<vmem>>, vector<16xi32>,
        %shift_left3A_515 = arith.constant 16 : i32
        %shift_left3A_516 = vector.broadcast %shift_left3A_515 : i32 to vector<16xi32>
        %shift_left3A_517 = arith.shli %get3A_514, %shift_left3A_516 : vector<16xi32>
        %bitcast3A_518 = vector.bitcast %shift_left3A_517 : vector<16xi32> to vector<16xf32>
        %and3A_519 = arith.constant -65536 : i32
        %and3A_520 = vector.broadcast %and3A_519 : i32 to vector<16xi32>
        %and3A_521 = arith.andi %get3A_514, %and3A_520 : vector<16xi32>
        %bitcast3A_522 = vector.bitcast %and3A_521 : vector<16xi32> to vector<16xf32>
        %mul3A_523 = arith.mulf %bitcast3A_518, %bitcast3A_334 : vector<16xf32>
        %mul3A_524 = arith.mulf %bitcast3A_522, %bitcast3A_406 : vector<16xf32>
        %add3A_525 = arith.addf %mul3A_523, %mul3A_524 : vector<16xf32>
        %add3A_526 = arith.addf %add3A_511, %add3A_525 : vector<16xf32>
        %get3A_527 = arith.index_cast %add3A_483 : i32 to index
        %get3A_528 = arith.constant 48 : index
        %get3A_529 = tpu.vector_load %arg12[%get3A_527, %get3A_528] {strides = array<i32>} : memref<208x64xi32, #tpu.memory_space<vmem>>, vector<16xi32>,
        %shift_left3A_530 = arith.constant 16 : i32
        %shift_left3A_531 = vector.broadcast %shift_left3A_530 : i32 to vector<16xi32>
        %shift_left3A_532 = arith.shli %get3A_529, %shift_left3A_531 : vector<16xi32>
        %bitcast3A_533 = vector.bitcast %shift_left3A_532 : vector<16xi32> to vector<16xf32>
        %and3A_534 = arith.constant -65536 : i32
        %and3A_535 = vector.broadcast %and3A_534 : i32 to vector<16xi32>
        %and3A_536 = arith.andi %get3A_529, %and3A_535 : vector<16xi32>
        %bitcast3A_537 = vector.bitcast %and3A_536 : vector<16xi32> to vector<16xf32>
        %mul3A_538 = arith.mulf %bitcast3A_533, %bitcast3A_352 : vector<16xf32>
        %mul3A_539 = arith.mulf %bitcast3A_537, %bitcast3A_424 : vector<16xf32>
        %add3A_540 = arith.addf %mul3A_538, %mul3A_539 : vector<16xf32>
        %add3A_541 = arith.addf %add3A_526, %add3A_540 : vector<16xf32>
        %broadcast_in_dim3A_542 = arith.constant true
        %broadcast_in_dim3A_543 = vector.broadcast %broadcast_in_dim3A_542 : i1 to vector<16xi1>
        %masked_cumsum3A = tpu.scan <sum>, %add3A_541 masked %broadcast_in_dim3A_543 : vector<16xf32>, vector<16xi1> -> vector<16xf32>
        %lt3A_544 = arith.constant 0 : i32
        %lt3A_545 = vector.broadcast %lt3A_544 : i32 to vector<16xi32>
        %lt3A_546 = arith.cmpi slt, %broadcast_in_dim3A_426, %lt3A_545 : vector<16xi32>
        %add3A_547 = arith.constant 16 : i32
        %add3A_548 = vector.broadcast %add3A_547 : i32 to vector<16xi32>
        %add3A_549 = arith.addi %broadcast_in_dim3A_426, %add3A_548 : vector<16xi32>
        %select_n3A_550 = arith.select %lt3A_546, %add3A_549, %broadcast_in_dim3A_426 : vector<16xi1>, vector<16xi32>
        %broadcast_in_dim3A_551 = vector.shape_cast %select_n3A_550 : vector<16xi32> to vector<16x1xi32>
        %gather3A_552 = vector.shape_cast %broadcast_in_dim3A_551 : vector<16x1xi32> to vector<16xi32>
        %gather3A_553 = tpu.dynamic_gather %masked_cumsum3A[%gather3A_552] in [0] : vector<16xf32>, vector<16xi32> -> vector<16xf32>
        %eq3A_554 = arith.constant 0 : i32
        %eq3A_555 = vector.broadcast %eq3A_554 : i32 to vector<16xi32>
        %eq3A_556 = arith.cmpi eq, %iota3A_32, %eq3A_555 : vector<16xi32>
        %select_n3A_557 = arith.select %eq3A_556, %gather3A_553, %broadcast_in_dim3A_479 : vector<16xi1>, vector<16xf32>
        %mul3A_558 = arith.constant 16 : i32
        %mul3A_559 = arith.muli %scan3A_475, %mul3A_558 : i32
        %add3A_560 = arith.constant 1 : i32
        %add3A_561 = arith.addi %mul3A_559, %add3A_560 : i32
        %get3A_562 = arith.index_cast %add3A_561 : i32 to index
        %get3A_563 = arith.constant 0 : index
        %get3A_564 = tpu.vector_load %arg12[%get3A_562, %get3A_563] {strides = array<i32>} : memref<208x64xi32, #tpu.memory_space<vmem>>, vector<16xi32>,
        %shift_left3A_565 = arith.constant 16 : i32
        %shift_left3A_566 = vector.broadcast %shift_left3A_565 : i32 to vector<16xi32>
        %shift_left3A_567 = arith.shli %get3A_564, %shift_left3A_566 : vector<16xi32>
        %bitcast3A_568 = vector.bitcast %shift_left3A_567 : vector<16xi32> to vector<16xf32>
        %and3A_569 = arith.constant -65536 : i32
        %and3A_570 = vector.broadcast %and3A_569 : i32 to vector<16xi32>
        %and3A_571 = arith.andi %get3A_564, %and3A_570 : vector<16xi32>
        %bitcast3A_572 = vector.bitcast %and3A_571 : vector<16xi32> to vector<16xf32>
        %mul3A_573 = arith.mulf %bitcast3A_568, %bitcast3A_298 : vector<16xf32>
        %mul3A_574 = arith.mulf %bitcast3A_572, %bitcast3A_370 : vector<16xf32>
        %add3A_575 = arith.addf %mul3A_573, %mul3A_574 : vector<16xf32>
        %get3A_576 = arith.index_cast %add3A_561 : i32 to index
        %get3A_577 = arith.constant 16 : index
        %get3A_578 = tpu.vector_load %arg12[%get3A_576, %get3A_577] {strides = array<i32>} : memref<208x64xi32, #tpu.memory_space<vmem>>, vector<16xi32>,
        %shift_left3A_579 = arith.constant 16 : i32
        %shift_left3A_580 = vector.broadcast %shift_left3A_579 : i32 to vector<16xi32>
        %shift_left3A_581 = arith.shli %get3A_578, %shift_left3A_580 : vector<16xi32>
        %bitcast3A_582 = vector.bitcast %shift_left3A_581 : vector<16xi32> to vector<16xf32>
        %and3A_583 = arith.constant -65536 : i32
        %and3A_584 = vector.broadcast %and3A_583 : i32 to vector<16xi32>
        %and3A_585 = arith.andi %get3A_578, %and3A_584 : vector<16xi32>
        %bitcast3A_586 = vector.bitcast %and3A_585 : vector<16xi32> to vector<16xf32>
        %mul3A_587 = arith.mulf %bitcast3A_582, %bitcast3A_316 : vector<16xf32>
        %mul3A_588 = arith.mulf %bitcast3A_586, %bitcast3A_388 : vector<16xf32>
        %add3A_589 = arith.addf %mul3A_587, %mul3A_588 : vector<16xf32>
        %add3A_590 = arith.addf %add3A_575, %add3A_589 : vector<16xf32>
        %get3A_591 = arith.index_cast %add3A_561 : i32 to index
        %get3A_592 = arith.constant 32 : index
        %get3A_593 = tpu.vector_load %arg12[%get3A_591, %get3A_592] {strides = array<i32>} : memref<208x64xi32, #tpu.memory_space<vmem>>, vector<16xi32>,
        %shift_left3A_594 = arith.constant 16 : i32
        %shift_left3A_595 = vector.broadcast %shift_left3A_594 : i32 to vector<16xi32>
        %shift_left3A_596 = arith.shli %get3A_593, %shift_left3A_595 : vector<16xi32>
        %bitcast3A_597 = vector.bitcast %shift_left3A_596 : vector<16xi32> to vector<16xf32>
        %and3A_598 = arith.constant -65536 : i32
        %and3A_599 = vector.broadcast %and3A_598 : i32 to vector<16xi32>
        %and3A_600 = arith.andi %get3A_593, %and3A_599 : vector<16xi32>
        %bitcast3A_601 = vector.bitcast %and3A_600 : vector<16xi32> to vector<16xf32>
        %mul3A_602 = arith.mulf %bitcast3A_597, %bitcast3A_334 : vector<16xf32>
        %mul3A_603 = arith.mulf %bitcast3A_601, %bitcast3A_406 : vector<16xf32>
        %add3A_604 = arith.addf %mul3A_602, %mul3A_603 : vector<16xf32>
        %add3A_605 = arith.addf %add3A_590, %add3A_604 : vector<16xf32>
        %get3A_606 = arith.index_cast %add3A_561 : i32 to index
        %get3A_607 = arith.constant 48 : index
        %get3A_608 = tpu.vector_load %arg12[%get3A_606, %get3A_607] {strides = array<i32>} : memref<208x64xi32, #tpu.memory_space<vmem>>, vector<16xi32>,
        %shift_left3A_609 = arith.constant 16 : i32
        %shift_left3A_610 = vector.broadcast %shift_left3A_609 : i32 to vector<16xi32>
        %shift_left3A_611 = arith.shli %get3A_608, %shift_left3A_610 : vector<16xi32>
        %bitcast3A_612 = vector.bitcast %shift_left3A_611 : vector<16xi32> to vector<16xf32>
        %and3A_613 = arith.constant -65536 : i32
        %and3A_614 = vector.broadcast %and3A_613 : i32 to vector<16xi32>
        %and3A_615 = arith.andi %get3A_608, %and3A_614 : vector<16xi32>
        %bitcast3A_616 = vector.bitcast %and3A_615 : vector<16xi32> to vector<16xf32>
        %mul3A_617 = arith.mulf %bitcast3A_612, %bitcast3A_352 : vector<16xf32>
        %mul3A_618 = arith.mulf %bitcast3A_616, %bitcast3A_424 : vector<16xf32>
        %add3A_619 = arith.addf %mul3A_617, %mul3A_618 : vector<16xf32>
        %add3A_620 = arith.addf %add3A_605, %add3A_619 : vector<16xf32>
        %broadcast_in_dim3A_621 = arith.constant true
        %broadcast_in_dim3A_622 = vector.broadcast %broadcast_in_dim3A_621 : i1 to vector<16xi1>
        %masked_cumsum3A_623 = tpu.scan <sum>, %add3A_620 masked %broadcast_in_dim3A_622 : vector<16xf32>, vector<16xi1> -> vector<16xf32>
        %lt3A_624 = arith.constant 0 : i32
        %lt3A_625 = vector.broadcast %lt3A_624 : i32 to vector<16xi32>
        %lt3A_626 = arith.cmpi slt, %broadcast_in_dim3A_426, %lt3A_625 : vector<16xi32>
        %add3A_627 = arith.constant 16 : i32
        %add3A_628 = vector.broadcast %add3A_627 : i32 to vector<16xi32>
        %add3A_629 = arith.addi %broadcast_in_dim3A_426, %add3A_628 : vector<16xi32>
        %select_n3A_630 = arith.select %lt3A_626, %add3A_629, %broadcast_in_dim3A_426 : vector<16xi1>, vector<16xi32>
        %broadcast_in_dim3A_631 = vector.shape_cast %select_n3A_630 : vector<16xi32> to vector<16x1xi32>
        %gather3A_632 = vector.shape_cast %broadcast_in_dim3A_631 : vector<16x1xi32> to vector<16xi32>
        %gather3A_633 = tpu.dynamic_gather %masked_cumsum3A_623[%gather3A_632] in [0] : vector<16xf32>, vector<16xi32> -> vector<16xf32>
        %eq3A_634 = arith.constant 1 : i32
        %eq3A_635 = vector.broadcast %eq3A_634 : i32 to vector<16xi32>
        %eq3A_636 = arith.cmpi eq, %iota3A_32, %eq3A_635 : vector<16xi32>
        %select_n3A_637 = arith.select %eq3A_636, %gather3A_633, %select_n3A_557 : vector<16xi1>, vector<16xf32>
        %mul3A_638 = arith.constant 16 : i32
        %mul3A_639 = arith.muli %scan3A_475, %mul3A_638 : i32
        %add3A_640 = arith.constant 2 : i32
        %add3A_641 = arith.addi %mul3A_639, %add3A_640 : i32
        %get3A_642 = arith.index_cast %add3A_641 : i32 to index
        %get3A_643 = arith.constant 0 : index
        %get3A_644 = tpu.vector_load %arg12[%get3A_642, %get3A_643] {strides = array<i32>} : memref<208x64xi32, #tpu.memory_space<vmem>>, vector<16xi32>,
        %shift_left3A_645 = arith.constant 16 : i32
        %shift_left3A_646 = vector.broadcast %shift_left3A_645 : i32 to vector<16xi32>
        %shift_left3A_647 = arith.shli %get3A_644, %shift_left3A_646 : vector<16xi32>
        %bitcast3A_648 = vector.bitcast %shift_left3A_647 : vector<16xi32> to vector<16xf32>
        %and3A_649 = arith.constant -65536 : i32
        %and3A_650 = vector.broadcast %and3A_649 : i32 to vector<16xi32>
        %and3A_651 = arith.andi %get3A_644, %and3A_650 : vector<16xi32>
        %bitcast3A_652 = vector.bitcast %and3A_651 : vector<16xi32> to vector<16xf32>
        %mul3A_653 = arith.mulf %bitcast3A_648, %bitcast3A_298 : vector<16xf32>
        %mul3A_654 = arith.mulf %bitcast3A_652, %bitcast3A_370 : vector<16xf32>
        %add3A_655 = arith.addf %mul3A_653, %mul3A_654 : vector<16xf32>
        %get3A_656 = arith.index_cast %add3A_641 : i32 to index
        %get3A_657 = arith.constant 16 : index
        %get3A_658 = tpu.vector_load %arg12[%get3A_656, %get3A_657] {strides = array<i32>} : memref<208x64xi32, #tpu.memory_space<vmem>>, vector<16xi32>,
        %shift_left3A_659 = arith.constant 16 : i32
        %shift_left3A_660 = vector.broadcast %shift_left3A_659 : i32 to vector<16xi32>
        %shift_left3A_661 = arith.shli %get3A_658, %shift_left3A_660 : vector<16xi32>
        %bitcast3A_662 = vector.bitcast %shift_left3A_661 : vector<16xi32> to vector<16xf32>
        %and3A_663 = arith.constant -65536 : i32
        %and3A_664 = vector.broadcast %and3A_663 : i32 to vector<16xi32>
        %and3A_665 = arith.andi %get3A_658, %and3A_664 : vector<16xi32>
        %bitcast3A_666 = vector.bitcast %and3A_665 : vector<16xi32> to vector<16xf32>
        %mul3A_667 = arith.mulf %bitcast3A_662, %bitcast3A_316 : vector<16xf32>
        %mul3A_668 = arith.mulf %bitcast3A_666, %bitcast3A_388 : vector<16xf32>
        %add3A_669 = arith.addf %mul3A_667, %mul3A_668 : vector<16xf32>
        %add3A_670 = arith.addf %add3A_655, %add3A_669 : vector<16xf32>
        %get3A_671 = arith.index_cast %add3A_641 : i32 to index
        %get3A_672 = arith.constant 32 : index
        %get3A_673 = tpu.vector_load %arg12[%get3A_671, %get3A_672] {strides = array<i32>} : memref<208x64xi32, #tpu.memory_space<vmem>>, vector<16xi32>,
        %shift_left3A_674 = arith.constant 16 : i32
        %shift_left3A_675 = vector.broadcast %shift_left3A_674 : i32 to vector<16xi32>
        %shift_left3A_676 = arith.shli %get3A_673, %shift_left3A_675 : vector<16xi32>
        %bitcast3A_677 = vector.bitcast %shift_left3A_676 : vector<16xi32> to vector<16xf32>
        %and3A_678 = arith.constant -65536 : i32
        %and3A_679 = vector.broadcast %and3A_678 : i32 to vector<16xi32>
        %and3A_680 = arith.andi %get3A_673, %and3A_679 : vector<16xi32>
        %bitcast3A_681 = vector.bitcast %and3A_680 : vector<16xi32> to vector<16xf32>
        %mul3A_682 = arith.mulf %bitcast3A_677, %bitcast3A_334 : vector<16xf32>
        %mul3A_683 = arith.mulf %bitcast3A_681, %bitcast3A_406 : vector<16xf32>
        %add3A_684 = arith.addf %mul3A_682, %mul3A_683 : vector<16xf32>
        %add3A_685 = arith.addf %add3A_670, %add3A_684 : vector<16xf32>
        %get3A_686 = arith.index_cast %add3A_641 : i32 to index
        %get3A_687 = arith.constant 48 : index
        %get3A_688 = tpu.vector_load %arg12[%get3A_686, %get3A_687] {strides = array<i32>} : memref<208x64xi32, #tpu.memory_space<vmem>>, vector<16xi32>,
        %shift_left3A_689 = arith.constant 16 : i32
        %shift_left3A_690 = vector.broadcast %shift_left3A_689 : i32 to vector<16xi32>
        %shift_left3A_691 = arith.shli %get3A_688, %shift_left3A_690 : vector<16xi32>
        %bitcast3A_692 = vector.bitcast %shift_left3A_691 : vector<16xi32> to vector<16xf32>
        %and3A_693 = arith.constant -65536 : i32
        %and3A_694 = vector.broadcast %and3A_693 : i32 to vector<16xi32>
        %and3A_695 = arith.andi %get3A_688, %and3A_694 : vector<16xi32>
        %bitcast3A_696 = vector.bitcast %and3A_695 : vector<16xi32> to vector<16xf32>
        %mul3A_697 = arith.mulf %bitcast3A_692, %bitcast3A_352 : vector<16xf32>
        %mul3A_698 = arith.mulf %bitcast3A_696, %bitcast3A_424 : vector<16xf32>
        %add3A_699 = arith.addf %mul3A_697, %mul3A_698 : vector<16xf32>
        %add3A_700 = arith.addf %add3A_685, %add3A_699 : vector<16xf32>
        %broadcast_in_dim3A_701 = arith.constant true
        %broadcast_in_dim3A_702 = vector.broadcast %broadcast_in_dim3A_701 : i1 to vector<16xi1>
        %masked_cumsum3A_703 = tpu.scan <sum>, %add3A_700 masked %broadcast_in_dim3A_702 : vector<16xf32>, vector<16xi1> -> vector<16xf32>
        %lt3A_704 = arith.constant 0 : i32
        %lt3A_705 = vector.broadcast %lt3A_704 : i32 to vector<16xi32>
        %lt3A_706 = arith.cmpi slt, %broadcast_in_dim3A_426, %lt3A_705 : vector<16xi32>
        %add3A_707 = arith.constant 16 : i32
        %add3A_708 = vector.broadcast %add3A_707 : i32 to vector<16xi32>
        %add3A_709 = arith.addi %broadcast_in_dim3A_426, %add3A_708 : vector<16xi32>
        %select_n3A_710 = arith.select %lt3A_706, %add3A_709, %broadcast_in_dim3A_426 : vector<16xi1>, vector<16xi32>
        %broadcast_in_dim3A_711 = vector.shape_cast %select_n3A_710 : vector<16xi32> to vector<16x1xi32>
        %gather3A_712 = vector.shape_cast %broadcast_in_dim3A_711 : vector<16x1xi32> to vector<16xi32>
        %gather3A_713 = tpu.dynamic_gather %masked_cumsum3A_703[%gather3A_712] in [0] : vector<16xf32>, vector<16xi32> -> vector<16xf32>
        %eq3A_714 = arith.constant 2 : i32
        %eq3A_715 = vector.broadcast %eq3A_714 : i32 to vector<16xi32>
        %eq3A_716 = arith.cmpi eq, %iota3A_32, %eq3A_715 : vector<16xi32>
        %select_n3A_717 = arith.select %eq3A_716, %gather3A_713, %select_n3A_637 : vector<16xi1>, vector<16xf32>
        %mul3A_718 = arith.constant 16 : i32
        %mul3A_719 = arith.muli %scan3A_475, %mul3A_718 : i32
        %add3A_720 = arith.constant 3 : i32
        %add3A_721 = arith.addi %mul3A_719, %add3A_720 : i32
        %get3A_722 = arith.index_cast %add3A_721 : i32 to index
        %get3A_723 = arith.constant 0 : index
        %get3A_724 = tpu.vector_load %arg12[%get3A_722, %get3A_723] {strides = array<i32>} : memref<208x64xi32, #tpu.memory_space<vmem>>, vector<16xi32>,
        %shift_left3A_725 = arith.constant 16 : i32
        %shift_left3A_726 = vector.broadcast %shift_left3A_725 : i32 to vector<16xi32>
        %shift_left3A_727 = arith.shli %get3A_724, %shift_left3A_726 : vector<16xi32>
        %bitcast3A_728 = vector.bitcast %shift_left3A_727 : vector<16xi32> to vector<16xf32>
        %and3A_729 = arith.constant -65536 : i32
        %and3A_730 = vector.broadcast %and3A_729 : i32 to vector<16xi32>
        %and3A_731 = arith.andi %get3A_724, %and3A_730 : vector<16xi32>
        %bitcast3A_732 = vector.bitcast %and3A_731 : vector<16xi32> to vector<16xf32>
        %mul3A_733 = arith.mulf %bitcast3A_728, %bitcast3A_298 : vector<16xf32>
        %mul3A_734 = arith.mulf %bitcast3A_732, %bitcast3A_370 : vector<16xf32>
        %add3A_735 = arith.addf %mul3A_733, %mul3A_734 : vector<16xf32>
        %get3A_736 = arith.index_cast %add3A_721 : i32 to index
        %get3A_737 = arith.constant 16 : index
        %get3A_738 = tpu.vector_load %arg12[%get3A_736, %get3A_737] {strides = array<i32>} : memref<208x64xi32, #tpu.memory_space<vmem>>, vector<16xi32>,
        %shift_left3A_739 = arith.constant 16 : i32
        %shift_left3A_740 = vector.broadcast %shift_left3A_739 : i32 to vector<16xi32>
        %shift_left3A_741 = arith.shli %get3A_738, %shift_left3A_740 : vector<16xi32>
        %bitcast3A_742 = vector.bitcast %shift_left3A_741 : vector<16xi32> to vector<16xf32>
        %and3A_743 = arith.constant -65536 : i32
        %and3A_744 = vector.broadcast %and3A_743 : i32 to vector<16xi32>
        %and3A_745 = arith.andi %get3A_738, %and3A_744 : vector<16xi32>
        %bitcast3A_746 = vector.bitcast %and3A_745 : vector<16xi32> to vector<16xf32>
        %mul3A_747 = arith.mulf %bitcast3A_742, %bitcast3A_316 : vector<16xf32>
        %mul3A_748 = arith.mulf %bitcast3A_746, %bitcast3A_388 : vector<16xf32>
        %add3A_749 = arith.addf %mul3A_747, %mul3A_748 : vector<16xf32>
        %add3A_750 = arith.addf %add3A_735, %add3A_749 : vector<16xf32>
        %get3A_751 = arith.index_cast %add3A_721 : i32 to index
        %get3A_752 = arith.constant 32 : index
        %get3A_753 = tpu.vector_load %arg12[%get3A_751, %get3A_752] {strides = array<i32>} : memref<208x64xi32, #tpu.memory_space<vmem>>, vector<16xi32>,
        %shift_left3A_754 = arith.constant 16 : i32
        %shift_left3A_755 = vector.broadcast %shift_left3A_754 : i32 to vector<16xi32>
        %shift_left3A_756 = arith.shli %get3A_753, %shift_left3A_755 : vector<16xi32>
        %bitcast3A_757 = vector.bitcast %shift_left3A_756 : vector<16xi32> to vector<16xf32>
        %and3A_758 = arith.constant -65536 : i32
        %and3A_759 = vector.broadcast %and3A_758 : i32 to vector<16xi32>
        %and3A_760 = arith.andi %get3A_753, %and3A_759 : vector<16xi32>
        %bitcast3A_761 = vector.bitcast %and3A_760 : vector<16xi32> to vector<16xf32>
        %mul3A_762 = arith.mulf %bitcast3A_757, %bitcast3A_334 : vector<16xf32>
        %mul3A_763 = arith.mulf %bitcast3A_761, %bitcast3A_406 : vector<16xf32>
        %add3A_764 = arith.addf %mul3A_762, %mul3A_763 : vector<16xf32>
        %add3A_765 = arith.addf %add3A_750, %add3A_764 : vector<16xf32>
        %get3A_766 = arith.index_cast %add3A_721 : i32 to index
        %get3A_767 = arith.constant 48 : index
        %get3A_768 = tpu.vector_load %arg12[%get3A_766, %get3A_767] {strides = array<i32>} : memref<208x64xi32, #tpu.memory_space<vmem>>, vector<16xi32>,
        %shift_left3A_769 = arith.constant 16 : i32
        %shift_left3A_770 = vector.broadcast %shift_left3A_769 : i32 to vector<16xi32>
        %shift_left3A_771 = arith.shli %get3A_768, %shift_left3A_770 : vector<16xi32>
        %bitcast3A_772 = vector.bitcast %shift_left3A_771 : vector<16xi32> to vector<16xf32>
        %and3A_773 = arith.constant -65536 : i32
        %and3A_774 = vector.broadcast %and3A_773 : i32 to vector<16xi32>
        %and3A_775 = arith.andi %get3A_768, %and3A_774 : vector<16xi32>
        %bitcast3A_776 = vector.bitcast %and3A_775 : vector<16xi32> to vector<16xf32>
        %mul3A_777 = arith.mulf %bitcast3A_772, %bitcast3A_352 : vector<16xf32>
        %mul3A_778 = arith.mulf %bitcast3A_776, %bitcast3A_424 : vector<16xf32>
        %add3A_779 = arith.addf %mul3A_777, %mul3A_778 : vector<16xf32>
        %add3A_780 = arith.addf %add3A_765, %add3A_779 : vector<16xf32>
        %broadcast_in_dim3A_781 = arith.constant true
        %broadcast_in_dim3A_782 = vector.broadcast %broadcast_in_dim3A_781 : i1 to vector<16xi1>
        %masked_cumsum3A_783 = tpu.scan <sum>, %add3A_780 masked %broadcast_in_dim3A_782 : vector<16xf32>, vector<16xi1> -> vector<16xf32>
        %lt3A_784 = arith.constant 0 : i32
        %lt3A_785 = vector.broadcast %lt3A_784 : i32 to vector<16xi32>
        %lt3A_786 = arith.cmpi slt, %broadcast_in_dim3A_426, %lt3A_785 : vector<16xi32>
        %add3A_787 = arith.constant 16 : i32
        %add3A_788 = vector.broadcast %add3A_787 : i32 to vector<16xi32>
        %add3A_789 = arith.addi %broadcast_in_dim3A_426, %add3A_788 : vector<16xi32>
        %select_n3A_790 = arith.select %lt3A_786, %add3A_789, %broadcast_in_dim3A_426 : vector<16xi1>, vector<16xi32>
        %broadcast_in_dim3A_791 = vector.shape_cast %select_n3A_790 : vector<16xi32> to vector<16x1xi32>
        %gather3A_792 = vector.shape_cast %broadcast_in_dim3A_791 : vector<16x1xi32> to vector<16xi32>
        %gather3A_793 = tpu.dynamic_gather %masked_cumsum3A_783[%gather3A_792] in [0] : vector<16xf32>, vector<16xi32> -> vector<16xf32>
        %eq3A_794 = arith.constant 3 : i32
        %eq3A_795 = vector.broadcast %eq3A_794 : i32 to vector<16xi32>
        %eq3A_796 = arith.cmpi eq, %iota3A_32, %eq3A_795 : vector<16xi32>
        %select_n3A_797 = arith.select %eq3A_796, %gather3A_793, %select_n3A_717 : vector<16xi1>, vector<16xf32>
        %mul3A_798 = arith.constant 16 : i32
        %mul3A_799 = arith.muli %scan3A_475, %mul3A_798 : i32
        %add3A_800 = arith.constant 4 : i32
        %add3A_801 = arith.addi %mul3A_799, %add3A_800 : i32
        %get3A_802 = arith.index_cast %add3A_801 : i32 to index
        %get3A_803 = arith.constant 0 : index
        %get3A_804 = tpu.vector_load %arg12[%get3A_802, %get3A_803] {strides = array<i32>} : memref<208x64xi32, #tpu.memory_space<vmem>>, vector<16xi32>,
        %shift_left3A_805 = arith.constant 16 : i32
        %shift_left3A_806 = vector.broadcast %shift_left3A_805 : i32 to vector<16xi32>
        %shift_left3A_807 = arith.shli %get3A_804, %shift_left3A_806 : vector<16xi32>
        %bitcast3A_808 = vector.bitcast %shift_left3A_807 : vector<16xi32> to vector<16xf32>
        %and3A_809 = arith.constant -65536 : i32
        %and3A_810 = vector.broadcast %and3A_809 : i32 to vector<16xi32>
        %and3A_811 = arith.andi %get3A_804, %and3A_810 : vector<16xi32>
        %bitcast3A_812 = vector.bitcast %and3A_811 : vector<16xi32> to vector<16xf32>
        %mul3A_813 = arith.mulf %bitcast3A_808, %bitcast3A_298 : vector<16xf32>
        %mul3A_814 = arith.mulf %bitcast3A_812, %bitcast3A_370 : vector<16xf32>
        %add3A_815 = arith.addf %mul3A_813, %mul3A_814 : vector<16xf32>
        %get3A_816 = arith.index_cast %add3A_801 : i32 to index
        %get3A_817 = arith.constant 16 : index
        %get3A_818 = tpu.vector_load %arg12[%get3A_816, %get3A_817] {strides = array<i32>} : memref<208x64xi32, #tpu.memory_space<vmem>>, vector<16xi32>,
        %shift_left3A_819 = arith.constant 16 : i32
        %shift_left3A_820 = vector.broadcast %shift_left3A_819 : i32 to vector<16xi32>
        %shift_left3A_821 = arith.shli %get3A_818, %shift_left3A_820 : vector<16xi32>
        %bitcast3A_822 = vector.bitcast %shift_left3A_821 : vector<16xi32> to vector<16xf32>
        %and3A_823 = arith.constant -65536 : i32
        %and3A_824 = vector.broadcast %and3A_823 : i32 to vector<16xi32>
        %and3A_825 = arith.andi %get3A_818, %and3A_824 : vector<16xi32>
        %bitcast3A_826 = vector.bitcast %and3A_825 : vector<16xi32> to vector<16xf32>
        %mul3A_827 = arith.mulf %bitcast3A_822, %bitcast3A_316 : vector<16xf32>
        %mul3A_828 = arith.mulf %bitcast3A_826, %bitcast3A_388 : vector<16xf32>
        %add3A_829 = arith.addf %mul3A_827, %mul3A_828 : vector<16xf32>
        %add3A_830 = arith.addf %add3A_815, %add3A_829 : vector<16xf32>
        %get3A_831 = arith.index_cast %add3A_801 : i32 to index
        %get3A_832 = arith.constant 32 : index
        %get3A_833 = tpu.vector_load %arg12[%get3A_831, %get3A_832] {strides = array<i32>} : memref<208x64xi32, #tpu.memory_space<vmem>>, vector<16xi32>,
        %shift_left3A_834 = arith.constant 16 : i32
        %shift_left3A_835 = vector.broadcast %shift_left3A_834 : i32 to vector<16xi32>
        %shift_left3A_836 = arith.shli %get3A_833, %shift_left3A_835 : vector<16xi32>
        %bitcast3A_837 = vector.bitcast %shift_left3A_836 : vector<16xi32> to vector<16xf32>
        %and3A_838 = arith.constant -65536 : i32
        %and3A_839 = vector.broadcast %and3A_838 : i32 to vector<16xi32>
        %and3A_840 = arith.andi %get3A_833, %and3A_839 : vector<16xi32>
        %bitcast3A_841 = vector.bitcast %and3A_840 : vector<16xi32> to vector<16xf32>
        %mul3A_842 = arith.mulf %bitcast3A_837, %bitcast3A_334 : vector<16xf32>
        %mul3A_843 = arith.mulf %bitcast3A_841, %bitcast3A_406 : vector<16xf32>
        %add3A_844 = arith.addf %mul3A_842, %mul3A_843 : vector<16xf32>
        %add3A_845 = arith.addf %add3A_830, %add3A_844 : vector<16xf32>
        %get3A_846 = arith.index_cast %add3A_801 : i32 to index
        %get3A_847 = arith.constant 48 : index
        %get3A_848 = tpu.vector_load %arg12[%get3A_846, %get3A_847] {strides = array<i32>} : memref<208x64xi32, #tpu.memory_space<vmem>>, vector<16xi32>,
        %shift_left3A_849 = arith.constant 16 : i32
        %shift_left3A_850 = vector.broadcast %shift_left3A_849 : i32 to vector<16xi32>
        %shift_left3A_851 = arith.shli %get3A_848, %shift_left3A_850 : vector<16xi32>
        %bitcast3A_852 = vector.bitcast %shift_left3A_851 : vector<16xi32> to vector<16xf32>
        %and3A_853 = arith.constant -65536 : i32
        %and3A_854 = vector.broadcast %and3A_853 : i32 to vector<16xi32>
        %and3A_855 = arith.andi %get3A_848, %and3A_854 : vector<16xi32>
        %bitcast3A_856 = vector.bitcast %and3A_855 : vector<16xi32> to vector<16xf32>
        %mul3A_857 = arith.mulf %bitcast3A_852, %bitcast3A_352 : vector<16xf32>
        %mul3A_858 = arith.mulf %bitcast3A_856, %bitcast3A_424 : vector<16xf32>
        %add3A_859 = arith.addf %mul3A_857, %mul3A_858 : vector<16xf32>
        %add3A_860 = arith.addf %add3A_845, %add3A_859 : vector<16xf32>
        %broadcast_in_dim3A_861 = arith.constant true
        %broadcast_in_dim3A_862 = vector.broadcast %broadcast_in_dim3A_861 : i1 to vector<16xi1>
        %masked_cumsum3A_863 = tpu.scan <sum>, %add3A_860 masked %broadcast_in_dim3A_862 : vector<16xf32>, vector<16xi1> -> vector<16xf32>
        %lt3A_864 = arith.constant 0 : i32
        %lt3A_865 = vector.broadcast %lt3A_864 : i32 to vector<16xi32>
        %lt3A_866 = arith.cmpi slt, %broadcast_in_dim3A_426, %lt3A_865 : vector<16xi32>
        %add3A_867 = arith.constant 16 : i32
        %add3A_868 = vector.broadcast %add3A_867 : i32 to vector<16xi32>
        %add3A_869 = arith.addi %broadcast_in_dim3A_426, %add3A_868 : vector<16xi32>
        %select_n3A_870 = arith.select %lt3A_866, %add3A_869, %broadcast_in_dim3A_426 : vector<16xi1>, vector<16xi32>
        %broadcast_in_dim3A_871 = vector.shape_cast %select_n3A_870 : vector<16xi32> to vector<16x1xi32>
        %gather3A_872 = vector.shape_cast %broadcast_in_dim3A_871 : vector<16x1xi32> to vector<16xi32>
        %gather3A_873 = tpu.dynamic_gather %masked_cumsum3A_863[%gather3A_872] in [0] : vector<16xf32>, vector<16xi32> -> vector<16xf32>
        %eq3A_874 = arith.constant 4 : i32
        %eq3A_875 = vector.broadcast %eq3A_874 : i32 to vector<16xi32>
        %eq3A_876 = arith.cmpi eq, %iota3A_32, %eq3A_875 : vector<16xi32>
        %select_n3A_877 = arith.select %eq3A_876, %gather3A_873, %select_n3A_797 : vector<16xi1>, vector<16xf32>
        %mul3A_878 = arith.constant 16 : i32
        %mul3A_879 = arith.muli %scan3A_475, %mul3A_878 : i32
        %add3A_880 = arith.constant 5 : i32
        %add3A_881 = arith.addi %mul3A_879, %add3A_880 : i32
        %get3A_882 = arith.index_cast %add3A_881 : i32 to index
        %get3A_883 = arith.constant 0 : index
        %get3A_884 = tpu.vector_load %arg12[%get3A_882, %get3A_883] {strides = array<i32>} : memref<208x64xi32, #tpu.memory_space<vmem>>, vector<16xi32>,
        %shift_left3A_885 = arith.constant 16 : i32
        %shift_left3A_886 = vector.broadcast %shift_left3A_885 : i32 to vector<16xi32>
        %shift_left3A_887 = arith.shli %get3A_884, %shift_left3A_886 : vector<16xi32>
        %bitcast3A_888 = vector.bitcast %shift_left3A_887 : vector<16xi32> to vector<16xf32>
        %and3A_889 = arith.constant -65536 : i32
        %and3A_890 = vector.broadcast %and3A_889 : i32 to vector<16xi32>
        %and3A_891 = arith.andi %get3A_884, %and3A_890 : vector<16xi32>
        %bitcast3A_892 = vector.bitcast %and3A_891 : vector<16xi32> to vector<16xf32>
        %mul3A_893 = arith.mulf %bitcast3A_888, %bitcast3A_298 : vector<16xf32>
        %mul3A_894 = arith.mulf %bitcast3A_892, %bitcast3A_370 : vector<16xf32>
        %add3A_895 = arith.addf %mul3A_893, %mul3A_894 : vector<16xf32>
        %get3A_896 = arith.index_cast %add3A_881 : i32 to index
        %get3A_897 = arith.constant 16 : index
        %get3A_898 = tpu.vector_load %arg12[%get3A_896, %get3A_897] {strides = array<i32>} : memref<208x64xi32, #tpu.memory_space<vmem>>, vector<16xi32>,
        %shift_left3A_899 = arith.constant 16 : i32
        %shift_left3A_900 = vector.broadcast %shift_left3A_899 : i32 to vector<16xi32>
        %shift_left3A_901 = arith.shli %get3A_898, %shift_left3A_900 : vector<16xi32>
        %bitcast3A_902 = vector.bitcast %shift_left3A_901 : vector<16xi32> to vector<16xf32>
        %and3A_903 = arith.constant -65536 : i32
        %and3A_904 = vector.broadcast %and3A_903 : i32 to vector<16xi32>
        %and3A_905 = arith.andi %get3A_898, %and3A_904 : vector<16xi32>
        %bitcast3A_906 = vector.bitcast %and3A_905 : vector<16xi32> to vector<16xf32>
        %mul3A_907 = arith.mulf %bitcast3A_902, %bitcast3A_316 : vector<16xf32>
        %mul3A_908 = arith.mulf %bitcast3A_906, %bitcast3A_388 : vector<16xf32>
        %add3A_909 = arith.addf %mul3A_907, %mul3A_908 : vector<16xf32>
        %add3A_910 = arith.addf %add3A_895, %add3A_909 : vector<16xf32>
        %get3A_911 = arith.index_cast %add3A_881 : i32 to index
        %get3A_912 = arith.constant 32 : index
        %get3A_913 = tpu.vector_load %arg12[%get3A_911, %get3A_912] {strides = array<i32>} : memref<208x64xi32, #tpu.memory_space<vmem>>, vector<16xi32>,
        %shift_left3A_914 = arith.constant 16 : i32
        %shift_left3A_915 = vector.broadcast %shift_left3A_914 : i32 to vector<16xi32>
        %shift_left3A_916 = arith.shli %get3A_913, %shift_left3A_915 : vector<16xi32>
        %bitcast3A_917 = vector.bitcast %shift_left3A_916 : vector<16xi32> to vector<16xf32>
        %and3A_918 = arith.constant -65536 : i32
        %and3A_919 = vector.broadcast %and3A_918 : i32 to vector<16xi32>
        %and3A_920 = arith.andi %get3A_913, %and3A_919 : vector<16xi32>
        %bitcast3A_921 = vector.bitcast %and3A_920 : vector<16xi32> to vector<16xf32>
        %mul3A_922 = arith.mulf %bitcast3A_917, %bitcast3A_334 : vector<16xf32>
        %mul3A_923 = arith.mulf %bitcast3A_921, %bitcast3A_406 : vector<16xf32>
        %add3A_924 = arith.addf %mul3A_922, %mul3A_923 : vector<16xf32>
        %add3A_925 = arith.addf %add3A_910, %add3A_924 : vector<16xf32>
        %get3A_926 = arith.index_cast %add3A_881 : i32 to index
        %get3A_927 = arith.constant 48 : index
        %get3A_928 = tpu.vector_load %arg12[%get3A_926, %get3A_927] {strides = array<i32>} : memref<208x64xi32, #tpu.memory_space<vmem>>, vector<16xi32>,
        %shift_left3A_929 = arith.constant 16 : i32
        %shift_left3A_930 = vector.broadcast %shift_left3A_929 : i32 to vector<16xi32>
        %shift_left3A_931 = arith.shli %get3A_928, %shift_left3A_930 : vector<16xi32>
        %bitcast3A_932 = vector.bitcast %shift_left3A_931 : vector<16xi32> to vector<16xf32>
        %and3A_933 = arith.constant -65536 : i32
        %and3A_934 = vector.broadcast %and3A_933 : i32 to vector<16xi32>
        %and3A_935 = arith.andi %get3A_928, %and3A_934 : vector<16xi32>
        %bitcast3A_936 = vector.bitcast %and3A_935 : vector<16xi32> to vector<16xf32>
        %mul3A_937 = arith.mulf %bitcast3A_932, %bitcast3A_352 : vector<16xf32>
        %mul3A_938 = arith.mulf %bitcast3A_936, %bitcast3A_424 : vector<16xf32>
        %add3A_939 = arith.addf %mul3A_937, %mul3A_938 : vector<16xf32>
        %add3A_940 = arith.addf %add3A_925, %add3A_939 : vector<16xf32>
        %broadcast_in_dim3A_941 = arith.constant true
        %broadcast_in_dim3A_942 = vector.broadcast %broadcast_in_dim3A_941 : i1 to vector<16xi1>
        %masked_cumsum3A_943 = tpu.scan <sum>, %add3A_940 masked %broadcast_in_dim3A_942 : vector<16xf32>, vector<16xi1> -> vector<16xf32>
        %lt3A_944 = arith.constant 0 : i32
        %lt3A_945 = vector.broadcast %lt3A_944 : i32 to vector<16xi32>
        %lt3A_946 = arith.cmpi slt, %broadcast_in_dim3A_426, %lt3A_945 : vector<16xi32>
        %add3A_947 = arith.constant 16 : i32
        %add3A_948 = vector.broadcast %add3A_947 : i32 to vector<16xi32>
        %add3A_949 = arith.addi %broadcast_in_dim3A_426, %add3A_948 : vector<16xi32>
        %select_n3A_950 = arith.select %lt3A_946, %add3A_949, %broadcast_in_dim3A_426 : vector<16xi1>, vector<16xi32>
        %broadcast_in_dim3A_951 = vector.shape_cast %select_n3A_950 : vector<16xi32> to vector<16x1xi32>
        %gather3A_952 = vector.shape_cast %broadcast_in_dim3A_951 : vector<16x1xi32> to vector<16xi32>
        %gather3A_953 = tpu.dynamic_gather %masked_cumsum3A_943[%gather3A_952] in [0] : vector<16xf32>, vector<16xi32> -> vector<16xf32>
        %eq3A_954 = arith.constant 5 : i32
        %eq3A_955 = vector.broadcast %eq3A_954 : i32 to vector<16xi32>
        %eq3A_956 = arith.cmpi eq, %iota3A_32, %eq3A_955 : vector<16xi32>
        %select_n3A_957 = arith.select %eq3A_956, %gather3A_953, %select_n3A_877 : vector<16xi1>, vector<16xf32>
        %mul3A_958 = arith.constant 16 : i32
        %mul3A_959 = arith.muli %scan3A_475, %mul3A_958 : i32
        %add3A_960 = arith.constant 6 : i32
        %add3A_961 = arith.addi %mul3A_959, %add3A_960 : i32
        %get3A_962 = arith.index_cast %add3A_961 : i32 to index
        %get3A_963 = arith.constant 0 : index
        %get3A_964 = tpu.vector_load %arg12[%get3A_962, %get3A_963] {strides = array<i32>} : memref<208x64xi32, #tpu.memory_space<vmem>>, vector<16xi32>,
        %shift_left3A_965 = arith.constant 16 : i32
        %shift_left3A_966 = vector.broadcast %shift_left3A_965 : i32 to vector<16xi32>
        %shift_left3A_967 = arith.shli %get3A_964, %shift_left3A_966 : vector<16xi32>
        %bitcast3A_968 = vector.bitcast %shift_left3A_967 : vector<16xi32> to vector<16xf32>
        %and3A_969 = arith.constant -65536 : i32
        %and3A_970 = vector.broadcast %and3A_969 : i32 to vector<16xi32>
        %and3A_971 = arith.andi %get3A_964, %and3A_970 : vector<16xi32>
        %bitcast3A_972 = vector.bitcast %and3A_971 : vector<16xi32> to vector<16xf32>
        %mul3A_973 = arith.mulf %bitcast3A_968, %bitcast3A_298 : vector<16xf32>
        %mul3A_974 = arith.mulf %bitcast3A_972, %bitcast3A_370 : vector<16xf32>
        %add3A_975 = arith.addf %mul3A_973, %mul3A_974 : vector<16xf32>
        %get3A_976 = arith.index_cast %add3A_961 : i32 to index
        %get3A_977 = arith.constant 16 : index
        %get3A_978 = tpu.vector_load %arg12[%get3A_976, %get3A_977] {strides = array<i32>} : memref<208x64xi32, #tpu.memory_space<vmem>>, vector<16xi32>,
        %shift_left3A_979 = arith.constant 16 : i32
        %shift_left3A_980 = vector.broadcast %shift_left3A_979 : i32 to vector<16xi32>
        %shift_left3A_981 = arith.shli %get3A_978, %shift_left3A_980 : vector<16xi32>
        %bitcast3A_982 = vector.bitcast %shift_left3A_981 : vector<16xi32> to vector<16xf32>
        %and3A_983 = arith.constant -65536 : i32
        %and3A_984 = vector.broadcast %and3A_983 : i32 to vector<16xi32>
        %and3A_985 = arith.andi %get3A_978, %and3A_984 : vector<16xi32>
        %bitcast3A_986 = vector.bitcast %and3A_985 : vector<16xi32> to vector<16xf32>
        %mul3A_987 = arith.mulf %bitcast3A_982, %bitcast3A_316 : vector<16xf32>
        %mul3A_988 = arith.mulf %bitcast3A_986, %bitcast3A_388 : vector<16xf32>
        %add3A_989 = arith.addf %mul3A_987, %mul3A_988 : vector<16xf32>
        %add3A_990 = arith.addf %add3A_975, %add3A_989 : vector<16xf32>
        %get3A_991 = arith.index_cast %add3A_961 : i32 to index
        %get3A_992 = arith.constant 32 : index
        %get3A_993 = tpu.vector_load %arg12[%get3A_991, %get3A_992] {strides = array<i32>} : memref<208x64xi32, #tpu.memory_space<vmem>>, vector<16xi32>,
        %shift_left3A_994 = arith.constant 16 : i32
        %shift_left3A_995 = vector.broadcast %shift_left3A_994 : i32 to vector<16xi32>
        %shift_left3A_996 = arith.shli %get3A_993, %shift_left3A_995 : vector<16xi32>
        %bitcast3A_997 = vector.bitcast %shift_left3A_996 : vector<16xi32> to vector<16xf32>
        %and3A_998 = arith.constant -65536 : i32
        %and3A_999 = vector.broadcast %and3A_998 : i32 to vector<16xi32>
        %and3A_1000 = arith.andi %get3A_993, %and3A_999 : vector<16xi32>
        %bitcast3A_1001 = vector.bitcast %and3A_1000 : vector<16xi32> to vector<16xf32>
        %mul3A_1002 = arith.mulf %bitcast3A_997, %bitcast3A_334 : vector<16xf32>
        %mul3A_1003 = arith.mulf %bitcast3A_1001, %bitcast3A_406 : vector<16xf32>
        %add3A_1004 = arith.addf %mul3A_1002, %mul3A_1003 : vector<16xf32>
        %add3A_1005 = arith.addf %add3A_990, %add3A_1004 : vector<16xf32>
        %get3A_1006 = arith.index_cast %add3A_961 : i32 to index
        %get3A_1007 = arith.constant 48 : index
        %get3A_1008 = tpu.vector_load %arg12[%get3A_1006, %get3A_1007] {strides = array<i32>} : memref<208x64xi32, #tpu.memory_space<vmem>>, vector<16xi32>,
        %shift_left3A_1009 = arith.constant 16 : i32
        %shift_left3A_1010 = vector.broadcast %shift_left3A_1009 : i32 to vector<16xi32>
        %shift_left3A_1011 = arith.shli %get3A_1008, %shift_left3A_1010 : vector<16xi32>
        %bitcast3A_1012 = vector.bitcast %shift_left3A_1011 : vector<16xi32> to vector<16xf32>
        %and3A_1013 = arith.constant -65536 : i32
        %and3A_1014 = vector.broadcast %and3A_1013 : i32 to vector<16xi32>
        %and3A_1015 = arith.andi %get3A_1008, %and3A_1014 : vector<16xi32>
        %bitcast3A_1016 = vector.bitcast %and3A_1015 : vector<16xi32> to vector<16xf32>
        %mul3A_1017 = arith.mulf %bitcast3A_1012, %bitcast3A_352 : vector<16xf32>
        %mul3A_1018 = arith.mulf %bitcast3A_1016, %bitcast3A_424 : vector<16xf32>
        %add3A_1019 = arith.addf %mul3A_1017, %mul3A_1018 : vector<16xf32>
        %add3A_1020 = arith.addf %add3A_1005, %add3A_1019 : vector<16xf32>
        %broadcast_in_dim3A_1021 = arith.constant true
        %broadcast_in_dim3A_1022 = vector.broadcast %broadcast_in_dim3A_1021 : i1 to vector<16xi1>
        %masked_cumsum3A_1023 = tpu.scan <sum>, %add3A_1020 masked %broadcast_in_dim3A_1022 : vector<16xf32>, vector<16xi1> -> vector<16xf32>
        %lt3A_1024 = arith.constant 0 : i32
        %lt3A_1025 = vector.broadcast %lt3A_1024 : i32 to vector<16xi32>
        %lt3A_1026 = arith.cmpi slt, %broadcast_in_dim3A_426, %lt3A_1025 : vector<16xi32>
        %add3A_1027 = arith.constant 16 : i32
        %add3A_1028 = vector.broadcast %add3A_1027 : i32 to vector<16xi32>
        %add3A_1029 = arith.addi %broadcast_in_dim3A_426, %add3A_1028 : vector<16xi32>
        %select_n3A_1030 = arith.select %lt3A_1026, %add3A_1029, %broadcast_in_dim3A_426 : vector<16xi1>, vector<16xi32>
        %broadcast_in_dim3A_1031 = vector.shape_cast %select_n3A_1030 : vector<16xi32> to vector<16x1xi32>
        %gather3A_1032 = vector.shape_cast %broadcast_in_dim3A_1031 : vector<16x1xi32> to vector<16xi32>
        %gather3A_1033 = tpu.dynamic_gather %masked_cumsum3A_1023[%gather3A_1032] in [0] : vector<16xf32>, vector<16xi32> -> vector<16xf32>
        %eq3A_1034 = arith.constant 6 : i32
        %eq3A_1035 = vector.broadcast %eq3A_1034 : i32 to vector<16xi32>
        %eq3A_1036 = arith.cmpi eq, %iota3A_32, %eq3A_1035 : vector<16xi32>
        %select_n3A_1037 = arith.select %eq3A_1036, %gather3A_1033, %select_n3A_957 : vector<16xi1>, vector<16xf32>
        %mul3A_1038 = arith.constant 16 : i32
        %mul3A_1039 = arith.muli %scan3A_475, %mul3A_1038 : i32
        %add3A_1040 = arith.constant 7 : i32
        %add3A_1041 = arith.addi %mul3A_1039, %add3A_1040 : i32
        %get3A_1042 = arith.index_cast %add3A_1041 : i32 to index
        %get3A_1043 = arith.constant 0 : index
        %get3A_1044 = tpu.vector_load %arg12[%get3A_1042, %get3A_1043] {strides = array<i32>} : memref<208x64xi32, #tpu.memory_space<vmem>>, vector<16xi32>,
        %shift_left3A_1045 = arith.constant 16 : i32
        %shift_left3A_1046 = vector.broadcast %shift_left3A_1045 : i32 to vector<16xi32>
        %shift_left3A_1047 = arith.shli %get3A_1044, %shift_left3A_1046 : vector<16xi32>
        %bitcast3A_1048 = vector.bitcast %shift_left3A_1047 : vector<16xi32> to vector<16xf32>
        %and3A_1049 = arith.constant -65536 : i32
        %and3A_1050 = vector.broadcast %and3A_1049 : i32 to vector<16xi32>
        %and3A_1051 = arith.andi %get3A_1044, %and3A_1050 : vector<16xi32>
        %bitcast3A_1052 = vector.bitcast %and3A_1051 : vector<16xi32> to vector<16xf32>
        %mul3A_1053 = arith.mulf %bitcast3A_1048, %bitcast3A_298 : vector<16xf32>
        %mul3A_1054 = arith.mulf %bitcast3A_1052, %bitcast3A_370 : vector<16xf32>
        %add3A_1055 = arith.addf %mul3A_1053, %mul3A_1054 : vector<16xf32>
        %get3A_1056 = arith.index_cast %add3A_1041 : i32 to index
        %get3A_1057 = arith.constant 16 : index
        %get3A_1058 = tpu.vector_load %arg12[%get3A_1056, %get3A_1057] {strides = array<i32>} : memref<208x64xi32, #tpu.memory_space<vmem>>, vector<16xi32>,
        %shift_left3A_1059 = arith.constant 16 : i32
        %shift_left3A_1060 = vector.broadcast %shift_left3A_1059 : i32 to vector<16xi32>
        %shift_left3A_1061 = arith.shli %get3A_1058, %shift_left3A_1060 : vector<16xi32>
        %bitcast3A_1062 = vector.bitcast %shift_left3A_1061 : vector<16xi32> to vector<16xf32>
        %and3A_1063 = arith.constant -65536 : i32
        %and3A_1064 = vector.broadcast %and3A_1063 : i32 to vector<16xi32>
        %and3A_1065 = arith.andi %get3A_1058, %and3A_1064 : vector<16xi32>
        %bitcast3A_1066 = vector.bitcast %and3A_1065 : vector<16xi32> to vector<16xf32>
        %mul3A_1067 = arith.mulf %bitcast3A_1062, %bitcast3A_316 : vector<16xf32>
        %mul3A_1068 = arith.mulf %bitcast3A_1066, %bitcast3A_388 : vector<16xf32>
        %add3A_1069 = arith.addf %mul3A_1067, %mul3A_1068 : vector<16xf32>
        %add3A_1070 = arith.addf %add3A_1055, %add3A_1069 : vector<16xf32>
        %get3A_1071 = arith.index_cast %add3A_1041 : i32 to index
        %get3A_1072 = arith.constant 32 : index
        %get3A_1073 = tpu.vector_load %arg12[%get3A_1071, %get3A_1072] {strides = array<i32>} : memref<208x64xi32, #tpu.memory_space<vmem>>, vector<16xi32>,
        %shift_left3A_1074 = arith.constant 16 : i32
        %shift_left3A_1075 = vector.broadcast %shift_left3A_1074 : i32 to vector<16xi32>
        %shift_left3A_1076 = arith.shli %get3A_1073, %shift_left3A_1075 : vector<16xi32>
        %bitcast3A_1077 = vector.bitcast %shift_left3A_1076 : vector<16xi32> to vector<16xf32>
        %and3A_1078 = arith.constant -65536 : i32
        %and3A_1079 = vector.broadcast %and3A_1078 : i32 to vector<16xi32>
        %and3A_1080 = arith.andi %get3A_1073, %and3A_1079 : vector<16xi32>
        %bitcast3A_1081 = vector.bitcast %and3A_1080 : vector<16xi32> to vector<16xf32>
        %mul3A_1082 = arith.mulf %bitcast3A_1077, %bitcast3A_334 : vector<16xf32>
        %mul3A_1083 = arith.mulf %bitcast3A_1081, %bitcast3A_406 : vector<16xf32>
        %add3A_1084 = arith.addf %mul3A_1082, %mul3A_1083 : vector<16xf32>
        %add3A_1085 = arith.addf %add3A_1070, %add3A_1084 : vector<16xf32>
        %get3A_1086 = arith.index_cast %add3A_1041 : i32 to index
        %get3A_1087 = arith.constant 48 : index
        %get3A_1088 = tpu.vector_load %arg12[%get3A_1086, %get3A_1087] {strides = array<i32>} : memref<208x64xi32, #tpu.memory_space<vmem>>, vector<16xi32>,
        %shift_left3A_1089 = arith.constant 16 : i32
        %shift_left3A_1090 = vector.broadcast %shift_left3A_1089 : i32 to vector<16xi32>
        %shift_left3A_1091 = arith.shli %get3A_1088, %shift_left3A_1090 : vector<16xi32>
        %bitcast3A_1092 = vector.bitcast %shift_left3A_1091 : vector<16xi32> to vector<16xf32>
        %and3A_1093 = arith.constant -65536 : i32
        %and3A_1094 = vector.broadcast %and3A_1093 : i32 to vector<16xi32>
        %and3A_1095 = arith.andi %get3A_1088, %and3A_1094 : vector<16xi32>
        %bitcast3A_1096 = vector.bitcast %and3A_1095 : vector<16xi32> to vector<16xf32>
        %mul3A_1097 = arith.mulf %bitcast3A_1092, %bitcast3A_352 : vector<16xf32>
        %mul3A_1098 = arith.mulf %bitcast3A_1096, %bitcast3A_424 : vector<16xf32>
        %add3A_1099 = arith.addf %mul3A_1097, %mul3A_1098 : vector<16xf32>
        %add3A_1100 = arith.addf %add3A_1085, %add3A_1099 : vector<16xf32>
        %broadcast_in_dim3A_1101 = arith.constant true
        %broadcast_in_dim3A_1102 = vector.broadcast %broadcast_in_dim3A_1101 : i1 to vector<16xi1>
        %masked_cumsum3A_1103 = tpu.scan <sum>, %add3A_1100 masked %broadcast_in_dim3A_1102 : vector<16xf32>, vector<16xi1> -> vector<16xf32>
        %lt3A_1104 = arith.constant 0 : i32
        %lt3A_1105 = vector.broadcast %lt3A_1104 : i32 to vector<16xi32>
        %lt3A_1106 = arith.cmpi slt, %broadcast_in_dim3A_426, %lt3A_1105 : vector<16xi32>
        %add3A_1107 = arith.constant 16 : i32
        %add3A_1108 = vector.broadcast %add3A_1107 : i32 to vector<16xi32>
        %add3A_1109 = arith.addi %broadcast_in_dim3A_426, %add3A_1108 : vector<16xi32>
        %select_n3A_1110 = arith.select %lt3A_1106, %add3A_1109, %broadcast_in_dim3A_426 : vector<16xi1>, vector<16xi32>
        %broadcast_in_dim3A_1111 = vector.shape_cast %select_n3A_1110 : vector<16xi32> to vector<16x1xi32>
        %gather3A_1112 = vector.shape_cast %broadcast_in_dim3A_1111 : vector<16x1xi32> to vector<16xi32>
        %gather3A_1113 = tpu.dynamic_gather %masked_cumsum3A_1103[%gather3A_1112] in [0] : vector<16xf32>, vector<16xi32> -> vector<16xf32>
        %eq3A_1114 = arith.constant 7 : i32
        %eq3A_1115 = vector.broadcast %eq3A_1114 : i32 to vector<16xi32>
        %eq3A_1116 = arith.cmpi eq, %iota3A_32, %eq3A_1115 : vector<16xi32>
        %select_n3A_1117 = arith.select %eq3A_1116, %gather3A_1113, %select_n3A_1037 : vector<16xi1>, vector<16xf32>
        %mul3A_1118 = arith.constant 16 : i32
        %mul3A_1119 = arith.muli %scan3A_475, %mul3A_1118 : i32
        %add3A_1120 = arith.constant 8 : i32
        %add3A_1121 = arith.addi %mul3A_1119, %add3A_1120 : i32
        %get3A_1122 = arith.index_cast %add3A_1121 : i32 to index
        %get3A_1123 = arith.constant 0 : index
        %get3A_1124 = tpu.vector_load %arg12[%get3A_1122, %get3A_1123] {strides = array<i32>} : memref<208x64xi32, #tpu.memory_space<vmem>>, vector<16xi32>,
        %shift_left3A_1125 = arith.constant 16 : i32
        %shift_left3A_1126 = vector.broadcast %shift_left3A_1125 : i32 to vector<16xi32>
        %shift_left3A_1127 = arith.shli %get3A_1124, %shift_left3A_1126 : vector<16xi32>
        %bitcast3A_1128 = vector.bitcast %shift_left3A_1127 : vector<16xi32> to vector<16xf32>
        %and3A_1129 = arith.constant -65536 : i32
        %and3A_1130 = vector.broadcast %and3A_1129 : i32 to vector<16xi32>
        %and3A_1131 = arith.andi %get3A_1124, %and3A_1130 : vector<16xi32>
        %bitcast3A_1132 = vector.bitcast %and3A_1131 : vector<16xi32> to vector<16xf32>
        %mul3A_1133 = arith.mulf %bitcast3A_1128, %bitcast3A_298 : vector<16xf32>
        %mul3A_1134 = arith.mulf %bitcast3A_1132, %bitcast3A_370 : vector<16xf32>
        %add3A_1135 = arith.addf %mul3A_1133, %mul3A_1134 : vector<16xf32>
        %get3A_1136 = arith.index_cast %add3A_1121 : i32 to index
        %get3A_1137 = arith.constant 16 : index
        %get3A_1138 = tpu.vector_load %arg12[%get3A_1136, %get3A_1137] {strides = array<i32>} : memref<208x64xi32, #tpu.memory_space<vmem>>, vector<16xi32>,
        %shift_left3A_1139 = arith.constant 16 : i32
        %shift_left3A_1140 = vector.broadcast %shift_left3A_1139 : i32 to vector<16xi32>
        %shift_left3A_1141 = arith.shli %get3A_1138, %shift_left3A_1140 : vector<16xi32>
        %bitcast3A_1142 = vector.bitcast %shift_left3A_1141 : vector<16xi32> to vector<16xf32>
        %and3A_1143 = arith.constant -65536 : i32
        %and3A_1144 = vector.broadcast %and3A_1143 : i32 to vector<16xi32>
        %and3A_1145 = arith.andi %get3A_1138, %and3A_1144 : vector<16xi32>
        %bitcast3A_1146 = vector.bitcast %and3A_1145 : vector<16xi32> to vector<16xf32>
        %mul3A_1147 = arith.mulf %bitcast3A_1142, %bitcast3A_316 : vector<16xf32>
        %mul3A_1148 = arith.mulf %bitcast3A_1146, %bitcast3A_388 : vector<16xf32>
        %add3A_1149 = arith.addf %mul3A_1147, %mul3A_1148 : vector<16xf32>
        %add3A_1150 = arith.addf %add3A_1135, %add3A_1149 : vector<16xf32>
        %get3A_1151 = arith.index_cast %add3A_1121 : i32 to index
        %get3A_1152 = arith.constant 32 : index
        %get3A_1153 = tpu.vector_load %arg12[%get3A_1151, %get3A_1152] {strides = array<i32>} : memref<208x64xi32, #tpu.memory_space<vmem>>, vector<16xi32>,
        %shift_left3A_1154 = arith.constant 16 : i32
        %shift_left3A_1155 = vector.broadcast %shift_left3A_1154 : i32 to vector<16xi32>
        %shift_left3A_1156 = arith.shli %get3A_1153, %shift_left3A_1155 : vector<16xi32>
        %bitcast3A_1157 = vector.bitcast %shift_left3A_1156 : vector<16xi32> to vector<16xf32>
        %and3A_1158 = arith.constant -65536 : i32
        %and3A_1159 = vector.broadcast %and3A_1158 : i32 to vector<16xi32>
        %and3A_1160 = arith.andi %get3A_1153, %and3A_1159 : vector<16xi32>
        %bitcast3A_1161 = vector.bitcast %and3A_1160 : vector<16xi32> to vector<16xf32>
        %mul3A_1162 = arith.mulf %bitcast3A_1157, %bitcast3A_334 : vector<16xf32>
        %mul3A_1163 = arith.mulf %bitcast3A_1161, %bitcast3A_406 : vector<16xf32>
        %add3A_1164 = arith.addf %mul3A_1162, %mul3A_1163 : vector<16xf32>
        %add3A_1165 = arith.addf %add3A_1150, %add3A_1164 : vector<16xf32>
        %get3A_1166 = arith.index_cast %add3A_1121 : i32 to index
        %get3A_1167 = arith.constant 48 : index
        %get3A_1168 = tpu.vector_load %arg12[%get3A_1166, %get3A_1167] {strides = array<i32>} : memref<208x64xi32, #tpu.memory_space<vmem>>, vector<16xi32>,
        %shift_left3A_1169 = arith.constant 16 : i32
        %shift_left3A_1170 = vector.broadcast %shift_left3A_1169 : i32 to vector<16xi32>
        %shift_left3A_1171 = arith.shli %get3A_1168, %shift_left3A_1170 : vector<16xi32>
        %bitcast3A_1172 = vector.bitcast %shift_left3A_1171 : vector<16xi32> to vector<16xf32>
        %and3A_1173 = arith.constant -65536 : i32
        %and3A_1174 = vector.broadcast %and3A_1173 : i32 to vector<16xi32>
        %and3A_1175 = arith.andi %get3A_1168, %and3A_1174 : vector<16xi32>
        %bitcast3A_1176 = vector.bitcast %and3A_1175 : vector<16xi32> to vector<16xf32>
        %mul3A_1177 = arith.mulf %bitcast3A_1172, %bitcast3A_352 : vector<16xf32>
        %mul3A_1178 = arith.mulf %bitcast3A_1176, %bitcast3A_424 : vector<16xf32>
        %add3A_1179 = arith.addf %mul3A_1177, %mul3A_1178 : vector<16xf32>
        %add3A_1180 = arith.addf %add3A_1165, %add3A_1179 : vector<16xf32>
        %broadcast_in_dim3A_1181 = arith.constant true
        %broadcast_in_dim3A_1182 = vector.broadcast %broadcast_in_dim3A_1181 : i1 to vector<16xi1>
        %masked_cumsum3A_1183 = tpu.scan <sum>, %add3A_1180 masked %broadcast_in_dim3A_1182 : vector<16xf32>, vector<16xi1> -> vector<16xf32>
        %lt3A_1184 = arith.constant 0 : i32
        %lt3A_1185 = vector.broadcast %lt3A_1184 : i32 to vector<16xi32>
        %lt3A_1186 = arith.cmpi slt, %broadcast_in_dim3A_426, %lt3A_1185 : vector<16xi32>
        %add3A_1187 = arith.constant 16 : i32
        %add3A_1188 = vector.broadcast %add3A_1187 : i32 to vector<16xi32>
        %add3A_1189 = arith.addi %broadcast_in_dim3A_426, %add3A_1188 : vector<16xi32>
        %select_n3A_1190 = arith.select %lt3A_1186, %add3A_1189, %broadcast_in_dim3A_426 : vector<16xi1>, vector<16xi32>
        %broadcast_in_dim3A_1191 = vector.shape_cast %select_n3A_1190 : vector<16xi32> to vector<16x1xi32>
        %gather3A_1192 = vector.shape_cast %broadcast_in_dim3A_1191 : vector<16x1xi32> to vector<16xi32>
        %gather3A_1193 = tpu.dynamic_gather %masked_cumsum3A_1183[%gather3A_1192] in [0] : vector<16xf32>, vector<16xi32> -> vector<16xf32>
        %eq3A_1194 = arith.constant 8 : i32
        %eq3A_1195 = vector.broadcast %eq3A_1194 : i32 to vector<16xi32>
        %eq3A_1196 = arith.cmpi eq, %iota3A_32, %eq3A_1195 : vector<16xi32>
        %select_n3A_1197 = arith.select %eq3A_1196, %gather3A_1193, %select_n3A_1117 : vector<16xi1>, vector<16xf32>
        %mul3A_1198 = arith.constant 16 : i32
        %mul3A_1199 = arith.muli %scan3A_475, %mul3A_1198 : i32
        %add3A_1200 = arith.constant 9 : i32
        %add3A_1201 = arith.addi %mul3A_1199, %add3A_1200 : i32
        %get3A_1202 = arith.index_cast %add3A_1201 : i32 to index
        %get3A_1203 = arith.constant 0 : index
        %get3A_1204 = tpu.vector_load %arg12[%get3A_1202, %get3A_1203] {strides = array<i32>} : memref<208x64xi32, #tpu.memory_space<vmem>>, vector<16xi32>,
        %shift_left3A_1205 = arith.constant 16 : i32
        %shift_left3A_1206 = vector.broadcast %shift_left3A_1205 : i32 to vector<16xi32>
        %shift_left3A_1207 = arith.shli %get3A_1204, %shift_left3A_1206 : vector<16xi32>
        %bitcast3A_1208 = vector.bitcast %shift_left3A_1207 : vector<16xi32> to vector<16xf32>
        %and3A_1209 = arith.constant -65536 : i32
        %and3A_1210 = vector.broadcast %and3A_1209 : i32 to vector<16xi32>
        %and3A_1211 = arith.andi %get3A_1204, %and3A_1210 : vector<16xi32>
        %bitcast3A_1212 = vector.bitcast %and3A_1211 : vector<16xi32> to vector<16xf32>
        %mul3A_1213 = arith.mulf %bitcast3A_1208, %bitcast3A_298 : vector<16xf32>
        %mul3A_1214 = arith.mulf %bitcast3A_1212, %bitcast3A_370 : vector<16xf32>
        %add3A_1215 = arith.addf %mul3A_1213, %mul3A_1214 : vector<16xf32>
        %get3A_1216 = arith.index_cast %add3A_1201 : i32 to index
        %get3A_1217 = arith.constant 16 : index
        %get3A_1218 = tpu.vector_load %arg12[%get3A_1216, %get3A_1217] {strides = array<i32>} : memref<208x64xi32, #tpu.memory_space<vmem>>, vector<16xi32>,
        %shift_left3A_1219 = arith.constant 16 : i32
        %shift_left3A_1220 = vector.broadcast %shift_left3A_1219 : i32 to vector<16xi32>
        %shift_left3A_1221 = arith.shli %get3A_1218, %shift_left3A_1220 : vector<16xi32>
        %bitcast3A_1222 = vector.bitcast %shift_left3A_1221 : vector<16xi32> to vector<16xf32>
        %and3A_1223 = arith.constant -65536 : i32
        %and3A_1224 = vector.broadcast %and3A_1223 : i32 to vector<16xi32>
        %and3A_1225 = arith.andi %get3A_1218, %and3A_1224 : vector<16xi32>
        %bitcast3A_1226 = vector.bitcast %and3A_1225 : vector<16xi32> to vector<16xf32>
        %mul3A_1227 = arith.mulf %bitcast3A_1222, %bitcast3A_316 : vector<16xf32>
        %mul3A_1228 = arith.mulf %bitcast3A_1226, %bitcast3A_388 : vector<16xf32>
        %add3A_1229 = arith.addf %mul3A_1227, %mul3A_1228 : vector<16xf32>
        %add3A_1230 = arith.addf %add3A_1215, %add3A_1229 : vector<16xf32>
        %get3A_1231 = arith.index_cast %add3A_1201 : i32 to index
        %get3A_1232 = arith.constant 32 : index
        %get3A_1233 = tpu.vector_load %arg12[%get3A_1231, %get3A_1232] {strides = array<i32>} : memref<208x64xi32, #tpu.memory_space<vmem>>, vector<16xi32>,
        %shift_left3A_1234 = arith.constant 16 : i32
        %shift_left3A_1235 = vector.broadcast %shift_left3A_1234 : i32 to vector<16xi32>
        %shift_left3A_1236 = arith.shli %get3A_1233, %shift_left3A_1235 : vector<16xi32>
        %bitcast3A_1237 = vector.bitcast %shift_left3A_1236 : vector<16xi32> to vector<16xf32>
        %and3A_1238 = arith.constant -65536 : i32
        %and3A_1239 = vector.broadcast %and3A_1238 : i32 to vector<16xi32>
        %and3A_1240 = arith.andi %get3A_1233, %and3A_1239 : vector<16xi32>
        %bitcast3A_1241 = vector.bitcast %and3A_1240 : vector<16xi32> to vector<16xf32>
        %mul3A_1242 = arith.mulf %bitcast3A_1237, %bitcast3A_334 : vector<16xf32>
        %mul3A_1243 = arith.mulf %bitcast3A_1241, %bitcast3A_406 : vector<16xf32>
        %add3A_1244 = arith.addf %mul3A_1242, %mul3A_1243 : vector<16xf32>
        %add3A_1245 = arith.addf %add3A_1230, %add3A_1244 : vector<16xf32>
        %get3A_1246 = arith.index_cast %add3A_1201 : i32 to index
        %get3A_1247 = arith.constant 48 : index
        %get3A_1248 = tpu.vector_load %arg12[%get3A_1246, %get3A_1247] {strides = array<i32>} : memref<208x64xi32, #tpu.memory_space<vmem>>, vector<16xi32>,
        %shift_left3A_1249 = arith.constant 16 : i32
        %shift_left3A_1250 = vector.broadcast %shift_left3A_1249 : i32 to vector<16xi32>
        %shift_left3A_1251 = arith.shli %get3A_1248, %shift_left3A_1250 : vector<16xi32>
        %bitcast3A_1252 = vector.bitcast %shift_left3A_1251 : vector<16xi32> to vector<16xf32>
        %and3A_1253 = arith.constant -65536 : i32
        %and3A_1254 = vector.broadcast %and3A_1253 : i32 to vector<16xi32>
        %and3A_1255 = arith.andi %get3A_1248, %and3A_1254 : vector<16xi32>
        %bitcast3A_1256 = vector.bitcast %and3A_1255 : vector<16xi32> to vector<16xf32>
        %mul3A_1257 = arith.mulf %bitcast3A_1252, %bitcast3A_352 : vector<16xf32>
        %mul3A_1258 = arith.mulf %bitcast3A_1256, %bitcast3A_424 : vector<16xf32>
        %add3A_1259 = arith.addf %mul3A_1257, %mul3A_1258 : vector<16xf32>
        %add3A_1260 = arith.addf %add3A_1245, %add3A_1259 : vector<16xf32>
        %broadcast_in_dim3A_1261 = arith.constant true
        %broadcast_in_dim3A_1262 = vector.broadcast %broadcast_in_dim3A_1261 : i1 to vector<16xi1>
        %masked_cumsum3A_1263 = tpu.scan <sum>, %add3A_1260 masked %broadcast_in_dim3A_1262 : vector<16xf32>, vector<16xi1> -> vector<16xf32>
        %lt3A_1264 = arith.constant 0 : i32
        %lt3A_1265 = vector.broadcast %lt3A_1264 : i32 to vector<16xi32>
        %lt3A_1266 = arith.cmpi slt, %broadcast_in_dim3A_426, %lt3A_1265 : vector<16xi32>
        %add3A_1267 = arith.constant 16 : i32
        %add3A_1268 = vector.broadcast %add3A_1267 : i32 to vector<16xi32>
        %add3A_1269 = arith.addi %broadcast_in_dim3A_426, %add3A_1268 : vector<16xi32>
        %select_n3A_1270 = arith.select %lt3A_1266, %add3A_1269, %broadcast_in_dim3A_426 : vector<16xi1>, vector<16xi32>
        %broadcast_in_dim3A_1271 = vector.shape_cast %select_n3A_1270 : vector<16xi32> to vector<16x1xi32>
        %gather3A_1272 = vector.shape_cast %broadcast_in_dim3A_1271 : vector<16x1xi32> to vector<16xi32>
        %gather3A_1273 = tpu.dynamic_gather %masked_cumsum3A_1263[%gather3A_1272] in [0] : vector<16xf32>, vector<16xi32> -> vector<16xf32>
        %eq3A_1274 = arith.constant 9 : i32
        %eq3A_1275 = vector.broadcast %eq3A_1274 : i32 to vector<16xi32>
        %eq3A_1276 = arith.cmpi eq, %iota3A_32, %eq3A_1275 : vector<16xi32>
        %select_n3A_1277 = arith.select %eq3A_1276, %gather3A_1273, %select_n3A_1197 : vector<16xi1>, vector<16xf32>
        %mul3A_1278 = arith.constant 16 : i32
        %mul3A_1279 = arith.muli %scan3A_475, %mul3A_1278 : i32
        %add3A_1280 = arith.constant 10 : i32
        %add3A_1281 = arith.addi %mul3A_1279, %add3A_1280 : i32
        %get3A_1282 = arith.index_cast %add3A_1281 : i32 to index
        %get3A_1283 = arith.constant 0 : index
        %get3A_1284 = tpu.vector_load %arg12[%get3A_1282, %get3A_1283] {strides = array<i32>} : memref<208x64xi32, #tpu.memory_space<vmem>>, vector<16xi32>,
        %shift_left3A_1285 = arith.constant 16 : i32
        %shift_left3A_1286 = vector.broadcast %shift_left3A_1285 : i32 to vector<16xi32>
        %shift_left3A_1287 = arith.shli %get3A_1284, %shift_left3A_1286 : vector<16xi32>
        %bitcast3A_1288 = vector.bitcast %shift_left3A_1287 : vector<16xi32> to vector<16xf32>
        %and3A_1289 = arith.constant -65536 : i32
        %and3A_1290 = vector.broadcast %and3A_1289 : i32 to vector<16xi32>
        %and3A_1291 = arith.andi %get3A_1284, %and3A_1290 : vector<16xi32>
        %bitcast3A_1292 = vector.bitcast %and3A_1291 : vector<16xi32> to vector<16xf32>
        %mul3A_1293 = arith.mulf %bitcast3A_1288, %bitcast3A_298 : vector<16xf32>
        %mul3A_1294 = arith.mulf %bitcast3A_1292, %bitcast3A_370 : vector<16xf32>
        %add3A_1295 = arith.addf %mul3A_1293, %mul3A_1294 : vector<16xf32>
        %get3A_1296 = arith.index_cast %add3A_1281 : i32 to index
        %get3A_1297 = arith.constant 16 : index
        %get3A_1298 = tpu.vector_load %arg12[%get3A_1296, %get3A_1297] {strides = array<i32>} : memref<208x64xi32, #tpu.memory_space<vmem>>, vector<16xi32>,
        %shift_left3A_1299 = arith.constant 16 : i32
        %shift_left3A_1300 = vector.broadcast %shift_left3A_1299 : i32 to vector<16xi32>
        %shift_left3A_1301 = arith.shli %get3A_1298, %shift_left3A_1300 : vector<16xi32>
        %bitcast3A_1302 = vector.bitcast %shift_left3A_1301 : vector<16xi32> to vector<16xf32>
        %and3A_1303 = arith.constant -65536 : i32
        %and3A_1304 = vector.broadcast %and3A_1303 : i32 to vector<16xi32>
        %and3A_1305 = arith.andi %get3A_1298, %and3A_1304 : vector<16xi32>
        %bitcast3A_1306 = vector.bitcast %and3A_1305 : vector<16xi32> to vector<16xf32>
        %mul3A_1307 = arith.mulf %bitcast3A_1302, %bitcast3A_316 : vector<16xf32>
        %mul3A_1308 = arith.mulf %bitcast3A_1306, %bitcast3A_388 : vector<16xf32>
        %add3A_1309 = arith.addf %mul3A_1307, %mul3A_1308 : vector<16xf32>
        %add3A_1310 = arith.addf %add3A_1295, %add3A_1309 : vector<16xf32>
        %get3A_1311 = arith.index_cast %add3A_1281 : i32 to index
        %get3A_1312 = arith.constant 32 : index
        %get3A_1313 = tpu.vector_load %arg12[%get3A_1311, %get3A_1312] {strides = array<i32>} : memref<208x64xi32, #tpu.memory_space<vmem>>, vector<16xi32>,
        %shift_left3A_1314 = arith.constant 16 : i32
        %shift_left3A_1315 = vector.broadcast %shift_left3A_1314 : i32 to vector<16xi32>
        %shift_left3A_1316 = arith.shli %get3A_1313, %shift_left3A_1315 : vector<16xi32>
        %bitcast3A_1317 = vector.bitcast %shift_left3A_1316 : vector<16xi32> to vector<16xf32>
        %and3A_1318 = arith.constant -65536 : i32
        %and3A_1319 = vector.broadcast %and3A_1318 : i32 to vector<16xi32>
        %and3A_1320 = arith.andi %get3A_1313, %and3A_1319 : vector<16xi32>
        %bitcast3A_1321 = vector.bitcast %and3A_1320 : vector<16xi32> to vector<16xf32>
        %mul3A_1322 = arith.mulf %bitcast3A_1317, %bitcast3A_334 : vector<16xf32>
        %mul3A_1323 = arith.mulf %bitcast3A_1321, %bitcast3A_406 : vector<16xf32>
        %add3A_1324 = arith.addf %mul3A_1322, %mul3A_1323 : vector<16xf32>
        %add3A_1325 = arith.addf %add3A_1310, %add3A_1324 : vector<16xf32>
        %get3A_1326 = arith.index_cast %add3A_1281 : i32 to index
        %get3A_1327 = arith.constant 48 : index
        %get3A_1328 = tpu.vector_load %arg12[%get3A_1326, %get3A_1327] {strides = array<i32>} : memref<208x64xi32, #tpu.memory_space<vmem>>, vector<16xi32>,
        %shift_left3A_1329 = arith.constant 16 : i32
        %shift_left3A_1330 = vector.broadcast %shift_left3A_1329 : i32 to vector<16xi32>
        %shift_left3A_1331 = arith.shli %get3A_1328, %shift_left3A_1330 : vector<16xi32>
        %bitcast3A_1332 = vector.bitcast %shift_left3A_1331 : vector<16xi32> to vector<16xf32>
        %and3A_1333 = arith.constant -65536 : i32
        %and3A_1334 = vector.broadcast %and3A_1333 : i32 to vector<16xi32>
        %and3A_1335 = arith.andi %get3A_1328, %and3A_1334 : vector<16xi32>
        %bitcast3A_1336 = vector.bitcast %and3A_1335 : vector<16xi32> to vector<16xf32>
        %mul3A_1337 = arith.mulf %bitcast3A_1332, %bitcast3A_352 : vector<16xf32>
        %mul3A_1338 = arith.mulf %bitcast3A_1336, %bitcast3A_424 : vector<16xf32>
        %add3A_1339 = arith.addf %mul3A_1337, %mul3A_1338 : vector<16xf32>
        %add3A_1340 = arith.addf %add3A_1325, %add3A_1339 : vector<16xf32>
        %broadcast_in_dim3A_1341 = arith.constant true
        %broadcast_in_dim3A_1342 = vector.broadcast %broadcast_in_dim3A_1341 : i1 to vector<16xi1>
        %masked_cumsum3A_1343 = tpu.scan <sum>, %add3A_1340 masked %broadcast_in_dim3A_1342 : vector<16xf32>, vector<16xi1> -> vector<16xf32>
        %lt3A_1344 = arith.constant 0 : i32
        %lt3A_1345 = vector.broadcast %lt3A_1344 : i32 to vector<16xi32>
        %lt3A_1346 = arith.cmpi slt, %broadcast_in_dim3A_426, %lt3A_1345 : vector<16xi32>
        %add3A_1347 = arith.constant 16 : i32
        %add3A_1348 = vector.broadcast %add3A_1347 : i32 to vector<16xi32>
        %add3A_1349 = arith.addi %broadcast_in_dim3A_426, %add3A_1348 : vector<16xi32>
        %select_n3A_1350 = arith.select %lt3A_1346, %add3A_1349, %broadcast_in_dim3A_426 : vector<16xi1>, vector<16xi32>
        %broadcast_in_dim3A_1351 = vector.shape_cast %select_n3A_1350 : vector<16xi32> to vector<16x1xi32>
        %gather3A_1352 = vector.shape_cast %broadcast_in_dim3A_1351 : vector<16x1xi32> to vector<16xi32>
        %gather3A_1353 = tpu.dynamic_gather %masked_cumsum3A_1343[%gather3A_1352] in [0] : vector<16xf32>, vector<16xi32> -> vector<16xf32>
        %eq3A_1354 = arith.constant 10 : i32
        %eq3A_1355 = vector.broadcast %eq3A_1354 : i32 to vector<16xi32>
        %eq3A_1356 = arith.cmpi eq, %iota3A_32, %eq3A_1355 : vector<16xi32>
        %select_n3A_1357 = arith.select %eq3A_1356, %gather3A_1353, %select_n3A_1277 : vector<16xi1>, vector<16xf32>
        %mul3A_1358 = arith.constant 16 : i32
        %mul3A_1359 = arith.muli %scan3A_475, %mul3A_1358 : i32
        %add3A_1360 = arith.constant 11 : i32
        %add3A_1361 = arith.addi %mul3A_1359, %add3A_1360 : i32
        %get3A_1362 = arith.index_cast %add3A_1361 : i32 to index
        %get3A_1363 = arith.constant 0 : index
        %get3A_1364 = tpu.vector_load %arg12[%get3A_1362, %get3A_1363] {strides = array<i32>} : memref<208x64xi32, #tpu.memory_space<vmem>>, vector<16xi32>,
        %shift_left3A_1365 = arith.constant 16 : i32
        %shift_left3A_1366 = vector.broadcast %shift_left3A_1365 : i32 to vector<16xi32>
        %shift_left3A_1367 = arith.shli %get3A_1364, %shift_left3A_1366 : vector<16xi32>
        %bitcast3A_1368 = vector.bitcast %shift_left3A_1367 : vector<16xi32> to vector<16xf32>
        %and3A_1369 = arith.constant -65536 : i32
        %and3A_1370 = vector.broadcast %and3A_1369 : i32 to vector<16xi32>
        %and3A_1371 = arith.andi %get3A_1364, %and3A_1370 : vector<16xi32>
        %bitcast3A_1372 = vector.bitcast %and3A_1371 : vector<16xi32> to vector<16xf32>
        %mul3A_1373 = arith.mulf %bitcast3A_1368, %bitcast3A_298 : vector<16xf32>
        %mul3A_1374 = arith.mulf %bitcast3A_1372, %bitcast3A_370 : vector<16xf32>
        %add3A_1375 = arith.addf %mul3A_1373, %mul3A_1374 : vector<16xf32>
        %get3A_1376 = arith.index_cast %add3A_1361 : i32 to index
        %get3A_1377 = arith.constant 16 : index
        %get3A_1378 = tpu.vector_load %arg12[%get3A_1376, %get3A_1377] {strides = array<i32>} : memref<208x64xi32, #tpu.memory_space<vmem>>, vector<16xi32>,
        %shift_left3A_1379 = arith.constant 16 : i32
        %shift_left3A_1380 = vector.broadcast %shift_left3A_1379 : i32 to vector<16xi32>
        %shift_left3A_1381 = arith.shli %get3A_1378, %shift_left3A_1380 : vector<16xi32>
        %bitcast3A_1382 = vector.bitcast %shift_left3A_1381 : vector<16xi32> to vector<16xf32>
        %and3A_1383 = arith.constant -65536 : i32
        %and3A_1384 = vector.broadcast %and3A_1383 : i32 to vector<16xi32>
        %and3A_1385 = arith.andi %get3A_1378, %and3A_1384 : vector<16xi32>
        %bitcast3A_1386 = vector.bitcast %and3A_1385 : vector<16xi32> to vector<16xf32>
        %mul3A_1387 = arith.mulf %bitcast3A_1382, %bitcast3A_316 : vector<16xf32>
        %mul3A_1388 = arith.mulf %bitcast3A_1386, %bitcast3A_388 : vector<16xf32>
        %add3A_1389 = arith.addf %mul3A_1387, %mul3A_1388 : vector<16xf32>
        %add3A_1390 = arith.addf %add3A_1375, %add3A_1389 : vector<16xf32>
        %get3A_1391 = arith.index_cast %add3A_1361 : i32 to index
        %get3A_1392 = arith.constant 32 : index
        %get3A_1393 = tpu.vector_load %arg12[%get3A_1391, %get3A_1392] {strides = array<i32>} : memref<208x64xi32, #tpu.memory_space<vmem>>, vector<16xi32>,
        %shift_left3A_1394 = arith.constant 16 : i32
        %shift_left3A_1395 = vector.broadcast %shift_left3A_1394 : i32 to vector<16xi32>
        %shift_left3A_1396 = arith.shli %get3A_1393, %shift_left3A_1395 : vector<16xi32>
        %bitcast3A_1397 = vector.bitcast %shift_left3A_1396 : vector<16xi32> to vector<16xf32>
        %and3A_1398 = arith.constant -65536 : i32
        %and3A_1399 = vector.broadcast %and3A_1398 : i32 to vector<16xi32>
        %and3A_1400 = arith.andi %get3A_1393, %and3A_1399 : vector<16xi32>
        %bitcast3A_1401 = vector.bitcast %and3A_1400 : vector<16xi32> to vector<16xf32>
        %mul3A_1402 = arith.mulf %bitcast3A_1397, %bitcast3A_334 : vector<16xf32>
        %mul3A_1403 = arith.mulf %bitcast3A_1401, %bitcast3A_406 : vector<16xf32>
        %add3A_1404 = arith.addf %mul3A_1402, %mul3A_1403 : vector<16xf32>
        %add3A_1405 = arith.addf %add3A_1390, %add3A_1404 : vector<16xf32>
        %get3A_1406 = arith.index_cast %add3A_1361 : i32 to index
        %get3A_1407 = arith.constant 48 : index
        %get3A_1408 = tpu.vector_load %arg12[%get3A_1406, %get3A_1407] {strides = array<i32>} : memref<208x64xi32, #tpu.memory_space<vmem>>, vector<16xi32>,
        %shift_left3A_1409 = arith.constant 16 : i32
        %shift_left3A_1410 = vector.broadcast %shift_left3A_1409 : i32 to vector<16xi32>
        %shift_left3A_1411 = arith.shli %get3A_1408, %shift_left3A_1410 : vector<16xi32>
        %bitcast3A_1412 = vector.bitcast %shift_left3A_1411 : vector<16xi32> to vector<16xf32>
        %and3A_1413 = arith.constant -65536 : i32
        %and3A_1414 = vector.broadcast %and3A_1413 : i32 to vector<16xi32>
        %and3A_1415 = arith.andi %get3A_1408, %and3A_1414 : vector<16xi32>
        %bitcast3A_1416 = vector.bitcast %and3A_1415 : vector<16xi32> to vector<16xf32>
        %mul3A_1417 = arith.mulf %bitcast3A_1412, %bitcast3A_352 : vector<16xf32>
        %mul3A_1418 = arith.mulf %bitcast3A_1416, %bitcast3A_424 : vector<16xf32>
        %add3A_1419 = arith.addf %mul3A_1417, %mul3A_1418 : vector<16xf32>
        %add3A_1420 = arith.addf %add3A_1405, %add3A_1419 : vector<16xf32>
        %broadcast_in_dim3A_1421 = arith.constant true
        %broadcast_in_dim3A_1422 = vector.broadcast %broadcast_in_dim3A_1421 : i1 to vector<16xi1>
        %masked_cumsum3A_1423 = tpu.scan <sum>, %add3A_1420 masked %broadcast_in_dim3A_1422 : vector<16xf32>, vector<16xi1> -> vector<16xf32>
        %lt3A_1424 = arith.constant 0 : i32
        %lt3A_1425 = vector.broadcast %lt3A_1424 : i32 to vector<16xi32>
        %lt3A_1426 = arith.cmpi slt, %broadcast_in_dim3A_426, %lt3A_1425 : vector<16xi32>
        %add3A_1427 = arith.constant 16 : i32
        %add3A_1428 = vector.broadcast %add3A_1427 : i32 to vector<16xi32>
        %add3A_1429 = arith.addi %broadcast_in_dim3A_426, %add3A_1428 : vector<16xi32>
        %select_n3A_1430 = arith.select %lt3A_1426, %add3A_1429, %broadcast_in_dim3A_426 : vector<16xi1>, vector<16xi32>
        %broadcast_in_dim3A_1431 = vector.shape_cast %select_n3A_1430 : vector<16xi32> to vector<16x1xi32>
        %gather3A_1432 = vector.shape_cast %broadcast_in_dim3A_1431 : vector<16x1xi32> to vector<16xi32>
        %gather3A_1433 = tpu.dynamic_gather %masked_cumsum3A_1423[%gather3A_1432] in [0] : vector<16xf32>, vector<16xi32> -> vector<16xf32>
        %eq3A_1434 = arith.constant 11 : i32
        %eq3A_1435 = vector.broadcast %eq3A_1434 : i32 to vector<16xi32>
        %eq3A_1436 = arith.cmpi eq, %iota3A_32, %eq3A_1435 : vector<16xi32>
        %select_n3A_1437 = arith.select %eq3A_1436, %gather3A_1433, %select_n3A_1357 : vector<16xi1>, vector<16xf32>
        %mul3A_1438 = arith.constant 16 : i32
        %mul3A_1439 = arith.muli %scan3A_475, %mul3A_1438 : i32
        %add3A_1440 = arith.constant 12 : i32
        %add3A_1441 = arith.addi %mul3A_1439, %add3A_1440 : i32
        %get3A_1442 = arith.index_cast %add3A_1441 : i32 to index
        %get3A_1443 = arith.constant 0 : index
        %get3A_1444 = tpu.vector_load %arg12[%get3A_1442, %get3A_1443] {strides = array<i32>} : memref<208x64xi32, #tpu.memory_space<vmem>>, vector<16xi32>,
        %shift_left3A_1445 = arith.constant 16 : i32
        %shift_left3A_1446 = vector.broadcast %shift_left3A_1445 : i32 to vector<16xi32>
        %shift_left3A_1447 = arith.shli %get3A_1444, %shift_left3A_1446 : vector<16xi32>
        %bitcast3A_1448 = vector.bitcast %shift_left3A_1447 : vector<16xi32> to vector<16xf32>
        %and3A_1449 = arith.constant -65536 : i32
        %and3A_1450 = vector.broadcast %and3A_1449 : i32 to vector<16xi32>
        %and3A_1451 = arith.andi %get3A_1444, %and3A_1450 : vector<16xi32>
        %bitcast3A_1452 = vector.bitcast %and3A_1451 : vector<16xi32> to vector<16xf32>
        %mul3A_1453 = arith.mulf %bitcast3A_1448, %bitcast3A_298 : vector<16xf32>
        %mul3A_1454 = arith.mulf %bitcast3A_1452, %bitcast3A_370 : vector<16xf32>
        %add3A_1455 = arith.addf %mul3A_1453, %mul3A_1454 : vector<16xf32>
        %get3A_1456 = arith.index_cast %add3A_1441 : i32 to index
        %get3A_1457 = arith.constant 16 : index
        %get3A_1458 = tpu.vector_load %arg12[%get3A_1456, %get3A_1457] {strides = array<i32>} : memref<208x64xi32, #tpu.memory_space<vmem>>, vector<16xi32>,
        %shift_left3A_1459 = arith.constant 16 : i32
        %shift_left3A_1460 = vector.broadcast %shift_left3A_1459 : i32 to vector<16xi32>
        %shift_left3A_1461 = arith.shli %get3A_1458, %shift_left3A_1460 : vector<16xi32>
        %bitcast3A_1462 = vector.bitcast %shift_left3A_1461 : vector<16xi32> to vector<16xf32>
        %and3A_1463 = arith.constant -65536 : i32
        %and3A_1464 = vector.broadcast %and3A_1463 : i32 to vector<16xi32>
        %and3A_1465 = arith.andi %get3A_1458, %and3A_1464 : vector<16xi32>
        %bitcast3A_1466 = vector.bitcast %and3A_1465 : vector<16xi32> to vector<16xf32>
        %mul3A_1467 = arith.mulf %bitcast3A_1462, %bitcast3A_316 : vector<16xf32>
        %mul3A_1468 = arith.mulf %bitcast3A_1466, %bitcast3A_388 : vector<16xf32>
        %add3A_1469 = arith.addf %mul3A_1467, %mul3A_1468 : vector<16xf32>
        %add3A_1470 = arith.addf %add3A_1455, %add3A_1469 : vector<16xf32>
        %get3A_1471 = arith.index_cast %add3A_1441 : i32 to index
        %get3A_1472 = arith.constant 32 : index
        %get3A_1473 = tpu.vector_load %arg12[%get3A_1471, %get3A_1472] {strides = array<i32>} : memref<208x64xi32, #tpu.memory_space<vmem>>, vector<16xi32>,
        %shift_left3A_1474 = arith.constant 16 : i32
        %shift_left3A_1475 = vector.broadcast %shift_left3A_1474 : i32 to vector<16xi32>
        %shift_left3A_1476 = arith.shli %get3A_1473, %shift_left3A_1475 : vector<16xi32>
        %bitcast3A_1477 = vector.bitcast %shift_left3A_1476 : vector<16xi32> to vector<16xf32>
        %and3A_1478 = arith.constant -65536 : i32
        %and3A_1479 = vector.broadcast %and3A_1478 : i32 to vector<16xi32>
        %and3A_1480 = arith.andi %get3A_1473, %and3A_1479 : vector<16xi32>
        %bitcast3A_1481 = vector.bitcast %and3A_1480 : vector<16xi32> to vector<16xf32>
        %mul3A_1482 = arith.mulf %bitcast3A_1477, %bitcast3A_334 : vector<16xf32>
        %mul3A_1483 = arith.mulf %bitcast3A_1481, %bitcast3A_406 : vector<16xf32>
        %add3A_1484 = arith.addf %mul3A_1482, %mul3A_1483 : vector<16xf32>
        %add3A_1485 = arith.addf %add3A_1470, %add3A_1484 : vector<16xf32>
        %get3A_1486 = arith.index_cast %add3A_1441 : i32 to index
        %get3A_1487 = arith.constant 48 : index
        %get3A_1488 = tpu.vector_load %arg12[%get3A_1486, %get3A_1487] {strides = array<i32>} : memref<208x64xi32, #tpu.memory_space<vmem>>, vector<16xi32>,
        %shift_left3A_1489 = arith.constant 16 : i32
        %shift_left3A_1490 = vector.broadcast %shift_left3A_1489 : i32 to vector<16xi32>
        %shift_left3A_1491 = arith.shli %get3A_1488, %shift_left3A_1490 : vector<16xi32>
        %bitcast3A_1492 = vector.bitcast %shift_left3A_1491 : vector<16xi32> to vector<16xf32>
        %and3A_1493 = arith.constant -65536 : i32
        %and3A_1494 = vector.broadcast %and3A_1493 : i32 to vector<16xi32>
        %and3A_1495 = arith.andi %get3A_1488, %and3A_1494 : vector<16xi32>
        %bitcast3A_1496 = vector.bitcast %and3A_1495 : vector<16xi32> to vector<16xf32>
        %mul3A_1497 = arith.mulf %bitcast3A_1492, %bitcast3A_352 : vector<16xf32>
        %mul3A_1498 = arith.mulf %bitcast3A_1496, %bitcast3A_424 : vector<16xf32>
        %add3A_1499 = arith.addf %mul3A_1497, %mul3A_1498 : vector<16xf32>
        %add3A_1500 = arith.addf %add3A_1485, %add3A_1499 : vector<16xf32>
        %broadcast_in_dim3A_1501 = arith.constant true
        %broadcast_in_dim3A_1502 = vector.broadcast %broadcast_in_dim3A_1501 : i1 to vector<16xi1>
        %masked_cumsum3A_1503 = tpu.scan <sum>, %add3A_1500 masked %broadcast_in_dim3A_1502 : vector<16xf32>, vector<16xi1> -> vector<16xf32>
        %lt3A_1504 = arith.constant 0 : i32
        %lt3A_1505 = vector.broadcast %lt3A_1504 : i32 to vector<16xi32>
        %lt3A_1506 = arith.cmpi slt, %broadcast_in_dim3A_426, %lt3A_1505 : vector<16xi32>
        %add3A_1507 = arith.constant 16 : i32
        %add3A_1508 = vector.broadcast %add3A_1507 : i32 to vector<16xi32>
        %add3A_1509 = arith.addi %broadcast_in_dim3A_426, %add3A_1508 : vector<16xi32>
        %select_n3A_1510 = arith.select %lt3A_1506, %add3A_1509, %broadcast_in_dim3A_426 : vector<16xi1>, vector<16xi32>
        %broadcast_in_dim3A_1511 = vector.shape_cast %select_n3A_1510 : vector<16xi32> to vector<16x1xi32>
        %gather3A_1512 = vector.shape_cast %broadcast_in_dim3A_1511 : vector<16x1xi32> to vector<16xi32>
        %gather3A_1513 = tpu.dynamic_gather %masked_cumsum3A_1503[%gather3A_1512] in [0] : vector<16xf32>, vector<16xi32> -> vector<16xf32>
        %eq3A_1514 = arith.constant 12 : i32
        %eq3A_1515 = vector.broadcast %eq3A_1514 : i32 to vector<16xi32>
        %eq3A_1516 = arith.cmpi eq, %iota3A_32, %eq3A_1515 : vector<16xi32>
        %select_n3A_1517 = arith.select %eq3A_1516, %gather3A_1513, %select_n3A_1437 : vector<16xi1>, vector<16xf32>
        %mul3A_1518 = arith.constant 16 : i32
        %mul3A_1519 = arith.muli %scan3A_475, %mul3A_1518 : i32
        %add3A_1520 = arith.constant 13 : i32
        %add3A_1521 = arith.addi %mul3A_1519, %add3A_1520 : i32
        %get3A_1522 = arith.index_cast %add3A_1521 : i32 to index
        %get3A_1523 = arith.constant 0 : index
        %get3A_1524 = tpu.vector_load %arg12[%get3A_1522, %get3A_1523] {strides = array<i32>} : memref<208x64xi32, #tpu.memory_space<vmem>>, vector<16xi32>,
        %shift_left3A_1525 = arith.constant 16 : i32
        %shift_left3A_1526 = vector.broadcast %shift_left3A_1525 : i32 to vector<16xi32>
        %shift_left3A_1527 = arith.shli %get3A_1524, %shift_left3A_1526 : vector<16xi32>
        %bitcast3A_1528 = vector.bitcast %shift_left3A_1527 : vector<16xi32> to vector<16xf32>
        %and3A_1529 = arith.constant -65536 : i32
        %and3A_1530 = vector.broadcast %and3A_1529 : i32 to vector<16xi32>
        %and3A_1531 = arith.andi %get3A_1524, %and3A_1530 : vector<16xi32>
        %bitcast3A_1532 = vector.bitcast %and3A_1531 : vector<16xi32> to vector<16xf32>
        %mul3A_1533 = arith.mulf %bitcast3A_1528, %bitcast3A_298 : vector<16xf32>
        %mul3A_1534 = arith.mulf %bitcast3A_1532, %bitcast3A_370 : vector<16xf32>
        %add3A_1535 = arith.addf %mul3A_1533, %mul3A_1534 : vector<16xf32>
        %get3A_1536 = arith.index_cast %add3A_1521 : i32 to index
        %get3A_1537 = arith.constant 16 : index
        %get3A_1538 = tpu.vector_load %arg12[%get3A_1536, %get3A_1537] {strides = array<i32>} : memref<208x64xi32, #tpu.memory_space<vmem>>, vector<16xi32>,
        %shift_left3A_1539 = arith.constant 16 : i32
        %shift_left3A_1540 = vector.broadcast %shift_left3A_1539 : i32 to vector<16xi32>
        %shift_left3A_1541 = arith.shli %get3A_1538, %shift_left3A_1540 : vector<16xi32>
        %bitcast3A_1542 = vector.bitcast %shift_left3A_1541 : vector<16xi32> to vector<16xf32>
        %and3A_1543 = arith.constant -65536 : i32
        %and3A_1544 = vector.broadcast %and3A_1543 : i32 to vector<16xi32>
        %and3A_1545 = arith.andi %get3A_1538, %and3A_1544 : vector<16xi32>
        %bitcast3A_1546 = vector.bitcast %and3A_1545 : vector<16xi32> to vector<16xf32>
        %mul3A_1547 = arith.mulf %bitcast3A_1542, %bitcast3A_316 : vector<16xf32>
        %mul3A_1548 = arith.mulf %bitcast3A_1546, %bitcast3A_388 : vector<16xf32>
        %add3A_1549 = arith.addf %mul3A_1547, %mul3A_1548 : vector<16xf32>
        %add3A_1550 = arith.addf %add3A_1535, %add3A_1549 : vector<16xf32>
        %get3A_1551 = arith.index_cast %add3A_1521 : i32 to index
        %get3A_1552 = arith.constant 32 : index
        %get3A_1553 = tpu.vector_load %arg12[%get3A_1551, %get3A_1552] {strides = array<i32>} : memref<208x64xi32, #tpu.memory_space<vmem>>, vector<16xi32>,
        %shift_left3A_1554 = arith.constant 16 : i32
        %shift_left3A_1555 = vector.broadcast %shift_left3A_1554 : i32 to vector<16xi32>
        %shift_left3A_1556 = arith.shli %get3A_1553, %shift_left3A_1555 : vector<16xi32>
        %bitcast3A_1557 = vector.bitcast %shift_left3A_1556 : vector<16xi32> to vector<16xf32>
        %and3A_1558 = arith.constant -65536 : i32
        %and3A_1559 = vector.broadcast %and3A_1558 : i32 to vector<16xi32>
        %and3A_1560 = arith.andi %get3A_1553, %and3A_1559 : vector<16xi32>
        %bitcast3A_1561 = vector.bitcast %and3A_1560 : vector<16xi32> to vector<16xf32>
        %mul3A_1562 = arith.mulf %bitcast3A_1557, %bitcast3A_334 : vector<16xf32>
        %mul3A_1563 = arith.mulf %bitcast3A_1561, %bitcast3A_406 : vector<16xf32>
        %add3A_1564 = arith.addf %mul3A_1562, %mul3A_1563 : vector<16xf32>
        %add3A_1565 = arith.addf %add3A_1550, %add3A_1564 : vector<16xf32>
        %get3A_1566 = arith.index_cast %add3A_1521 : i32 to index
        %get3A_1567 = arith.constant 48 : index
        %get3A_1568 = tpu.vector_load %arg12[%get3A_1566, %get3A_1567] {strides = array<i32>} : memref<208x64xi32, #tpu.memory_space<vmem>>, vector<16xi32>,
        %shift_left3A_1569 = arith.constant 16 : i32
        %shift_left3A_1570 = vector.broadcast %shift_left3A_1569 : i32 to vector<16xi32>
        %shift_left3A_1571 = arith.shli %get3A_1568, %shift_left3A_1570 : vector<16xi32>
        %bitcast3A_1572 = vector.bitcast %shift_left3A_1571 : vector<16xi32> to vector<16xf32>
        %and3A_1573 = arith.constant -65536 : i32
        %and3A_1574 = vector.broadcast %and3A_1573 : i32 to vector<16xi32>
        %and3A_1575 = arith.andi %get3A_1568, %and3A_1574 : vector<16xi32>
        %bitcast3A_1576 = vector.bitcast %and3A_1575 : vector<16xi32> to vector<16xf32>
        %mul3A_1577 = arith.mulf %bitcast3A_1572, %bitcast3A_352 : vector<16xf32>
        %mul3A_1578 = arith.mulf %bitcast3A_1576, %bitcast3A_424 : vector<16xf32>
        %add3A_1579 = arith.addf %mul3A_1577, %mul3A_1578 : vector<16xf32>
        %add3A_1580 = arith.addf %add3A_1565, %add3A_1579 : vector<16xf32>
        %broadcast_in_dim3A_1581 = arith.constant true
        %broadcast_in_dim3A_1582 = vector.broadcast %broadcast_in_dim3A_1581 : i1 to vector<16xi1>
        %masked_cumsum3A_1583 = tpu.scan <sum>, %add3A_1580 masked %broadcast_in_dim3A_1582 : vector<16xf32>, vector<16xi1> -> vector<16xf32>
        %lt3A_1584 = arith.constant 0 : i32
        %lt3A_1585 = vector.broadcast %lt3A_1584 : i32 to vector<16xi32>
        %lt3A_1586 = arith.cmpi slt, %broadcast_in_dim3A_426, %lt3A_1585 : vector<16xi32>
        %add3A_1587 = arith.constant 16 : i32
        %add3A_1588 = vector.broadcast %add3A_1587 : i32 to vector<16xi32>
        %add3A_1589 = arith.addi %broadcast_in_dim3A_426, %add3A_1588 : vector<16xi32>
        %select_n3A_1590 = arith.select %lt3A_1586, %add3A_1589, %broadcast_in_dim3A_426 : vector<16xi1>, vector<16xi32>
        %broadcast_in_dim3A_1591 = vector.shape_cast %select_n3A_1590 : vector<16xi32> to vector<16x1xi32>
        %gather3A_1592 = vector.shape_cast %broadcast_in_dim3A_1591 : vector<16x1xi32> to vector<16xi32>
        %gather3A_1593 = tpu.dynamic_gather %masked_cumsum3A_1583[%gather3A_1592] in [0] : vector<16xf32>, vector<16xi32> -> vector<16xf32>
        %eq3A_1594 = arith.constant 13 : i32
        %eq3A_1595 = vector.broadcast %eq3A_1594 : i32 to vector<16xi32>
        %eq3A_1596 = arith.cmpi eq, %iota3A_32, %eq3A_1595 : vector<16xi32>
        %select_n3A_1597 = arith.select %eq3A_1596, %gather3A_1593, %select_n3A_1517 : vector<16xi1>, vector<16xf32>
        %mul3A_1598 = arith.constant 16 : i32
        %mul3A_1599 = arith.muli %scan3A_475, %mul3A_1598 : i32
        %add3A_1600 = arith.constant 14 : i32
        %add3A_1601 = arith.addi %mul3A_1599, %add3A_1600 : i32
        %get3A_1602 = arith.index_cast %add3A_1601 : i32 to index
        %get3A_1603 = arith.constant 0 : index
        %get3A_1604 = tpu.vector_load %arg12[%get3A_1602, %get3A_1603] {strides = array<i32>} : memref<208x64xi32, #tpu.memory_space<vmem>>, vector<16xi32>,
        %shift_left3A_1605 = arith.constant 16 : i32
        %shift_left3A_1606 = vector.broadcast %shift_left3A_1605 : i32 to vector<16xi32>
        %shift_left3A_1607 = arith.shli %get3A_1604, %shift_left3A_1606 : vector<16xi32>
        %bitcast3A_1608 = vector.bitcast %shift_left3A_1607 : vector<16xi32> to vector<16xf32>
        %and3A_1609 = arith.constant -65536 : i32
        %and3A_1610 = vector.broadcast %and3A_1609 : i32 to vector<16xi32>
        %and3A_1611 = arith.andi %get3A_1604, %and3A_1610 : vector<16xi32>
        %bitcast3A_1612 = vector.bitcast %and3A_1611 : vector<16xi32> to vector<16xf32>
        %mul3A_1613 = arith.mulf %bitcast3A_1608, %bitcast3A_298 : vector<16xf32>
        %mul3A_1614 = arith.mulf %bitcast3A_1612, %bitcast3A_370 : vector<16xf32>
        %add3A_1615 = arith.addf %mul3A_1613, %mul3A_1614 : vector<16xf32>
        %get3A_1616 = arith.index_cast %add3A_1601 : i32 to index
        %get3A_1617 = arith.constant 16 : index
        %get3A_1618 = tpu.vector_load %arg12[%get3A_1616, %get3A_1617] {strides = array<i32>} : memref<208x64xi32, #tpu.memory_space<vmem>>, vector<16xi32>,
        %shift_left3A_1619 = arith.constant 16 : i32
        %shift_left3A_1620 = vector.broadcast %shift_left3A_1619 : i32 to vector<16xi32>
        %shift_left3A_1621 = arith.shli %get3A_1618, %shift_left3A_1620 : vector<16xi32>
        %bitcast3A_1622 = vector.bitcast %shift_left3A_1621 : vector<16xi32> to vector<16xf32>
        %and3A_1623 = arith.constant -65536 : i32
        %and3A_1624 = vector.broadcast %and3A_1623 : i32 to vector<16xi32>
        %and3A_1625 = arith.andi %get3A_1618, %and3A_1624 : vector<16xi32>
        %bitcast3A_1626 = vector.bitcast %and3A_1625 : vector<16xi32> to vector<16xf32>
        %mul3A_1627 = arith.mulf %bitcast3A_1622, %bitcast3A_316 : vector<16xf32>
        %mul3A_1628 = arith.mulf %bitcast3A_1626, %bitcast3A_388 : vector<16xf32>
        %add3A_1629 = arith.addf %mul3A_1627, %mul3A_1628 : vector<16xf32>
        %add3A_1630 = arith.addf %add3A_1615, %add3A_1629 : vector<16xf32>
        %get3A_1631 = arith.index_cast %add3A_1601 : i32 to index
        %get3A_1632 = arith.constant 32 : index
        %get3A_1633 = tpu.vector_load %arg12[%get3A_1631, %get3A_1632] {strides = array<i32>} : memref<208x64xi32, #tpu.memory_space<vmem>>, vector<16xi32>,
        %shift_left3A_1634 = arith.constant 16 : i32
        %shift_left3A_1635 = vector.broadcast %shift_left3A_1634 : i32 to vector<16xi32>
        %shift_left3A_1636 = arith.shli %get3A_1633, %shift_left3A_1635 : vector<16xi32>
        %bitcast3A_1637 = vector.bitcast %shift_left3A_1636 : vector<16xi32> to vector<16xf32>
        %and3A_1638 = arith.constant -65536 : i32
        %and3A_1639 = vector.broadcast %and3A_1638 : i32 to vector<16xi32>
        %and3A_1640 = arith.andi %get3A_1633, %and3A_1639 : vector<16xi32>
        %bitcast3A_1641 = vector.bitcast %and3A_1640 : vector<16xi32> to vector<16xf32>
        %mul3A_1642 = arith.mulf %bitcast3A_1637, %bitcast3A_334 : vector<16xf32>
        %mul3A_1643 = arith.mulf %bitcast3A_1641, %bitcast3A_406 : vector<16xf32>
        %add3A_1644 = arith.addf %mul3A_1642, %mul3A_1643 : vector<16xf32>
        %add3A_1645 = arith.addf %add3A_1630, %add3A_1644 : vector<16xf32>
        %get3A_1646 = arith.index_cast %add3A_1601 : i32 to index
        %get3A_1647 = arith.constant 48 : index
        %get3A_1648 = tpu.vector_load %arg12[%get3A_1646, %get3A_1647] {strides = array<i32>} : memref<208x64xi32, #tpu.memory_space<vmem>>, vector<16xi32>,
        %shift_left3A_1649 = arith.constant 16 : i32
        %shift_left3A_1650 = vector.broadcast %shift_left3A_1649 : i32 to vector<16xi32>
        %shift_left3A_1651 = arith.shli %get3A_1648, %shift_left3A_1650 : vector<16xi32>
        %bitcast3A_1652 = vector.bitcast %shift_left3A_1651 : vector<16xi32> to vector<16xf32>
        %and3A_1653 = arith.constant -65536 : i32
        %and3A_1654 = vector.broadcast %and3A_1653 : i32 to vector<16xi32>
        %and3A_1655 = arith.andi %get3A_1648, %and3A_1654 : vector<16xi32>
        %bitcast3A_1656 = vector.bitcast %and3A_1655 : vector<16xi32> to vector<16xf32>
        %mul3A_1657 = arith.mulf %bitcast3A_1652, %bitcast3A_352 : vector<16xf32>
        %mul3A_1658 = arith.mulf %bitcast3A_1656, %bitcast3A_424 : vector<16xf32>
        %add3A_1659 = arith.addf %mul3A_1657, %mul3A_1658 : vector<16xf32>
        %add3A_1660 = arith.addf %add3A_1645, %add3A_1659 : vector<16xf32>
        %broadcast_in_dim3A_1661 = arith.constant true
        %broadcast_in_dim3A_1662 = vector.broadcast %broadcast_in_dim3A_1661 : i1 to vector<16xi1>
        %masked_cumsum3A_1663 = tpu.scan <sum>, %add3A_1660 masked %broadcast_in_dim3A_1662 : vector<16xf32>, vector<16xi1> -> vector<16xf32>
        %lt3A_1664 = arith.constant 0 : i32
        %lt3A_1665 = vector.broadcast %lt3A_1664 : i32 to vector<16xi32>
        %lt3A_1666 = arith.cmpi slt, %broadcast_in_dim3A_426, %lt3A_1665 : vector<16xi32>
        %add3A_1667 = arith.constant 16 : i32
        %add3A_1668 = vector.broadcast %add3A_1667 : i32 to vector<16xi32>
        %add3A_1669 = arith.addi %broadcast_in_dim3A_426, %add3A_1668 : vector<16xi32>
        %select_n3A_1670 = arith.select %lt3A_1666, %add3A_1669, %broadcast_in_dim3A_426 : vector<16xi1>, vector<16xi32>
        %broadcast_in_dim3A_1671 = vector.shape_cast %select_n3A_1670 : vector<16xi32> to vector<16x1xi32>
        %gather3A_1672 = vector.shape_cast %broadcast_in_dim3A_1671 : vector<16x1xi32> to vector<16xi32>
        %gather3A_1673 = tpu.dynamic_gather %masked_cumsum3A_1663[%gather3A_1672] in [0] : vector<16xf32>, vector<16xi32> -> vector<16xf32>
        %eq3A_1674 = arith.constant 14 : i32
        %eq3A_1675 = vector.broadcast %eq3A_1674 : i32 to vector<16xi32>
        %eq3A_1676 = arith.cmpi eq, %iota3A_32, %eq3A_1675 : vector<16xi32>
        %select_n3A_1677 = arith.select %eq3A_1676, %gather3A_1673, %select_n3A_1597 : vector<16xi1>, vector<16xf32>
        %mul3A_1678 = arith.constant 16 : i32
        %mul3A_1679 = arith.muli %scan3A_475, %mul3A_1678 : i32
        %add3A_1680 = arith.constant 15 : i32
        %add3A_1681 = arith.addi %mul3A_1679, %add3A_1680 : i32
        %get3A_1682 = arith.index_cast %add3A_1681 : i32 to index
        %get3A_1683 = arith.constant 0 : index
        %get3A_1684 = tpu.vector_load %arg12[%get3A_1682, %get3A_1683] {strides = array<i32>} : memref<208x64xi32, #tpu.memory_space<vmem>>, vector<16xi32>,
        %shift_left3A_1685 = arith.constant 16 : i32
        %shift_left3A_1686 = vector.broadcast %shift_left3A_1685 : i32 to vector<16xi32>
        %shift_left3A_1687 = arith.shli %get3A_1684, %shift_left3A_1686 : vector<16xi32>
        %bitcast3A_1688 = vector.bitcast %shift_left3A_1687 : vector<16xi32> to vector<16xf32>
        %and3A_1689 = arith.constant -65536 : i32
        %and3A_1690 = vector.broadcast %and3A_1689 : i32 to vector<16xi32>
        %and3A_1691 = arith.andi %get3A_1684, %and3A_1690 : vector<16xi32>
        %bitcast3A_1692 = vector.bitcast %and3A_1691 : vector<16xi32> to vector<16xf32>
        %mul3A_1693 = arith.mulf %bitcast3A_1688, %bitcast3A_298 : vector<16xf32>
        %mul3A_1694 = arith.mulf %bitcast3A_1692, %bitcast3A_370 : vector<16xf32>
        %add3A_1695 = arith.addf %mul3A_1693, %mul3A_1694 : vector<16xf32>
        %get3A_1696 = arith.index_cast %add3A_1681 : i32 to index
        %get3A_1697 = arith.constant 16 : index
        %get3A_1698 = tpu.vector_load %arg12[%get3A_1696, %get3A_1697] {strides = array<i32>} : memref<208x64xi32, #tpu.memory_space<vmem>>, vector<16xi32>,
        %shift_left3A_1699 = arith.constant 16 : i32
        %shift_left3A_1700 = vector.broadcast %shift_left3A_1699 : i32 to vector<16xi32>
        %shift_left3A_1701 = arith.shli %get3A_1698, %shift_left3A_1700 : vector<16xi32>
        %bitcast3A_1702 = vector.bitcast %shift_left3A_1701 : vector<16xi32> to vector<16xf32>
        %and3A_1703 = arith.constant -65536 : i32
        %and3A_1704 = vector.broadcast %and3A_1703 : i32 to vector<16xi32>
        %and3A_1705 = arith.andi %get3A_1698, %and3A_1704 : vector<16xi32>
        %bitcast3A_1706 = vector.bitcast %and3A_1705 : vector<16xi32> to vector<16xf32>
        %mul3A_1707 = arith.mulf %bitcast3A_1702, %bitcast3A_316 : vector<16xf32>
        %mul3A_1708 = arith.mulf %bitcast3A_1706, %bitcast3A_388 : vector<16xf32>
        %add3A_1709 = arith.addf %mul3A_1707, %mul3A_1708 : vector<16xf32>
        %add3A_1710 = arith.addf %add3A_1695, %add3A_1709 : vector<16xf32>
        %get3A_1711 = arith.index_cast %add3A_1681 : i32 to index
        %get3A_1712 = arith.constant 32 : index
        %get3A_1713 = tpu.vector_load %arg12[%get3A_1711, %get3A_1712] {strides = array<i32>} : memref<208x64xi32, #tpu.memory_space<vmem>>, vector<16xi32>,
        %shift_left3A_1714 = arith.constant 16 : i32
        %shift_left3A_1715 = vector.broadcast %shift_left3A_1714 : i32 to vector<16xi32>
        %shift_left3A_1716 = arith.shli %get3A_1713, %shift_left3A_1715 : vector<16xi32>
        %bitcast3A_1717 = vector.bitcast %shift_left3A_1716 : vector<16xi32> to vector<16xf32>
        %and3A_1718 = arith.constant -65536 : i32
        %and3A_1719 = vector.broadcast %and3A_1718 : i32 to vector<16xi32>
        %and3A_1720 = arith.andi %get3A_1713, %and3A_1719 : vector<16xi32>
        %bitcast3A_1721 = vector.bitcast %and3A_1720 : vector<16xi32> to vector<16xf32>
        %mul3A_1722 = arith.mulf %bitcast3A_1717, %bitcast3A_334 : vector<16xf32>
        %mul3A_1723 = arith.mulf %bitcast3A_1721, %bitcast3A_406 : vector<16xf32>
        %add3A_1724 = arith.addf %mul3A_1722, %mul3A_1723 : vector<16xf32>
        %add3A_1725 = arith.addf %add3A_1710, %add3A_1724 : vector<16xf32>
        %get3A_1726 = arith.index_cast %add3A_1681 : i32 to index
        %get3A_1727 = arith.constant 48 : index
        %get3A_1728 = tpu.vector_load %arg12[%get3A_1726, %get3A_1727] {strides = array<i32>} : memref<208x64xi32, #tpu.memory_space<vmem>>, vector<16xi32>,
        %shift_left3A_1729 = arith.constant 16 : i32
        %shift_left3A_1730 = vector.broadcast %shift_left3A_1729 : i32 to vector<16xi32>
        %shift_left3A_1731 = arith.shli %get3A_1728, %shift_left3A_1730 : vector<16xi32>
        %bitcast3A_1732 = vector.bitcast %shift_left3A_1731 : vector<16xi32> to vector<16xf32>
        %and3A_1733 = arith.constant -65536 : i32
        %and3A_1734 = vector.broadcast %and3A_1733 : i32 to vector<16xi32>
        %and3A_1735 = arith.andi %get3A_1728, %and3A_1734 : vector<16xi32>
        %bitcast3A_1736 = vector.bitcast %and3A_1735 : vector<16xi32> to vector<16xf32>
        %mul3A_1737 = arith.mulf %bitcast3A_1732, %bitcast3A_352 : vector<16xf32>
        %mul3A_1738 = arith.mulf %bitcast3A_1736, %bitcast3A_424 : vector<16xf32>
        %add3A_1739 = arith.addf %mul3A_1737, %mul3A_1738 : vector<16xf32>
        %add3A_1740 = arith.addf %add3A_1725, %add3A_1739 : vector<16xf32>
        %broadcast_in_dim3A_1741 = arith.constant true
        %broadcast_in_dim3A_1742 = vector.broadcast %broadcast_in_dim3A_1741 : i1 to vector<16xi1>
        %masked_cumsum3A_1743 = tpu.scan <sum>, %add3A_1740 masked %broadcast_in_dim3A_1742 : vector<16xf32>, vector<16xi1> -> vector<16xf32>
        %lt3A_1744 = arith.constant 0 : i32
        %lt3A_1745 = vector.broadcast %lt3A_1744 : i32 to vector<16xi32>
        %lt3A_1746 = arith.cmpi slt, %broadcast_in_dim3A_426, %lt3A_1745 : vector<16xi32>
        %add3A_1747 = arith.constant 16 : i32
        %add3A_1748 = vector.broadcast %add3A_1747 : i32 to vector<16xi32>
        %add3A_1749 = arith.addi %broadcast_in_dim3A_426, %add3A_1748 : vector<16xi32>
        %select_n3A_1750 = arith.select %lt3A_1746, %add3A_1749, %broadcast_in_dim3A_426 : vector<16xi1>, vector<16xi32>
        %broadcast_in_dim3A_1751 = vector.shape_cast %select_n3A_1750 : vector<16xi32> to vector<16x1xi32>
        %gather3A_1752 = vector.shape_cast %broadcast_in_dim3A_1751 : vector<16x1xi32> to vector<16xi32>
        %gather3A_1753 = tpu.dynamic_gather %masked_cumsum3A_1743[%gather3A_1752] in [0] : vector<16xf32>, vector<16xi32> -> vector<16xf32>
        %eq3A_1754 = arith.constant 15 : i32
        %eq3A_1755 = vector.broadcast %eq3A_1754 : i32 to vector<16xi32>
        %eq3A_1756 = arith.cmpi eq, %iota3A_32, %eq3A_1755 : vector<16xi32>
        %select_n3A_1757 = arith.select %eq3A_1756, %gather3A_1753, %select_n3A_1677 : vector<16xi1>, vector<16xf32>
        %eq3A_1758 = arith.constant 12 : i32
        %eq3A_1759 = arith.cmpi eq, %scan3A_475, %eq3A_1758 : i32
        %not3A = arith.constant true
        %not3A_1760 = arith.xori %eq3A_1759, %not3A : i1
        %or3A = vector.broadcast %not3A_1760 : i1 to vector<16xi1>
        %or3A_1761 = arith.ori %lt3A_34, %or3A : vector<16xi1>
        %jit3A_1762 = arith.constant 0xFF800000 : f32
        %broadcast_in_dim3A_1763 = vector.broadcast %jit3A_1762 : f32 to vector<16xf32>
        %select_n3A_1764 = arith.select %or3A_1761, %select_n3A_1757, %broadcast_in_dim3A_1763 : vector<16xi1>, vector<16xf32>
        %mul3A_1765 = arith.constant 16 : i32
        %mul3A_1766 = arith.muli %scan3A_475, %mul3A_1765 : i32
        %add3A_1767 = vector.broadcast %mul3A_1766 : i32 to vector<16xi32>
        %add3A_1768 = arith.addi %iota3A_32, %add3A_1767 : vector<16xi32>
        %gt3A = arith.cmpf ogt, %select_n3A_1764, %scan3A_476 : vector<16xf32>
        %select_n3A_1769 = arith.select %gt3A, %select_n3A_1764, %scan3A_476 : vector<16xi1>, vector<16xf32>
        %select_n3A_1770 = arith.select %gt3A, %add3A_1768, %scan3A_477 : vector<16xi1>, vector<16xi32>
        %mul3A_1771 = arith.constant 16 : i32
        %mul3A_1772 = arith.muli %scan3A_475, %mul3A_1771 : i32
        %swap3A = arith.index_cast %add3A_254 : i32 to index
        %swap3A_1773 = arith.index_cast %mul3A_1772 : i32 to index
        %swap3A_1774 = tpu.vector_load %arg13[%swap3A, %swap3A_1773] {strides = array<i32>} : memref<128x208xf32, #tpu.memory_space<vmem>>, vector<16xf32>,
        tpu.vector_store %arg13[%swap3A, %swap3A_1773], %select_n3A_1764 {strides = array<i32>} : memref<128x208xf32, #tpu.memory_space<vmem>>, vector<16xf32>,
        scf.yield %select_n3A_1769, %select_n3A_1770 : vector<16xf32>, vector<16xi32>
      }
      %scan3A_436 = arith.constant 13 : i32
      %reduce_max3A_437 = arith.constant true
      %reduce_max3A_438 = vector.broadcast %reduce_max3A_437 : i1 to vector<16xi1>
      %reduce_max3A_439 = tpu.scan <max>, %scan3A_435#0 masked %reduce_max3A_438 : vector<16xf32>, vector<16xi1> -> vector<16xf32>
      %reduce_max3A_440 = vector.extract %reduce_max3A_439[15] : f32 from vector<16xf32>
      %eq3A_441 = vector.broadcast %reduce_max3A_440 : f32 to vector<16xf32>
      %eq3A_442 = arith.cmpf oeq, %scan3A_435#0, %eq3A_441 : vector<16xf32>
      %jit3A_443 = arith.constant 2147483647 : i32
      %broadcast_in_dim3A_444 = vector.broadcast %jit3A_443 : i32 to vector<16xi32>
      %select_n3A_445 = arith.select %eq3A_442, %scan3A_435#1, %broadcast_in_dim3A_444 : vector<16xi1>, vector<16xi32>
      %reduce_min3A_446 = arith.constant true
      %reduce_min3A_447 = vector.broadcast %reduce_min3A_446 : i1 to vector<16xi1>
      %reduce_min3A_448 = arith.constant -2147483648 : i32
      %reduce_min3A_449 = vector.broadcast %reduce_min3A_448 : i32 to vector<16xi32>
      %reduce_min3A_450 = arith.xori %select_n3A_445, %reduce_min3A_449 : vector<16xi32>
      %reduce_min3A_451 = tpu.scan <min>, %reduce_min3A_450 masked %reduce_min3A_447 : vector<16xi32>, vector<16xi1> -> vector<16xi32>
      %reduce_min3A_452 = arith.xori %reduce_min3A_451, %reduce_min3A_449 : vector<16xi32>
      %reduce_min3A_453 = vector.extract %reduce_min3A_452[15] : i32 from vector<16xi32>
      %broadcast_in_dim3A_454 = vector.broadcast %reduce_min3A_453 : i32 to vector<16xi32>
      %gather3A_455 = tpu.vector_load_idx %arg10[%broadcast_in_dim3A_280, %broadcast_in_dim3A_454] : memref<128x200xi32, #tpu.memory_space<vmem>>[vector<16xi32>, vector<16xi32>], vector<16xi32>,
      %shift_right_arithmetic3A_456 = arith.constant 1 : i32
      %shift_right_arithmetic3A_457 = vector.broadcast %shift_right_arithmetic3A_456 : i32 to vector<16xi32>
      %shift_right_arithmetic3A_458 = arith.shrsi %gather3A_455, %shift_right_arithmetic3A_457 : vector<16xi32>
      %and3A_459 = arith.constant 1 : i32
      %and3A_460 = vector.broadcast %and3A_459 : i32 to vector<16xi32>
      %and3A_461 = arith.andi %gather3A_455, %and3A_460 : vector<16xi32>
      %eq3A_462 = arith.constant 1 : i32
      %eq3A_463 = vector.broadcast %eq3A_462 : i32 to vector<16xi32>
      %eq3A_464 = arith.cmpi eq, %and3A_461, %eq3A_463 : vector<16xi32>
      %jit3A_465 = arith.constant 0 : i32
      %broadcast_in_dim3A_466 = vector.broadcast %scan3A_35 : i32 to vector<16xi32>
      %broadcast_in_dim3A_467 = vector.broadcast %jit3A_465 : i32 to vector<16xi32>
      %select_n3A_468 = arith.select %eq3A_464, %broadcast_in_dim3A_466, %broadcast_in_dim3A_467 : vector<16xi1>, vector<16xi32>
      %add3A_469 = arith.addi %shift_right_arithmetic3A_458, %select_n3A_468 : vector<16xi32>
      %broadcast_in_dim3A_470 = arith.constant 0 : i32
      %broadcast_in_dim3A_471 = vector.broadcast %broadcast_in_dim3A_470 : i32 to vector<16xi32>
      %eq3A_472 = arith.constant 0 : i32
      %eq3A_473 = vector.broadcast %eq3A_472 : i32 to vector<16xi32>
      %eq3A_474 = arith.cmpi eq, %iota3A_32, %eq3A_473 : vector<16xi32>
      tpu.vector_store_idx %arg14[%broadcast_in_dim3A_280, %broadcast_in_dim3A_471], %add3A_469 masked %eq3A_474 : memref<128x1xi32, #tpu.memory_space<vmem>>[vector<16xi32>, vector<16xi32>], vector<16xi32>, vector<16xi1>
    }
    %scan3A_40 = arith.constant 64 : i32
    "tpu.region"() ({
      %run_scoped3A = tpu.sem_alloc : memref<!tpu.dma_semaphore, #tpu.memory_space<semaphore_mem>>
      %dma_start3A_41 = arith.constant 0 : i32
      %dma_start3A_42 = arith.constant 0 : i32
      %dma_start3A_43 = tpu.memref_slice %arg13[%dma_start3A_41, %dma_start3A_42] : memref<128x208xf32, #tpu.memory_space<vmem>> -> memref<128x200xf32, #tpu.memory_space<vmem>>
      %dma_start3A_44 = arith.constant 0 : i32
      %dma_start3A_45 = tpu.memref_slice %arg6[%mul3A_2, %dma_start3A_44] : memref<4096x200xf32, #tpu.memory_space<hbm>> -> memref<128x200xf32, #tpu.memory_space<hbm>>
      %dma_start3A_46 = arith.constant 0 : i32
      %dma_start3A_47 = tpu.memref_slice %arg6[%mul3A_2, %dma_start3A_46] : memref<4096x200xf32, #tpu.memory_space<hbm>> -> memref<128x200xf32, #tpu.memory_space<hbm>>
      %dma_start3A_48 = arith.constant 0 : i32
      %dma_start3A_49 = arith.constant 0 : i32
      %dma_start3A_50 = tpu.memref_slice %arg13[%dma_start3A_48, %dma_start3A_49] : memref<128x208xf32, #tpu.memory_space<vmem>> -> memref<128x200xf32, #tpu.memory_space<vmem>>
      tpu.enqueue_dma source(%dma_start3A_50 : memref<128x200xf32, #tpu.memory_space<vmem>>) target(%dma_start3A_47 : memref<128x200xf32, #tpu.memory_space<hbm>>) target_semaphore(%run_scoped3A : memref<!tpu.dma_semaphore, #tpu.memory_space<semaphore_mem>>)
      %dma_wait3A_51 = arith.constant 0 : i32
      %dma_wait3A_52 = arith.constant 0 : i32
      %dma_wait3A_53 = tpu.memref_slice %arg13[%dma_wait3A_51, %dma_wait3A_52] : memref<128x208xf32, #tpu.memory_space<vmem>> -> memref<128x200xf32, #tpu.memory_space<vmem>>
      %dma_wait3A_54 = arith.constant 0 : i32
      %dma_wait3A_55 = tpu.memref_slice %arg6[%mul3A_2, %dma_wait3A_54] : memref<4096x200xf32, #tpu.memory_space<hbm>> -> memref<128x200xf32, #tpu.memory_space<hbm>>
      %dma_wait3A_56 = arith.constant 0 : i32
      %dma_wait3A_57 = tpu.memref_slice %arg6[%mul3A_2, %dma_wait3A_56] : memref<4096x200xf32, #tpu.memory_space<hbm>> -> memref<128x200xf32, #tpu.memory_space<hbm>>
      %dma_wait3A_58 = arith.constant 0 : i32
      %dma_wait3A_59 = arith.constant 0 : i32
      %dma_wait3A_60 = tpu.memref_slice %arg13[%dma_wait3A_58, %dma_wait3A_59] : memref<128x208xf32, #tpu.memory_space<vmem>> -> memref<128x200xf32, #tpu.memory_space<vmem>>
      tpu.wait_dma2 semaphore(%run_scoped3A : memref<!tpu.dma_semaphore, #tpu.memory_space<semaphore_mem>>) src(%dma_wait3A_60 : memref<128x200xf32, #tpu.memory_space<vmem>>) dst(%dma_wait3A_57 : memref<128x200xf32, #tpu.memory_space<hbm>>)
      tpu.yield
    }) : () -> ()
    "tpu.region"() ({
      %run_scoped3A = tpu.sem_alloc : memref<!tpu.dma_semaphore, #tpu.memory_space<semaphore_mem>>
      %dma_start3A_41 = arith.constant 0 : i32
      %dma_start3A_42 = tpu.memref_slice %arg7[%mul3A_2, %dma_start3A_41] : memref<4096x1xi32, #tpu.memory_space<hbm>> -> memref<128x1xi32, #tpu.memory_space<hbm>>
      %dma_start3A_43 = arith.constant 0 : i32
      %dma_start3A_44 = tpu.memref_slice %arg7[%mul3A_2, %dma_start3A_43] : memref<4096x1xi32, #tpu.memory_space<hbm>> -> memref<128x1xi32, #tpu.memory_space<hbm>>
      tpu.enqueue_dma source(%arg14 : memref<128x1xi32, #tpu.memory_space<vmem>>) target(%dma_start3A_44 : memref<128x1xi32, #tpu.memory_space<hbm>>) target_semaphore(%run_scoped3A : memref<!tpu.dma_semaphore, #tpu.memory_space<semaphore_mem>>)
      %dma_wait3A_45 = arith.constant 0 : i32
      %dma_wait3A_46 = tpu.memref_slice %arg7[%mul3A_2, %dma_wait3A_45] : memref<4096x1xi32, #tpu.memory_space<hbm>> -> memref<128x1xi32, #tpu.memory_space<hbm>>
      %dma_wait3A_47 = arith.constant 0 : i32
      %dma_wait3A_48 = tpu.memref_slice %arg7[%mul3A_2, %dma_wait3A_47] : memref<4096x1xi32, #tpu.memory_space<hbm>> -> memref<128x1xi32, #tpu.memory_space<hbm>>
      tpu.wait_dma2 semaphore(%run_scoped3A : memref<!tpu.dma_semaphore, #tpu.memory_space<semaphore_mem>>) src(%arg14 : memref<128x1xi32, #tpu.memory_space<vmem>>) dst(%dma_wait3A_48 : memref<128x1xi32, #tpu.memory_space<hbm>>)
      tpu.yield
    }) : () -> ()
    return
  }
}

</mosaic_0001>

<sc_bundles>
// kernel: _run.3.cloned.1.call-start
scs
__scs_entry_jumppad:
0x0: {  	(pc) =	sbr.rel $0x88, $3  }
0x1: {  	(tag) =	ssettag $0x0;
	lr =	simm.s32 $0x1  }
0x2: {  	[smem:$0x3F9D] =	sst lr;
	_ =	strace $0xD0000000  }
0x3: {  	_ = 	snop  }
0x4: {  	_ = 	snop  }
0x5: {  	_ = 	snop  }
0x6: {  	_ = 	snop  }
0x7: {  	_ = 	snop  }
__scs_overlays_trampoline_lowered:
0x8: {  	[smem:$0x3FAC] =	sst s0  }
0x9: {  	[smem:$0x3FAD] =	sst s1  }
0xa: {  	[smem:$0x3FAE] =	sst s2  }
0xb: {  	[smem:$0x3FAF] =	sst s3  }
0xc: {  	[smem:$0x3FB0] =	sst s4  }
0xd: {  	[smem:$0x3FB1] =	sst s5  }
0xe: {  	[smem:$0x3FB2] =	sst s6  }
0xf: {  	[smem:$0x3FB3] =	sst s7  }
0x10: {  	[smem:$0x3FB4] =	sst s8  }
0x11: {  	[smem:$0x3FB5] =	sst s9;
	s0 =	simm.s32 @!p0 $0x0  }
0x12: {  	s1 =	sld [smem:$0x3F9B];
	s0 =	simm.s32 @p0 $0x1  }
0x13: {  	[smem:$0x3FB6] =	sst s0;
	s0 =	simm.s32 @!p1 $0x0  }
0x14: {  	s2 =	sld [smem:$0x3F9A];
	s0 =	simm.s32 @p1 $0x1  }
0x15: {  	[smem:$0x3FB7] =	sst s0;
	s0 =	simm.s32 @!p2 $0x0  }
0x16: {  	s3 =	sld [smem:$0x3FDB];
	s0 =	simm.s32 @p2 $0x1  }
0x17: {  	s4 =	simm.s32 $0x1BF5;
	[smem:$0x3FB9] =	sst s0  }
0x18: {  	s0 =	sld [smem:$0x3F9C];
	_ =	swait.ge [sflag:s4], $0x0  }
0x19: {  	s7 =	sld [smem:$0x3F9D]  }
0x1a: {  	s8 =	sadd.s32 $0xFFFFE003, lr  }
0x1b: {  	s9 =	sadd.s32 $0xFFFFFEF7, lr;
	s5 =	simm.s32 $0xFFFFFFFF;
	p2 =	slt.u32 s8, $0xFFFFF086  }
0x1c: {  	p1 =	slt.u32 s9, $0xF7A;
	s5 =	simm.s32 @!p2 $0x0  }
0x1d: {  	s5 =	simm.s32 @p1 $0x1;
	p0 =	seq.s32 s7, s2  }
0x1e: {  	s7 =	smul.u32 @!p0 $0xF7A, s2;
	p2 =	seq.s32 @!p0 s5, $0x0  }
0x1f: {  	s9 =	smul.u32 $0xF7A, s1;
	s8 =	simm.s32 @!p0 $0x1BF5;
	p2 =	por !p2, p0  }
0x20: {  	[sflag:s8] =	ssyncset.s32 @!p0 $0xFFFFF086;
	s6 =	sadd.s32 @!p0 s3, s7;
	s7 =	simm.s32 @!p0 $0x108  }
0x21: {  	s3 =	sadd.s32 s3, s9;
	s6 =	sadd.s32 @!p0 $0x88, s6;
	s7 =	simm.s32 @p2 $0x1082  }
0x22: {  	[simem:s7], [sflag:s8] =	dma.local @!p0 [hbm:s6], $0xF7A  }
0x23: {  	s9 =	sor.u32 $0xD0000000, s2;
	s6 =	simm.s32 $0x108;
	_ =	swait.ge @!p0 [sflag:s8], $0x0  }
0x24: {  	s3 =	sadd.s32 $0x88, s3;
	s6 =	simm.s32 @!p1 $0x1082;
	[sflag:s4] =	ssyncset.s32 $0xFFFFF086  }
0x25: {  	[simem:s6], [sflag:s4] =	dma.local [hbm:s3], $0xF7A  }
0x26: {  	[smem:$0x3F9D] =	sst s1;
	(tag) =	ssettag s2;
	_ =	strace s9  }
0x27: {  	s1 =	sld [smem:$0x3FAD]  }
0x28: {  	s2 =	sld [smem:$0x3FAE]  }
0x29: {  	s4 =	sld [smem:$0x3FB0]  }
0x2a: {  	p0 =	seq.s32 s5, $0x0;
	s5 =	sld [smem:$0x3FB1]  }
0x2b: {  	s6 =	sld [smem:$0x3FB2]  }
0x2c: {  	s7 =	sld [smem:$0x3FB3]  }
0x2d: {  	s3 =	simm.s32 $0x108;
	s8 =	sld [smem:$0x3FB4]  }
0x2e: {  	s3 =	simm.s32 @!p0 $0x1082;
	s9 =	sld [smem:$0x3FB5]  }
0x2f: {  	lr =	sadd.s32 s0, s3;
	s0 =	sld [smem:$0x3FAC]  }
0x30: {  	s3 =	sld [smem:$0x3FAF]  }
0x31: {  	[smem:$0x3FB8] =	sst s10  }
0x32: {  	s10 =	sld [smem:$0x3FB6];
	_ =	sdelay $0x3  }
0x33: {  	p0 =	seq.s32 s10, $0x1;
	s10 =	sld [smem:$0x3FB8];
	_ =	sdelay $0x3  }
0x34: {  	[smem:$0x3FB8] =	sst s10  }
0x35: {  	s10 =	sld [smem:$0x3FB7];
	_ =	sdelay $0x3  }
0x36: {  	p1 =	seq.s32 s10, $0x1;
	s10 =	sld [smem:$0x3FB8];
	_ =	sdelay $0x3  }
0x37: {  	[smem:$0x3FB8] =	sst s10  }
0x38: {  	s10 =	sld [smem:$0x3FB9]  }
0x39: {  	_ = 	snop;
	(pc) =	sbr.ind lr, $3  }
0x3a: {  	_ = 	snop  }
0x3b: {  	_ = 	snop  }
0x3c: {  	p2 =	seq.s32 s10, $0x1;
	s10 =	sld [smem:$0x3FB8]  }
0x3d: {  	_ =	shalt  }
0x3e: {  	_ =	shalt  }
0x3f: {  	_ =	shalt  }
0x40: {  	_ =	shalt  }
0x41: {  	_ =	shalt  }
0x42: {  	_ =	shalt  }
0x43: {  	_ =	shalt  }
0x44: {  	_ =	shalt  }
0x45: {  	_ =	shalt  }
0x46: {  	_ =	shalt  }
0x47: {  	_ =	shalt  }
0x48: {  	_ =	shalt  }
0x49: {  	_ =	shalt  }
0x4a: {  	_ =	shalt  }
0x4b: {  	_ =	shalt  }
0x4c: {  	_ =	shalt  }
0x4d: {  	_ =	shalt  }
0x4e: {  	_ =	shalt  }
0x4f: {  	_ =	shalt  }
0x50: {  	_ =	shalt  }
0x51: {  	_ =	shalt  }
0x52: {  	_ =	shalt  }
0x53: {  	_ =	shalt  }
0x54: {  	_ =	shalt  }
0x55: {  	_ =	shalt  }
0x56: {  	_ =	shalt  }
0x57: {  	_ =	shalt  }
0x58: {  	_ =	shalt  }
0x59: {  	_ =	shalt  }
0x5a: {  	_ =	shalt  }
0x5b: {  	_ =	shalt  }
0x5c: {  	_ =	shalt  }
0x5d: {  	_ =	shalt  }
0x5e: {  	_ =	shalt  }
0x5f: {  	_ =	shalt  }
0x60: {  	_ =	shalt  }
0x61: {  	_ =	shalt  }
0x62: {  	_ =	shalt  }
0x63: {  	_ =	shalt  }
0x64: {  	_ =	shalt  }
0x65: {  	_ =	shalt  }
0x66: {  	_ =	shalt  }
0x67: {  	_ =	shalt  }
0x68: {  	_ =	shalt  }
0x69: {  	_ =	shalt  }
0x6a: {  	_ =	shalt  }
0x6b: {  	_ =	shalt  }
0x6c: {  	_ =	shalt  }
0x6d: {  	_ =	shalt  }
0x6e: {  	_ =	shalt  }
0x6f: {  	_ =	shalt  }
0x70: {  	_ =	shalt  }
0x71: {  	_ =	shalt  }
0x72: {  	_ =	shalt  }
0x73: {  	_ =	shalt  }
0x74: {  	_ =	shalt  }
0x75: {  	_ =	shalt  }
0x76: {  	_ =	shalt  }
0x77: {  	_ =	shalt  }
0x78: {  	_ =	shalt  }
0x79: {  	_ =	shalt  }
0x7a: {  	_ =	shalt  }
0x7b: {  	_ =	shalt  }
0x7c: {  	_ =	shalt  }
0x7d: {  	_ =	shalt  }
0x7e: {  	_ =	shalt  }
0x7f: {  	_ =	shalt  }
0x80: {  	_ =	shalt  }
0x81: {  	_ =	shalt  }
0x82: {  	_ =	shalt  }
0x83: {  	_ =	shalt  }
0x84: {  	_ =	shalt  }
0x85: {  	_ =	shalt  }
0x86: {  	_ =	shalt  }
0x87: {  	_ =	shalt  }
.Lfunc_end0:
.L_simem_size_0:
called_computation_lowered:
.L_overlay_start_0:
0x88: {  	s2 =	sld [smem:$0x3FD9]  }
0x89: {  	s3 =	sld [smem:$0x3FFE];
	_ =	sdelay $0x1  }
0x8a: {  	s1 =	srdreg.scid  }
0x8b: {  	s0 =	sand.u32 $0x1, s1  }
0x8c: {  	s14 =	sshll.u32 s0, $0xA;
	s2 =	sadd.s32 s3, s2  }
0x8d: {  	s2 =	sadd.s32 s2, s14  }
0x8e: {  	[smem:$0x3FC4] =	sst s2  }
0x8f: {  	_ = 	snop  }
0x90: {  	s2 =	sld [smem:$0x3FD0];
	_ =	sdelay $0x1  }
0x91: {  	s15 =	sld [smem:$0x3FC9]  }
0x92: {  	s5 =	simm.s32 $0xA;
	s6 =	simm.s32 $0x10;
	s4 =	sld [smem:$0x3FC7]  }
0x93: {  	[smem:s6], [sflag:s5] =	dma.local [hbm:s2], $0x1  }
0x94: {  	_ =	swait.eq [sflag:s5], $0x1  }
0x95: {  	[sflag:s5] =	ssyncset.done $0x0  }
0x96: {  	[sflag:s5] =	ssyncadd.s32 $0xFFFFFFFF  }
0x97: {  	s16 =	sld [smem:$0x10];
	(tm) =	ssettm $0x1  }
0x98: {  	s17 =	sld [smem:$0x3FFB];
	_ =	sdelay $0x3  }
0x99: {  	_ =	strace s17  }
0x9a: {  	s5 =	sld [smem:$0x3FFC];
	_ =	sdelay $0x3  }
0x9b: {  	_ =	strace s5  }
0x9c: {  	s5 =	sld [smem:$0x3FFD];
	_ =	sdelay $0x3  }
0x9d: {  	_ =	strace s5  }
0x9e: {  	_ =	strace $0x8FFFFFFF  }
0x9f: {  	s18 =	sld [smem:$0x3FDB];
	_ =	sdelay $0x1  }
0xa0: {  	s19 =	simm.s32 $_scs_section_size  }
0xa1: {  	s7 =	simm.s32 $_size__tile_overlayer_lowered;
	s8 =	simm.s32 $_tile_overlayer_lowered  }
0xa2: {  	s22 =	simm.s32 $0x1BFF;
	s21 =	sshll.u32 s8, $0x1;
	s5 =	sadd.s32 s19, s18  }
0xa3: {  	s9 =	simm.s32 $0x0;
	s20 =	sshll.u32 s7, $0x1;
	s7 =	sadd.s32 s21, s5  }
0xa4: {  	[timem:s9], [sflag:s22] =	dma.local [hbm:s7], s20  }
0xa5: {  	_ =	swait.ge [sflag:s22], s20  }
0xa6: {  	s6 =	ssub.s32 $0x0, s20;
	[sflag:s22] =	ssyncset.done $0x0  }
0xa7: {  	[sflag:s22] =	ssyncadd.s32 s6;
	_ =	sdelay $0x1  }
0xa8: {  	s23 =	simm.s32 $0x1B8B  }
0xa9: {  	_ =	swait.ge [sflag:s23], $0x1  }
0xaa: {  	[sflag:s23] =	ssyncset.done $0x0  }
0xab: {  	s25 =	simm.s32 $0x1B8E;
	s24 =	sld [smem:$0x3FFE];
	[sflag:s23] =	ssyncadd.s32 $0xFFFFFFFF  }
0xac: {  	s26 =	simm.s32 $execute0_lowered;
	[smem:$0x3FD2] =	sst s25  }
0xad: {  	s7 =	sshll.u32 s26, $0x1;
	_ =	strace $0x80000046;
	[dreg:$0x1] =	wrdreg $0xFFFFFFFF  }
0xae: {  	s28 =	simm.s32 $_size_execute0_lowered;
	s5 =	sadd.s32 s5, s7;
	[dreg:$0x0] =	wrdreg $0x0  }
0xaf: {  	s7 =	sshll.u32 s28, $0x1;
	[dreg:$0x2] =	wrdreg s5  }
0xb0: {  	[dreg:$0x3] =	wrdreg s7  }
0xb1: {  	[dreg:$0x4] =	wrdreg $0xC0  }
0xb2: {  	_ =	task [dreg:s9], $0x5FFFF  }
0xb3: {  	[dreg:$0x1] =	wrdreg $0xFFFFFFFF  }
0xb4: {  	[dreg:$0x0] =	wrdreg $0x60  }
0xb5: {  	[dreg:$0x2] =	wrdreg s15  }
0xb6: {  	[dreg:$0x3] =	wrdreg s16  }
0xb7: {  	[dreg:$0x4] =	wrdreg s4  }
0xb8: {  	[dreg:$0x5] =	wrdreg s24  }
0xb9: {  	[dreg:$0x6] =	wrdreg $0x9  }
0xba: {  	_ =	task.clear_ibuf [dreg:s9], $0x7FFFF;
	_ =	strace $0x90000046  }
0xbb: {  	s29 =	simm.s32 $0x9;
	_ =	strace $0x80000048  }
0xbc: {  	_ =	swait.ge [sflag:s29], $0x1  }
0xbd: {  	[sflag:s29] =	ssyncadd.s32 $0xFFFFFFFF  }
0xbe: {  	_ =	strace $0x90000048  }
0xbf: {  	_ =	sfence  }
0xc0: {  	s30 =	sld [smem:$0x0];
	_ =	sdelay $0x2  }
0xc1: {  	s31 =	sshll.u32 s1, $0xD;
	s1 =	sshrl.u32 s1, $0x2  }
0xc2: {  	s3 =	sand.u32 $0x4000, s31;
	s1 =	sadd.s32 s1, s30  }
0xc3: {  	s0 =	sor.u32 s3, s0;
	s1 =	sshll.u32 s1, $0x11  }
0xc4: {  	s0 =	sor.u32 s1, s0  }
0xc5: {  	s0 =	sadd.s32 $0x8F2B, s0  }
0xc6: {  	[sflag:s0] =	ssyncadd.remote.s32 $0x1  }
0xc7: {  	_ =	sfence.sel $0xFFFF  }
0xc8: {  	[dreg:$0x0] =	wrdreg $0xFFFFFFFF;
	(pc) =	sbr.abs _section_cstart, $3  }
0xc9: {  	[dreg:$0x1] =	wrdreg $0xFFFFFFFF  }
0xca: {  	_ =	task.clear_ibuf [dreg:s9], $0x2FFFF;
	_ =	strace $0x9FFFFFFF  }
0xcb: {  	(tm) =	ssettm $0x7FFFFFFF  }
tec
execute0_lowered:
.L_overlay_start_1:
0x0: {  	(tag) =	ssettag $0x1  }
0x1: {  	s0 =	rddreg [dreg:$0x0]  }
0x2: {  	s1 =	rddreg [dreg:$0x1];
	s2 =	srdreg.scid  }
0x3: {  	s3 =	stileid.u32;
	s5 =	rddreg [dreg:$0x3]  }
0x4: {  	s11 =	simm.s32 $0x80;
	s12 =	simm.s32 $0x4080;
	s13 =	simm.s32 $0x1  }
0x5: {  	s15 =	simm.s32 $0x48;
	s18 =	simm.s32 $0x2;
	s19 =	simm.s32 $0x3  }
0x6: {  	s20 =	simm.s32 $0xD880;
	s21 =	simm.s32 $0xF880;
	s22 =	simm.s32 $0x17480  }
0x7: {  	v0 =	vlaneseq.u32;
	v1 =	vimm.s32 $0x0;
	s23 =	simm.s32 $0x4;
	s24 =	simm.s32 $0x5;
	s25 =	simm.s32 $0x0  }
0x8: {  	v3 =	vimm.s32 $0xF;
	vm2 =	vmmov $0x1;
	vm0 =	vmmov $0x3;
	s2 =	sand.u32 $0x1, s2;
	s4 =	sshll.u32 s3, $0x8;
	s3 =	simm.s32 $0x0  }
0x9: {  	vm3 =	vmmov $0x7;
	vm4 =	vmmov $0xf;
	vm5 =	vmmov $0x1f;
	s6 =	sshll.u32 s2, $0x7;
	[smem:$0x7FF] =	sst s3;
	s2 =	ssub.s32 $0x2, s2  }
0xa: {  	vm6 =	vmmov $0x3f;
	vm7 =	vmmov $0x7f;
	v4 =	vimm.s32 $0x0;
	s6 =	sor.u32 s6, s4;
	_ =	strace $0x80000047;
	s9 =	sshrl.u32 s2, $0x1  }
0xb: {  	vm8 =	vmmov $0xff;
	vm9 =	vmmov $0x1ff;
	v4 =	vsel vm2, $0xFFFFFFFF, v4;
	s4 =	sadd.s32 $0x187600, s5;
	s7 =	smul.u32 $0x19, s6;
	s2 =	ssub.s32 s2, s9  }
0xc: {  	vm10 =	vmmov $0x3ff;
	vm11 =	vmmov $0x7ff;
	[tilespmem:$0x1FFE0] =	vst v4;
	v4 =	vimm.s32 $0x0;
	s10 =	sadd.s32 s6, s5;
	s31 =	sshrl.u32 s6, $0x3;
	s9 =	smax.u32 s2, $0x1  }
0xd: {  	vm12 =	vmmov $0xfff;
	vm13 =	vmmov $0x1fff;
	v4 =	vsel vm0, $0xFFFFFFFF, v4;
	s8 =	sadd.s32 s7, s5;
	s5 =	sadd.s32 s0, s31;
	s6 =	sadd.s32 s1, s7  }
0xe: {  	vm14 =	vmmov $0x3fff;
	vm15 =	vmmov $0x7fff;
	v2 =	vadd.s32 $0xB8, v0;
	[tilespmem:$0x1FFF0] =	vst v4;
	s7 =	sadd.s32 $0xC00, s8;
	s8 =	sadd.s32 $0x19C00, s10;
	s10 =	simm.s32 $0x6  }
.LBB2_1:
0xf: {  	[tilespmem:s3], [sflag:$0x6] =	stream.linear.gather [hbm4b:s5+s3], $0x80, $0x38;
	[tilespmem:$0x17880] =	vst v63  }
0x10: {  	_ =	swait.ge [sflag:s10], $0x80  }
0x11: {  	[sflag:s10] =	ssyncset.done $0x0  }
0x12: {  	[sflag:s10] =	ssyncadd.s32 $0xFFFFFF80  }
0x13: {  	s0 =	rddreg [dreg:$0x2]  }
0x14: {  	[tilespmem:s11], [sflag:$0x1] =	stream.indirect.gather [hbm4b:s0+s11], $0x80, s3, s11, $0xb8;
	[tilespmem:$0x17880] =	vst v63  }
0x15: {  	_ = 	snop  }
0x16: {  	[tilespmem:s12], [sflag:$0x6] =	stream.linear.gather [hbm4b:s6+s3], $0x6400, $0x38;
	[tilespmem:$0x17880] =	vst v63  }
0x17: {  	_ =	swait.ge [sflag:s10], $0x6400  }
0x18: {  	[sflag:s10] =	ssyncset.done $0x0  }
0x19: {  	[sflag:s10] =	ssyncadd.s32 $0xFFFF9C00  }
0x1a: {  	_ =	swait.ge [sflag:s13], $0x4000  }
0x1b: {  	[sflag:s13] =	ssyncset.done $0x0  }
0x1c: {  	s30 =	simm.s32 $0x1;
	s14 =	simm.s32 $0x40E0;
	v5 =	vmov s3;
	[sflag:s13] =	ssyncadd.s32 $0xFFFFC000  }
0x1d: {  	s1 =	simm.s32 $0x2;
	s31 =	simm.s32 $0x3;
	v6 =	vmov s30;
	v5 =	vmul.u32 $0xC8, v5;
	v9 =	vld [tilespmem:s14+$0xFFFFFFE0]  }
0x1e: {  	v7 =	vmov s1;
	v8 =	vmov s31;
	v6 =	vmul.u32 $0xC8, v6;
	v10 =	vld [tilespmem:s14+$0xFFFFFFB0]  }
0x1f: {  	v7 =	vmul.u32 $0xC8, v7;
	v13 =	vmul.u32 $0xC8, v8;
	v5 =	vbroadcast v5, $0x0;
	v12 =	vld [tilespmem:s14+$0x50]  }
0x20: {  	v6 =	vbroadcast v6, $0x0;
	v16 =	vld [tilespmem:s14+$0xFFFFFFC0]  }
0x21: {  	v11 =	vbroadcast v7, $0x0;
	v8 =	vadd.s32 v2, v5;
	v5 =	vbroadcast v13, $0x0;
	v18 =	vld [tilespmem:s14+$0xFFFFFFA0];
	_ =	sdelay $0x1  }
0x22: {  	v7 =	vadd.s32 v2, v6;
	v6 =	vadd.s32 v2, v11;
	v5 =	vadd.s32 v2, v5;
	v15 =	vld [tilespmem:s14+$0xFFFFFFF0]  }
0x23: {  	v19 =	vld [tilespmem:s14+$0x40];
	vm0 =	vgt.s32 v9, $0xC34F;
	v13 =	vshll.u32 v10, $0x1;
	vm1 =	vgt.s32 v10, $0xC34F  }
0x24: {  	v20 =	vshll.u32 v12, $0x1;
	v14 =	vshll.u32 v9, $0x1;
	v9 =	vshll.u32 v16, $0x1  }
0x25: {  	v17 =	vshll.u32 v18, $0x1;
	vm2 =	vgt.s32 v18, $0xC34F;
	v11 =	vsel vm0, $0xFFFE7961, v1  }
0x26: {  	v10 =	vsel vm1, $0xFFFE7961, v1;
	vm1 =	vgt.s32 v12, $0xC34F;
	v12 =	vld [tilespmem:s14+$0x0];
	vm0 =	vgt.s32 v16, $0xC34F  }
0x27: {  	s2 =	simm.s32 $0x41A8;
	s16 =	simm.s32 $0x4;
	v16 =	vshll.u32 v15, $0x1;
	v13 =	vadd.s32 v13, v10;
	v21 =	vsel vm1, $0xFFFE7961, v1;
	v10 =	vld [tilespmem:s14+$0x20]  }
0x28: {  	s17 =	simm.s32 $0x4338;
	s1 =	simm.s32 $0x4270;
	s0 =	simm.s32 $0x4338;
	vm1 =	vgt.s32 v19, $0xC34F;
	v19 =	vshll.u32 v19, $0x1;
	[tilespmem:s14+$0xFFFFFFB0] =	vst v13;
	v13 =	vld [tilespmem:s14+$0x10];
	v18 =	vadd.s32 v20, v21  }
.LBB2_2:
0x29: {  	p0 =	sne.s32 s16, $0x7F  }
0x2a: {  	s17 =	sadd.s32 $0xC8, s17;
	v20 =	vsel vm2, $0xFFFE7961, v1;
	vm2 =	vgt.s32 v15, $0xC34F;
	v15 =	vsel vm1, $0xFFFE7961, v1;
	s26 =	smov.u32 s16;
	s16 =	sadd.s32 $0x1, s16  }
0x2b: {  	v17 =	vadd.s32 v17, v20;
	v20 =	vsel vm2, $0xFFFE7961, v1;
	v21 =	vld [tilespmem:s14+$0x30];
	v15 =	vadd.s32 v19, v15;
	[tilespmem:s14+$0x50] =	vst v18  }
0x2c: {  	v11 =	vadd.s32 v14, v11;
	vm1 =	vgt.s32 v12, $0xC34F;
	[tilespmem:s14+$0xFFFFFFA0] =	vst v17;
	vm2 =	vgt.s32 v10, $0xC34F;
	v14 =	vld [tilespmem:s14+$0x58]  }
0x2d: {  	v12 =	vshll.u32 v12, $0x1;
	v19 =	vsel vm1, $0xFFFE7961, v1;
	v17 =	vsel vm0, $0xFFFE7961, v1;
	v18 =	vld [tilespmem:s14+$0xFFFFFFD0]  }
0x2e: {  	v12 =	vadd.s32 v12, v19;
	[tilespmem:s14+$0xFFFFFFE0] =	vst v11;
	v11 =	vadd.s32 v16, v20;
	v16 =	vshll.u32 v13, $0x1  }
0x2f: {  	v10 =	vshll.u32 v10, $0x1;
	vm0 =	vgt.s32 v13, $0xC34F;
	v13 =	vsel vm2, $0xFFFE7961, v1;
	[tilespmem:s14+$0x40] =	vst v15  }
0x30: {  	v10 =	vadd.s32 v10, v13;
	[tilespmem:s14+$0x0] =	vst v12;
	v12 =	vsel vm0, $0xFFFE7961, v1;
	v13 =	vshll.u32 v21, $0x1  }
0x31: {  	v9 =	vadd.s32 v9, v17;
	[tilespmem:s14+$0xFFFFFFF0] =	vst v11;
	v11 =	vadd.s32 v16, v12;
	vm0 =	vgt.s32 v14, $0xC34F  }
0x32: {  	[tilespmem:s14+$0xFFFFFFC0] =	vst v9;
	vm1 =	vgt.s32 v18, $0xC34F;
	v9 =	vshll.u32 v14, $0x1;
	v12 =	vsel vm0, $0xFFFE7961, v1  }
0x33: {  	v14 =	vshll.u32 v18, $0x1;
	vm0 =	vgt.s32 v21, $0xC34F;
	v15 =	vsel vm1, $0xFFFE7961, v1;
	[tilespmem:s14+$0x20] =	vst v10  }
0x34: {  	[tilespmem:s14+$0x10] =	vst v11;
	v11 =	vsel vm0, $0xFFFE7961, v1;
	vm0 =	vcmask $0x3F20;
	_ =	sdelay $0x2  }
0x35: {  	v9 =	vadd.s32 v9, v12;
	v10 =	vadd.s32 v14, v15  }
0x36: {  	[tilespmem:s14+$0xFFFFFFD0] =	vst v10;
	v10 =	vadd.s32 v13, v11  }
0x37: {  	[tilespmem:s14+$0x30] =	vst v10;
	s14 =	smov.u32 s2;
	s2 =	smov.u32 s1;
	s1 =	smov.u32 s0  }
0x38: {  	s0 =	smov.u32 s17;
	[tilespmem:v8+s12+$0x0] =	vst.idx.msk vm0, v9;
	v8 =	vmov v7;
	v7 =	vmov v6;
	v6 =	vmov v5  }
0x39: {  	v9 =	vld [tilespmem:s14+$0xFFFFFFE0]  }
0x3a: {  	v5 =	vld [tilespmem:s14+$0xFFFFFFB0]  }
0x3b: {  	v10 =	vmov s26;
	v13 =	vld [tilespmem:s14+$0x50]  }
0x3c: {  	v10 =	vmul.u32 $0xC8, v10;
	v16 =	vld [tilespmem:s14+$0xFFFFFFC0]  }
0x3d: {  	v18 =	vld [tilespmem:s14+$0xFFFFFFA0]  }
0x3e: {  	v10 =	vbroadcast v10, $0x0;
	vm0 =	vgt.s32 v9, $0xC34F;
	v19 =	vld [tilespmem:s14+$0x40]  }
0x3f: {  	v14 =	vshll.u32 v5, $0x1;
	vm1 =	vgt.s32 v5, $0xC34F;
	v11 =	vsel vm0, $0xFFFE7961, v1;
	v15 =	vld [tilespmem:s14+$0xFFFFFFF0]  }
.Ltmp0:
0x40: {  	v5 =	vadd.s32 v2, v10;
	v10 =	vsel vm1, $0xFFFE7961, v1;
	v12 =	vld [tilespmem:s14+$0x0];
	v20 =	vshll.u32 v13, $0x1;
	(pc) =	sbr.rel @p0 .LBB2_2-.Ltmp0, $4  }
0x41: {  	vm1 =	vgt.s32 v13, $0xC34F;
	v10 =	vadd.s32 v14, v10;
	v14 =	vshll.u32 v9, $0x1  }
0x42: {  	v9 =	vshll.u32 v16, $0x1;
	vm0 =	vgt.s32 v16, $0xC34F;
	v21 =	vsel vm1, $0xFFFE7961, v1;
	[tilespmem:s14+$0xFFFFFFB0] =	vst v10;
	v10 =	vld [tilespmem:s14+$0x20]  }
0x43: {  	v17 =	vshll.u32 v18, $0x1;
	vm2 =	vgt.s32 v18, $0xC34F;
	v13 =	vld [tilespmem:s14+$0x10];
	vm1 =	vgt.s32 v19, $0xC34F  }
0x44: {  	v18 =	vadd.s32 v20, v21;
	v19 =	vshll.u32 v19, $0x1;
	v16 =	vshll.u32 v15, $0x1  }
0x45: {  	v20 =	vsel vm2, $0xFFFE7961, v1;
	vm2 =	vgt.s32 v15, $0xC34F;
	v60 =	vsel vm1, $0xFFFE7961, v1;
	v62 =	vld [tilespmem:s14+$0xFFFFFFD0]  }
0x46: {  	v21 =	vld [tilespmem:s14+$0x30];
	v11 =	vadd.s32 v14, v11;
	vm1 =	vgt.s32 v12, $0xC34F;
	v22 =	vsel vm0, $0xFFFE7961, v1  }
0x47: {  	[tilespmem:s14+$0x50] =	vst v18;
	v23 =	vshll.u32 v12, $0x1;
	v17 =	vadd.s32 v17, v20;
	v61 =	vsel vm2, $0xFFFE7961, v1  }
0x48: {  	v15 =	vadd.s32 v19, v60;
	v24 =	vsel vm1, $0xFFFE7961, v1;
	[tilespmem:s14+$0xFFFFFFE0] =	vst v11;
	v9 =	vadd.s32 v9, v22  }
0x49: {  	[tilespmem:s14+$0xFFFFFFA0] =	vst v17;
	vm2 =	vgt.s32 v10, $0xC34F;
	v25 =	vadd.s32 v16, v61;
	vm0 =	vgt.s32 v13, $0xC34F  }
0x4a: {  	v63 =	vld [tilespmem:s14+$0x58];
	v12 =	vadd.s32 v23, v24;
	[tilespmem:s14+$0x40] =	vst v15;
	v29 =	vsel vm0, $0xFFFE7961, v1;
	vm0 =	vgt.s32 v62, $0xC34F  }
0x4b: {  	v27 =	vshll.u32 v10, $0x1;
	[tilespmem:s14+$0xFFFFFFC0] =	vst v9;
	v32 =	vsel vm0, $0xFFFE7961, v1;
	vm0 =	vgt.s32 v21, $0xC34F  }
0x4c: {  	v28 =	vsel vm2, $0xFFFE7961, v1;
	[tilespmem:s14+$0x0] =	vst v12;
	v33 =	vsel vm0, $0xFFFE7961, v1;
	vm0 =	vcmask $0x3F20  }
0x4d: {  	v26 =	vshll.u32 v13, $0x1;
	[tilespmem:s14+$0xFFFFFFF0] =	vst v25;
	v10 =	vadd.s32 v27, v28  }
0x4e: {  	v12 =	vadd.s32 v26, v29;
	v31 =	vshll.u32 v62, $0x1;
	[tilespmem:s14+$0x20] =	vst v10  }
0x4f: {  	v30 =	vshll.u32 v21, $0x1;
	vm1 =	vgt.s32 v63, $0xC34F;
	[tilespmem:s14+$0x10] =	vst v12;
	v9 =	vadd.s32 v31, v32  }
0x50: {  	v34 =	vshll.u32 v63, $0x1;
	v35 =	vsel vm1, $0xFFFE7961, v1;
	[tilespmem:s14+$0xFFFFFFD0] =	vst v9;
	v36 =	vadd.s32 v30, v33  }
0x51: {  	v37 =	vadd.s32 v34, v35;
	[tilespmem:s14+$0x30] =	vst v36  }
0x52: {  	[tilespmem:v8+s12+$0x0] =	vst.idx.msk vm0, v37  }
0x53: {  	v8 =	vld [tilespmem:s2+$0xFFFFFFE0]  }
0x54: {  	v38 =	vld [tilespmem:s2+$0xFFFFFFB0]  }
0x55: {  	v10 =	vld [tilespmem:s2+$0x50]  }
0x56: {  	v39 =	vld [tilespmem:s2+$0xFFFFFFC0]  }
0x57: {  	v40 =	vld [tilespmem:s2+$0xFFFFFFA0]  }
0x58: {  	v41 =	vld [tilespmem:s2+$0x40]  }
0x59: {  	v43 =	vld [tilespmem:s2+$0xFFFFFFF0]  }
0x5a: {  	v47 =	vld [tilespmem:s2+$0x0]  }
0x5b: {  	v49 =	vld [tilespmem:s2+$0x20];
	_ =	sdelay $0x1  }
0x5c: {  	vm0 =	vgt.s32 v8, $0xC34F;
	v42 =	vshll.u32 v38, $0x1;
	vm1 =	vgt.s32 v38, $0xC34F  }
0x5d: {  	v46 =	vshll.u32 v10, $0x1;
	v8 =	vshll.u32 v8, $0x1;
	v48 =	vshll.u32 v39, $0x1  }
0x5e: {  	v51 =	vshll.u32 v40, $0x1;
	vm2 =	vgt.s32 v41, $0xC34F;
	v53 =	vshll.u32 v43, $0x1  }
0x5f: {  	v13 =	vshll.u32 v41, $0x1;
	v62 =	vshll.u32 v47, $0x1;
	v23 =	vshll.u32 v49, $0x1  }
0x60: {  	v44 =	vsel vm0, $0xFFFE7961, v1;
	v45 =	vsel vm1, $0xFFFE7961, v1;
	vm0 =	vgt.s32 v10, $0xC34F  }
0x61: {  	v52 =	vld [tilespmem:s2+$0x10];
	vm1 =	vgt.s32 v39, $0xC34F;
	v55 =	vsel vm2, $0xFFFE7961, v1;
	vm2 =	vgt.s32 v49, $0xC34F  }
0x62: {  	v59 =	vld [tilespmem:s2+$0xFFFFFFD0];
	v14 =	vadd.s32 v42, v45;
	v50 =	vsel vm0, $0xFFFE7961, v1;
	vm0 =	vgt.s32 v40, $0xC34F  }
0x63: {  	v58 =	vld [tilespmem:s2+$0x30];
	v9 =	vadd.s32 v13, v55;
	v8 =	vadd.s32 v8, v44;
	v61 =	vsel vm1, $0xFFFE7961, v1;
	[tilespmem:s2+$0xFFFFFFB0] =	vst v14  }
0x64: {  	v24 =	vsel vm2, $0xFFFE7961, v1;
	v54 =	vsel vm0, $0xFFFE7961, v1;
	vm0 =	vgt.s32 v43, $0xC34F;
	[tilespmem:s2+$0xFFFFFFE0] =	vst v8  }
0x65: {  	v16 =	vadd.s32 v46, v50;
	[tilespmem:s2+$0x40] =	vst v9;
	v57 =	vsel vm0, $0xFFFE7961, v1;
	vm0 =	vgt.s32 v47, $0xC34F  }
0x66: {  	v10 =	vadd.s32 v48, v61;
	[tilespmem:s2+$0x50] =	vst v16;
	v63 =	vsel vm0, $0xFFFE7961, v1;
	vm0 =	vgt.s32 v52, $0xC34F  }
0x67: {  	v9 =	vadd.s32 v23, v24;
	[tilespmem:s2+$0xFFFFFFC0] =	vst v10;
	v60 =	vld [tilespmem:s2+$0x58];
	v12 =	vsel vm0, $0xFFFE7961, v1;
	vm0 =	vgt.s32 v59, $0xC34F  }
0x68: {  	v56 =	vadd.s32 v51, v54;
	[tilespmem:s2+$0x20] =	vst v9;
	v28 =	vsel vm0, $0xFFFE7961, v1;
	vm0 =	vgt.s32 v58, $0xC34F  }
0x69: {  	[tilespmem:s2+$0xFFFFFFA0] =	vst v56;
	v21 =	vadd.s32 v53, v57;
	v30 =	vsel vm0, $0xFFFE7961, v1;
	vm0 =	vcmask $0x3F20  }
0x6a: {  	v22 =	vshll.u32 v52, $0x1;
	v16 =	vadd.s32 v62, v63;
	[tilespmem:s2+$0xFFFFFFF0] =	vst v21  }
0x6b: {  	v27 =	vshll.u32 v59, $0x1;
	[tilespmem:s2+$0x0] =	vst v16;
	v26 =	vadd.s32 v22, v12  }
0x6c: {  	v25 =	vshll.u32 v58, $0x1;
	v29 =	vadd.s32 v27, v28;
	[tilespmem:s2+$0x10] =	vst v26;
	vm1 =	vgt.s32 v60, $0xC34F  }
0x6d: {  	[tilespmem:s2+$0xFFFFFFD0] =	vst v29;
	v8 =	vadd.s32 v25, v30;
	v31 =	vshll.u32 v60, $0x1;
	v32 =	vsel vm1, $0xFFFE7961, v1  }
0x6e: {  	[tilespmem:s2+$0x30] =	vst v8;
	v33 =	vadd.s32 v31, v32  }
0x6f: {  	[tilespmem:v7+s12+$0x0] =	vst.idx.msk vm0, v33  }
0x70: {  	v7 =	vld [tilespmem:s1+$0xFFFFFFE0]  }
0x71: {  	v34 =	vld [tilespmem:s1+$0xFFFFFFB0]  }
0x72: {  	v9 =	vld [tilespmem:s1+$0x50]  }
0x73: {  	v35 =	vld [tilespmem:s1+$0xFFFFFFC0]  }
0x74: {  	v36 =	vld [tilespmem:s1+$0xFFFFFFA0]  }
0x75: {  	v37 =	vld [tilespmem:s1+$0x40]  }
0x76: {  	v39 =	vld [tilespmem:s1+$0xFFFFFFF0]  }
0x77: {  	v43 =	vld [tilespmem:s1+$0x0]  }
0x78: {  	v45 =	vld [tilespmem:s1+$0x20];
	_ =	sdelay $0x1  }
0x79: {  	vm0 =	vgt.s32 v7, $0xC34F;
	v38 =	vshll.u32 v34, $0x1;
	vm1 =	vgt.s32 v34, $0xC34F  }
0x7a: {  	v42 =	vshll.u32 v9, $0x1;
	v7 =	vshll.u32 v7, $0x1;
	v44 =	vshll.u32 v35, $0x1  }
0x7b: {  	v47 =	vshll.u32 v36, $0x1;
	vm2 =	vgt.s32 v37, $0xC34F;
	v49 =	vshll.u32 v39, $0x1  }
0x7c: {  	v12 =	vshll.u32 v37, $0x1;
	v58 =	vshll.u32 v43, $0x1;
	v62 =	vshll.u32 v45, $0x1  }
0x7d: {  	v40 =	vsel vm0, $0xFFFE7961, v1;
	v41 =	vsel vm1, $0xFFFE7961, v1;
	vm0 =	vgt.s32 v9, $0xC34F  }
0x7e: {  	v48 =	vld [tilespmem:s1+$0x10];
	vm1 =	vgt.s32 v35, $0xC34F;
	v51 =	vsel vm2, $0xFFFE7961, v1;
	vm2 =	vgt.s32 v45, $0xC34F  }
0x7f: {  	v55 =	vld [tilespmem:s1+$0xFFFFFFD0];
	v13 =	vadd.s32 v38, v41;
	v46 =	vsel vm0, $0xFFFE7961, v1;
	vm0 =	vgt.s32 v36, $0xC34F  }
0x80: {  	v54 =	vld [tilespmem:s1+$0x30];
	v8 =	vadd.s32 v12, v51;
	v7 =	vadd.s32 v7, v40;
	v57 =	vsel vm1, $0xFFFE7961, v1;
	[tilespmem:s1+$0xFFFFFFB0] =	vst v13  }
0x81: {  	v63 =	vsel vm2, $0xFFFE7961, v1;
	v50 =	vsel vm0, $0xFFFE7961, v1;
	vm0 =	vgt.s32 v39, $0xC34F;
	[tilespmem:s1+$0xFFFFFFE0] =	vst v7  }
0x82: {  	v15 =	vadd.s32 v42, v46;
	[tilespmem:s1+$0x40] =	vst v8;
	v53 =	vsel vm0, $0xFFFE7961, v1;
	vm0 =	vgt.s32 v43, $0xC34F  }
0x83: {  	v9 =	vadd.s32 v44, v57;
	[tilespmem:s1+$0x50] =	vst v15;
	v59 =	vsel vm0, $0xFFFE7961, v1;
	vm0 =	vgt.s32 v48, $0xC34F  }
0x84: {  	v8 =	vadd.s32 v62, v63;
	[tilespmem:s1+$0xFFFFFFC0] =	vst v9;
	v56 =	vld [tilespmem:s1+$0x58];
	v11 =	vsel vm0, $0xFFFE7961, v1;
	vm0 =	vgt.s32 v55, $0xC34F  }
0x85: {  	v52 =	vadd.s32 v47, v50;
	[tilespmem:s1+$0x20] =	vst v8;
	v19 =	vsel vm0, $0xFFFE7961, v1;
	vm0 =	vgt.s32 v54, $0xC34F  }
0x86: {  	[tilespmem:s1+$0xFFFFFFA0] =	vst v52;
	v60 =	vadd.s32 v49, v53;
	v21 =	vsel vm0, $0xFFFE7961, v1;
	vm0 =	vcmask $0x3F20  }
0x87: {  	v61 =	vshll.u32 v48, $0x1;
	v15 =	vadd.s32 v58, v59;
	[tilespmem:s1+$0xFFFFFFF0] =	vst v60  }
0x88: {  	v17 =	vshll.u32 v55, $0x1;
	[tilespmem:s1+$0x0] =	vst v15;
	v16 =	vadd.s32 v61, v11  }
0x89: {  	v15 =	vshll.u32 v54, $0x1;
	v20 =	vadd.s32 v17, v19;
	[tilespmem:s1+$0x10] =	vst v16;
	vm1 =	vgt.s32 v56, $0xC34F  }
0x8a: {  	[tilespmem:s1+$0xFFFFFFD0] =	vst v20;
	v7 =	vadd.s32 v15, v21;
	v22 =	vshll.u32 v56, $0x1;
	v23 =	vsel vm1, $0xFFFE7961, v1  }
0x8b: {  	[tilespmem:s1+$0x30] =	vst v7;
	v24 =	vadd.s32 v22, v23  }
0x8c: {  	[tilespmem:v6+s12+$0x0] =	vst.idx.msk vm0, v24  }
0x8d: {  	v6 =	vld [tilespmem:s0+$0xFFFFFFE0]  }
0x8e: {  	v25 =	vld [tilespmem:s0+$0xFFFFFFB0]  }
0x8f: {  	v8 =	vld [tilespmem:s0+$0x50]  }
0x90: {  	v26 =	vld [tilespmem:s0+$0xFFFFFFC0]  }
0x91: {  	v27 =	vld [tilespmem:s0+$0xFFFFFFA0]  }
0x92: {  	v28 =	vld [tilespmem:s0+$0x40]  }
0x93: {  	v30 =	vld [tilespmem:s0+$0xFFFFFFF0]  }
0x94: {  	v34 =	vld [tilespmem:s0+$0x0]  }
0x95: {  	v36 =	vld [tilespmem:s0+$0x20];
	_ =	sdelay $0x1  }
0x96: {  	vm0 =	vgt.s32 v6, $0xC34F;
	v29 =	vshll.u32 v25, $0x1;
	vm1 =	vgt.s32 v25, $0xC34F  }
0x97: {  	v33 =	vshll.u32 v8, $0x1;
	v6 =	vshll.u32 v6, $0x1;
	v35 =	vshll.u32 v26, $0x1  }
0x98: {  	v38 =	vshll.u32 v27, $0x1;
	vm2 =	vgt.s32 v28, $0xC34F;
	v40 =	vshll.u32 v30, $0x1  }
0x99: {  	v11 =	vshll.u32 v28, $0x1;
	v49 =	vshll.u32 v34, $0x1;
	v53 =	vshll.u32 v36, $0x1  }
0x9a: {  	v31 =	vsel vm0, $0xFFFE7961, v1;
	v32 =	vsel vm1, $0xFFFE7961, v1;
	vm0 =	vgt.s32 v8, $0xC34F  }
0x9b: {  	v39 =	vld [tilespmem:s0+$0x10];
	vm1 =	vgt.s32 v26, $0xC34F;
	v42 =	vsel vm2, $0xFFFE7961, v1;
	vm2 =	vgt.s32 v36, $0xC34F  }
0x9c: {  	v46 =	vld [tilespmem:s0+$0xFFFFFFD0];
	v12 =	vadd.s32 v29, v32;
	v37 =	vsel vm0, $0xFFFE7961, v1;
	vm0 =	vgt.s32 v27, $0xC34F  }
0x9d: {  	v45 =	vld [tilespmem:s0+$0x30];
	v7 =	vadd.s32 v11, v42;
	v6 =	vadd.s32 v6, v31;
	v48 =	vsel vm1, $0xFFFE7961, v1;
	[tilespmem:s0+$0xFFFFFFB0] =	vst v12  }
0x9e: {  	v54 =	vsel vm2, $0xFFFE7961, v1;
	v41 =	vsel vm0, $0xFFFE7961, v1;
	vm0 =	vgt.s32 v30, $0xC34F;
	[tilespmem:s0+$0xFFFFFFE0] =	vst v6  }
0x9f: {  	v14 =	vadd.s32 v33, v37;
	[tilespmem:s0+$0x40] =	vst v7;
	v44 =	vsel vm0, $0xFFFE7961, v1;
	vm0 =	vgt.s32 v34, $0xC34F  }
0xa0: {  	v8 =	vadd.s32 v35, v48;
	[tilespmem:s0+$0x50] =	vst v14;
	v50 =	vsel vm0, $0xFFFE7961, v1;
	vm0 =	vgt.s32 v39, $0xC34F  }
0xa1: {  	v7 =	vadd.s32 v53, v54;
	[tilespmem:s0+$0xFFFFFFC0] =	vst v8;
	v47 =	vld [tilespmem:s0+$0x58];
	v10 =	vsel vm0, $0xFFFE7961, v1;
	vm0 =	vgt.s32 v46, $0xC34F  }
0xa2: {  	v43 =	vadd.s32 v38, v41;
	[tilespmem:s0+$0x20] =	vst v7;
	v58 =	vsel vm0, $0xFFFE7961, v1;
	vm0 =	vgt.s32 v45, $0xC34F  }
0xa3: {  	[tilespmem:s0+$0xFFFFFFA0] =	vst v43;
	v51 =	vadd.s32 v40, v44;
	v60 =	vsel vm0, $0xFFFE7961, v1;
	vm0 =	vcmask $0x3F20  }
0xa4: {  	v52 =	vshll.u32 v39, $0x1;
	v14 =	vadd.s32 v49, v50;
	[tilespmem:s0+$0xFFFFFFF0] =	vst v51  }
0xa5: {  	v57 =	vshll.u32 v46, $0x1;
	[tilespmem:s0+$0x0] =	vst v14;
	v56 =	vadd.s32 v52, v10  }
0xa6: {  	v55 =	vshll.u32 v45, $0x1;
	v59 =	vadd.s32 v57, v58;
	[tilespmem:s0+$0x10] =	vst v56;
	vm1 =	vgt.s32 v47, $0xC34F  }
0xa7: {  	v4 =	vld [tilespmem:$0x1FFE0];
	[tilespmem:s0+$0xFFFFFFD0] =	vst v59;
	v6 =	vadd.s32 v55, v60;
	v61 =	vshll.u32 v47, $0x1;
	v62 =	vsel vm1, $0xFFFE7961, v1  }
0xa8: {  	s26 =	simm.s32 $0xA480;
	[tilespmem:s0+$0x30] =	vst v6;
	v63 =	vadd.s32 v61, v62  }
0xa9: {  	s28 =	simm.s32 $0x4100;
	s31 =	simm.s32 $0xC480;
	s29 =	simm.s32 $0x10D50;
	[tilespmem:v5+s12+$0x0] =	vst.idx.msk vm0, v63  }
0xaa: {  	[tilespmem:s26], [sflag:$0x2] =	stream.indirect.gather [hbm4b:s4+s11], $0x40, s12, s11, $0xb8;
	[tilespmem:$0x17880] =	vst v63  }
0xab: {  	s30 =	simm.s32 $0x0;
	s2 =	simm.s32 $0x10C80;
	s26 =	simm.s32 $0x0  }
0xac: {  	vm2 =	vnez.u8 v4;
	[tilespmem:s31], [sflag:$0x3] =	stream.indirect.gather [hbm4b:s4+s15], $0x40, s28, s15, $0xb8;
	[tilespmem:$0x17880] =	vst v63  }
.LBB2_4:
0xad: {  	_ =	swait.ge [sflag:s18], $0x2000  }
0xae: {  	s31 =	sshllo.u32 s30, $0x1;
	[sflag:s18] =	ssyncset.done $0x0  }
0xaf: {  	s0 =	smul.u32 $0x320, s31;
	[sflag:s18] =	ssyncadd.s32 $0xFFFFE000  }
0xb0: {  	_ =	swait.ge [sflag:s19], $0x1200  }
0xb1: {  	s0 =	sshra.s32 s0, $0x2;
	[sflag:s19] =	ssyncset.done $0x0  }
0xb2: {  	s1 =	sadd.s32 $0x4080, s0;
	[sflag:s19] =	ssyncadd.s32 $0xFFFFEE00  }
0xb3: {  	[tilespmem:s20], [sflag:$0x4] =	stream.indirect.gather [hbm4b:s4+s11], $0x40, s1, s11, $0xb8;
	[tilespmem:$0x17880] =	vst v63  }
0xb4: {  	s16 =	sshll.u32 s30, $0x8;
	s0 =	sadd.s32 $0x4100, s0  }
0xb5: {  	[tilespmem:s21], [sflag:$0x5] =	stream.indirect.gather [hbm4b:s4+s15], $0x40, s0, s15, $0xb8;
	[tilespmem:$0x17880] =	vst v63  }
0xb6: {  	s0 =	sand.u32 $0x3FFFFF00, s16  }
0xb7: {  	v5 =	vld [tilespmem:s0+$0x80]  }
0xb8: {  	v6 =	vld [tilespmem:s0+$0x90]  }
0xb9: {  	v9 =	vld [tilespmem:s0+$0xB0]  }
0xba: {  	s17 =	simm.s32 $0xA680;
	v14 =	vld [tilespmem:s0+$0xD0]  }
0xbb: {  	v21 =	vld [tilespmem:s17+$0x1D0]  }
0xbc: {  	v22 =	vld [tilespmem:s17+$0x1A0]  }
0xbd: {  	v40 =	vld [tilespmem:s17+$0x190]  }
0xbe: {  	v25 =	vld [tilespmem:s17+$0x130]  }
0xbf: {  	v43 =	vld [tilespmem:s17+$0x160]  }
0xc0: {  	v30 =	vld [tilespmem:s17+$0x120]  }
0xc1: {  	v46 =	vld [tilespmem:s17+$0x140]  }
0xc2: {  	v51 =	vld [tilespmem:s17+$0x100]  }
0xc3: {  	v56 =	vld [tilespmem:s17+$0x110]  }
0xc4: {  	v32 =	vld [tilespmem:s17+$0xE0];
	v8 =	vshrl.u32 v5, $0x10  }
0xc5: {  	v57 =	vld [tilespmem:s17+$0xC0];
	v12 =	vshrl.u32 v9, $0x10;
	v17 =	vshrl.u32 v14, $0x10;
	v41 =	vshll.u32 v21, $0x10  }
0xc6: {  	v59 =	vld [tilespmem:s17+$0xD0];
	v21 =	vand.u32 $0xFFFF0000, v21;
	v26 =	vshll.u32 v22, $0x10;
	v42 =	vshll.u32 v40, $0x10  }
0xc7: {  	v34 =	vld [tilespmem:s17+$0x70];
	v22 =	vand.u32 $0xFFFF0000, v22;
	v29 =	vshll.u32 v25, $0x10;
	v44 =	vand.u32 $0xFFFF0000, v25  }
0xc8: {  	v48 =	vshll.u32 v43, $0x10;
	v49 =	vshll.u32 v30, $0x10;
	v52 =	vand.u32 $0xFFFF0000, v30  }
0xc9: {  	v7 =	vld [tilespmem:s0+$0xA0];
	v55 =	vshll.u32 v46, $0x10;
	v58 =	vshll.u32 v51, $0x10;
	v60 =	vshll.u32 v56, $0x10  }
0xca: {  	v30 =	vand.u32 $0xFFFF0000, v56;
	v35 =	vshll.u32 v32, $0x10;
	v36 =	vshll.u32 v57, $0x10  }
0xcb: {  	v62 =	vshll.u32 v59, $0x10;
	v32 =	vand.u32 $0xFFFF0000, v32;
	v8 =	vand.u32 $0x1, v8  }
0xcc: {  	v10 =	vld [tilespmem:s0+$0xC0];
	v38 =	vshll.u32 v34, $0x10;
	v5 =	vadd.s32 v8, v5;
	v8 =	vshrl.u32 v6, $0x10  }
0xcd: {  	v12 =	vand.u32 $0x1, v12;
	v17 =	vand.u32 $0x1, v17;
	v8 =	vand.u32 $0x1, v8  }
0xce: {  	v13 =	vld [tilespmem:s0+$0xF0];
	v5 =	vadd.s32 $0x7FFF, v5;
	v6 =	vadd.s32 v8, v6;
	v8 =	vshrl.u32 v7, $0x10  }
0xcf: {  	v11 =	vld [tilespmem:s0+$0xE0];
	v5 =	vand.u32 $0xFFFF0000, v5;
	v6 =	vadd.s32 $0x7FFF, v6;
	v8 =	vand.u32 $0x1, v8  }
0xd0: {  	v31 =	vmul.f32 v55, v5;
	v61 =	vmul.f32 v36, v5;
	v7 =	vadd.s32 v8, v7  }
0xd1: {  	v8 =	vadd.s32 v12, v9;
	v9 =	vshrl.u32 v10, $0x10;
	v7 =	vadd.s32 $0x7FFF, v7  }
0xd2: {  	v16 =	vld [tilespmem:s17+$0x1B0];
	v8 =	vadd.s32 $0x7FFF, v8;
	v9 =	vand.u32 $0x1, v9;
	v7 =	vand.u32 $0xFFFF0000, v7  }
0xd3: {  	v12 =	vld [tilespmem:s17+$0x1F0];
	v8 =	vand.u32 $0xFFFF0000, v8;
	v9 =	vadd.s32 v9, v10;
	v10 =	vshrl.u32 v13, $0x10  }
0xd4: {  	v15 =	vadd.s32 $0x7FFF, v9;
	v9 =	vshrl.u32 v11, $0x10;
	v26 =	vmul.f32 v26, v7  }
0xd5: {  	v10 =	vand.u32 $0x1, v10;
	v45 =	vmul.f32 v29, v8;
	v35 =	vmul.f32 v35, v7  }
0xd6: {  	v9 =	vand.u32 $0x1, v9;
	v10 =	vadd.s32 v10, v13;
	v13 =	vadd.s32 v17, v14  }
0xd7: {  	v17 =	vshll.u32 v16, $0x10;
	v16 =	vand.u32 $0xFFFF0000, v16;
	v9 =	vadd.s32 v9, v11  }
0xd8: {  	v18 =	vld [tilespmem:s17+$0x1C0];
	v10 =	vadd.s32 $0x7FFF, v10;
	v14 =	vshll.u32 v12, $0x10;
	v12 =	vand.u32 $0xFFFF0000, v12  }
0xd9: {  	v11 =	vld [tilespmem:s17+$0x1E0];
	v17 =	vmul.f32 v17, v8;
	v9 =	vadd.s32 $0x7FFF, v9;
	v10 =	vand.u32 $0xFFFF0000, v10  }
0xda: {  	v14 =	vmul.f32 v14, v8;
	v9 =	vand.u32 $0xFFFF0000, v9;
	v20 =	vmul.f32 v12, v10  }
0xdb: {  	v6 =	vand.u32 $0xFFFF0000, v6;
	v16 =	vmul.f32 v16, v10;
	v22 =	vmul.f32 v22, v9  }
0xdc: {  	v19 =	vld [tilespmem:s17+$0x170];
	v13 =	vadd.s32 $0x7FFF, v13;
	v54 =	vmul.f32 v52, v9;
	v32 =	vmul.f32 v32, v9  }
0xdd: {  	v20 =	vadd.f32 v20, v14;
	v16 =	vadd.f32 v16, v17;
	v14 =	vshll.u32 v18, $0x10  }
0xde: {  	v18 =	vand.u32 $0xFFFF0000, v18;
	v12 =	vshll.u32 v11, $0x10;
	v11 =	vand.u32 $0xFFFF0000, v11  }
0xdf: {  	v14 =	vmul.f32 v14, v5;
	v24 =	vmul.f32 v11, v9;
	v11 =	vand.u32 $0xFFFF0000, v15;
	v15 =	vld [tilespmem:s17+$0x180]  }
0xe0: {  	v23 =	vmul.f32 v12, v7;
	v12 =	vand.u32 $0xFFFF0000, v13;
	v18 =	vmul.f32 v18, v11  }
0xe1: {  	v13 =	vshll.u32 v19, $0x10;
	v21 =	vmul.f32 v21, v12;
	v30 =	vmul.f32 v30, v12  }
0xe2: {  	v39 =	vld [tilespmem:s17+$0x60];
	v17 =	vadd.f32 v24, v23;
	v24 =	vmul.f32 v41, v6;
	v23 =	vand.u32 $0xFFFF0000, v40  }
0xe3: {  	v41 =	vand.u32 $0xFFFF0000, v34;
	v14 =	vadd.f32 v18, v14;
	v23 =	vmul.f32 v23, v12  }
0xe4: {  	v21 =	vadd.f32 v21, v24;
	v24 =	vmul.f32 v42, v6;
	v27 =	vshll.u32 v15, $0x10  }
0xe5: {  	v42 =	vmul.f32 v38, v8;
	v15 =	vand.u32 $0xFFFF0000, v15;
	v18 =	vmul.f32 v27, v5  }
0xe6: {  	v63 =	vld [tilespmem:s17+$0xA0];
	v15 =	vmul.f32 v15, v11;
	v14 =	vadd.f32 v21, v14;
	v21 =	vmul.f32 v44, v10  }
0xe7: {  	v37 =	vld [tilespmem:s17+$0x30];
	v27 =	vand.u32 $0xFFFF0000, v51;
	v44 =	vadd.f32 v32, v35;
	v51 =	vand.u32 $0xFFFF0000, v39  }
0xe8: {  	v27 =	vmul.f32 v27, v11;
	v36 =	vmul.f32 v51, v9;
	v15 =	vadd.f32 v15, v18  }
0xe9: {  	v28 =	vld [tilespmem:s17+$0xF0];
	v18 =	vadd.f32 v23, v24;
	v17 =	vadd.f32 v17, v14;
	v14 =	vand.u32 $0xFFFF0000, v19  }
0xea: {  	v19 =	vadd.f32 v22, v26;
	v47 =	vadd.f32 v21, v45;
	v24 =	vand.u32 $0xFFFF0000, v46  }
0xeb: {  	v22 =	vand.u32 $0xFFFF0000, v57;
	v26 =	vand.u32 $0xFFFF0000, v59;
	v45 =	vshll.u32 v63, $0x10  }
0xec: {  	v53 =	vld [tilespmem:s17+$0xB0];
	v46 =	vshll.u32 v37, $0x10;
	v24 =	vmul.f32 v24, v11;
	v22 =	vmul.f32 v22, v11  }
0xed: {  	v50 =	vld [tilespmem:s17+$0x150];
	v26 =	vmul.f32 v26, v12;
	v25 =	vmul.f32 v46, v8;
	v18 =	vadd.f32 v18, v15  }
0xee: {  	v21 =	vadd.f32 v20, v17;
	v17 =	vshll.u32 v28, $0x10;
	v20 =	vmul.f32 v49, v7  }
0xef: {  	v15 =	vand.u32 $0xFFFF0000, v43;
	v18 =	vadd.f32 v19, v18;
	v19 =	vand.u32 $0xFFFF0000, v28  }
0xf0: {  	v49 =	vld [tilespmem:s17+$0x90];
	v17 =	vmul.f32 v17, v8;
	v29 =	vadd.f32 v54, v20;
	v19 =	vmul.f32 v19, v10  }
0xf1: {  	v20 =	vshll.u32 v53, $0x10;
	v23 =	vadd.f32 v16, v18;
	v16 =	vmul.f32 v48, v7  }
0xf2: {  	v43 =	vld [tilespmem:s17+$0x80];
	v18 =	vshll.u32 v50, $0x10;
	v48 =	vshll.u32 v39, $0x10;
	v33 =	vadd.f32 v19, v17  }
0xf3: {  	v54 =	vld [tilespmem:s17+$0x50];
	v17 =	vadd.f32 v24, v31;
	v18 =	vmul.f32 v18, v6;
	v24 =	vmul.f32 v58, v5  }
0xf4: {  	v56 =	vld [tilespmem:s17+$0x0];
	v19 =	vand.u32 $0xFFFF0000, v50;
	v31 =	vmul.f32 v60, v6;
	v52 =	vmul.f32 v48, v7  }
0xf5: {  	v57 =	vshll.u32 v49, $0x10;
	v58 =	vand.u32 $0xFFFF0000, v49;
	v19 =	vmul.f32 v19, v12  }
0xf6: {  	v50 =	vld [tilespmem:s17+$0x40];
	v28 =	vmul.f32 v58, v12;
	v24 =	vadd.f32 v27, v24;
	v30 =	vadd.f32 v30, v31  }
0xf7: {  	v31 =	vmul.f32 v62, v6;
	v27 =	vadd.f32 v22, v61;
	v22 =	vand.u32 $0xFFFF0000, v53  }
0xf8: {  	v53 =	vshll.u32 v43, $0x10;
	v36 =	vadd.f32 v36, v52;
	v39 =	vand.u32 $0xFFFF0000, v54  }
0xf9: {  	v49 =	vld [tilespmem:s17+$0xFFFFFFA0];
	v61 =	vand.u32 $0xFFFF0000, v56;
	v40 =	vmul.f32 v53, v5;
	v24 =	vadd.f32 v30, v24  }
0xfa: {  	v39 =	vmul.f32 v39, v12;
	v26 =	vadd.f32 v26, v31;
	v30 =	vmul.f32 v41, v10  }
0xfb: {  	v55 =	vld [tilespmem:s17+$0x20];
	v59 =	vshll.u32 v50, $0x10;
	v35 =	vand.u32 $0xFFFF0000, v50;
	v24 =	vadd.f32 v29, v24  }
0xfc: {  	v60 =	vld [tilespmem:s17+$0x10];
	v26 =	vadd.f32 v26, v27;
	v34 =	vadd.f32 v30, v42;
	v29 =	vand.u32 $0xFFFF0000, v43  }
0xfd: {  	v32 =	vmul.f32 v59, v5;
	v35 =	vmul.f32 v35, v11;
	v42 =	vshll.u32 v54, $0x10  }
0xfe: {  	v38 =	vld [tilespmem:s17+$0xFFFFFFF0];
	v58 =	vshll.u32 v49, $0x10;
	v29 =	vmul.f32 v29, v11;
	v42 =	vmul.f32 v42, v6  }
0xff: {  	v48 =	vld [tilespmem:s17+$0xFFFFFFE0];
	v30 =	vadd.f32 v47, v24;
	v24 =	vand.u32 $0xFFFF0000, v63;
	v26 =	vadd.f32 v44, v26  }
0x100: {  	v47 =	vand.u32 $0xFFFF0000, v37;
	v44 =	vshll.u32 v55, $0x10;
	v32 =	vadd.f32 v35, v32  }
0x101: {  	v43 =	vld [tilespmem:s17+$0xFFFFFFB0];
	v35 =	vmul.f32 v61, v11;
	v63 =	vshll.u32 v60, $0x10;
	v27 =	vmul.f32 v47, v10  }
0x102: {  	v44 =	vmul.f32 v44, v7;
	v39 =	vadd.f32 v39, v42;
	v42 =	vmul.f32 v63, v6  }
0x103: {  	v46 =	vld [tilespmem:s17+$0xFFFFFF70];
	v31 =	vadd.f32 v33, v26;
	v26 =	vadd.f32 v29, v40;
	v29 =	vshll.u32 v38, $0x10  }
0x104: {  	v40 =	vand.u32 $0xFFFF0000, v60;
	v33 =	vand.u32 $0xFFFF0000, v55;
	v55 =	vshll.u32 v48, $0x10  }
0x105: {  	v53 =	vld [tilespmem:s17+$0xFFFFFFC0];
	v41 =	vadd.f32 v27, v25;
	v25 =	vmul.f32 v45, v7;
	v27 =	vmul.f32 v57, v6  }
0x106: {  	v45 =	vshll.u32 v56, $0x10;
	v40 =	vmul.f32 v40, v12;
	v47 =	vshll.u32 v43, $0x10  }
0x107: {  	v33 =	vmul.f32 v33, v9;
	v32 =	vadd.f32 v39, v32;
	v43 =	vand.u32 $0xFFFF0000, v43  }
0x108: {  	v56 =	vshll.u32 v46, $0x10;
	v57 =	vand.u32 $0xFFFF0000, v46;
	v62 =	vmul.f32 v45, v5  }
0x109: {  	v63 =	vld [tilespmem:s17+$0xFFFFFF60];
	v39 =	vand.u32 $0xFFFF0000, v49;
	v51 =	vmul.f32 v47, v8;
	v52 =	vmul.f32 v43, v10  }
0x10a: {  	v37 =	vmul.f32 v57, v10;
	v61 =	vmul.f32 v39, v9;
	v43 =	vand.u32 $0xFFFF0000, v53  }
0x10b: {  	v60 =	vld [tilespmem:s17+$0xFFFFFF80];
	v50 =	vadd.f32 v40, v42;
	v36 =	vadd.f32 v36, v32;
	v32 =	vand.u32 $0xFFFF0000, v38  }
0x10c: {  	v46 =	vld [tilespmem:s17+$0xFFFFFF30];
	v54 =	vadd.f32 v33, v44;
	v33 =	vand.u32 $0xFFFF0000, v48;
	v40 =	vmul.f32 v58, v7  }
0x10d: {  	v59 =	vld [tilespmem:s17+$0xFFFFFFD0];
	v43 =	vmul.f32 v43, v11;
	v35 =	vadd.f32 v35, v62;
	v42 =	vadd.f32 v52, v51  }
0x10e: {  	v57 =	vld [tilespmem:s17+$0xFFFFFF50];
	v62 =	vshll.u32 v53, $0x10;
	v53 =	vshll.u32 v63, $0x10;
	v36 =	vadd.f32 v34, v36  }
0x10f: {  	v48 =	vld [tilespmem:s17+$0xFFFFFF90];
	v34 =	vmul.f32 v56, v8;
	v49 =	vmul.f32 v62, v5;
	v47 =	vadd.f32 v61, v40  }
0x110: {  	v56 =	vshll.u32 v60, $0x10;
	v45 =	vand.u32 $0xFFFF0000, v60;
	v53 =	vmul.f32 v53, v7  }
0x111: {  	v51 =	vld [tilespmem:s17+$0xFFFFFF40];
	v35 =	vadd.f32 v50, v35;
	v40 =	vshll.u32 v46, $0x10;
	v45 =	vmul.f32 v45, v11  }
0x112: {  	v50 =	vadd.f32 v37, v34;
	v34 =	vmul.f32 v55, v7;
	v55 =	vand.u32 $0xFFFF0000, v59  }
0x113: {  	v60 =	vshll.u32 v57, $0x10;
	v44 =	vand.u32 $0xFFFF0000, v57;
	v35 =	vadd.f32 v54, v35  }
0x114: {  	v52 =	vld [tilespmem:s17+$0xFFFFFEF0];
	v54 =	vshll.u32 v59, $0x10;
	v38 =	vmul.f32 v55, v12;
	v58 =	vshll.u32 v48, $0x10  }
0x115: {  	v48 =	vand.u32 $0xFFFF0000, v48;
	v44 =	vmul.f32 v44, v12;
	v37 =	vmul.f32 v54, v6  }
0x116: {  	v48 =	vmul.f32 v48, v12;
	v54 =	vshll.u32 v51, $0x10;
	v59 =	vand.u32 $0xFFFF0000, v51  }
0x117: {  	v55 =	vld [tilespmem:s17+$0xFFFFFEB0];
	v39 =	vadd.f32 v41, v35;
	v35 =	vadd.f32 v43, v49;
	v43 =	vmul.f32 v56, v5  }
0x118: {  	v61 =	vld [tilespmem:s17+$0xFFFFFF20];
	v49 =	vmul.f32 v58, v6;
	v51 =	vmul.f32 v54, v5;
	v41 =	vand.u32 $0xFFFF0000, v63  }
0x119: {  	v56 =	vshll.u32 v52, $0x10;
	v63 =	vld [tilespmem:s17+$0xFFFFFEE0];
	v52 =	vand.u32 $0xFFFF0000, v52;
	v57 =	vmul.f32 v41, v9  }
0x11a: {  	v58 =	vmul.f32 v56, v8;
	v43 =	vadd.f32 v45, v43;
	v48 =	vadd.f32 v48, v49  }
0x11b: {  	v41 =	vand.u32 $0xFFFF0000, v46;
	v45 =	vmul.f32 v59, v11;
	v49 =	vmul.f32 v60, v6  }
0x11c: {  	v59 =	vadd.f32 v57, v53;
	v60 =	vshll.u32 v55, $0x10;
	v62 =	vadd.f32 v48, v43  }
0x11d: {  	v45 =	vadd.f32 v45, v51;
	v44 =	vadd.f32 v44, v49;
	v48 =	vmul.f32 v52, v10  }
0x11e: {  	v51 =	vld [tilespmem:s17+$0xFFFFFF00];
	v52 =	vand.u32 $0xFFFF0000, v61;
	v43 =	vand.u32 $0xFFFF0000, v63;
	v47 =	vadd.f32 v47, v62  }
0x11f: {  	v44 =	vadd.f32 v44, v45;
	v46 =	vadd.f32 v48, v58;
	v48 =	vshll.u32 v61, $0x10;
	v45 =	vld [tilespmem:s17+$0xFFFFFE30]  }
0x120: {  	v61 =	vand.u32 $0xFFFF0000, v55;
	v62 =	vshll.u32 v63, $0x10;
	v55 =	vld [tilespmem:s17+$0xFFFFFEC0];
	v43 =	vmul.f32 v43, v9  }
0x121: {  	v58 =	vld [tilespmem:s17+$0xFFFFFE80];
	v53 =	vmul.f32 v61, v10;
	v54 =	vmul.f32 v62, v7  }
0x122: {  	v42 =	vadd.f32 v42, v47;
	v44 =	vadd.f32 v59, v44;
	v47 =	vmul.f32 v60, v8  }
0x123: {  	v60 =	vld [tilespmem:s17+$0xFFFFFED0];
	v63 =	vshll.u32 v51, $0x10;
	v51 =	vand.u32 $0xFFFF0000, v51;
	v43 =	vadd.f32 v43, v54  }
0x124: {  	v56 =	vmul.f32 v63, v5;
	v51 =	vmul.f32 v51, v11;
	v44 =	vadd.f32 v50, v44  }
0x125: {  	v50 =	vld [tilespmem:s17+$0xFFFFFEA0];
	v61 =	vshll.u32 v45, $0x10;
	v45 =	vand.u32 $0xFFFF0000, v45;
	v62 =	vshll.u32 v55, $0x10  }
0x126: {  	v55 =	vand.u32 $0xFFFF0000, v55;
	v63 =	vshll.u32 v58, $0x10;
	v54 =	vmul.f32 v61, v8  }
0x127: {  	v51 =	vadd.f32 v51, v56;
	v56 =	vmul.f32 v62, v5;
	v55 =	vmul.f32 v55, v11  }
0x128: {  	v45 =	vmul.f32 v45, v10;
	v62 =	vld [tilespmem:s17+$0xFFFFFE90];
	v59 =	vshll.u32 v60, $0x10;
	v57 =	vand.u32 $0xFFFF0000, v60  }
0x129: {  	v58 =	vand.u32 $0xFFFF0000, v58;
	v60 =	vld [tilespmem:s17+$0xFFFFFE20];
	v59 =	vmul.f32 v59, v6;
	v57 =	vmul.f32 v57, v12  }
0x12a: {  	v55 =	vadd.f32 v55, v56;
	v61 =	vshll.u32 v50, $0x10;
	v50 =	vand.u32 $0xFFFF0000, v50  }
0x12b: {  	v61 =	vmul.f32 v61, v7;
	v50 =	vmul.f32 v50, v9;
	v56 =	vadd.f32 v57, v59  }
0x12c: {  	v18 =	vadd.f32 v19, v18;
	v58 =	vmul.f32 v58, v11;
	v45 =	vadd.f32 v45, v54  }
0x12d: {  	v57 =	vmul.f32 v63, v5;
	v50 =	vadd.f32 v50, v61;
	v55 =	vadd.f32 v56, v55;
	v56 =	vld [tilespmem:s17+$0xFFFFFE00]  }
0x12e: {  	v63 =	vld [tilespmem:s17+$0xFFFFFE10];
	v59 =	vshll.u32 v60, $0x10;
	v61 =	vshll.u32 v62, $0x10;
	v62 =	vand.u32 $0xFFFF0000, v62  }
0x12f: {  	v60 =	vand.u32 $0xFFFF0000, v60;
	v61 =	vmul.f32 v61, v6;
	v62 =	vmul.f32 v62, v12  }
0x130: {  	v4 =	vld [tilespmem:s17+$0xFFFFFE60];
	v59 =	vmul.f32 v59, v7;
	v60 =	vmul.f32 v60, v9;
	v43 =	vadd.f32 v43, v55  }
0x131: {  	v13 =	vmul.f32 v13, v8;
	v57 =	vadd.f32 v58, v57;
	v55 =	vld [tilespmem:s17+$0xFFFFFE40];
	v61 =	vadd.f32 v62, v61  }
0x132: {  	v59 =	vadd.f32 v60, v59;
	v43 =	vadd.f32 v46, v43;
	v62 =	vshll.u32 v56, $0x10  }
0x133: {  	v60 =	vld [tilespmem:s17+$0xFFFFFE50];
	v46 =	vand.u32 $0xFFFF0000, v56;
	v57 =	vadd.f32 v61, v57;
	v61 =	vshll.u32 v63, $0x10  }
0x134: {  	v56 =	vmul.f32 v62, v5;
	v46 =	vmul.f32 v46, v11;
	v62 =	vand.u32 $0xFFFF0000, v63  }
0x135: {  	v54 =	vld [tilespmem:s17+$0xFFFFFE70];
	v61 =	vmul.f32 v61, v6;
	v63 =	vshll.u32 v4, $0x10;
	v4 =	vand.u32 $0xFFFF0000, v4  }
0x136: {  	v62 =	vmul.f32 v62, v12;
	v46 =	vadd.f32 v46, v56;
	v56 =	vshll.u32 v55, $0x10  }
0x137: {  	v50 =	vadd.f32 v50, v57;
	v55 =	vand.u32 $0xFFFF0000, v55;
	v56 =	vmul.f32 v56, v5  }
0x138: {  	(xrf2) =	vadd.scan.msk.f32 $0xffff, v21;
	v21 =	vmul.f32 v55, v11;
	v55 =	vshll.u32 v60, $0x10;
	v60 =	vand.u32 $0xFFFF0000, v60  }
0x139: {  	v57 =	vadd.f32 v62, v61;
	v61 =	vmul.f32 v55, v6;
	v62 =	vmul.f32 v60, v12  }
0x13a: {  	(xrf2) =	vadd.scan.msk.f32 $0xffff, v23;
	v47 =	vadd.f32 v53, v47;
	v58 =	vshll.u32 v54, $0x10;
	v4 =	vmul.f32 v4, v9  }
0x13b: {  	(xrf2) =	vadd.scan.msk.f32 $0xffff, v30;
	v49 =	vld [tilespmem:s17+$0xFFFFFF10];
	v60 =	vmul.f32 v63, v7;
	v21 =	vadd.f32 v21, v56;
	v23 =	vadd.f32 v62, v61  }
0x13c: {  	(xrf2) =	vadd.scan.msk.f32 $0xffff, v31;
	v57 =	vadd.f32 v57, v46;
	v61 =	vand.u32 $0xFFFF0000, v54;
	v62 =	vmul.f32 v58, v8  }
0x13d: {  	(xrf2) =	vadd.scan.msk.f32 $0xffff, v36;
	v4 =	vadd.f32 v4, v60;
	v63 =	vmul.f32 v61, v10;
	v21 =	vadd.f32 v23, v21  }
0x13e: {  	v15 =	vmul.f32 v15, v9;
	(xrf2) =	vadd.scan.msk.f32 $0xffff, v39;
	v47 =	vadd.f32 v47, v50;
	v30 =	vadd.f32 v59, v57  }
0x13f: {  	v14 =	vmul.f32 v14, v10;
	(xrf2) =	vadd.scan.msk.f32 $0xffff, v42;
	v50 =	vadd.f32 v63, v62;
	v4 =	vadd.f32 v4, v21  }
0x140: {  	v15 =	vadd.f32 v15, v16;
	v17 =	vadd.f32 v18, v17;
	v53 =	vshll.u32 v49, $0x10;
	(xrf2) =	vadd.scan.msk.f32 $0xffff, v44  }
0x141: {  	v49 =	vand.u32 $0xFFFF0000, v49;
	(xrf2) =	vadd.scan.msk.f32 $0xffff, v43;
	v30 =	vadd.f32 v45, v30;
	v4 =	vadd.f32 v50, v4  }
0x142: {  	v53 =	vmul.f32 v53, v6;
	v49 =	vmul.f32 v49, v12;
	(xrf2) =	vadd.scan.msk.f32 $0xffff, v47  }
0x143: {  	v13 =	vadd.f32 v14, v13;
	v20 =	vmul.f32 v20, v8;
	v15 =	vadd.f32 v15, v17;
	v56, _, _ =	vpop (xrf2);
	(xrf2) =	vadd.scan.msk.f32 $0xffff, v30  }
0x144: {  	v48 =	vmul.f32 v48, v7;
	v46 =	vadd.f32 v49, v53;
	v49 =	vmul.f32 v52, v9;
	v58, _, _ =	vpop (xrf2);
	(xrf2) =	vadd.scan.msk.f32 $0xffff, v4  }
0x145: {  	v24 =	vmul.f32 v24, v9;
	v27 =	vadd.f32 v28, v27;
	v52 =	vmul.f32 v40, v8;
	v4, _, _ =	vpop (xrf2)  }
0x146: {  	v54 =	vmul.f32 v41, v10;
	v31 =	vadd.f32 v46, v51;
	v53 =	vadd.f32 v49, v48;
	v59, _, _ =	vpop (xrf2)  }
0x147: {  	v24 =	vadd.f32 v24, v25;
	v33 =	vmul.f32 v33, v9;
	v55 =	vadd.f32 v38, v37;
	v60, _, _ =	vpop (xrf2)  }
0x148: {  	v29 =	vmul.f32 v29, v8;
	v23 =	vadd.f32 v54, v52;
	v57 =	vadd.f32 v53, v31;
	v61, _, _ =	vpop (xrf2)  }
0x149: {  	v32 =	vmul.f32 v32, v10;
	v33 =	vadd.f32 v33, v34;
	v21 =	vadd.f32 v55, v35;
	v19, _, _ =	vpop (xrf2)  }
0x14a: {  	v22 =	vmul.f32 v22, v10;
	v26 =	vadd.f32 v27, v26;
	v23 =	vadd.f32 v23, v57;
	v62, _, _ =	vpop (xrf2)  }
0x14b: {  	v29 =	vadd.f32 v32, v29;
	v21 =	vadd.f32 v33, v21;
	v16, _, _ =	vpop (xrf2)  }
0x14c: {  	v20 =	vadd.f32 v22, v20;
	v24 =	vadd.f32 v24, v26;
	(xrf2) =	vadd.scan.msk.f32 $0xffff, v23;
	v63, _, _ =	vpop (xrf2)  }
0x14d: {  	v21 =	vadd.f32 v29, v21;
	v14, _, _ =	vpop (xrf2)  }
0x14e: {  	v13 =	vadd.f32 v13, v15;
	v18 =	vadd.f32 v20, v24;
	v15, _, _ =	vpop (xrf2)  }
0x14f: {  	(xrf2) =	vadd.scan.msk.f32 $0xffff, v21;
	v14 =	vperm.xlane v14, v3;
	v15 =	vperm.xlane v15, v3  }
0x150: {  	(xrf2) =	vadd.scan.msk.f32 $0xffff, v18  }
0x151: {  	(xrf2) =	vadd.scan.msk.f32 $0xffff, v13;
	v13 =	vsel vm2, v14, v15;
	v14 =	vperm.xlane v16, v3;
	v16 =	vld [tilespmem:$0x1FFF0];
	_ =	sdelay $0x3  }
0x152: {  	v17 =	vperm.xlane v63, v3  }
0x153: {  	v15, _, _ =	vpop (xrf2);
	vm1 =	vnez.u8 v16  }
0x154: {  	v15 =	vperm.xlane v15, v3;
	v13 =	vsel vm1, v13, v17  }
0x155: {  	v13 =	vsel vm3, v13, v14;
	v14 =	vperm.xlane v62, v3  }
0x156: {  	v16, _, _ =	vpop (xrf2);
	v13 =	vsel vm4, v13, v15;
	v15 =	vperm.xlane v19, v3  }
0x157: {  	v13 =	vsel vm5, v13, v14;
	v14 =	vperm.xlane v16, v3  }
0x158: {  	v13 =	vsel vm6, v13, v15;
	v15 =	vperm.xlane v61, v3  }
0x159: {  	v16, _, _ =	vpop (xrf2);
	v13 =	vsel vm7, v13, v14  }
0x15a: {  	v13 =	vsel vm8, v13, v15;
	v15 =	vperm.xlane v16, v3  }
0x15b: {  	v14 =	vperm.xlane v60, v3;
	_ =	sdelay $0x1  }
0x15c: {  	v13 =	vsel vm9, v13, v14;
	v14 =	vperm.xlane v59, v3  }
0x15d: {  	v4 =	vperm.xlane v4, v3;
	v13 =	vsel vm10, v13, v15;
	v15, _, _ =	vpop (xrf2)  }
0x15e: {  	v13 =	vsel vm11, v13, v14;
	v14 =	vperm.xlane v15, v3  }
0x15f: {  	v4 =	vsel vm12, v13, v4;
	v13 =	vperm.xlane v58, v3  }
0x160: {  	p0 =	por $0x1, $0x1;
	vm0 =	vmxor vm0, vm0;
	v4 =	vsel vm13, v4, v14;
	v14 =	vperm.xlane v56, v3  }
0x161: {  	vm0 =	vmneg @p0 vm0;
	v4 =	vsel vm14, v4, v13  }
0x162: {  	vm0 =	vmor vm0, vm8;
	v4 =	vsel vm15, v4, v14  }
0x163: {  	s28 =	smov.u32 s2;
	v14 =	vimm.f32 $-Inf;
	v15 =	vnsel vm0, $0xFF800000, v4  }
0x164: {  	s1 =	sshll.u32 s30, $0x1;
	s0 =	simm.s32 $0xAA80;
	s17 =	simm.s32 $0x10;
	v16 =	vor.u32 s26, v0;
	v13 =	vimm.s32 $0x7FFFFFFF;
	vm0 =	vgt.f32 v15, v14;
	[tilespmem:s2+$0x0] =	vst v15  }
.LBB2_5:
0x165: {  	v4 =	vld [tilespmem:s0+$0x1F0];
	v14 =	vsel vm0, v15, v14;
	v13 =	vsel vm0, v16, v13;
	s16 =	smov.u32 s17  }
0x166: {  	v15 =	vld [tilespmem:s0+$0x1B0];
	_ =	sdelay $0x1  }
0x167: {  	v16 =	vld [tilespmem:s0+$0x1E0];
	_ =	sdelay $0x1  }
0x168: {  	v17 =	vshll.u32 v4, $0x10  }
0x169: {  	v4 =	vand.u32 $0xFFFF0000, v4;
	v18 =	vshll.u32 v15, $0x10;
	v19 =	vld [tilespmem:s0+$0x1C0];
	v17 =	vmul.f32 v17, v8  }
0x16a: {  	v15 =	vand.u32 $0xFFFF0000, v15;
	v4 =	vmul.f32 v4, v10;
	v20 =	vld [tilespmem:s0+$0x170];
	v18 =	vmul.f32 v18, v8  }
0x16b: {  	v15 =	vmul.f32 v15, v10;
	v21 =	vld [tilespmem:s0+$0x1D0];
	v22 =	vshll.u32 v16, $0x10;
	v16 =	vand.u32 $0xFFFF0000, v16  }
0x16c: {  	v23 =	vld [tilespmem:s0+$0x1A0];
	v22 =	vmul.f32 v22, v7;
	v16 =	vmul.f32 v16, v9  }
0x16d: {  	v4 =	vadd.f32 v4, v17;
	v24 =	vld [tilespmem:s0+$0x180]  }
0x16e: {  	v18 =	vadd.f32 v15, v18;
	v17 =	vshll.u32 v19, $0x10;
	v16 =	vadd.f32 v16, v22  }
0x16f: {  	v19 =	vand.u32 $0xFFFF0000, v19;
	v15 =	vshll.u32 v20, $0x10;
	v22 =	vld [tilespmem:s0+$0x190];
	v17 =	vmul.f32 v17, v5  }
0x170: {  	v19 =	vmul.f32 v19, v11;
	v25 =	vshll.u32 v21, $0x10;
	v21 =	vand.u32 $0xFFFF0000, v21  }
0x171: {  	v26 =	vld [tilespmem:s0+$0x130];
	v27 =	vshll.u32 v23, $0x10;
	v25 =	vmul.f32 v25, v6;
	v21 =	vmul.f32 v21, v12  }
0x172: {  	v17 =	vadd.f32 v19, v17;
	v28 =	vshll.u32 v24, $0x10;
	v27 =	vmul.f32 v27, v7  }
0x173: {  	v19 =	vand.u32 $0xFFFF0000, v24;
	v24 =	vmul.f32 v28, v5;
	v21 =	vadd.f32 v21, v25  }
0x174: {  	v19 =	vmul.f32 v19, v11;
	v25 =	vshll.u32 v22, $0x10;
	v22 =	vand.u32 $0xFFFF0000, v22  }
0x175: {  	v23 =	vand.u32 $0xFFFF0000, v23;
	v28 =	vld [tilespmem:s0+$0x160];
	v25 =	vmul.f32 v25, v6;
	v22 =	vmul.f32 v22, v12  }
0x176: {  	v23 =	vmul.f32 v23, v9;
	v17 =	vadd.f32 v21, v17;
	v29 =	vld [tilespmem:s0+$0xF0];
	v30 =	vshll.u32 v26, $0x10  }
0x177: {  	v19 =	vadd.f32 v19, v24;
	v26 =	vand.u32 $0xFFFF0000, v26;
	v21 =	vld [tilespmem:s0+$0x120];
	v22 =	vadd.f32 v22, v25  }
0x178: {  	v24 =	vmul.f32 v30, v8;
	v25 =	vmul.f32 v26, v10;
	v17 =	vadd.f32 v16, v17  }
0x179: {  	v16 =	vand.u32 $0xFFFF0000, v20;
	v20 =	vadd.f32 v23, v27;
	v26 =	vld [tilespmem:s0+$0x140];
	v19 =	vadd.f32 v22, v19  }
0x17a: {  	v24 =	vadd.f32 v25, v24;
	v30 =	vadd.f32 v4, v17;
	v22 =	vshll.u32 v28, $0x10  }
0x17b: {  	v17 =	vand.u32 $0xFFFF0000, v28;
	v4 =	vshll.u32 v29, $0x10;
	v19 =	vadd.f32 v20, v19  }
0x17c: {  	v20 =	vand.u32 $0xFFFF0000, v29;
	v4 =	vmul.f32 v4, v8;
	v23 =	vshll.u32 v21, $0x10;
	v25 =	vld [tilespmem:s0+$0x150]  }
0x17d: {  	v20 =	vmul.f32 v20, v10;
	v21 =	vand.u32 $0xFFFF0000, v21;
	v27 =	vld [tilespmem:s0+$0x100];
	v23 =	vmul.f32 v23, v7  }
0x17e: {  	v21 =	vmul.f32 v21, v9;
	v28 =	vld [tilespmem:s0+$0xB0];
	v29 =	vshll.u32 v26, $0x10;
	v26 =	vand.u32 $0xFFFF0000, v26  }
0x17f: {  	v31 =	vadd.f32 v18, v19;
	v32 =	vld [tilespmem:s0+$0x110];
	v29 =	vmul.f32 v29, v5;
	v26 =	vmul.f32 v26, v11  }
0x180: {  	v18 =	vmul.f32 v22, v7;
	v4 =	vadd.f32 v20, v4;
	v23 =	vadd.f32 v21, v23;
	v33 =	vld [tilespmem:s0+$0xE0]  }
0x181: {  	v34 =	vld [tilespmem:s0+$0xC0];
	v19 =	vadd.f32 v26, v29;
	v20 =	vshll.u32 v25, $0x10;
	v21 =	vand.u32 $0xFFFF0000, v25  }
0x182: {  	v25 =	vshll.u32 v27, $0x10;
	v20 =	vmul.f32 v20, v6;
	v21 =	vmul.f32 v21, v12  }
0x183: {  	v27 =	vand.u32 $0xFFFF0000, v27;
	v22 =	vshll.u32 v28, $0x10;
	v26 =	vld [tilespmem:s0+$0xD0];
	v25 =	vmul.f32 v25, v5  }
0x184: {  	v27 =	vmul.f32 v27, v11;
	v29 =	vshll.u32 v32, $0x10;
	v32 =	vand.u32 $0xFFFF0000, v32  }
0x185: {  	v35 =	vld [tilespmem:s0+$0x70];
	v36 =	vshll.u32 v33, $0x10;
	v29 =	vmul.f32 v29, v6;
	v32 =	vmul.f32 v32, v12  }
0x186: {  	v25 =	vadd.f32 v27, v25;
	v37 =	vshll.u32 v34, $0x10;
	v36 =	vmul.f32 v36, v7  }
0x187: {  	v27 =	vand.u32 $0xFFFF0000, v34;
	v34 =	vmul.f32 v37, v5;
	v29 =	vadd.f32 v32, v29  }
0x188: {  	v27 =	vmul.f32 v27, v11;
	v32 =	vshll.u32 v26, $0x10;
	v26 =	vand.u32 $0xFFFF0000, v26  }
0x189: {  	v33 =	vand.u32 $0xFFFF0000, v33;
	v37 =	vld [tilespmem:s0+$0xA0];
	v32 =	vmul.f32 v32, v6;
	v26 =	vmul.f32 v26, v12  }
0x18a: {  	v33 =	vmul.f32 v33, v9;
	v25 =	vadd.f32 v29, v25;
	v38 =	vld [tilespmem:s0+$0x30];
	v39 =	vshll.u32 v35, $0x10  }
0x18b: {  	v27 =	vadd.f32 v27, v34;
	v35 =	vand.u32 $0xFFFF0000, v35;
	v29 =	vld [tilespmem:s0+$0x60];
	v26 =	vadd.f32 v26, v32  }
0x18c: {  	v32 =	vmul.f32 v39, v8;
	v34 =	vmul.f32 v35, v10;
	v25 =	vadd.f32 v23, v25  }
0x18d: {  	v23 =	vand.u32 $0xFFFF0000, v28;
	v35 =	vld [tilespmem:s0+$0x80];
	v26 =	vadd.f32 v26, v27;
	v27 =	vadd.f32 v33, v36  }
0x18e: {  	v33 =	vadd.f32 v34, v32;
	v36 =	vadd.f32 v24, v25;
	v28 =	vshll.u32 v37, $0x10  }
0x18f: {  	v24 =	vand.u32 $0xFFFF0000, v37;
	v25 =	vshll.u32 v38, $0x10;
	v26 =	vadd.f32 v27, v26  }
0x190: {  	v27 =	vand.u32 $0xFFFF0000, v38;
	v25 =	vmul.f32 v25, v8;
	v32 =	vshll.u32 v29, $0x10;
	v34 =	vld [tilespmem:s0+$0x90]  }
0x191: {  	v27 =	vmul.f32 v27, v10;
	v29 =	vand.u32 $0xFFFF0000, v29;
	v37 =	vld [tilespmem:s0+$0x40];
	v32 =	vmul.f32 v32, v7  }
0x192: {  	v29 =	vmul.f32 v29, v9;
	v38 =	vld [tilespmem:s0+$0xFFFFFFF0];
	v39 =	vshll.u32 v35, $0x10;
	v35 =	vand.u32 $0xFFFF0000, v35  }
0x193: {  	v40 =	vld [tilespmem:s0+$0x50];
	v41 =	vmul.f32 v39, v5;
	v35 =	vmul.f32 v35, v11;
	v39 =	vadd.f32 v4, v26  }
0x194: {  	v43 =	vadd.f32 v27, v25;
	v25 =	vmul.f32 v28, v7;
	v32 =	vadd.f32 v29, v32;
	v4 =	vld [tilespmem:s0+$0x20]  }
0x195: {  	v42 =	vld [tilespmem:s0+$0x0];
	v26 =	vadd.f32 v35, v41;
	v27 =	vshll.u32 v34, $0x10;
	v28 =	vand.u32 $0xFFFF0000, v34  }
0x196: {  	v34 =	vshll.u32 v37, $0x10;
	v27 =	vmul.f32 v27, v6;
	v28 =	vmul.f32 v28, v12  }
0x197: {  	v37 =	vand.u32 $0xFFFF0000, v37;
	v29 =	vshll.u32 v38, $0x10;
	v35 =	vld [tilespmem:s0+$0x10];
	v34 =	vmul.f32 v34, v5  }
0x198: {  	v37 =	vmul.f32 v37, v11;
	v41 =	vshll.u32 v40, $0x10;
	v40 =	vand.u32 $0xFFFF0000, v40  }
0x199: {  	v44 =	vld [tilespmem:s0+$0xFFFFFFB0];
	v45 =	vshll.u32 v4, $0x10;
	v41 =	vmul.f32 v41, v6;
	v40 =	vmul.f32 v40, v12  }
0x19a: {  	v34 =	vadd.f32 v37, v34;
	v46 =	vshll.u32 v42, $0x10;
	v45 =	vmul.f32 v45, v7  }
0x19b: {  	v37 =	vand.u32 $0xFFFF0000, v42;
	v42 =	vmul.f32 v46, v5;
	v40 =	vadd.f32 v40, v41  }
0x19c: {  	v37 =	vmul.f32 v37, v11;
	v41 =	vshll.u32 v35, $0x10;
	v35 =	vand.u32 $0xFFFF0000, v35  }
0x19d: {  	v4 =	vand.u32 $0xFFFF0000, v4;
	v46 =	vld [tilespmem:s0+$0xFFFFFFE0];
	v41 =	vmul.f32 v41, v6;
	v35 =	vmul.f32 v35, v12  }
0x19e: {  	v4 =	vmul.f32 v4, v9;
	v34 =	vadd.f32 v40, v34;
	v47 =	vld [tilespmem:s0+$0xFFFFFF70];
	v48 =	vshll.u32 v44, $0x10  }
0x19f: {  	v37 =	vadd.f32 v37, v42;
	v44 =	vand.u32 $0xFFFF0000, v44;
	v40 =	vld [tilespmem:s0+$0xFFFFFFA0];
	v35 =	vadd.f32 v35, v41  }
0x1a0: {  	v41 =	vmul.f32 v48, v8;
	v42 =	vmul.f32 v44, v10;
	v34 =	vadd.f32 v32, v34  }
0x1a1: {  	v4 =	vadd.f32 v4, v45;
	v32 =	vand.u32 $0xFFFF0000, v38;
	v44 =	vld [tilespmem:s0+$0xFFFFFFC0];
	v35 =	vadd.f32 v35, v37  }
0x1a2: {  	v45 =	vadd.f32 v42, v41;
	v42 =	vadd.f32 v33, v34;
	v37 =	vshll.u32 v46, $0x10  }
0x1a3: {  	v33 =	vand.u32 $0xFFFF0000, v46;
	v34 =	vshll.u32 v47, $0x10;
	v4 =	vadd.f32 v4, v35  }
0x1a4: {  	v35 =	vand.u32 $0xFFFF0000, v47;
	v34 =	vmul.f32 v34, v8;
	v38 =	vshll.u32 v40, $0x10;
	v41 =	vld [tilespmem:s0+$0xFFFFFFD0]  }
0x1a5: {  	v35 =	vmul.f32 v35, v10;
	v40 =	vand.u32 $0xFFFF0000, v40;
	v46 =	vld [tilespmem:s0+$0xFFFFFF80];
	v38 =	vmul.f32 v38, v7  }
0x1a6: {  	v40 =	vmul.f32 v40, v9;
	v47 =	vld [tilespmem:s0+$0xFFFFFF30];
	v48 =	vshll.u32 v44, $0x10;
	v44 =	vand.u32 $0xFFFF0000, v44  }
0x1a7: {  	v43 =	vadd.f32 v43, v4;
	v49 =	vld [tilespmem:s0+$0xFFFFFF90];
	v48 =	vmul.f32 v48, v5;
	v44 =	vmul.f32 v44, v11  }
0x1a8: {  	v50 =	vadd.f32 v35, v34;
	v34 =	vmul.f32 v37, v7;
	v51 =	vadd.f32 v40, v38;
	v4 =	vld [tilespmem:s0+$0xFFFFFF60]  }
0x1a9: {  	v52 =	vld [tilespmem:s0+$0xFFFFFF40];
	v35 =	vadd.f32 v44, v48;
	v37 =	vshll.u32 v41, $0x10;
	v38 =	vand.u32 $0xFFFF0000, v41  }
0x1aa: {  	v41 =	vshll.u32 v46, $0x10;
	v37 =	vmul.f32 v37, v6;
	v38 =	vmul.f32 v38, v12  }
0x1ab: {  	v46 =	vand.u32 $0xFFFF0000, v46;
	v40 =	vshll.u32 v47, $0x10;
	v44 =	vld [tilespmem:s0+$0xFFFFFF50];
	v41 =	vmul.f32 v41, v5  }
0x1ac: {  	v46 =	vmul.f32 v46, v11;
	v48 =	vshll.u32 v49, $0x10;
	v49 =	vand.u32 $0xFFFF0000, v49  }
0x1ad: {  	v53 =	vld [tilespmem:s0+$0xFFFFFEF0];
	v54 =	vshll.u32 v4, $0x10;
	v48 =	vmul.f32 v48, v6;
	v49 =	vmul.f32 v49, v12  }
0x1ae: {  	v41 =	vadd.f32 v46, v41;
	v55 =	vshll.u32 v52, $0x10;
	v54 =	vmul.f32 v54, v7  }
0x1af: {  	v46 =	vand.u32 $0xFFFF0000, v52;
	v52 =	vmul.f32 v55, v5;
	v48 =	vadd.f32 v49, v48  }
0x1b0: {  	v46 =	vmul.f32 v46, v11;
	v49 =	vshll.u32 v44, $0x10;
	v44 =	vand.u32 $0xFFFF0000, v44  }
0x1b1: {  	v4 =	vand.u32 $0xFFFF0000, v4;
	v55 =	vld [tilespmem:s0+$0xFFFFFF20];
	v49 =	vmul.f32 v49, v6;
	v44 =	vmul.f32 v44, v12  }
0x1b2: {  	v4 =	vmul.f32 v4, v9;
	v41 =	vadd.f32 v48, v41;
	v56 =	vld [tilespmem:s0+$0xFFFFFEB0];
	v57 =	vshll.u32 v53, $0x10  }
0x1b3: {  	v46 =	vadd.f32 v46, v52;
	v53 =	vand.u32 $0xFFFF0000, v53;
	v48 =	vld [tilespmem:s0+$0xFFFFFEE0];
	v44 =	vadd.f32 v44, v49  }
0x1b4: {  	v49 =	vmul.f32 v57, v8;
	v52 =	vmul.f32 v53, v10;
	v51 =	vadd.f32 v51, v41  }
0x1b5: {  	v4 =	vadd.f32 v4, v54;
	v41 =	vand.u32 $0xFFFF0000, v47;
	v53 =	vld [tilespmem:s0+$0xFFFFFF00];
	v46 =	vadd.f32 v44, v46  }
0x1b6: {  	v47 =	vadd.f32 v52, v49;
	v51 =	vadd.f32 v45, v51;
	v49 =	vshll.u32 v55, $0x10  }
0x1b7: {  	v44 =	vand.u32 $0xFFFF0000, v55;
	v45 =	vshll.u32 v56, $0x10;
	v52 =	vld [tilespmem:s0+$0xFFFFFF10];
	v4 =	vadd.f32 v4, v46  }
0x1b8: {  	v46 =	vand.u32 $0xFFFF0000, v56;
	v54 =	vld [tilespmem:s0+$0xFFFFFE30];
	v45 =	vmul.f32 v45, v8;
	v55 =	vshll.u32 v48, $0x10  }
0x1b9: {  	v46 =	vmul.f32 v46, v10;
	v48 =	vand.u32 $0xFFFF0000, v48;
	v56 =	vld [tilespmem:s0+$0xFFFFFEC0];
	v55 =	vmul.f32 v55, v7  }
0x1ba: {  	v48 =	vmul.f32 v48, v9;
	v57 =	vshll.u32 v53, $0x10;
	v53 =	vand.u32 $0xFFFF0000, v53  }
0x1bb: {  	v4 =	vadd.f32 v50, v4;
	v58 =	vld [tilespmem:s0+$0xFFFFFED0];
	v57 =	vmul.f32 v57, v5;
	v53 =	vmul.f32 v53, v11;
	(xrf2) =	vadd.scan.msk.f32 $0xffff, v30  }
0x1bc: {  	v50 =	vadd.f32 v46, v45;
	v45 =	vmul.f32 v49, v7;
	v30 =	vld [tilespmem:s0+$0xFFFFFEA0]  }
0x1bd: {  	v48 =	vadd.f32 v48, v55;
	v49 =	vshll.u32 v52, $0x10;
	v52 =	vand.u32 $0xFFFF0000, v52  }
0x1be: {  	v46 =	vadd.f32 v53, v57;
	v53 =	vshll.u32 v54, $0x10;
	v54 =	vand.u32 $0xFFFF0000, v54  }
0x1bf: {  	v55 =	vshll.u32 v56, $0x10;
	(xrf2) =	vadd.scan.msk.f32 $0xffff, v31;
	v31 =	vmul.f32 v53, v8;
	v53 =	vand.u32 $0xFFFF0000, v56  }
0x1c0: {  	v55 =	vmul.f32 v55, v5;
	v53 =	vmul.f32 v53, v11;
	v57 =	vshll.u32 v58, $0x10  }
0x1c1: {  	v56 =	vld [tilespmem:s0+$0xFFFFFE80];
	v58 =	vand.u32 $0xFFFF0000, v58;
	v60 =	vshll.u32 v30, $0x10;
	v57 =	vmul.f32 v57, v6  }
0x1c2: {  	v59 =	vld [tilespmem:s0+$0xFFFFFE20];
	v58 =	vmul.f32 v58, v12;
	(xrf2) =	vadd.scan.msk.f32 $0xffff, v36;
	v36 =	vmul.f32 v54, v10;
	v30 =	vand.u32 $0xFFFF0000, v30  }
0x1c3: {  	v54 =	vld [tilespmem:s0+$0xFFFFFE90];
	v60 =	vmul.f32 v60, v7;
	v61 =	vmul.f32 v30, v9  }
0x1c4: {  	v49 =	vmul.f32 v49, v6;
	v53 =	vadd.f32 v53, v55;
	v55 =	vadd.f32 v58, v57  }
0x1c5: {  	v52 =	vmul.f32 v52, v12;
	v57 =	vadd.f32 v36, v31;
	v60 =	vadd.f32 v61, v60  }
0x1c6: {  	(xrf2) =	vadd.scan.msk.f32 $0xffff, v39;
	v31 =	vshll.u32 v56, $0x10;
	v36 =	vadd.f32 v55, v53;
	v55 =	vand.u32 $0xFFFF0000, v56  }
0x1c7: {  	v58 =	vld [tilespmem:s0+$0xFFFFFE70];
	v30, _, _ =	vpop (xrf2);
	v53 =	vshll.u32 v59, $0x10;
	v56 =	vmul.f32 v31, v5;
	v55 =	vmul.f32 v55, v11  }
0x1c8: {  	v39 =	vld [tilespmem:s0+$0xFFFFFE00];
	v59 =	vand.u32 $0xFFFF0000, v59;
	v62 =	vshll.u32 v54, $0x10;
	v54 =	vand.u32 $0xFFFF0000, v54  }
0x1c9: {  	(xrf2) =	vadd.scan.msk.f32 $0xffff, v42;
	v53 =	vmul.f32 v53, v7;
	v59 =	vmul.f32 v59, v9;
	v36 =	vadd.f32 v48, v36  }
0x1ca: {  	v42 =	vld [tilespmem:s0+$0xFFFFFE10];
	v61 =	vmul.f32 v62, v6;
	v54 =	vmul.f32 v54, v12;
	v31, _, _ =	vpop (xrf2)  }
0x1cb: {  	v55 =	vadd.f32 v55, v56;
	v62 =	vld [tilespmem:s0+$0xFFFFFE60]  }
0x1cc: {  	v53 =	vadd.f32 v59, v53;
	v48 =	vld [tilespmem:s0+$0xFFFFFE40];
	v63 =	vshll.u32 v58, $0x10;
	v54 =	vadd.f32 v54, v61;
	(xrf2) =	vadd.scan.msk.f32 $0xffff, v43  }
0x1cd: {  	s14 =	sadd.s32 $0x10, s17;
	v47 =	vadd.f32 v47, v36;
	v43 =	vshll.u32 v39, $0x10;
	v36, _, _ =	vpop (xrf2);
	v39 =	vand.u32 $0xFFFF0000, v39  }
0x1ce: {  	v43 =	vmul.f32 v43, v5;
	v56 =	vld [tilespmem:s0+$0xFFFFFE50];
	v54 =	vadd.f32 v54, v55  }
0x1cf: {  	v55 =	vmul.f32 v39, v11;
	v61 =	vshll.u32 v42, $0x10;
	v42 =	vand.u32 $0xFFFF0000, v42;
	(xrf2) =	vadd.scan.msk.f32 $0xffff, v51  }
0x1d0: {  	v51 =	vmul.f32 v61, v6;
	v42 =	vmul.f32 v42, v12;
	v59 =	vshll.u32 v62, $0x10;
	v39, _, _ =	vpop (xrf2)  }
0x1d1: {  	v43 =	vadd.f32 v55, v43;
	v54 =	vadd.f32 v60, v54;
	v55 =	vshll.u32 v48, $0x10  }
0x1d2: {  	v48 =	vand.u32 $0xFFFF0000, v48;
	v42 =	vadd.f32 v42, v51;
	v51 =	vmul.f32 v55, v5;
	(xrf2) =	vadd.scan.msk.f32 $0xffff, v4  }
0x1d3: {  	v4 =	vmul.f32 v48, v11;
	v48 =	vshll.u32 v56, $0x10;
	v55 =	vand.u32 $0xFFFF0000, v56;
	v56, _, _ =	vpop (xrf2)  }
0x1d4: {  	v60 =	vand.u32 $0xFFFF0000, v62;
	v48 =	vmul.f32 v48, v6;
	v55 =	vmul.f32 v55, v12  }
0x1d5: {  	v50 =	vadd.f32 v50, v54;
	v42 =	vadd.f32 v42, v43;
	v43 =	vmul.f32 v59, v7;
	(xrf2) =	vadd.scan.msk.f32 $0xffff, v47  }
0x1d6: {  	v4 =	vadd.f32 v4, v51;
	v47 =	vadd.f32 v55, v48;
	v48 =	vmul.f32 v60, v9;
	v51, _, _ =	vpop (xrf2)  }
0x1d7: {  	v54 =	vmul.f32 v63, v8;
	v42 =	vadd.f32 v53, v42;
	v53 =	vand.u32 $0xFFFF0000, v58  }
0x1d8: {  	v4 =	vadd.f32 v47, v4;
	v43 =	vadd.f32 v48, v43;
	v47 =	vmul.f32 v53, v10;
	(xrf2) =	vadd.scan.msk.f32 $0xffff, v50  }
0x1d9: {  	v44 =	vmul.f32 v44, v9;
	v42 =	vadd.f32 v57, v42;
	v48 =	vadd.f32 v52, v49;
	v49, _, _ =	vpop (xrf2)  }
0x1da: {  	v40 =	vmul.f32 v40, v8;
	v4 =	vadd.f32 v43, v4;
	v43 =	vadd.f32 v47, v54  }
0x1db: {  	v41 =	vmul.f32 v41, v10;
	v44 =	vadd.f32 v44, v45;
	v46 =	vadd.f32 v48, v46;
	(xrf2) =	vadd.scan.msk.f32 $0xffff, v42  }
0x1dc: {  	v33 =	vmul.f32 v33, v9;
	v37 =	vadd.f32 v38, v37;
	v4 =	vadd.f32 v43, v4;
	v38, _, _ =	vpop (xrf2)  }
0x1dd: {  	v29 =	vmul.f32 v29, v8;
	v40 =	vadd.f32 v41, v40;
	v42 =	vadd.f32 v44, v46  }
0x1de: {  	v32 =	vmul.f32 v32, v10;
	v33 =	vadd.f32 v33, v34;
	v35 =	vadd.f32 v37, v35;
	(xrf2) =	vadd.scan.msk.f32 $0xffff, v4  }
0x1df: {  	v24 =	vmul.f32 v24, v9;
	v27 =	vadd.f32 v28, v27;
	v4 =	vadd.f32 v40, v42;
	v28, _, _ =	vpop (xrf2)  }
0x1e0: {  	v22 =	vmul.f32 v22, v8;
	v29 =	vadd.f32 v32, v29;
	v33 =	vadd.f32 v33, v35  }
0x1e1: {  	v23 =	vmul.f32 v23, v10;
	v24 =	vadd.f32 v24, v25;
	v26 =	vadd.f32 v27, v26;
	(xrf2) =	vadd.scan.msk.f32 $0xffff, v4  }
0x1e2: {  	v17 =	vmul.f32 v17, v9;
	v20 =	vadd.f32 v21, v20;
	v4 =	vadd.f32 v29, v33;
	v21, _, _ =	vpop (xrf2)  }
0x1e3: {  	v15 =	vmul.f32 v15, v8;
	v22 =	vadd.f32 v23, v22;
	v24 =	vadd.f32 v24, v26  }
0x1e4: {  	v16 =	vmul.f32 v16, v10;
	v17 =	vadd.f32 v17, v18;
	v19 =	vadd.f32 v20, v19;
	(xrf2) =	vadd.scan.msk.f32 $0xffff, v4  }
0x1e5: {  	v4 =	vadd.f32 v22, v24;
	v18, _, _ =	vpop (xrf2)  }
0x1e6: {  	v16 =	vadd.f32 v16, v15;
	v17 =	vadd.f32 v17, v19  }
0x1e7: {  	(xrf2) =	vadd.scan.msk.f32 $0xffff, v4  }
0x1e8: {  	v4 =	vadd.f32 v16, v17;
	v15, _, _ =	vpop (xrf2)  }
0x1e9: {  	v18 =	vperm.xlane v18, v3;
	v15 =	vperm.xlane v15, v3  }
0x1ea: {  	v17 =	vperm.xlane v21, v3;
	(xrf2) =	vadd.scan.msk.f32 $0xffff, v4  }
0x1eb: {  	v4 =	vsel vm2, v18, v15;
	v15 =	vperm.xlane v28, v3;
	v16, _, _ =	vpop (xrf2)  }
0x1ec: {  	v4 =	vsel vm1, v4, v17;
	v16 =	vperm.xlane v16, v3  }
0x1ed: {  	v4 =	vsel vm3, v4, v15;
	v15 =	vperm.xlane v38, v3  }
0x1ee: {  	v4 =	vsel vm4, v4, v16;
	v16 =	vperm.xlane v49, v3;
	v17, _, _ =	vpop (xrf2)  }
0x1ef: {  	v4 =	vsel vm5, v4, v15;
	v15 =	vperm.xlane v17, v3  }
0x1f0: {  	v4 =	vsel vm6, v4, v16;
	v16 =	vperm.xlane v51, v3  }
0x1f1: {  	v4 =	vsel vm7, v4, v15;
	v15 =	vperm.xlane v56, v3;
	v17, _, _ =	vpop (xrf2)  }
0x1f2: {  	v4 =	vsel vm8, v4, v16;
	v16 =	vperm.xlane v17, v3  }
0x1f3: {  	v4 =	vsel vm9, v4, v15;
	v15 =	vperm.xlane v39, v3  }
0x1f4: {  	v4 =	vsel vm10, v4, v16;
	v16 =	vperm.xlane v36, v3;
	v17, _, _ =	vpop (xrf2)  }
0x1f5: {  	v4 =	vsel vm11, v4, v15;
	v15 =	vperm.xlane v17, v3  }
0x1f6: {  	p0 =	sne.s32 s17, $0xC0;
	v4 =	vsel vm12, v4, v16;
	v16 =	vperm.xlane v31, v3  }
.Ltmp1:
0x1f7: {  	vm0 =	vmxor vm0, vm0;
	v4 =	vsel vm13, v4, v15;
	v15 =	vperm.xlane v30, v3;
	(pc) =	sbr.rel @p0 .LBB2_5-.Ltmp1, $4  }
0x1f8: {  	vm0 =	vmneg @p0 vm0;
	v4 =	vsel vm14, v4, v16  }
0x1f9: {  	vm0 =	vmor vm0, vm8;
	v4 =	vsel vm15, v4, v15  }
0x1fa: {  	s28 =	sadd.s32 $0x10, s28;
	v15 =	vnsel vm0, $0xFF800000, v4  }
0x1fb: {  	s17 =	smov.u32 s14;
	s0 =	sadd.s32 $0x400, s0;
	v16 =	vor.u32 s16, v0;
	vm0 =	vgt.f32 v15, v14;
	[tilespmem:s28+$0x0] =	vst v15  }
0x1fc: {  	v4 =	vsel vm0, v15, v14  }
0x1fd: {  	(xrf0) =	vmax.scan.msk.f32 $0xffff, v4;
	_ =	sdelay $0x5  }
0x1fe: {  	v5, _, _ =	vpop (xrf0)  }
0x1ff: {  	v5 =	vbroadcast v5, $0xF  }
0x200: {  	v6 =	vsel vm0, v16, v13  }
0x201: {  	vm0 =	veq.f32 v4, v5;
	v4 =	vxor.u32 $0x80000000, v6  }
0x202: {  	v4 =	vnsel vm0, $0xFFFFFFFF, v4  }
0x203: {  	(xrf0) =	vmin.scan.msk.u32 $0xffff, v4;
	_ =	sdelay $0x5  }
0x204: {  	v4, _, _ =	vpop (xrf0)  }
0x205: {  	(v2sf) =	vpush v4, $0xF;
	_ =	sdelay $0xe  }
0x206: {  	s0 =	spop (v2sf)  }
0x207: {  	v4 =	vmov s1;
	s0 =	sxor.u32 $0x80000000, s0  }
0x208: {  	v6 =	vmul.u32 $0xC8, v4;
	v5 =	vmov s0  }
0x209: {  	v7 =	vand.u32 $0xFFFFFFF8, v5  }
0x20a: {  	v5 =	vand.u32 $0x7, v5;
	v6 =	vadd.s32 v6, v7  }
0x20b: {  	v5 =	vor.u32 v5, v6;
	_ =	sdelay $0x4  }
0x20c: {  	v5 =	vld.idx.msk [tilespmem:v5+s12+$0x0], $0xffff;
	_ =	sdelay $0x3  }
0x20d: {  	v4 =	vshll.u32 v4, $0x3  }
0x20e: {  	v6 =	vand.u32 $0x1, v5  }
0x20f: {  	vm0 =	veq.s32 v6, $0x0;
	v6 =	vimm.s32 $0xC350  }
0x210: {  	v5 =	vshra.s32 v5, $0x1;
	v6 =	vsel vm0, $0x0, v6  }
0x211: {  	v5 =	vadd.s32 v5, v6  }
0x212: {  	[tilespmem:v4+s22+$0x0] =	vst.idx.msk $0x1, v5  }
0x213: {  	_ =	swait.ge [sflag:s23], $0x2000  }
0x214: {  	p0 =	seq.s32 s30, $0x3F;
	[sflag:s23] =	ssyncset.done $0x0  }
0x215: {  	s0 =	smul.u32 @!p0 $0x640, s30;
	[sflag:s23] =	ssyncadd.s32 $0xFFFFE000  }
0x216: {  	s14 =	simm.s32 @!p0 $0x80;
	_ =	swait.ge [sflag:s24], $0x1200  }
0x217: {  	s16 =	simm.s32 @!p0 $0xA480;
	s0 =	sshra.s32 @!p0 s0, $0x2;
	[sflag:s24] =	ssyncset.done $0x0  }
0x218: {  	s1 =	sadd.s32 @!p0 $0x4210, s0;
	s0 =	sadd.s32 @!p0 $0x4290, s0;
	[sflag:s24] =	ssyncadd.s32 $0xFFFFEE00  }
0x219: {  	[tilespmem:s16], [sflag:$0x2] =	stream.indirect.gather @!p0 [hbm4b:s4+s14], $0x40, s1, s14, $0xb8;
	[tilespmem:$0x17880] =	vst v63  }
0x21a: {  	s1 =	simm.s32 @!p0 $0x48;
	s14 =	simm.s32 @!p0 $0xC480;
	s16 =	sshll.u32 s31, $0x7  }
0x21b: {  	[tilespmem:s14], [sflag:$0x3] =	stream.indirect.gather @!p0 [hbm4b:s4+s1], $0x40, s0, s1, $0xb8;
	[tilespmem:$0x17880] =	vst v63  }
0x21c: {  	s0 =	sand.u32 $0x3FFFFF80, s16  }
0x21d: {  	v4 =	vld [tilespmem:s0+$0x80]  }
0x21e: {  	v6 =	vld [tilespmem:s0+$0x90]  }
0x21f: {  	v7 =	vld [tilespmem:s0+$0xA0]  }
0x220: {  	s17 =	simm.s32 $0xDA80;
	v8 =	vld [tilespmem:s0+$0xB0]  }
0x221: {  	v20 =	vld [tilespmem:s17+$0x1D0]  }
0x222: {  	v21 =	vld [tilespmem:s17+$0x1A0]  }
0x223: {  	v33 =	vld [tilespmem:s17+$0x190]  }
0x224: {  	v24 =	vld [tilespmem:s17+$0x130]  }
0x225: {  	v36 =	vld [tilespmem:s17+$0x120]  }
0x226: {  	v39 =	vld [tilespmem:s17+$0x140]  }
0x227: {  	v43 =	vld [tilespmem:s17+$0x100]  }
0x228: {  	v29 =	vld [tilespmem:s17+$0x110]  }
0x229: {  	v32 =	vld [tilespmem:s17+$0xC0];
	v5 =	vshrl.u32 v4, $0x10;
	v11 =	vshrl.u32 v7, $0x10  }
0x22a: {  	v47 =	vld [tilespmem:s17+$0xD0];
	v12 =	vshrl.u32 v8, $0x10;
	v23 =	vshll.u32 v20, $0x10;
	v20 =	vand.u32 $0xFFFF0000, v20  }
0x22b: {  	v52 =	vld [tilespmem:s17+$0xA0];
	v25 =	vshll.u32 v21, $0x10;
	v34 =	vshll.u32 v33, $0x10;
	v21 =	vand.u32 $0xFFFF0000, v21  }
0x22c: {  	v53 =	vld [tilespmem:s17+$0x60];
	v28 =	vshll.u32 v24, $0x10;
	v24 =	vand.u32 $0xFFFF0000, v24;
	v41 =	vshll.u32 v36, $0x10  }
0x22d: {  	v56 =	vld [tilespmem:s17+$0x80];
	v45 =	vshll.u32 v39, $0x10;
	v46 =	vshll.u32 v43, $0x10;
	v48 =	vshll.u32 v29, $0x10  }
0x22e: {  	v29 =	vand.u32 $0xFFFF0000, v29;
	v49 =	vand.u32 $0xFFFF0000, v32;
	v5 =	vand.u32 $0x1, v5  }
0x22f: {  	v9 =	vld [tilespmem:s0+$0xC0];
	v51 =	vshll.u32 v47, $0x10;
	v4 =	vadd.s32 v5, v4;
	v5 =	vshrl.u32 v6, $0x10  }
0x230: {  	v57 =	vshll.u32 v52, $0x10;
	v4 =	vadd.s32 $0x7FFF, v4;
	v10 =	vand.u32 $0x1, v5  }
0x231: {  	v13 =	vld [tilespmem:s0+$0xF0];
	v60 =	vshll.u32 v53, $0x10;
	v5 =	vand.u32 $0xFFFF0000, v4;
	v4 =	vadd.s32 v10, v6  }
0x232: {  	v10 =	vld [tilespmem:s0+$0xE0];
	v4 =	vadd.s32 $0x7FFF, v4;
	v30 =	vmul.f32 v45, v5;
	v45 =	vshll.u32 v56, $0x10  }
0x233: {  	v6 =	vand.u32 $0xFFFF0000, v4;
	v4 =	vand.u32 $0x1, v11;
	v11 =	vand.u32 $0x1, v12  }
0x234: {  	v4 =	vadd.s32 v4, v7;
	v7 =	vadd.s32 v11, v8;
	v8 =	vshrl.u32 v9, $0x10  }
0x235: {  	v12 =	vld [tilespmem:s0+$0xD0];
	v23 =	vmul.f32 v23, v6;
	v4 =	vadd.s32 $0x7FFF, v4;
	v11 =	vadd.s32 $0x7FFF, v7  }
0x236: {  	v14 =	vand.u32 $0x1, v8;
	v7 =	vand.u32 $0xFFFF0000, v4;
	v8 =	vand.u32 $0xFFFF0000, v11  }
0x237: {  	v15 =	vld [tilespmem:s17+$0x1B0];
	v4 =	vadd.s32 v14, v9;
	v9 =	vshrl.u32 v10, $0x10;
	v14 =	vshrl.u32 v13, $0x10  }
0x238: {  	v11 =	vld [tilespmem:s17+$0x1F0];
	v4 =	vadd.s32 $0x7FFF, v4;
	v9 =	vand.u32 $0x1, v9;
	v25 =	vmul.f32 v25, v7  }
0x239: {  	v14 =	vand.u32 $0x1, v14;
	v37 =	vmul.f32 v28, v8;
	v28 =	vmul.f32 v60, v7  }
0x23a: {  	v16 =	vshrl.u32 v12, $0x10;
	v9 =	vadd.s32 v9, v10;
	v10 =	vadd.s32 v14, v13  }
0x23b: {  	v16 =	vand.u32 $0x1, v16;
	v9 =	vadd.s32 $0x7FFF, v9;
	v10 =	vadd.s32 $0x7FFF, v10  }
0x23c: {  	v13 =	vld [tilespmem:s17+$0x1E0];
	v12 =	vadd.s32 v16, v12;
	v9 =	vand.u32 $0xFFFF0000, v9;
	v10 =	vand.u32 $0xFFFF0000, v10  }
0x23d: {  	v16 =	vshll.u32 v15, $0x10;
	v15 =	vand.u32 $0xFFFF0000, v15;
	v14 =	vshll.u32 v11, $0x10  }
0x23e: {  	v11 =	vand.u32 $0xFFFF0000, v11;
	v16 =	vmul.f32 v16, v8;
	v15 =	vmul.f32 v15, v10  }
0x23f: {  	v17 =	vld [tilespmem:s17+$0x1C0];
	v12 =	vadd.s32 $0x7FFF, v12;
	v21 =	vmul.f32 v21, v9;
	v38 =	vmul.f32 v24, v10  }
0x240: {  	v24 =	vand.u32 $0xFFFF0000, v39;
	v14 =	vmul.f32 v14, v8;
	v19 =	vmul.f32 v11, v10  }
0x241: {  	v12 =	vand.u32 $0xFFFF0000, v12;
	v11 =	vshll.u32 v13, $0x10;
	v13 =	vand.u32 $0xFFFF0000, v13  }
0x242: {  	v16 =	vadd.f32 v15, v16;
	v20 =	vmul.f32 v20, v12;
	v29 =	vmul.f32 v29, v12  }
0x243: {  	v22 =	vmul.f32 v11, v7;
	v13 =	vmul.f32 v13, v9;
	v11 =	vand.u32 $0xFFFF0000, v4;
	v4 =	vld [tilespmem:s17+$0x180]  }
0x244: {  	v19 =	vadd.f32 v19, v14;
	v14 =	vshll.u32 v17, $0x10;
	v17 =	vand.u32 $0xFFFF0000, v17  }
0x245: {  	v18 =	vld [tilespmem:s17+$0x170];
	v40 =	vadd.f32 v38, v37;
	v14 =	vmul.f32 v14, v5;
	v17 =	vmul.f32 v17, v11  }
0x246: {  	v61 =	vld [tilespmem:s17+$0x90];
	v20 =	vadd.f32 v20, v23;
	v23 =	vmul.f32 v34, v6;
	v24 =	vmul.f32 v24, v11  }
0x247: {  	v35 =	vld [tilespmem:s17+$0x160];
	v15 =	vadd.f32 v13, v22;
	v22 =	vand.u32 $0xFFFF0000, v33;
	v14 =	vadd.f32 v17, v14  }
0x248: {  	v33 =	vld [tilespmem:s17+$0x70];
	v22 =	vmul.f32 v22, v12;
	v26 =	vshll.u32 v4, $0x10;
	v4 =	vand.u32 $0xFFFF0000, v4  }
0x249: {  	v14 =	vadd.f32 v20, v14;
	v20 =	vand.u32 $0xFFFF0000, v36;
	v17 =	vmul.f32 v26, v5  }
0x24a: {  	v13 =	vshll.u32 v18, $0x10;
	v4 =	vmul.f32 v4, v11;
	v20 =	vmul.f32 v20, v9  }
0x24b: {  	v26 =	vand.u32 $0xFFFF0000, v47;
	v47 =	vand.u32 $0xFFFF0000, v61;
	v15 =	vadd.f32 v15, v14  }
0x24c: {  	v27 =	vld [tilespmem:s17+$0xF0];
	v14 =	vand.u32 $0xFFFF0000, v18;
	v18 =	vshll.u32 v35, $0x10;
	v26 =	vmul.f32 v26, v12  }
0x24d: {  	v44 =	vld [tilespmem:s17+$0xB0];
	v37 =	vshll.u32 v33, $0x10;
	v33 =	vand.u32 $0xFFFF0000, v33;
	v4 =	vadd.f32 v4, v17  }
0x24e: {  	v36 =	vld [tilespmem:s17+$0x30];
	v17 =	vadd.f32 v22, v23;
	v22 =	vmul.f32 v41, v7;
	v54 =	vmul.f32 v37, v8  }
0x24f: {  	v62 =	vld [tilespmem:s17+$0x40];
	v55 =	vmul.f32 v33, v10;
	v33 =	vand.u32 $0xFFFF0000, v56;
	v37 =	vmul.f32 v45, v5  }
0x250: {  	v33 =	vmul.f32 v33, v11;
	v4 =	vadd.f32 v17, v4;
	v17 =	vadd.f32 v21, v25  }
0x251: {  	v21 =	vadd.f32 v19, v15;
	v19 =	vshll.u32 v27, $0x10;
	v15 =	vand.u32 $0xFFFF0000, v35  }
0x252: {  	v45 =	vld [tilespmem:s17+$0xFFFFFF70];
	v22 =	vadd.f32 v20, v22;
	v20 =	vshll.u32 v44, $0x10;
	v35 =	vshll.u32 v32, $0x10  }
0x253: {  	v42 =	vld [tilespmem:s17+$0x150];
	v58 =	vshll.u32 v36, $0x10;
	v19 =	vmul.f32 v19, v8;
	v50 =	vmul.f32 v35, v5  }
0x254: {  	v25 =	vmul.f32 v58, v8;
	v35 =	vand.u32 $0xFFFF0000, v62;
	v4 =	vadd.f32 v17, v4  }
0x255: {  	v17 =	vand.u32 $0xFFFF0000, v27;
	v27 =	vand.u32 $0xFFFF0000, v43;
	v35 =	vmul.f32 v35, v11  }
0x256: {  	v59 =	vand.u32 $0xFFFF0000, v36;
	v17 =	vmul.f32 v17, v10;
	v27 =	vmul.f32 v27, v11  }
0x257: {  	v41 =	vld [tilespmem:s17+$0x0];
	v60 =	vshll.u32 v45, $0x10;
	v23 =	vadd.f32 v16, v4;
	v16 =	vmul.f32 v18, v7  }
0x258: {  	v4 =	vld [tilespmem:s17+$0xE0];
	v18 =	vshll.u32 v42, $0x10;
	v31 =	vadd.f32 v17, v19;
	v17 =	vadd.f32 v24, v30  }
0x259: {  	v19 =	vand.u32 $0xFFFF0000, v42;
	v24 =	vmul.f32 v46, v5;
	v30 =	vmul.f32 v48, v6  }
0x25a: {  	v38 =	vld [tilespmem:s17+$0x50];
	v46 =	vshll.u32 v61, $0x10;
	v48 =	vshll.u32 v62, $0x10;
	v61 =	vand.u32 $0xFFFF0000, v45  }
0x25b: {  	v32 =	vmul.f32 v48, v5;
	v24 =	vadd.f32 v27, v24;
	v29 =	vadd.f32 v29, v30  }
0x25c: {  	v27 =	vmul.f32 v49, v11;
	v30 =	vmul.f32 v51, v6;
	v51 =	vand.u32 $0xFFFF0000, v41  }
0x25d: {  	v32 =	vadd.f32 v35, v32;
	v35 =	vmul.f32 v51, v11;
	v34 =	vshll.u32 v4, $0x10  }
0x25e: {  	v42 =	vld [tilespmem:s17+$0xFFFFFFB0];
	v4 =	vand.u32 $0xFFFF0000, v4;
	v24 =	vadd.f32 v29, v24;
	v27 =	vadd.f32 v27, v50  }
0x25f: {  	v49 =	vld [tilespmem:s17+$0x10];
	v26 =	vadd.f32 v26, v30;
	v29 =	vand.u32 $0xFFFF0000, v53;
	v50 =	vshll.u32 v38, $0x10  }
0x260: {  	v38 =	vand.u32 $0xFFFF0000, v38;
	v34 =	vmul.f32 v34, v7;
	v4 =	vmul.f32 v4, v9  }
0x261: {  	v29 =	vmul.f32 v29, v9;
	v38 =	vmul.f32 v38, v12;
	v24 =	vadd.f32 v22, v24  }
0x262: {  	v22 =	vand.u32 $0xFFFF0000, v44;
	v26 =	vadd.f32 v26, v27;
	v27 =	vmul.f32 v46, v6  }
0x263: {  	v63 =	vld [tilespmem:s17+$0xFFFFFFF0];
	v44 =	vshll.u32 v41, $0x10;
	v46 =	vshll.u32 v42, $0x10;
	v42 =	vand.u32 $0xFFFF0000, v42  }
0x264: {  	v58 =	vld [tilespmem:s17+$0xFFFFFFC0];
	v4 =	vadd.f32 v4, v34;
	v34 =	vadd.f32 v55, v54;
	v53 =	vshll.u32 v49, $0x10  }
0x265: {  	v54 =	vld [tilespmem:s17+$0xFFFFFFE0];
	v30 =	vadd.f32 v40, v24;
	v24 =	vand.u32 $0xFFFF0000, v52;
	v52 =	vmul.f32 v44, v5  }
0x266: {  	v55 =	vld [tilespmem:s17+$0xFFFFFFA0];
	v56 =	vmul.f32 v46, v8;
	v4 =	vadd.f32 v4, v26;
	v26 =	vmul.f32 v59, v10  }
0x267: {  	v40 =	vadd.f32 v29, v28;
	v28 =	vmul.f32 v47, v12;
	v35 =	vadd.f32 v35, v52  }
0x268: {  	v29 =	vshll.u32 v63, $0x10;
	v47 =	vld [tilespmem:s17+$0xFFFFFF90];
	v31 =	vadd.f32 v31, v4;
	v39 =	vadd.f32 v26, v25  }
0x269: {  	v52 =	vld [tilespmem:s17+$0xFFFFFF80];
	v25 =	vmul.f32 v57, v7;
	v26 =	vadd.f32 v33, v37;
	v37 =	vmul.f32 v50, v6  }
0x26a: {  	v4 =	vld [tilespmem:s17+$0x20];
	v33 =	vand.u32 $0xFFFF0000, v49;
	v57 =	vmul.f32 v42, v10;
	v42 =	vand.u32 $0xFFFF0000, v58  }
0x26b: {  	v33 =	vmul.f32 v33, v12;
	v59 =	vshll.u32 v54, $0x10;
	v62 =	vshll.u32 v55, $0x10  }
0x26c: {  	v42 =	vmul.f32 v42, v11;
	v37 =	vadd.f32 v38, v37;
	v38 =	vmul.f32 v53, v6  }
0x26d: {  	v50 =	vld [tilespmem:s17+$0xFFFFFF40];
	v53 =	vshll.u32 v58, $0x10;
	v58 =	vshll.u32 v47, $0x10;
	v47 =	vand.u32 $0xFFFF0000, v47  }
0x26e: {  	v46 =	vmul.f32 v53, v5;
	v47 =	vmul.f32 v47, v12;
	v32 =	vadd.f32 v37, v32  }
0x26f: {  	v37 =	vand.u32 $0xFFFF0000, v55;
	v44 =	vand.u32 $0xFFFF0000, v52;
	v43 =	vshll.u32 v4, $0x10  }
0x270: {  	v4 =	vand.u32 $0xFFFF0000, v4;
	v37 =	vmul.f32 v37, v9;
	v44 =	vmul.f32 v44, v11  }
0x271: {  	v45 =	vld [tilespmem:s17+$0xFFFFFF30];
	v33 =	vadd.f32 v33, v38;
	v43 =	vmul.f32 v43, v7;
	v4 =	vmul.f32 v4, v9  }
0x272: {  	v53 =	vshll.u32 v50, $0x10;
	v40 =	vadd.f32 v40, v32;
	v32 =	vand.u32 $0xFFFF0000, v63;
	v63 =	vld [tilespmem:s17+$0xFFFFFFD0]  }
0x273: {  	v35 =	vadd.f32 v33, v35;
	v33 =	vand.u32 $0xFFFF0000, v54;
	v4 =	vadd.f32 v4, v43  }
0x274: {  	v43 =	vadd.f32 v57, v56;
	v36 =	vadd.f32 v34, v40;
	v34 =	vmul.f32 v60, v8  }
0x275: {  	v40 =	vmul.f32 v62, v7;
	v56 =	vshll.u32 v52, $0x10;
	v60 =	vmul.f32 v53, v5  }
0x276: {  	v51 =	vld [tilespmem:s17+$0xFFFFFEF0];
	v41 =	vmul.f32 v56, v5;
	v4 =	vadd.f32 v4, v35;
	v35 =	vmul.f32 v61, v10  }
0x277: {  	v57 =	vld [tilespmem:s17+$0xFFFFFF50];
	v49 =	vadd.f32 v37, v40;
	v40 =	vshll.u32 v45, $0x10;
	v54 =	vshll.u32 v63, $0x10  }
0x278: {  	v55 =	vand.u32 $0xFFFF0000, v63;
	v41 =	vadd.f32 v44, v41;
	v39 =	vadd.f32 v39, v4  }
0x279: {  	v62 =	vld [tilespmem:s17+$0xFFFFFF20];
	v48 =	vadd.f32 v35, v34;
	v34 =	vmul.f32 v59, v7;
	v37 =	vmul.f32 v54, v6  }
0x27a: {  	v63 =	vld [tilespmem:s17+$0xFFFFFEE0];
	v35 =	vadd.f32 v42, v46;
	v38 =	vmul.f32 v55, v12;
	v46 =	vmul.f32 v58, v6  }
0x27b: {  	v4 =	vld [tilespmem:s17+$0xFFFFFF60];
	v59 =	vand.u32 $0xFFFF0000, v50;
	v55 =	vshll.u32 v51, $0x10;
	v51 =	vand.u32 $0xFFFF0000, v51  }
0x27c: {  	v54 =	vld [tilespmem:s17+$0xFFFFFEB0];
	v44 =	vmul.f32 v59, v11;
	v61 =	vshll.u32 v57, $0x10;
	v42 =	vand.u32 $0xFFFF0000, v57  }
0x27d: {  	v46 =	vadd.f32 v47, v46;
	v47 =	vmul.f32 v61, v6;
	v42 =	vmul.f32 v42, v12  }
0x27e: {  	v56 =	vmul.f32 v55, v8;
	v57 =	vmul.f32 v51, v10;
	v44 =	vadd.f32 v44, v60  }
0x27f: {  	v50 =	vand.u32 $0xFFFF0000, v62;
	v41 =	vadd.f32 v46, v41;
	v42 =	vadd.f32 v42, v47  }
0x280: {  	v58 =	vld [tilespmem:s17+$0xFFFFFF00];
	v61 =	vshll.u32 v63, $0x10;
	v46 =	vand.u32 $0xFFFF0000, v63;
	v52 =	vshll.u32 v4, $0x10  }
0x281: {  	v4 =	vand.u32 $0xFFFF0000, v4;
	v59 =	vshll.u32 v54, $0x10;
	v53 =	vmul.f32 v61, v7  }
0x282: {  	v60 =	vand.u32 $0xFFFF0000, v54;
	v46 =	vmul.f32 v46, v9;
	v52 =	vmul.f32 v52, v7  }
0x283: {  	v49 =	vadd.f32 v49, v41;
	v41 =	vand.u32 $0xFFFF0000, v45;
	v45 =	vshll.u32 v62, $0x10;
	v62 =	vld [tilespmem:s17+$0xFFFFFEC0]  }
0x284: {  	v4 =	vmul.f32 v4, v9;
	v42 =	vadd.f32 v42, v44;
	v44 =	vadd.f32 v57, v56;
	v56 =	vld [tilespmem:s17+$0xFFFFFED0]  }
0x285: {  	v63 =	vshll.u32 v58, $0x10;
	v51 =	vand.u32 $0xFFFF0000, v58;
	v47 =	vmul.f32 v59, v8;
	v57 =	vld [tilespmem:s17+$0xFFFFFE80]  }
0x286: {  	v55 =	vmul.f32 v63, v5;
	v51 =	vmul.f32 v51, v11;
	v4 =	vadd.f32 v4, v52  }
0x287: {  	v46 =	vadd.f32 v46, v53;
	v43 =	vadd.f32 v43, v49;
	v52 =	vmul.f32 v60, v10  }
0x288: {  	v49 =	vld [tilespmem:s17+$0xFFFFFF10];
	v51 =	vadd.f32 v51, v55;
	v4 =	vadd.f32 v4, v42  }
0x289: {  	v59 =	vld [tilespmem:s17+$0xFFFFFE20];
	v47 =	vadd.f32 v52, v47;
	v61 =	vshll.u32 v62, $0x10;
	v54 =	vand.u32 $0xFFFF0000, v62  }
0x28a: {  	v42 =	vld [tilespmem:s17+$0xFFFFFE30];
	v58 =	vshll.u32 v56, $0x10;
	v56 =	vand.u32 $0xFFFF0000, v56;
	v63 =	vshll.u32 v57, $0x10  }
0x28b: {  	v57 =	vand.u32 $0xFFFF0000, v57;
	v55 =	vmul.f32 v61, v5;
	v54 =	vmul.f32 v54, v11  }
0x28c: {  	v4 =	vadd.f32 v48, v4;
	v48 =	vld [tilespmem:s17+$0xFFFFFEA0];
	v58 =	vmul.f32 v58, v6;
	v56 =	vmul.f32 v56, v12  }
0x28d: {  	v57 =	vmul.f32 v57, v11;
	v52 =	vshll.u32 v49, $0x10;
	v49 =	vand.u32 $0xFFFF0000, v49  }
0x28e: {  	v54 =	vadd.f32 v54, v55;
	v62 =	vadd.f32 v56, v58;
	v52 =	vmul.f32 v52, v6  }
0x28f: {  	v61 =	vld [tilespmem:s17+$0xFFFFFE90];
	v49 =	vmul.f32 v49, v12;
	v58 =	vshll.u32 v59, $0x10;
	v60 =	vshll.u32 v42, $0x10  }
0x290: {  	v56 =	vmul.f32 v63, v5;
	v59 =	vand.u32 $0xFFFF0000, v59;
	v53 =	vmul.f32 v60, v8  }
0x291: {  	v54 =	vadd.f32 v62, v54;
	v60 =	vshll.u32 v48, $0x10;
	v48 =	vand.u32 $0xFFFF0000, v48  }
0x292: {  	v55 =	vld [tilespmem:s17+$0xFFFFFE00];
	v42 =	vand.u32 $0xFFFF0000, v42;
	v60 =	vmul.f32 v60, v7;
	v48 =	vmul.f32 v48, v9  }
0x293: {  	v58 =	vmul.f32 v58, v7;
	v42 =	vmul.f32 v42, v10;
	v46 =	vadd.f32 v46, v54  }
0x294: {  	v62 =	vld [tilespmem:s17+$0xFFFFFE10];
	v48 =	vadd.f32 v48, v60;
	v60 =	vshll.u32 v61, $0x10;
	v61 =	vand.u32 $0xFFFF0000, v61  }
0x295: {  	v42 =	vadd.f32 v42, v53;
	v53 =	vld [tilespmem:s17+$0xFFFFFE70];
	v60 =	vmul.f32 v60, v6;
	v61 =	vmul.f32 v61, v12  }
0x296: {  	v59 =	vmul.f32 v59, v9;
	v56 =	vadd.f32 v57, v56;
	v54 =	vld [tilespmem:s17+$0xFFFFFE40];
	v44 =	vadd.f32 v44, v46  }
0x297: {  	v46 =	vand.u32 $0xFFFF0000, v55;
	v60 =	vadd.f32 v61, v60;
	v61 =	vshll.u32 v55, $0x10  }
0x298: {  	v58 =	vadd.f32 v59, v58;
	v59 =	vld [tilespmem:s17+$0xFFFFFE50];
	v46 =	vmul.f32 v46, v11;
	v55 =	vmul.f32 v61, v5  }
0x299: {  	v63 =	vld [tilespmem:s17+$0xFFFFFE60];
	v61 =	vand.u32 $0xFFFF0000, v62;
	v56 =	vadd.f32 v60, v56;
	v60 =	vshll.u32 v62, $0x10  }
0x29a: {  	v57 =	vshll.u32 v53, $0x10;
	v61 =	vmul.f32 v61, v12;
	v60 =	vmul.f32 v60, v6  }
0x29b: {  	v46 =	vadd.f32 v46, v55;
	v55 =	vshll.u32 v54, $0x10;
	v54 =	vand.u32 $0xFFFF0000, v54  }
0x29c: {  	(xrf2) =	vadd.scan.msk.f32 $0xffff, v21;
	v48 =	vadd.f32 v48, v56;
	v55 =	vmul.f32 v55, v5;
	v21 =	vmul.f32 v54, v11  }
0x29d: {  	v56 =	vadd.f32 v61, v60;
	v61 =	vshll.u32 v59, $0x10;
	v59 =	vand.u32 $0xFFFF0000, v59  }
0x29e: {  	(xrf2) =	vadd.scan.msk.f32 $0xffff, v23;
	v62 =	vshll.u32 v63, $0x10;
	v23 =	vmul.f32 v61, v6;
	v60 =	vmul.f32 v59, v12  }
0x29f: {  	(xrf2) =	vadd.scan.msk.f32 $0xffff, v30;
	v61 =	vand.u32 $0xFFFF0000, v63;
	v21 =	vadd.f32 v21, v55;
	v63 =	vadd.f32 v56, v46  }
0x2a0: {  	(xrf2) =	vadd.scan.msk.f32 $0xffff, v31;
	v56 =	vmul.f32 v62, v7;
	v59 =	vmul.f32 v61, v9;
	v23 =	vadd.f32 v60, v23  }
0x2a1: {  	(xrf2) =	vadd.scan.msk.f32 $0xffff, v36;
	v61 =	vmul.f32 v57, v8;
	v60 =	vand.u32 $0xFFFF0000, v53;
	v30 =	vadd.f32 v58, v63  }
0x2a2: {  	(xrf2) =	vadd.scan.msk.f32 $0xffff, v39;
	v62 =	vadd.f32 v59, v56;
	v63 =	vmul.f32 v60, v10;
	v21 =	vadd.f32 v23, v21  }
0x2a3: {  	v15 =	vmul.f32 v15, v9;
	v18 =	vmul.f32 v18, v6;
	(xrf2) =	vadd.scan.msk.f32 $0xffff, v43;
	v43 =	vadd.f32 v49, v52  }
0x2a4: {  	v19 =	vmul.f32 v19, v12;
	(xrf2) =	vadd.scan.msk.f32 $0xffff, v4;
	v49 =	vadd.f32 v63, v61;
	v4 =	vadd.f32 v62, v21  }
0x2a5: {  	v15 =	vadd.f32 v15, v16;
	v45 =	vmul.f32 v45, v7;
	v47 =	vadd.f32 v47, v48  }
0x2a6: {  	(xrf2) =	vadd.scan.msk.f32 $0xffff, v44;
	v46 =	vmul.f32 v50, v9;
	v30 =	vadd.f32 v42, v30;
	v4 =	vadd.f32 v49, v4  }
0x2a7: {  	v14 =	vmul.f32 v14, v10;
	v18 =	vadd.f32 v19, v18;
	v52 =	vadd.f32 v43, v51;
	(xrf2) =	vadd.scan.msk.f32 $0xffff, v47  }
0x2a8: {  	v54 =	vmul.f32 v41, v10;
	v50 =	vmul.f32 v40, v8;
	v53 =	vadd.f32 v46, v45;
	v56, _, _ =	vpop (xrf2);
	(xrf2) =	vadd.scan.msk.f32 $0xffff, v30  }
0x2a9: {  	v17 =	vadd.f32 v18, v17;
	v33 =	vmul.f32 v33, v9;
	v55 =	vadd.f32 v38, v37;
	v58, _, _ =	vpop (xrf2);
	(xrf2) =	vadd.scan.msk.f32 $0xffff, v4  }
0x2aa: {  	v29 =	vmul.f32 v29, v8;
	v23 =	vadd.f32 v54, v50;
	v57 =	vadd.f32 v53, v52;
	v4, _, _ =	vpop (xrf2)  }
0x2ab: {  	v32 =	vmul.f32 v32, v10;
	v33 =	vadd.f32 v33, v34;
	v21 =	vadd.f32 v55, v35;
	v59, _, _ =	vpop (xrf2)  }
0x2ac: {  	v24 =	vmul.f32 v24, v9;
	v27 =	vadd.f32 v28, v27;
	v23 =	vadd.f32 v23, v57;
	v60, _, _ =	vpop (xrf2)  }
0x2ad: {  	v20 =	vmul.f32 v20, v8;
	v29 =	vadd.f32 v32, v29;
	v21 =	vadd.f32 v33, v21;
	v61, _, _ =	vpop (xrf2)  }
0x2ae: {  	v22 =	vmul.f32 v22, v10;
	v26 =	vadd.f32 v27, v26;
	v24 =	vadd.f32 v24, v25;
	(xrf2) =	vadd.scan.msk.f32 $0xffff, v23;
	v19, _, _ =	vpop (xrf2)  }
0x2af: {  	v13 =	vmul.f32 v13, v8;
	v15 =	vadd.f32 v15, v17;
	v21 =	vadd.f32 v29, v21;
	v62, _, _ =	vpop (xrf2)  }
0x2b0: {  	v20 =	vadd.f32 v22, v20;
	v24 =	vadd.f32 v24, v26;
	v16, _, _ =	vpop (xrf2)  }
0x2b1: {  	v13 =	vadd.f32 v14, v13;
	(xrf2) =	vadd.scan.msk.f32 $0xffff, v21;
	v63, _, _ =	vpop (xrf2)  }
0x2b2: {  	v18 =	vadd.f32 v20, v24;
	v14, _, _ =	vpop (xrf2)  }
0x2b3: {  	v13 =	vadd.f32 v13, v15;
	v15, _, _ =	vpop (xrf2)  }
0x2b4: {  	(xrf2) =	vadd.scan.msk.f32 $0xffff, v18;
	v15 =	vperm.xlane v15, v3;
	_ =	sdelay $0x1  }
0x2b5: {  	v14 =	vperm.xlane v14, v3  }
0x2b6: {  	v17 =	vperm.xlane v63, v3  }
0x2b7: {  	(xrf2) =	vadd.scan.msk.f32 $0xffff, v13;
	v13 =	vsel vm2, v14, v15;
	v14 =	vperm.xlane v16, v3;
	v15, _, _ =	vpop (xrf2)  }
0x2b8: {  	v13 =	vsel vm1, v13, v17;
	v15 =	vperm.xlane v15, v3  }
0x2b9: {  	v13 =	vsel vm3, v13, v14;
	v14 =	vperm.xlane v62, v3  }
0x2ba: {  	v16, _, _ =	vpop (xrf2);
	v13 =	vsel vm4, v13, v15;
	v15 =	vperm.xlane v19, v3  }
0x2bb: {  	v13 =	vsel vm5, v13, v14;
	v14 =	vperm.xlane v16, v3  }
0x2bc: {  	v13 =	vsel vm6, v13, v15;
	v15 =	vperm.xlane v61, v3  }
0x2bd: {  	v16, _, _ =	vpop (xrf2);
	v13 =	vsel vm7, v13, v14  }
0x2be: {  	v13 =	vsel vm8, v13, v15;
	v15 =	vperm.xlane v16, v3  }
0x2bf: {  	v14 =	vperm.xlane v60, v3;
	_ =	sdelay $0x1  }
0x2c0: {  	v13 =	vsel vm9, v13, v14;
	v14 =	vperm.xlane v59, v3  }
0x2c1: {  	v4 =	vperm.xlane v4, v3;
	v13 =	vsel vm10, v13, v15;
	v15, _, _ =	vpop (xrf2)  }
0x2c2: {  	v13 =	vsel vm11, v13, v14;
	v14 =	vperm.xlane v15, v3  }
0x2c3: {  	v4 =	vsel vm12, v13, v4;
	v13 =	vperm.xlane v58, v3  }
0x2c4: {  	vm0 =	vmxor vm0, vm0;
	p0 =	por $0x1, $0x1;
	v4 =	vsel vm13, v4, v14;
	v14 =	vperm.xlane v56, v3  }
0x2c5: {  	vm0 =	vmneg @p0 vm0;
	v4 =	vsel vm14, v4, v13  }
0x2c6: {  	vm0 =	vmor vm0, vm8;
	v4 =	vsel vm15, v4, v14  }
0x2c7: {  	s28 =	simm.s32 $0x0;
	v14 =	vimm.f32 $-Inf;
	v15 =	vnsel vm0, $0xFF800000, v4  }
0x2c8: {  	s14 =	simm.s32 $0x10;
	s1 =	smov.u32 s29;
	s0 =	simm.s32 $0xDE80;
	v16 =	vor.u32 s28, v0;
	v13 =	vimm.s32 $0x7FFFFFFF;
	vm0 =	vgt.f32 v15, v14;
	[tilespmem:s29+$0x0] =	vst v15  }
.LBB2_7:
0x2c9: {  	v4 =	vld [tilespmem:s0+$0x1F0];
	v14 =	vsel vm0, v15, v14;
	v13 =	vsel vm0, v16, v13;
	s16 =	smov.u32 s14  }
0x2ca: {  	v15 =	vld [tilespmem:s0+$0x1B0];
	_ =	sdelay $0x1  }
0x2cb: {  	v16 =	vld [tilespmem:s0+$0x1E0];
	_ =	sdelay $0x1  }
0x2cc: {  	v17 =	vshll.u32 v4, $0x10  }
0x2cd: {  	v4 =	vand.u32 $0xFFFF0000, v4;
	v18 =	vshll.u32 v15, $0x10;
	v19 =	vld [tilespmem:s0+$0x1C0];
	v17 =	vmul.f32 v17, v8  }
0x2ce: {  	v15 =	vand.u32 $0xFFFF0000, v15;
	v4 =	vmul.f32 v4, v10;
	v20 =	vld [tilespmem:s0+$0x170];
	v18 =	vmul.f32 v18, v8  }
0x2cf: {  	v15 =	vmul.f32 v15, v10;
	v21 =	vld [tilespmem:s0+$0x1D0];
	v22 =	vshll.u32 v16, $0x10;
	v16 =	vand.u32 $0xFFFF0000, v16  }
0x2d0: {  	v23 =	vld [tilespmem:s0+$0x1A0];
	v22 =	vmul.f32 v22, v7;
	v16 =	vmul.f32 v16, v9  }
0x2d1: {  	v4 =	vadd.f32 v4, v17;
	v24 =	vld [tilespmem:s0+$0x180]  }
0x2d2: {  	v18 =	vadd.f32 v15, v18;
	v17 =	vshll.u32 v19, $0x10;
	v16 =	vadd.f32 v16, v22  }
0x2d3: {  	v19 =	vand.u32 $0xFFFF0000, v19;
	v15 =	vshll.u32 v20, $0x10;
	v22 =	vld [tilespmem:s0+$0x190];
	v17 =	vmul.f32 v17, v5  }
0x2d4: {  	v19 =	vmul.f32 v19, v11;
	v25 =	vshll.u32 v21, $0x10;
	v21 =	vand.u32 $0xFFFF0000, v21  }
0x2d5: {  	v26 =	vld [tilespmem:s0+$0x130];
	v27 =	vshll.u32 v23, $0x10;
	v25 =	vmul.f32 v25, v6;
	v21 =	vmul.f32 v21, v12  }
0x2d6: {  	v17 =	vadd.f32 v19, v17;
	v28 =	vshll.u32 v24, $0x10;
	v27 =	vmul.f32 v27, v7  }
0x2d7: {  	v19 =	vand.u32 $0xFFFF0000, v24;
	v24 =	vmul.f32 v28, v5;
	v21 =	vadd.f32 v21, v25  }
0x2d8: {  	v19 =	vmul.f32 v19, v11;
	v25 =	vshll.u32 v22, $0x10;
	v22 =	vand.u32 $0xFFFF0000, v22  }
0x2d9: {  	v23 =	vand.u32 $0xFFFF0000, v23;
	v28 =	vld [tilespmem:s0+$0x160];
	v25 =	vmul.f32 v25, v6;
	v22 =	vmul.f32 v22, v12  }
0x2da: {  	v23 =	vmul.f32 v23, v9;
	v17 =	vadd.f32 v21, v17;
	v29 =	vld [tilespmem:s0+$0xF0];
	v30 =	vshll.u32 v26, $0x10  }
0x2db: {  	v19 =	vadd.f32 v19, v24;
	v26 =	vand.u32 $0xFFFF0000, v26;
	v21 =	vld [tilespmem:s0+$0x120];
	v22 =	vadd.f32 v22, v25  }
0x2dc: {  	v24 =	vmul.f32 v30, v8;
	v25 =	vmul.f32 v26, v10;
	v17 =	vadd.f32 v16, v17  }
0x2dd: {  	v16 =	vand.u32 $0xFFFF0000, v20;
	v20 =	vadd.f32 v23, v27;
	v26 =	vld [tilespmem:s0+$0x140];
	v19 =	vadd.f32 v22, v19  }
0x2de: {  	v24 =	vadd.f32 v25, v24;
	v30 =	vadd.f32 v4, v17;
	v22 =	vshll.u32 v28, $0x10  }
0x2df: {  	v17 =	vand.u32 $0xFFFF0000, v28;
	v4 =	vshll.u32 v29, $0x10;
	v19 =	vadd.f32 v20, v19  }
0x2e0: {  	v20 =	vand.u32 $0xFFFF0000, v29;
	v4 =	vmul.f32 v4, v8;
	v23 =	vshll.u32 v21, $0x10;
	v25 =	vld [tilespmem:s0+$0x150]  }
0x2e1: {  	v20 =	vmul.f32 v20, v10;
	v21 =	vand.u32 $0xFFFF0000, v21;
	v27 =	vld [tilespmem:s0+$0x100];
	v23 =	vmul.f32 v23, v7  }
0x2e2: {  	v21 =	vmul.f32 v21, v9;
	v28 =	vld [tilespmem:s0+$0xB0];
	v29 =	vshll.u32 v26, $0x10;
	v26 =	vand.u32 $0xFFFF0000, v26  }
0x2e3: {  	v31 =	vadd.f32 v18, v19;
	v32 =	vld [tilespmem:s0+$0x110];
	v29 =	vmul.f32 v29, v5;
	v26 =	vmul.f32 v26, v11  }
0x2e4: {  	v18 =	vmul.f32 v22, v7;
	v4 =	vadd.f32 v20, v4;
	v23 =	vadd.f32 v21, v23;
	v33 =	vld [tilespmem:s0+$0xE0]  }
0x2e5: {  	v34 =	vld [tilespmem:s0+$0xC0];
	v19 =	vadd.f32 v26, v29;
	v20 =	vshll.u32 v25, $0x10;
	v21 =	vand.u32 $0xFFFF0000, v25  }
0x2e6: {  	v25 =	vshll.u32 v27, $0x10;
	v20 =	vmul.f32 v20, v6;
	v21 =	vmul.f32 v21, v12  }
0x2e7: {  	v27 =	vand.u32 $0xFFFF0000, v27;
	v22 =	vshll.u32 v28, $0x10;
	v26 =	vld [tilespmem:s0+$0xD0];
	v25 =	vmul.f32 v25, v5  }
0x2e8: {  	v27 =	vmul.f32 v27, v11;
	v29 =	vshll.u32 v32, $0x10;
	v32 =	vand.u32 $0xFFFF0000, v32  }
0x2e9: {  	v35 =	vld [tilespmem:s0+$0x70];
	v36 =	vshll.u32 v33, $0x10;
	v29 =	vmul.f32 v29, v6;
	v32 =	vmul.f32 v32, v12  }
0x2ea: {  	v25 =	vadd.f32 v27, v25;
	v37 =	vshll.u32 v34, $0x10;
	v36 =	vmul.f32 v36, v7  }
0x2eb: {  	v27 =	vand.u32 $0xFFFF0000, v34;
	v34 =	vmul.f32 v37, v5;
	v29 =	vadd.f32 v32, v29  }
0x2ec: {  	v27 =	vmul.f32 v27, v11;
	v32 =	vshll.u32 v26, $0x10;
	v26 =	vand.u32 $0xFFFF0000, v26  }
0x2ed: {  	v33 =	vand.u32 $0xFFFF0000, v33;
	v37 =	vld [tilespmem:s0+$0xA0];
	v32 =	vmul.f32 v32, v6;
	v26 =	vmul.f32 v26, v12  }
0x2ee: {  	v33 =	vmul.f32 v33, v9;
	v25 =	vadd.f32 v29, v25;
	v38 =	vld [tilespmem:s0+$0x30];
	v39 =	vshll.u32 v35, $0x10  }
0x2ef: {  	v27 =	vadd.f32 v27, v34;
	v35 =	vand.u32 $0xFFFF0000, v35;
	v29 =	vld [tilespmem:s0+$0x60];
	v26 =	vadd.f32 v26, v32  }
0x2f0: {  	v32 =	vmul.f32 v39, v8;
	v34 =	vmul.f32 v35, v10;
	v25 =	vadd.f32 v23, v25  }
0x2f1: {  	v23 =	vand.u32 $0xFFFF0000, v28;
	v35 =	vld [tilespmem:s0+$0x80];
	v26 =	vadd.f32 v26, v27;
	v27 =	vadd.f32 v33, v36  }
0x2f2: {  	v33 =	vadd.f32 v34, v32;
	v36 =	vadd.f32 v24, v25;
	v28 =	vshll.u32 v37, $0x10  }
0x2f3: {  	v24 =	vand.u32 $0xFFFF0000, v37;
	v25 =	vshll.u32 v38, $0x10;
	v26 =	vadd.f32 v27, v26  }
0x2f4: {  	v27 =	vand.u32 $0xFFFF0000, v38;
	v25 =	vmul.f32 v25, v8;
	v32 =	vshll.u32 v29, $0x10;
	v34 =	vld [tilespmem:s0+$0x90]  }
0x2f5: {  	v27 =	vmul.f32 v27, v10;
	v29 =	vand.u32 $0xFFFF0000, v29;
	v37 =	vld [tilespmem:s0+$0x40];
	v32 =	vmul.f32 v32, v7  }
0x2f6: {  	v29 =	vmul.f32 v29, v9;
	v38 =	vld [tilespmem:s0+$0xFFFFFFF0];
	v39 =	vshll.u32 v35, $0x10;
	v35 =	vand.u32 $0xFFFF0000, v35  }
0x2f7: {  	v40 =	vld [tilespmem:s0+$0x50];
	v41 =	vmul.f32 v39, v5;
	v35 =	vmul.f32 v35, v11;
	v39 =	vadd.f32 v4, v26  }
0x2f8: {  	v43 =	vadd.f32 v27, v25;
	v25 =	vmul.f32 v28, v7;
	v32 =	vadd.f32 v29, v32;
	v4 =	vld [tilespmem:s0+$0x20]  }
0x2f9: {  	v42 =	vld [tilespmem:s0+$0x0];
	v26 =	vadd.f32 v35, v41;
	v27 =	vshll.u32 v34, $0x10;
	v28 =	vand.u32 $0xFFFF0000, v34  }
0x2fa: {  	v34 =	vshll.u32 v37, $0x10;
	v27 =	vmul.f32 v27, v6;
	v28 =	vmul.f32 v28, v12  }
0x2fb: {  	v37 =	vand.u32 $0xFFFF0000, v37;
	v29 =	vshll.u32 v38, $0x10;
	v35 =	vld [tilespmem:s0+$0x10];
	v34 =	vmul.f32 v34, v5  }
0x2fc: {  	v37 =	vmul.f32 v37, v11;
	v41 =	vshll.u32 v40, $0x10;
	v40 =	vand.u32 $0xFFFF0000, v40  }
0x2fd: {  	v44 =	vld [tilespmem:s0+$0xFFFFFFB0];
	v45 =	vshll.u32 v4, $0x10;
	v41 =	vmul.f32 v41, v6;
	v40 =	vmul.f32 v40, v12  }
0x2fe: {  	v34 =	vadd.f32 v37, v34;
	v46 =	vshll.u32 v42, $0x10;
	v45 =	vmul.f32 v45, v7  }
0x2ff: {  	v37 =	vand.u32 $0xFFFF0000, v42;
	v42 =	vmul.f32 v46, v5;
	v40 =	vadd.f32 v40, v41  }
0x300: {  	v37 =	vmul.f32 v37, v11;
	v41 =	vshll.u32 v35, $0x10;
	v35 =	vand.u32 $0xFFFF0000, v35  }
0x301: {  	v4 =	vand.u32 $0xFFFF0000, v4;
	v46 =	vld [tilespmem:s0+$0xFFFFFFE0];
	v41 =	vmul.f32 v41, v6;
	v35 =	vmul.f32 v35, v12  }
0x302: {  	v4 =	vmul.f32 v4, v9;
	v34 =	vadd.f32 v40, v34;
	v47 =	vld [tilespmem:s0+$0xFFFFFF70];
	v48 =	vshll.u32 v44, $0x10  }
0x303: {  	v37 =	vadd.f32 v37, v42;
	v44 =	vand.u32 $0xFFFF0000, v44;
	v40 =	vld [tilespmem:s0+$0xFFFFFFA0];
	v35 =	vadd.f32 v35, v41  }
0x304: {  	v41 =	vmul.f32 v48, v8;
	v42 =	vmul.f32 v44, v10;
	v34 =	vadd.f32 v32, v34  }
0x305: {  	v4 =	vadd.f32 v4, v45;
	v32 =	vand.u32 $0xFFFF0000, v38;
	v44 =	vld [tilespmem:s0+$0xFFFFFFC0];
	v35 =	vadd.f32 v35, v37  }
0x306: {  	v45 =	vadd.f32 v42, v41;
	v42 =	vadd.f32 v33, v34;
	v37 =	vshll.u32 v46, $0x10  }
0x307: {  	v33 =	vand.u32 $0xFFFF0000, v46;
	v34 =	vshll.u32 v47, $0x10;
	v4 =	vadd.f32 v4, v35  }
0x308: {  	v35 =	vand.u32 $0xFFFF0000, v47;
	v34 =	vmul.f32 v34, v8;
	v38 =	vshll.u32 v40, $0x10;
	v41 =	vld [tilespmem:s0+$0xFFFFFFD0]  }
0x309: {  	v35 =	vmul.f32 v35, v10;
	v40 =	vand.u32 $0xFFFF0000, v40;
	v46 =	vld [tilespmem:s0+$0xFFFFFF80];
	v38 =	vmul.f32 v38, v7  }
0x30a: {  	v40 =	vmul.f32 v40, v9;
	v47 =	vld [tilespmem:s0+$0xFFFFFF30];
	v48 =	vshll.u32 v44, $0x10;
	v44 =	vand.u32 $0xFFFF0000, v44  }
0x30b: {  	v43 =	vadd.f32 v43, v4;
	v49 =	vld [tilespmem:s0+$0xFFFFFF90];
	v48 =	vmul.f32 v48, v5;
	v44 =	vmul.f32 v44, v11  }
0x30c: {  	v50 =	vadd.f32 v35, v34;
	v34 =	vmul.f32 v37, v7;
	v51 =	vadd.f32 v40, v38;
	v4 =	vld [tilespmem:s0+$0xFFFFFF60]  }
0x30d: {  	v52 =	vld [tilespmem:s0+$0xFFFFFF40];
	v35 =	vadd.f32 v44, v48;
	v37 =	vshll.u32 v41, $0x10;
	v38 =	vand.u32 $0xFFFF0000, v41  }
0x30e: {  	v41 =	vshll.u32 v46, $0x10;
	v37 =	vmul.f32 v37, v6;
	v38 =	vmul.f32 v38, v12  }
0x30f: {  	v46 =	vand.u32 $0xFFFF0000, v46;
	v40 =	vshll.u32 v47, $0x10;
	v44 =	vld [tilespmem:s0+$0xFFFFFF50];
	v41 =	vmul.f32 v41, v5  }
0x310: {  	v46 =	vmul.f32 v46, v11;
	v48 =	vshll.u32 v49, $0x10;
	v49 =	vand.u32 $0xFFFF0000, v49  }
0x311: {  	v53 =	vld [tilespmem:s0+$0xFFFFFEF0];
	v54 =	vshll.u32 v4, $0x10;
	v48 =	vmul.f32 v48, v6;
	v49 =	vmul.f32 v49, v12  }
0x312: {  	v41 =	vadd.f32 v46, v41;
	v55 =	vshll.u32 v52, $0x10;
	v54 =	vmul.f32 v54, v7  }
0x313: {  	v46 =	vand.u32 $0xFFFF0000, v52;
	v52 =	vmul.f32 v55, v5;
	v48 =	vadd.f32 v49, v48  }
0x314: {  	v46 =	vmul.f32 v46, v11;
	v49 =	vshll.u32 v44, $0x10;
	v44 =	vand.u32 $0xFFFF0000, v44  }
0x315: {  	v4 =	vand.u32 $0xFFFF0000, v4;
	v55 =	vld [tilespmem:s0+$0xFFFFFF20];
	v49 =	vmul.f32 v49, v6;
	v44 =	vmul.f32 v44, v12  }
0x316: {  	v4 =	vmul.f32 v4, v9;
	v41 =	vadd.f32 v48, v41;
	v56 =	vld [tilespmem:s0+$0xFFFFFEB0];
	v57 =	vshll.u32 v53, $0x10  }
0x317: {  	v46 =	vadd.f32 v46, v52;
	v53 =	vand.u32 $0xFFFF0000, v53;
	v48 =	vld [tilespmem:s0+$0xFFFFFEE0];
	v44 =	vadd.f32 v44, v49  }
0x318: {  	v49 =	vmul.f32 v57, v8;
	v52 =	vmul.f32 v53, v10;
	v51 =	vadd.f32 v51, v41  }
0x319: {  	v4 =	vadd.f32 v4, v54;
	v41 =	vand.u32 $0xFFFF0000, v47;
	v53 =	vld [tilespmem:s0+$0xFFFFFF00];
	v46 =	vadd.f32 v44, v46  }
0x31a: {  	v47 =	vadd.f32 v52, v49;
	v51 =	vadd.f32 v45, v51;
	v49 =	vshll.u32 v55, $0x10  }
0x31b: {  	v44 =	vand.u32 $0xFFFF0000, v55;
	v45 =	vshll.u32 v56, $0x10;
	v52 =	vld [tilespmem:s0+$0xFFFFFF10];
	v4 =	vadd.f32 v4, v46  }
0x31c: {  	v46 =	vand.u32 $0xFFFF0000, v56;
	v54 =	vld [tilespmem:s0+$0xFFFFFE30];
	v45 =	vmul.f32 v45, v8;
	v55 =	vshll.u32 v48, $0x10  }
0x31d: {  	v46 =	vmul.f32 v46, v10;
	v48 =	vand.u32 $0xFFFF0000, v48;
	v56 =	vld [tilespmem:s0+$0xFFFFFEC0];
	v55 =	vmul.f32 v55, v7  }
0x31e: {  	v48 =	vmul.f32 v48, v9;
	v57 =	vshll.u32 v53, $0x10;
	v53 =	vand.u32 $0xFFFF0000, v53  }
0x31f: {  	v4 =	vadd.f32 v50, v4;
	v58 =	vld [tilespmem:s0+$0xFFFFFED0];
	v57 =	vmul.f32 v57, v5;
	v53 =	vmul.f32 v53, v11;
	(xrf2) =	vadd.scan.msk.f32 $0xffff, v30  }
0x320: {  	v50 =	vadd.f32 v46, v45;
	v45 =	vmul.f32 v49, v7;
	v30 =	vld [tilespmem:s0+$0xFFFFFEA0]  }
0x321: {  	v48 =	vadd.f32 v48, v55;
	v49 =	vshll.u32 v52, $0x10;
	v52 =	vand.u32 $0xFFFF0000, v52  }
0x322: {  	v46 =	vadd.f32 v53, v57;
	v53 =	vshll.u32 v54, $0x10;
	v54 =	vand.u32 $0xFFFF0000, v54  }
0x323: {  	v55 =	vshll.u32 v56, $0x10;
	(xrf2) =	vadd.scan.msk.f32 $0xffff, v31;
	v31 =	vmul.f32 v53, v8;
	v53 =	vand.u32 $0xFFFF0000, v56  }
0x324: {  	v55 =	vmul.f32 v55, v5;
	v53 =	vmul.f32 v53, v11;
	v57 =	vshll.u32 v58, $0x10  }
0x325: {  	v56 =	vld [tilespmem:s0+$0xFFFFFE80];
	v58 =	vand.u32 $0xFFFF0000, v58;
	v60 =	vshll.u32 v30, $0x10;
	v57 =	vmul.f32 v57, v6  }
0x326: {  	v59 =	vld [tilespmem:s0+$0xFFFFFE20];
	v58 =	vmul.f32 v58, v12;
	(xrf2) =	vadd.scan.msk.f32 $0xffff, v36;
	v36 =	vmul.f32 v54, v10;
	v30 =	vand.u32 $0xFFFF0000, v30  }
0x327: {  	v54 =	vld [tilespmem:s0+$0xFFFFFE90];
	v60 =	vmul.f32 v60, v7;
	v61 =	vmul.f32 v30, v9  }
0x328: {  	v49 =	vmul.f32 v49, v6;
	v53 =	vadd.f32 v53, v55;
	v55 =	vadd.f32 v58, v57  }
0x329: {  	v52 =	vmul.f32 v52, v12;
	v57 =	vadd.f32 v36, v31;
	v60 =	vadd.f32 v61, v60  }
0x32a: {  	(xrf2) =	vadd.scan.msk.f32 $0xffff, v39;
	v31 =	vshll.u32 v56, $0x10;
	v36 =	vadd.f32 v55, v53;
	v55 =	vand.u32 $0xFFFF0000, v56  }
0x32b: {  	v58 =	vld [tilespmem:s0+$0xFFFFFE70];
	v30, _, _ =	vpop (xrf2);
	v53 =	vshll.u32 v59, $0x10;
	v56 =	vmul.f32 v31, v5;
	v55 =	vmul.f32 v55, v11  }
0x32c: {  	v39 =	vld [tilespmem:s0+$0xFFFFFE00];
	v59 =	vand.u32 $0xFFFF0000, v59;
	v62 =	vshll.u32 v54, $0x10;
	v54 =	vand.u32 $0xFFFF0000, v54  }
0x32d: {  	(xrf2) =	vadd.scan.msk.f32 $0xffff, v42;
	v53 =	vmul.f32 v53, v7;
	v59 =	vmul.f32 v59, v9;
	v36 =	vadd.f32 v48, v36  }
0x32e: {  	v42 =	vld [tilespmem:s0+$0xFFFFFE10];
	v61 =	vmul.f32 v62, v6;
	v54 =	vmul.f32 v54, v12;
	v31, _, _ =	vpop (xrf2)  }
0x32f: {  	v55 =	vadd.f32 v55, v56;
	v62 =	vld [tilespmem:s0+$0xFFFFFE60]  }
0x330: {  	v53 =	vadd.f32 v59, v53;
	v48 =	vld [tilespmem:s0+$0xFFFFFE40];
	v63 =	vshll.u32 v58, $0x10;
	v54 =	vadd.f32 v54, v61;
	(xrf2) =	vadd.scan.msk.f32 $0xffff, v43  }
0x331: {  	s17 =	sadd.s32 $0x10, s14;
	v47 =	vadd.f32 v47, v36;
	v43 =	vshll.u32 v39, $0x10;
	v36, _, _ =	vpop (xrf2);
	v39 =	vand.u32 $0xFFFF0000, v39  }
0x332: {  	v43 =	vmul.f32 v43, v5;
	v56 =	vld [tilespmem:s0+$0xFFFFFE50];
	v54 =	vadd.f32 v54, v55  }
0x333: {  	v55 =	vmul.f32 v39, v11;
	v61 =	vshll.u32 v42, $0x10;
	v42 =	vand.u32 $0xFFFF0000, v42;
	(xrf2) =	vadd.scan.msk.f32 $0xffff, v51  }
0x334: {  	v51 =	vmul.f32 v61, v6;
	v42 =	vmul.f32 v42, v12;
	v59 =	vshll.u32 v62, $0x10;
	v39, _, _ =	vpop (xrf2)  }
0x335: {  	v43 =	vadd.f32 v55, v43;
	v54 =	vadd.f32 v60, v54;
	v55 =	vshll.u32 v48, $0x10  }
0x336: {  	v48 =	vand.u32 $0xFFFF0000, v48;
	v42 =	vadd.f32 v42, v51;
	v51 =	vmul.f32 v55, v5;
	(xrf2) =	vadd.scan.msk.f32 $0xffff, v4  }
0x337: {  	v4 =	vmul.f32 v48, v11;
	v48 =	vshll.u32 v56, $0x10;
	v55 =	vand.u32 $0xFFFF0000, v56;
	v56, _, _ =	vpop (xrf2)  }
0x338: {  	v60 =	vand.u32 $0xFFFF0000, v62;
	v48 =	vmul.f32 v48, v6;
	v55 =	vmul.f32 v55, v12  }
0x339: {  	v50 =	vadd.f32 v50, v54;
	v42 =	vadd.f32 v42, v43;
	v43 =	vmul.f32 v59, v7;
	(xrf2) =	vadd.scan.msk.f32 $0xffff, v47  }
0x33a: {  	v4 =	vadd.f32 v4, v51;
	v47 =	vadd.f32 v55, v48;
	v48 =	vmul.f32 v60, v9;
	v51, _, _ =	vpop (xrf2)  }
0x33b: {  	v54 =	vmul.f32 v63, v8;
	v42 =	vadd.f32 v53, v42;
	v53 =	vand.u32 $0xFFFF0000, v58  }
0x33c: {  	v4 =	vadd.f32 v47, v4;
	v43 =	vadd.f32 v48, v43;
	v47 =	vmul.f32 v53, v10;
	(xrf2) =	vadd.scan.msk.f32 $0xffff, v50  }
0x33d: {  	v44 =	vmul.f32 v44, v9;
	v42 =	vadd.f32 v57, v42;
	v48 =	vadd.f32 v52, v49;
	v49, _, _ =	vpop (xrf2)  }
0x33e: {  	v40 =	vmul.f32 v40, v8;
	v4 =	vadd.f32 v43, v4;
	v43 =	vadd.f32 v47, v54  }
0x33f: {  	v41 =	vmul.f32 v41, v10;
	v44 =	vadd.f32 v44, v45;
	v46 =	vadd.f32 v48, v46;
	(xrf2) =	vadd.scan.msk.f32 $0xffff, v42  }
0x340: {  	v33 =	vmul.f32 v33, v9;
	v37 =	vadd.f32 v38, v37;
	v4 =	vadd.f32 v43, v4;
	v38, _, _ =	vpop (xrf2)  }
0x341: {  	v29 =	vmul.f32 v29, v8;
	v40 =	vadd.f32 v41, v40;
	v42 =	vadd.f32 v44, v46  }
0x342: {  	v32 =	vmul.f32 v32, v10;
	v33 =	vadd.f32 v33, v34;
	v35 =	vadd.f32 v37, v35;
	(xrf2) =	vadd.scan.msk.f32 $0xffff, v4  }
0x343: {  	v24 =	vmul.f32 v24, v9;
	v27 =	vadd.f32 v28, v27;
	v4 =	vadd.f32 v40, v42;
	v28, _, _ =	vpop (xrf2)  }
0x344: {  	v22 =	vmul.f32 v22, v8;
	v29 =	vadd.f32 v32, v29;
	v33 =	vadd.f32 v33, v35  }
0x345: {  	v23 =	vmul.f32 v23, v10;
	v24 =	vadd.f32 v24, v25;
	v26 =	vadd.f32 v27, v26;
	(xrf2) =	vadd.scan.msk.f32 $0xffff, v4  }
0x346: {  	v17 =	vmul.f32 v17, v9;
	v20 =	vadd.f32 v21, v20;
	v4 =	vadd.f32 v29, v33;
	v21, _, _ =	vpop (xrf2)  }
0x347: {  	v15 =	vmul.f32 v15, v8;
	v22 =	vadd.f32 v23, v22;
	v24 =	vadd.f32 v24, v26  }
0x348: {  	v16 =	vmul.f32 v16, v10;
	v17 =	vadd.f32 v17, v18;
	v19 =	vadd.f32 v20, v19;
	(xrf2) =	vadd.scan.msk.f32 $0xffff, v4  }
0x349: {  	v4 =	vadd.f32 v22, v24;
	v18, _, _ =	vpop (xrf2)  }
0x34a: {  	v16 =	vadd.f32 v16, v15;
	v17 =	vadd.f32 v17, v19  }
0x34b: {  	(xrf2) =	vadd.scan.msk.f32 $0xffff, v4  }
0x34c: {  	v4 =	vadd.f32 v16, v17;
	v15, _, _ =	vpop (xrf2)  }
0x34d: {  	v18 =	vperm.xlane v18, v3;
	v15 =	vperm.xlane v15, v3  }
0x34e: {  	v17 =	vperm.xlane v21, v3;
	(xrf2) =	vadd.scan.msk.f32 $0xffff, v4  }
0x34f: {  	v4 =	vsel vm2, v18, v15;
	v15 =	vperm.xlane v28, v3;
	v16, _, _ =	vpop (xrf2)  }
0x350: {  	v4 =	vsel vm1, v4, v17;
	v16 =	vperm.xlane v16, v3  }
0x351: {  	v4 =	vsel vm3, v4, v15;
	v15 =	vperm.xlane v38, v3  }
0x352: {  	v4 =	vsel vm4, v4, v16;
	v16 =	vperm.xlane v49, v3;
	v17, _, _ =	vpop (xrf2)  }
0x353: {  	v4 =	vsel vm5, v4, v15;
	v15 =	vperm.xlane v17, v3  }
0x354: {  	v4 =	vsel vm6, v4, v16;
	v16 =	vperm.xlane v51, v3  }
0x355: {  	v4 =	vsel vm7, v4, v15;
	v15 =	vperm.xlane v56, v3;
	v17, _, _ =	vpop (xrf2)  }
0x356: {  	v4 =	vsel vm8, v4, v16;
	v16 =	vperm.xlane v17, v3  }
0x357: {  	v4 =	vsel vm9, v4, v15;
	v15 =	vperm.xlane v39, v3  }
0x358: {  	v4 =	vsel vm10, v4, v16;
	v16 =	vperm.xlane v36, v3;
	v17, _, _ =	vpop (xrf2)  }
0x359: {  	v4 =	vsel vm11, v4, v15;
	v15 =	vperm.xlane v17, v3  }
0x35a: {  	p0 =	sne.s32 s14, $0xC0;
	v4 =	vsel vm12, v4, v16;
	v16 =	vperm.xlane v31, v3  }
.Ltmp2:
0x35b: {  	vm0 =	vmxor vm0, vm0;
	v4 =	vsel vm13, v4, v15;
	v15 =	vperm.xlane v30, v3;
	(pc) =	sbr.rel @p0 .LBB2_7-.Ltmp2, $4  }
0x35c: {  	vm0 =	vmneg @p0 vm0;
	v4 =	vsel vm14, v4, v16  }
0x35d: {  	vm0 =	vmor vm0, vm8;
	v4 =	vsel vm15, v4, v15  }
0x35e: {  	s1 =	sadd.s32 $0x10, s1;
	v15 =	vnsel vm0, $0xFF800000, v4  }
0x35f: {  	s14 =	smov.u32 s17;
	s0 =	sadd.s32 $0x400, s0;
	v16 =	vor.u32 s16, v0;
	vm0 =	vgt.f32 v15, v14;
	[tilespmem:s1+$0x0] =	vst v15  }
0x360: {  	v4 =	vsel vm0, v15, v14  }
0x361: {  	(xrf0) =	vmax.scan.msk.f32 $0xffff, v4;
	_ =	sdelay $0x5  }
0x362: {  	v5, _, _ =	vpop (xrf0)  }
0x363: {  	v5 =	vbroadcast v5, $0xF  }
0x364: {  	v6 =	vsel vm0, v16, v13  }
0x365: {  	vm0 =	veq.f32 v4, v5;
	v4 =	vxor.u32 $0x80000000, v6  }
0x366: {  	v4 =	vnsel vm0, $0xFFFFFFFF, v4  }
0x367: {  	(xrf0) =	vmin.scan.msk.u32 $0xffff, v4;
	_ =	sdelay $0x5  }
0x368: {  	v4, _, _ =	vpop (xrf0)  }
0x369: {  	(v2sf) =	vpush v4, $0xF;
	_ =	sdelay $0xe  }
0x36a: {  	s0 =	spop (v2sf)  }
0x36b: {  	v4 =	vmov s31;
	s0 =	sxor.u32 $0x80000000, s0  }
0x36c: {  	v61 =	vmul.u32 $0xC8, v4;
	v5 =	vmov s0  }
0x36d: {  	v7 =	vand.u32 $0xFFFFFFF8, v5  }
0x36e: {  	v5 =	vand.u32 $0x7, v5;
	v6 =	vadd.s32 v61, v7  }
0x36f: {  	v5 =	vor.u32 v5, v6;
	_ =	sdelay $0x4  }
0x370: {  	v5 =	vld.idx.msk [tilespmem:v5+s12+$0x0], $0xffff;
	_ =	sdelay $0x2  }
0x371: {  	s30 =	sadd.s32 $0x1, s30  }
0x372: {  	p0 =	sne.s32 s30, $0x40;
	v4 =	vshll.u32 v4, $0x3  }
.Ltmp3:
0x373: {  	v62 =	vand.u32 $0x1, v5;
	(pc) =	sbr.rel @p0 .LBB2_4-.Ltmp3, $4  }
0x374: {  	v63 =	vimm.s32 $0xC350;
	vm0 =	veq.s32 v62, $0x0  }
0x375: {  	v5 =	vshra.s32 v5, $0x1;
	v6 =	vsel vm0, $0x0, v63  }
0x376: {  	v5 =	vadd.s32 v5, v6  }
0x377: {  	s2 =	sadd.s32 $0x1A0, s2;
	s29 =	sadd.s32 $0x1A0, s29;
	[tilespmem:v4+s22+$0x0] =	vst.idx.msk $0x1, v5  }
0x378: {  	s0 =	simm.s32 $0x10C80  }
0x379: {  	s1 =	simm.s32 $0x19;
	s14 =	sadd.s32 $0x0, s7;
	s2 =	simm.s32 $0x10D50  }
.LBB2_10:
0x37a: {  	[hbm4b:s14+s3] =	stream.linear.scatter [tilespmem:s0], [sflag:$0x6], $0xC8, $0x38;
	[tilespmem:$0x17880] =	vst v63  }
0x37b: {  	s14 =	smov.u32 s1;
	s0 =	smov.u32 s2;
	p0 =	sne.s32 s1, $0xC67  }
.Ltmp4:
0x37c: {  	s1 =	sadd.s32 $0x19, s1;
	(pc) =	sbr.rel @p0 .LBB2_10-.Ltmp4, $2  }
0x37d: {  	_ =	sdelay $0x2  }
0x37e: {  	s2 =	sadd.s32 $0xD0, s2;
	s14 =	sadd.s32 s14, s7  }
0x37f: {  	[hbm4b:s14+s3] =	stream.linear.scatter [tilespmem:s0], [sflag:$0x6], $0xC8, $0x38;
	[tilespmem:$0x17880] =	vst v63  }
0x380: {  	s25 =	sadd.s32 $0x1, s25;
	_ =	swait.ge [sflag:s10], $0x6400  }
0x381: {  	p0 =	sne.s32 s25, s9;
	[sflag:s10] =	ssyncset.done $0x0  }
.Ltmp5:
0x382: {  	[sflag:s10] =	ssyncadd.s32 $0xFFFF9C00;
	(pc) =	sbr.rel @p0 .LBB2_1-.Ltmp5, $4  }
0x383: {  	[hbm4b:s8+s3] =	stream.linear.scatter [tilespmem:s22], [sflag:$0x6], $0x400, $0x38;
	[tilespmem:$0x17880] =	vst v63  }
0x384: {  	_ =	swait.ge [sflag:s10], $0x400  }
0x385: {  	[sflag:s10] =	ssyncset.done $0x0  }
0x386: {  	[sflag:s10] =	ssyncadd.s32 $0xFFFFFC00  }
0x387: {  	_ =	sfence.sel $0x180000  }
0x388: {  	[bflag:$0x0] =	sbarrier.arrive $0xFFFF  }
0x389: {  	_ =	strace $0x90000047  }
0x38a: {  	s0 =	stileid.u32;
	[bflag:$0x2] =	sbarrier.arrive $0xFFFF  }
0x38b: {  	p0 =	sne.s32 s0, $0x0;
	s0 =	rddreg [dreg:$0x4]  }
0x38c: {  	s0 =	sadd.s32 @!p0 $0x100000, s0  }
0x38d: {  	[sflag:s0] =	ssyncadd.tile.s32 @!p0 $0x1;
	_ =	shalt  }
.Lfunc_end2:
_tile_overlayer_lowered:
.L_overlay_start_2:
0x38e: {  	(tag) =	ssettag $0x2  }
0x38f: {  	s0 =	rddreg [dreg:$0x0];
	s2 =	stileid.u32  }
0x390: {  	s1 =	rddreg [dreg:$0x1];
	p0 =	sne.s32 s2, $0x0  }
0x391: {  	s3 =	rddreg [dreg:$0x2];
	[bflag:$0x3] =	sbarrier.arrive $0xFFFF;
	s2 =	simm.s32 @!p0 $0x1C06  }
0x392: {  	[timem:s3], [sflag:s2] =	dma.local @!p0 [hbm:s0], s1  }
0x393: {  	s0 =	simm.s32 @!p0 $0x6  }
0x394: {  	_ =	swait.ge @!p0 [sflag:s0], s1  }
0x395: {  	s1 =	ssub.s32 @!p0 $0x0, s1;
	[sflag:s0] =	ssyncset.done @!p0 $0x0  }
0x396: {  	[sflag:s0] =	ssyncadd.s32 @!p0 s1  }
0x397: {  	[bflag:$0x3] =	sbarrier.arrive $0xFFFF  }
0x398: {  	_ =	shalt  }

</sc_bundles>
